<compile_context>
chip_gen: v7x
topology: tpu7x:2x2x1
jax: 0.10.2.dev20260603
libtpu: 0.0.44.dev20260713+nightly
codegen_flags: <defaults>
</compile_context>

<pallas_src>
import functools

import jax
import jax.numpy as jnp
from jax import lax
from jax.experimental import pallas as pl
from jax.experimental.pallas import tpu as pltpu
from jax.experimental.pallas import tpu_sc as plsc

N = 10000
E = 320000
D = 128
NP = 10240
NC = 2
NS = 16
NT = NC * NS
RPT = NP // NT * NC
KD = 128
NBT = 80
ED = NT * NBT * KD
TRASH = N + 64
B = 1024

_mesh = plsc.VectorSubcoreMesh(core_axis_name="c", subcore_axis_name="s")



KA = 80
NBA = -(-(E // NT) // KA)
EBR = NT * NBA
EA = EBR * KA


def _stage_idx_k(dst_ref, src_ref, b_i):
    for j in range(KA // 16):
        dst_ref[pl.ds(j * 16, 16)] = src_ref[b_i, pl.ds(j * 16, 16)]


def _stage_idx_d(dst_ref, src_ref, b_i):
    for j in range(KD // 16):
        dst_ref[pl.ds(j * 16, 16)] = src_ref[b_i, pl.ds(j * 16, 16)]


@functools.partial(
    pl.kernel,
    out_type=jax.ShapeDtypeStruct((NC, NP), jnp.float32),
    mesh=_mesh,
    scratch_types=[
        pltpu.VMEM((NBT, KD), jnp.int32),
        pltpu.VMEM((KD,), jnp.int32),
        pltpu.VMEM((KD,), jnp.int32),
        pltpu.VMEM((KD,), jnp.float32),
        pltpu.VMEM((RPT,), jnp.float32),
        pltpu.VMEM_SHARED((NP,), jnp.float32),
        pltpu.SemaphoreType.DMA,
        pltpu.SemaphoreType.DMA,
    ],
)
def _sc_degree(dstm_hbm, out_hbm, dst_all, cur0, cur1, ones_v, stage_v,
               deg_sh, sem0, sem1):
    c = lax.axis_index("c")
    s = lax.axis_index("s")
    for j in range(KD // 16):
        ones_v[pl.ds(j * 16, 16)] = jnp.ones((16,), jnp.float32)

    def zb(r, carry):
        stage_v[pl.ds(r * 16, 16)] = jnp.zeros((16,), jnp.float32)
        return carry

    lax.fori_loop(0, RPT // 16, zb, 0)
    r0 = s * RPT
    pltpu.sync_copy(stage_v, deg_sh.at[pl.ds(r0, RPT)])
    plsc.subcore_barrier()

    nb0 = (c * NS + s) * NBT
    pltpu.sync_copy(dstm_hbm.at[pl.ds(nb0, NBT)], dst_all)

    _stage_idx_d(cur0, dst_all, 0)
    pltpu.async_copy(ones_v, deg_sh.at[cur0], sem0, add=True)
    _stage_idx_d(cur1, dst_all, 1)
    pltpu.async_copy(ones_v, deg_sh.at[cur1], sem1, add=True)

    def fire(i, carry):
        b0 = 2 * i
        pltpu.make_async_copy(ones_v, deg_sh.at[cur0], sem0).wait()
        _stage_idx_d(cur0, dst_all, b0 + 2)
        pltpu.async_copy(ones_v, deg_sh.at[cur0], sem0, add=True)
        pltpu.make_async_copy(ones_v, deg_sh.at[cur1], sem1).wait()
        _stage_idx_d(cur1, dst_all, b0 + 3)
        pltpu.async_copy(ones_v, deg_sh.at[cur1], sem1, add=True)
        return carry

    lax.fori_loop(0, NBT // 2 - 1, fire, 0)
    pltpu.make_async_copy(ones_v, deg_sh.at[cur0], sem0).wait()
    pltpu.make_async_copy(ones_v, deg_sh.at[cur1], sem1).wait()
    plsc.subcore_barrier()
    pltpu.sync_copy(deg_sh.at[pl.ds(r0, RPT)], stage_v)
    pltpu.sync_copy(stage_v, out_hbm.at[c, pl.ds(r0, RPT)])


@functools.partial(
    pl.kernel,
    out_type=jax.ShapeDtypeStruct((NC, NP, D), jnp.float32),
    mesh=_mesh,
    scratch_types=[
        pltpu.VMEM((2, KA), jnp.int32),
        pltpu.VMEM((2, KA), jnp.int32),
        pltpu.VMEM((KA,), jnp.int32),
        pltpu.VMEM((KA,), jnp.int32),
        pltpu.VMEM((KA,), jnp.int32),
        pltpu.VMEM((KA,), jnp.int32),
        pltpu.VMEM((KA, D), jnp.float32),
        pltpu.VMEM((KA, D), jnp.float32),
        pltpu.VMEM_SHARED((NP, D), jnp.float32),
        pltpu.SemaphoreType.DMA,
        pltpu.SemaphoreType.DMA,
        pltpu.SemaphoreType.DMA,
        pltpu.SemaphoreType.DMA,
    ],
)
def _sc_edge_agg(h_hbm, ebm_hbm, out_hbm, ib0, ib1, scur0, scur1,
                 dcur0, dcur1, rows0, rows1, agg_sh, isem0, isem1,
                 gsem0, gsem1):
    c = lax.axis_index("c")
    s = lax.axis_index("s")

    def zb(r, carry):
        for j in range(D // 16):
            rows0[r, pl.ds(j * 16, 16)] = jnp.zeros((16,), jnp.float32)
        return carry

    lax.fori_loop(0, KA, zb, 0)
    r0 = s * RPT
    for j in range(RPT // KA):
        pltpu.sync_copy(rows0, agg_sh.at[pl.ds(r0 + j * KA, KA)])
    plsc.subcore_barrier()

    base = (c * NS + s) * NBA

    def prefetch(ib, sem, b_i):
        row = jnp.minimum(base + b_i, EBR - 1)
        pltpu.async_copy(ebm_hbm.at[row], ib, sem)

    def launch(ib, isem, scur, dcur, rows, gsem, nxt):
        pltpu.make_async_copy(ebm_hbm.at[0], ib, isem).wait()
        _stage_idx_k(scur, ib, 0)
        _stage_idx_k(dcur, ib, 1)
        prefetch(ib, isem, nxt)
        pltpu.async_copy(h_hbm.at[scur], rows, gsem)

    def settle(scur, dcur, rows, gsem):
        pltpu.make_async_copy(h_hbm.at[scur], rows, gsem).wait()
        pltpu.sync_copy(rows, agg_sh.at[dcur], add=True)

    prefetch(ib0, isem0, 0)
    prefetch(ib1, isem1, 1)
    launch(ib0, isem0, scur0, dcur0, rows0, gsem0, 2)
    launch(ib1, isem1, scur1, dcur1, rows1, gsem1, 3)

    def body(i, carry):
        b0 = 2 * i
        settle(scur0, dcur0, rows0, gsem0)
        launch(ib0, isem0, scur0, dcur0, rows0, gsem0, b0 + 4)
        settle(scur1, dcur1, rows1, gsem1)
        launch(ib1, isem1, scur1, dcur1, rows1, gsem1, b0 + 5)
        return carry

    lax.fori_loop(0, NBA // 2 - 1, body, 0)
    settle(scur0, dcur0, rows0, gsem0)
    launch(ib0, isem0, scur0, dcur0, rows0, gsem0, NBA - 1)
    settle(scur1, dcur1, rows1, gsem1)
    settle(scur0, dcur0, rows0, gsem0)
    pltpu.make_async_copy(ebm_hbm.at[0], ib0, isem0).wait()
    pltpu.make_async_copy(ebm_hbm.at[0], ib1, isem1).wait()

    plsc.subcore_barrier()
    for j in range(RPT // KA):
        pltpu.sync_copy(agg_sh.at[pl.ds(r0 + j * KA, KA)], rows0)
        pltpu.sync_copy(rows0, out_hbm.at[c, pl.ds(r0 + j * KA, KA)])



def _tc1_body(x_ref, w_ref, degp_ref, h1p_ref, dinv_ref):
    d = degp_ref[0] + degp_ref[1] + 1.0
    dinv = lax.rsqrt(jnp.maximum(d, 1e-12))
    dinv_ref[...] = dinv
    h1p_ref[...] = dinv * jnp.dot(x_ref[...], w_ref[...],
                                  preferred_element_type=jnp.float32)


def _tc1(xp, W1, degp3):
    return pl.pallas_call(
        _tc1_body,
        grid=(NP // B,),
        in_specs=[
            pl.BlockSpec((B, D), lambda i: (i, 0)),
            pl.BlockSpec((D, D), lambda i: (0, 0)),
            pl.BlockSpec((NC, B, 1), lambda i: (0, i, 0)),
        ],
        out_specs=[
            pl.BlockSpec((B, D), lambda i: (i, 0)),
            pl.BlockSpec((B, 1), lambda i: (i, 0)),
        ],
        out_shape=[
            jax.ShapeDtypeStruct((NP, D), jnp.float32),
            jax.ShapeDtypeStruct((NP, 1), jnp.float32),
        ],
    )(xp, W1, degp3)


def _tc2_body(aggp_ref, hp_ref, dinv_ref, b_ref, aw_ref, ab_ref, w2_ref,
              out_ref):
    dinv = dinv_ref[...]
    t = dinv * (aggp_ref[0] + aggp_ref[1] + hp_ref[...]) + b_ref[...]
    t = jnp.maximum(t, 0.0)
    s = jax.nn.sigmoid(jnp.dot(t, aw_ref[...],
                               preferred_element_type=jnp.float32) + ab_ref[...])
    out_ref[...] = dinv * jnp.dot(t * s, w2_ref[...],
                                  preferred_element_type=jnp.float32)


def _tc2(aggp, hp, dinv, b1r, a1w, a1br, W2):
    return pl.pallas_call(
        _tc2_body,
        grid=(NP // B,),
        in_specs=[
            pl.BlockSpec((NC, B, D), lambda i: (0, i, 0)),
            pl.BlockSpec((B, D), lambda i: (i, 0)),
            pl.BlockSpec((B, 1), lambda i: (i, 0)),
            pl.BlockSpec((1, D), lambda i: (0, 0)),
            pl.BlockSpec((D, 1), lambda i: (0, 0)),
            pl.BlockSpec((1, 1), lambda i: (0, 0)),
            pl.BlockSpec((D, D), lambda i: (0, 0)),
        ],
        out_specs=pl.BlockSpec((B, D), lambda i: (i, 0)),
        out_shape=jax.ShapeDtypeStruct((NP, D), jnp.float32),
    )(aggp, hp, dinv, b1r, a1w, a1br, W2)


def _tc3_body(aggp_ref, hp_ref, dinv_ref, b_ref, aw_ref, ab_ref, out_ref):
    t = dinv_ref[...] * (aggp_ref[0] + aggp_ref[1] + hp_ref[...]) + b_ref[...]
    s = jax.nn.sigmoid(jnp.dot(t, aw_ref[...],
                               preferred_element_type=jnp.float32) + ab_ref[...])
    out_ref[...] = t * s


def _tc3(aggp, hp, dinv, b2r, a2w, a2br):
    return pl.pallas_call(
        _tc3_body,
        grid=(NP // B,),
        in_specs=[
            pl.BlockSpec((NC, B, D), lambda i: (0, i, 0)),
            pl.BlockSpec((B, D), lambda i: (i, 0)),
            pl.BlockSpec((B, 1), lambda i: (i, 0)),
            pl.BlockSpec((1, D), lambda i: (0, 0)),
            pl.BlockSpec((D, 1), lambda i: (0, 0)),
            pl.BlockSpec((1, 1), lambda i: (0, 0)),
        ],
        out_specs=pl.BlockSpec((B, D), lambda i: (i, 0)),
        out_shape=jax.ShapeDtypeStruct((NP, D), jnp.float32),
    )(aggp, hp, dinv, b2r, a2w, a2br)



def kernel(x, edge_index, W1, b1, W2, b2, a1w, a1b, a2w, a2b):
    src = edge_index[0]
    dst = edge_index[1]
    padd = ED - E
    dstm = jnp.concatenate(
        [dst, jnp.full((padd,), TRASH, jnp.int32)]).reshape(ED // KD, KD)
    pada = EA - E
    if pada:
        src = jnp.concatenate([src, jnp.zeros((pada,), jnp.int32)])
        dst = jnp.concatenate([dst, jnp.full((pada,), TRASH, jnp.int32)])
    ebm = jnp.stack([src.reshape(EBR, KA), dst.reshape(EBR, KA)], axis=1)
    xp = jnp.pad(x, ((0, NP - N), (0, 0)))

    degp = _sc_degree(dstm)
    degp3 = degp.reshape(NC, NP, 1)
    h1p, dinv = _tc1(xp, W1, degp3)
    agg1 = _sc_edge_agg(h1p, ebm)
    h2p = _tc2(agg1, h1p, dinv, b1.reshape(1, D), a1w, a1b.reshape(1, 1), W2)
    agg2 = _sc_edge_agg(h2p, ebm)
    out = _tc3(agg2, h2p, dinv, b2.reshape(1, D), a2w, a2b.reshape(1, 1))
    return out[:N]

# --- scband reference (transcript-rebuilt; emitter-appended) ---
"""Pipeline reference for scband-gat-81011673137280 (READ-ONLY COPY).

The authoritative reference and input builder live on the scoring server;
editing this copy changes nothing except your own understanding.
"""

import jax, jax.numpy as jnp
import numpy as np

N = 10000
E = 320000
D_IN = 128
D_HID = 128
D_OUT = 128


def setup_inputs(seed: int = 0) -> dict:
    key = jax.random.key(seed)
    ks = jax.random.split(key, 10)
    x = jax.random.normal(ks[0], (N, D_IN), dtype=jnp.float32)
    edge_index = jax.random.randint(ks[1], (2, E), 0, N, dtype=jnp.int32)
    W1 = jax.random.normal(ks[2], (D_IN, D_HID), dtype=jnp.float32) * (1.0 / np.sqrt(D_IN))
    b1 = jnp.zeros((D_HID,), dtype=jnp.float32)
    W2 = jax.random.normal(ks[3], (D_HID, D_OUT), dtype=jnp.float32) * (1.0 / np.sqrt(D_HID))
    b2 = jnp.zeros((D_OUT,), dtype=jnp.float32)
    a1w = jax.random.normal(ks[4], (D_HID, 1), dtype=jnp.float32) * (1.0 / np.sqrt(D_HID))
    a1b = jnp.zeros((1,), dtype=jnp.float32)
    a2w = jax.random.normal(ks[5], (D_OUT, 1), dtype=jnp.float32) * (1.0 / np.sqrt(D_OUT))
    a2b = jnp.zeros((1,), dtype=jnp.float32)
    return {"x": x, "edge_index": edge_index, "W1": W1, "b1": b1, "W2": W2, "b2": b2, "a1w": a1w, "a1b": a1b, "a2w": a2w, "a2b": a2b}


def _gcn_conv(x, edge_index, W, b):
    # GCNConv: h = D^{-1/2} (A + I) D^{-1/2} (x W) + b
    n = x.shape[0]
    h = x @ W
    loop = jnp.arange(n, dtype=edge_index.dtype)
    src = jnp.concatenate([edge_index[0], loop])
    dst = jnp.concatenate([edge_index[1], loop])
    deg = jnp.zeros((n,), dtype=h.dtype).at[dst].add(1.0)
    dinv = jax.lax.rsqrt(jnp.maximum(deg, 1e-12))
    norm = dinv[src] * dinv[dst]
    msg = jnp.take(h, src, axis=0) * norm[:, None]
    out = jnp.zeros_like(h).at[dst].add(msg)
    return out + b


def reference(x, edge_index, W1, b1, W2, b2, a1w, a1b, a2w, a2b):
    # dropout is identity in eval mode (training=False)
    h = _gcn_conv(x, edge_index, W1, b1)
    h = jax.nn.relu(h)
    att1 = jax.nn.sigmoid(h @ a1w + a1b)
    h = h * att1
    h = _gcn_conv(h, edge_index, W2, b2)
    att2 = jax.nn.sigmoid(h @ a2w + a2b)
    return h * att2

if __name__ == "__main__":
    import jax
    _d = setup_inputs()
    print(jax.jit(kernel)(*tuple(_d.values())))

</pallas_src>

<mosaic_0001>
#map = affine_map<(d0, d1) -> (0, 0)>
#map1 = affine_map<(d0, d1) -> (0, 0, 0)>
module attributes {stable_mosaic.version = 14 : i64} {
  func.func @_sc_edge_agg(%arg0: i32, %arg1: i32, %arg2: memref<10240x128xf32, #tpu.memory_space<hbm>>, %arg3: memref<4000x2x80xi32, #tpu.memory_space<hbm>>, %arg4: memref<2x10240x128xf32, #tpu.memory_space<hbm>>, %arg5: memref<2x80xi32, #tpu.memory_space<vmem>>, %arg6: memref<2x80xi32, #tpu.memory_space<vmem>>, %arg7: memref<80xi32, #tpu.memory_space<vmem>>, %arg8: memref<80xi32, #tpu.memory_space<vmem>>, %arg9: memref<80xi32, #tpu.memory_space<vmem>>, %arg10: memref<80xi32, #tpu.memory_space<vmem>>, %arg11: memref<80x128xf32, #tpu.memory_space<vmem>>, %arg12: memref<80x128xf32, #tpu.memory_space<vmem>>, %arg13: memref<10240x128xf32, #tpu.memory_space<vmem_shared>>, %arg14: memref<!tpu.dma_semaphore, #tpu.memory_space<semaphore_mem>>, %arg15: memref<!tpu.dma_semaphore, #tpu.memory_space<semaphore_mem>>, %arg16: memref<!tpu.dma_semaphore, #tpu.memory_space<semaphore_mem>>, %arg17: memref<!tpu.dma_semaphore, #tpu.memory_space<semaphore_mem>>) attributes {dimension_semantics = [#tpu.dimension_semantics<core_parallel>, #tpu.dimension_semantics<subcore_parallel>], iteration_bounds = array<i64: 2, 16>, scalar_prefetch = 0 : i64, scratch_operands = 13 : i64, tpu.core_type = #tpu.core_type<sc_vector_subcore>, window_params = [{transform_indices = #map}, {transform_indices = #map1}, {transform_indices = #map1}]} {
    %scan3A = arith.constant 0 : i32
    %scan3A_0 = arith.constant 0 : i32
    %scan3A_1 = arith.constant 80 : i32
    %scan3A_2 = arith.addi %scan3A_0, %scan3A_1 : i32
    %scan3A_3 = arith.constant 1 : i32
    scf.for %scan3A_453 = %scan3A_0 to %scan3A_2 step %scan3A_3  : i32 {
      %broadcast_in_dim3A = arith.constant 0.000000e+00 : f32
      %broadcast_in_dim3A_454 = vector.broadcast %broadcast_in_dim3A : f32 to vector<16xf32>
      %swap3A_455 = arith.index_cast %scan3A_453 : i32 to index
      %swap3A_456 = arith.constant 0 : index
      %swap3A_457 = tpu.vector_load %arg11[%swap3A_455, %swap3A_456] {strides = array<i32>} : memref<80x128xf32, #tpu.memory_space<vmem>>, vector<1x16xf32>,
      %swap3A_458 = vector.shape_cast %swap3A_457 : vector<1x16xf32> to vector<16xf32>
      %swap3A_459 = vector.shape_cast %broadcast_in_dim3A_454 : vector<16xf32> to vector<1x16xf32>
      tpu.vector_store %arg11[%swap3A_455, %swap3A_456], %swap3A_459 {strides = array<i32>} : memref<80x128xf32, #tpu.memory_space<vmem>>, vector<1x16xf32>,
      %broadcast_in_dim3A_460 = arith.constant 0.000000e+00 : f32
      %broadcast_in_dim3A_461 = vector.broadcast %broadcast_in_dim3A_460 : f32 to vector<16xf32>
      %swap3A_462 = arith.index_cast %scan3A_453 : i32 to index
      %swap3A_463 = arith.constant 16 : index
      %swap3A_464 = tpu.vector_load %arg11[%swap3A_462, %swap3A_463] {strides = array<i32>} : memref<80x128xf32, #tpu.memory_space<vmem>>, vector<1x16xf32>,
      %swap3A_465 = vector.shape_cast %swap3A_464 : vector<1x16xf32> to vector<16xf32>
      %swap3A_466 = vector.shape_cast %broadcast_in_dim3A_461 : vector<16xf32> to vector<1x16xf32>
      tpu.vector_store %arg11[%swap3A_462, %swap3A_463], %swap3A_466 {strides = array<i32>} : memref<80x128xf32, #tpu.memory_space<vmem>>, vector<1x16xf32>,
      %broadcast_in_dim3A_467 = arith.constant 0.000000e+00 : f32
      %broadcast_in_dim3A_468 = vector.broadcast %broadcast_in_dim3A_467 : f32 to vector<16xf32>
      %swap3A_469 = arith.index_cast %scan3A_453 : i32 to index
      %swap3A_470 = arith.constant 32 : index
      %swap3A_471 = tpu.vector_load %arg11[%swap3A_469, %swap3A_470] {strides = array<i32>} : memref<80x128xf32, #tpu.memory_space<vmem>>, vector<1x16xf32>,
      %swap3A_472 = vector.shape_cast %swap3A_471 : vector<1x16xf32> to vector<16xf32>
      %swap3A_473 = vector.shape_cast %broadcast_in_dim3A_468 : vector<16xf32> to vector<1x16xf32>
      tpu.vector_store %arg11[%swap3A_469, %swap3A_470], %swap3A_473 {strides = array<i32>} : memref<80x128xf32, #tpu.memory_space<vmem>>, vector<1x16xf32>,
      %broadcast_in_dim3A_474 = arith.constant 0.000000e+00 : f32
      %broadcast_in_dim3A_475 = vector.broadcast %broadcast_in_dim3A_474 : f32 to vector<16xf32>
      %swap3A_476 = arith.index_cast %scan3A_453 : i32 to index
      %swap3A_477 = arith.constant 48 : index
      %swap3A_478 = tpu.vector_load %arg11[%swap3A_476, %swap3A_477] {strides = array<i32>} : memref<80x128xf32, #tpu.memory_space<vmem>>, vector<1x16xf32>,
      %swap3A_479 = vector.shape_cast %swap3A_478 : vector<1x16xf32> to vector<16xf32>
      %swap3A_480 = vector.shape_cast %broadcast_in_dim3A_475 : vector<16xf32> to vector<1x16xf32>
      tpu.vector_store %arg11[%swap3A_476, %swap3A_477], %swap3A_480 {strides = array<i32>} : memref<80x128xf32, #tpu.memory_space<vmem>>, vector<1x16xf32>,
      %broadcast_in_dim3A_481 = arith.constant 0.000000e+00 : f32
      %broadcast_in_dim3A_482 = vector.broadcast %broadcast_in_dim3A_481 : f32 to vector<16xf32>
      %swap3A_483 = arith.index_cast %scan3A_453 : i32 to index
      %swap3A_484 = arith.constant 64 : index
      %swap3A_485 = tpu.vector_load %arg11[%swap3A_483, %swap3A_484] {strides = array<i32>} : memref<80x128xf32, #tpu.memory_space<vmem>>, vector<1x16xf32>,
      %swap3A_486 = vector.shape_cast %swap3A_485 : vector<1x16xf32> to vector<16xf32>
      %swap3A_487 = vector.shape_cast %broadcast_in_dim3A_482 : vector<16xf32> to vector<1x16xf32>
      tpu.vector_store %arg11[%swap3A_483, %swap3A_484], %swap3A_487 {strides = array<i32>} : memref<80x128xf32, #tpu.memory_space<vmem>>, vector<1x16xf32>,
      %broadcast_in_dim3A_488 = arith.constant 0.000000e+00 : f32
      %broadcast_in_dim3A_489 = vector.broadcast %broadcast_in_dim3A_488 : f32 to vector<16xf32>
      %swap3A_490 = arith.index_cast %scan3A_453 : i32 to index
      %swap3A_491 = arith.constant 80 : index
      %swap3A_492 = tpu.vector_load %arg11[%swap3A_490, %swap3A_491] {strides = array<i32>} : memref<80x128xf32, #tpu.memory_space<vmem>>, vector<1x16xf32>,
      %swap3A_493 = vector.shape_cast %swap3A_492 : vector<1x16xf32> to vector<16xf32>
      %swap3A_494 = vector.shape_cast %broadcast_in_dim3A_489 : vector<16xf32> to vector<1x16xf32>
      tpu.vector_store %arg11[%swap3A_490, %swap3A_491], %swap3A_494 {strides = array<i32>} : memref<80x128xf32, #tpu.memory_space<vmem>>, vector<1x16xf32>,
      %broadcast_in_dim3A_495 = arith.constant 0.000000e+00 : f32
      %broadcast_in_dim3A_496 = vector.broadcast %broadcast_in_dim3A_495 : f32 to vector<16xf32>
      %swap3A_497 = arith.index_cast %scan3A_453 : i32 to index
      %swap3A_498 = arith.constant 96 : index
      %swap3A_499 = tpu.vector_load %arg11[%swap3A_497, %swap3A_498] {strides = array<i32>} : memref<80x128xf32, #tpu.memory_space<vmem>>, vector<1x16xf32>,
      %swap3A_500 = vector.shape_cast %swap3A_499 : vector<1x16xf32> to vector<16xf32>
      %swap3A_501 = vector.shape_cast %broadcast_in_dim3A_496 : vector<16xf32> to vector<1x16xf32>
      tpu.vector_store %arg11[%swap3A_497, %swap3A_498], %swap3A_501 {strides = array<i32>} : memref<80x128xf32, #tpu.memory_space<vmem>>, vector<1x16xf32>,
      %broadcast_in_dim3A_502 = arith.constant 0.000000e+00 : f32
      %broadcast_in_dim3A_503 = vector.broadcast %broadcast_in_dim3A_502 : f32 to vector<16xf32>
      %swap3A_504 = arith.index_cast %scan3A_453 : i32 to index
      %swap3A_505 = arith.constant 112 : index
      %swap3A_506 = tpu.vector_load %arg11[%swap3A_504, %swap3A_505] {strides = array<i32>} : memref<80x128xf32, #tpu.memory_space<vmem>>, vector<1x16xf32>,
      %swap3A_507 = vector.shape_cast %swap3A_506 : vector<1x16xf32> to vector<16xf32>
      %swap3A_508 = vector.shape_cast %broadcast_in_dim3A_503 : vector<16xf32> to vector<1x16xf32>
      tpu.vector_store %arg11[%swap3A_504, %swap3A_505], %swap3A_508 {strides = array<i32>} : memref<80x128xf32, #tpu.memory_space<vmem>>, vector<1x16xf32>,
    }
    %scan3A_4 = arith.constant 80 : i32
    %mul3A = arith.constant 640 : i32
    %mul3A_5 = arith.muli %arg1, %mul3A : i32
    %add3A = arith.constant 0 : i32
    %add3A_6 = arith.addi %mul3A_5, %add3A : i32
    "tpu.region"() ({
      %run_scoped3A = tpu.sem_alloc : memref<!tpu.dma_semaphore, #tpu.memory_space<semaphore_mem>>
      %dma_start3A_453 = arith.constant 0 : i32
      %dma_start3A_454 = tpu.memref_slice %arg13[%add3A_6, %dma_start3A_453] : memref<10240x128xf32, #tpu.memory_space<vmem_shared>> -> memref<80x128xf32, #tpu.memory_space<vmem_shared>>
      %dma_start3A_455 = arith.constant 0 : i32
      %dma_start3A_456 = tpu.memref_slice %arg13[%add3A_6, %dma_start3A_455] : memref<10240x128xf32, #tpu.memory_space<vmem_shared>> -> memref<80x128xf32, #tpu.memory_space<vmem_shared>>
      tpu.enqueue_dma source(%arg11 : memref<80x128xf32, #tpu.memory_space<vmem>>) target(%dma_start3A_456 : memref<80x128xf32, #tpu.memory_space<vmem_shared>>) target_semaphore(%run_scoped3A : memref<!tpu.dma_semaphore, #tpu.memory_space<semaphore_mem>>)
      %dma_wait3A_457 = arith.constant 0 : i32
      %dma_wait3A_458 = tpu.memref_slice %arg13[%add3A_6, %dma_wait3A_457] : memref<10240x128xf32, #tpu.memory_space<vmem_shared>> -> memref<80x128xf32, #tpu.memory_space<vmem_shared>>
      %dma_wait3A_459 = arith.constant 0 : i32
      %dma_wait3A_460 = tpu.memref_slice %arg13[%add3A_6, %dma_wait3A_459] : memref<10240x128xf32, #tpu.memory_space<vmem_shared>> -> memref<80x128xf32, #tpu.memory_space<vmem_shared>>
      tpu.wait_dma2 semaphore(%run_scoped3A : memref<!tpu.dma_semaphore, #tpu.memory_space<semaphore_mem>>) src(%arg11 : memref<80x128xf32, #tpu.memory_space<vmem>>) dst(%dma_wait3A_460 : memref<80x128xf32, #tpu.memory_space<vmem_shared>>)
      tpu.yield
    }) : () -> ()
    %add3A_7 = arith.constant 80 : i32
    %add3A_8 = arith.addi %mul3A_5, %add3A_7 : i32
    "tpu.region"() ({
      %run_scoped3A = tpu.sem_alloc : memref<!tpu.dma_semaphore, #tpu.memory_space<semaphore_mem>>
      %dma_start3A_453 = arith.constant 0 : i32
      %dma_start3A_454 = tpu.memref_slice %arg13[%add3A_8, %dma_start3A_453] : memref<10240x128xf32, #tpu.memory_space<vmem_shared>> -> memref<80x128xf32, #tpu.memory_space<vmem_shared>>
      %dma_start3A_455 = arith.constant 0 : i32
      %dma_start3A_456 = tpu.memref_slice %arg13[%add3A_8, %dma_start3A_455] : memref<10240x128xf32, #tpu.memory_space<vmem_shared>> -> memref<80x128xf32, #tpu.memory_space<vmem_shared>>
      tpu.enqueue_dma source(%arg11 : memref<80x128xf32, #tpu.memory_space<vmem>>) target(%dma_start3A_456 : memref<80x128xf32, #tpu.memory_space<vmem_shared>>) target_semaphore(%run_scoped3A : memref<!tpu.dma_semaphore, #tpu.memory_space<semaphore_mem>>)
      %dma_wait3A_457 = arith.constant 0 : i32
      %dma_wait3A_458 = tpu.memref_slice %arg13[%add3A_8, %dma_wait3A_457] : memref<10240x128xf32, #tpu.memory_space<vmem_shared>> -> memref<80x128xf32, #tpu.memory_space<vmem_shared>>
      %dma_wait3A_459 = arith.constant 0 : i32
      %dma_wait3A_460 = tpu.memref_slice %arg13[%add3A_8, %dma_wait3A_459] : memref<10240x128xf32, #tpu.memory_space<vmem_shared>> -> memref<80x128xf32, #tpu.memory_space<vmem_shared>>
      tpu.wait_dma2 semaphore(%run_scoped3A : memref<!tpu.dma_semaphore, #tpu.memory_space<semaphore_mem>>) src(%arg11 : memref<80x128xf32, #tpu.memory_space<vmem>>) dst(%dma_wait3A_460 : memref<80x128xf32, #tpu.memory_space<vmem_shared>>)
      tpu.yield
    }) : () -> ()
    %add3A_9 = arith.constant 160 : i32
    %add3A_10 = arith.addi %mul3A_5, %add3A_9 : i32
    "tpu.region"() ({
      %run_scoped3A = tpu.sem_alloc : memref<!tpu.dma_semaphore, #tpu.memory_space<semaphore_mem>>
      %dma_start3A_453 = arith.constant 0 : i32
      %dma_start3A_454 = tpu.memref_slice %arg13[%add3A_10, %dma_start3A_453] : memref<10240x128xf32, #tpu.memory_space<vmem_shared>> -> memref<80x128xf32, #tpu.memory_space<vmem_shared>>
      %dma_start3A_455 = arith.constant 0 : i32
      %dma_start3A_456 = tpu.memref_slice %arg13[%add3A_10, %dma_start3A_455] : memref<10240x128xf32, #tpu.memory_space<vmem_shared>> -> memref<80x128xf32, #tpu.memory_space<vmem_shared>>
      tpu.enqueue_dma source(%arg11 : memref<80x128xf32, #tpu.memory_space<vmem>>) target(%dma_start3A_456 : memref<80x128xf32, #tpu.memory_space<vmem_shared>>) target_semaphore(%run_scoped3A : memref<!tpu.dma_semaphore, #tpu.memory_space<semaphore_mem>>)
      %dma_wait3A_457 = arith.constant 0 : i32
      %dma_wait3A_458 = tpu.memref_slice %arg13[%add3A_10, %dma_wait3A_457] : memref<10240x128xf32, #tpu.memory_space<vmem_shared>> -> memref<80x128xf32, #tpu.memory_space<vmem_shared>>
      %dma_wait3A_459 = arith.constant 0 : i32
      %dma_wait3A_460 = tpu.memref_slice %arg13[%add3A_10, %dma_wait3A_459] : memref<10240x128xf32, #tpu.memory_space<vmem_shared>> -> memref<80x128xf32, #tpu.memory_space<vmem_shared>>
      tpu.wait_dma2 semaphore(%run_scoped3A : memref<!tpu.dma_semaphore, #tpu.memory_space<semaphore_mem>>) src(%arg11 : memref<80x128xf32, #tpu.memory_space<vmem>>) dst(%dma_wait3A_460 : memref<80x128xf32, #tpu.memory_space<vmem_shared>>)
      tpu.yield
    }) : () -> ()
    %add3A_11 = arith.constant 240 : i32
    %add3A_12 = arith.addi %mul3A_5, %add3A_11 : i32
    "tpu.region"() ({
      %run_scoped3A = tpu.sem_alloc : memref<!tpu.dma_semaphore, #tpu.memory_space<semaphore_mem>>
      %dma_start3A_453 = arith.constant 0 : i32
      %dma_start3A_454 = tpu.memref_slice %arg13[%add3A_12, %dma_start3A_453] : memref<10240x128xf32, #tpu.memory_space<vmem_shared>> -> memref<80x128xf32, #tpu.memory_space<vmem_shared>>
      %dma_start3A_455 = arith.constant 0 : i32
      %dma_start3A_456 = tpu.memref_slice %arg13[%add3A_12, %dma_start3A_455] : memref<10240x128xf32, #tpu.memory_space<vmem_shared>> -> memref<80x128xf32, #tpu.memory_space<vmem_shared>>
      tpu.enqueue_dma source(%arg11 : memref<80x128xf32, #tpu.memory_space<vmem>>) target(%dma_start3A_456 : memref<80x128xf32, #tpu.memory_space<vmem_shared>>) target_semaphore(%run_scoped3A : memref<!tpu.dma_semaphore, #tpu.memory_space<semaphore_mem>>)
      %dma_wait3A_457 = arith.constant 0 : i32
      %dma_wait3A_458 = tpu.memref_slice %arg13[%add3A_12, %dma_wait3A_457] : memref<10240x128xf32, #tpu.memory_space<vmem_shared>> -> memref<80x128xf32, #tpu.memory_space<vmem_shared>>
      %dma_wait3A_459 = arith.constant 0 : i32
      %dma_wait3A_460 = tpu.memref_slice %arg13[%add3A_12, %dma_wait3A_459] : memref<10240x128xf32, #tpu.memory_space<vmem_shared>> -> memref<80x128xf32, #tpu.memory_space<vmem_shared>>
      tpu.wait_dma2 semaphore(%run_scoped3A : memref<!tpu.dma_semaphore, #tpu.memory_space<semaphore_mem>>) src(%arg11 : memref<80x128xf32, #tpu.memory_space<vmem>>) dst(%dma_wait3A_460 : memref<80x128xf32, #tpu.memory_space<vmem_shared>>)
      tpu.yield
    }) : () -> ()
    %add3A_13 = arith.constant 320 : i32
    %add3A_14 = arith.addi %mul3A_5, %add3A_13 : i32
    "tpu.region"() ({
      %run_scoped3A = tpu.sem_alloc : memref<!tpu.dma_semaphore, #tpu.memory_space<semaphore_mem>>
      %dma_start3A_453 = arith.constant 0 : i32
      %dma_start3A_454 = tpu.memref_slice %arg13[%add3A_14, %dma_start3A_453] : memref<10240x128xf32, #tpu.memory_space<vmem_shared>> -> memref<80x128xf32, #tpu.memory_space<vmem_shared>>
      %dma_start3A_455 = arith.constant 0 : i32
      %dma_start3A_456 = tpu.memref_slice %arg13[%add3A_14, %dma_start3A_455] : memref<10240x128xf32, #tpu.memory_space<vmem_shared>> -> memref<80x128xf32, #tpu.memory_space<vmem_shared>>
      tpu.enqueue_dma source(%arg11 : memref<80x128xf32, #tpu.memory_space<vmem>>) target(%dma_start3A_456 : memref<80x128xf32, #tpu.memory_space<vmem_shared>>) target_semaphore(%run_scoped3A : memref<!tpu.dma_semaphore, #tpu.memory_space<semaphore_mem>>)
      %dma_wait3A_457 = arith.constant 0 : i32
      %dma_wait3A_458 = tpu.memref_slice %arg13[%add3A_14, %dma_wait3A_457] : memref<10240x128xf32, #tpu.memory_space<vmem_shared>> -> memref<80x128xf32, #tpu.memory_space<vmem_shared>>
      %dma_wait3A_459 = arith.constant 0 : i32
      %dma_wait3A_460 = tpu.memref_slice %arg13[%add3A_14, %dma_wait3A_459] : memref<10240x128xf32, #tpu.memory_space<vmem_shared>> -> memref<80x128xf32, #tpu.memory_space<vmem_shared>>
      tpu.wait_dma2 semaphore(%run_scoped3A : memref<!tpu.dma_semaphore, #tpu.memory_space<semaphore_mem>>) src(%arg11 : memref<80x128xf32, #tpu.memory_space<vmem>>) dst(%dma_wait3A_460 : memref<80x128xf32, #tpu.memory_space<vmem_shared>>)
      tpu.yield
    }) : () -> ()
    %add3A_15 = arith.constant 400 : i32
    %add3A_16 = arith.addi %mul3A_5, %add3A_15 : i32
    "tpu.region"() ({
      %run_scoped3A = tpu.sem_alloc : memref<!tpu.dma_semaphore, #tpu.memory_space<semaphore_mem>>
      %dma_start3A_453 = arith.constant 0 : i32
      %dma_start3A_454 = tpu.memref_slice %arg13[%add3A_16, %dma_start3A_453] : memref<10240x128xf32, #tpu.memory_space<vmem_shared>> -> memref<80x128xf32, #tpu.memory_space<vmem_shared>>
      %dma_start3A_455 = arith.constant 0 : i32
      %dma_start3A_456 = tpu.memref_slice %arg13[%add3A_16, %dma_start3A_455] : memref<10240x128xf32, #tpu.memory_space<vmem_shared>> -> memref<80x128xf32, #tpu.memory_space<vmem_shared>>
      tpu.enqueue_dma source(%arg11 : memref<80x128xf32, #tpu.memory_space<vmem>>) target(%dma_start3A_456 : memref<80x128xf32, #tpu.memory_space<vmem_shared>>) target_semaphore(%run_scoped3A : memref<!tpu.dma_semaphore, #tpu.memory_space<semaphore_mem>>)
      %dma_wait3A_457 = arith.constant 0 : i32
      %dma_wait3A_458 = tpu.memref_slice %arg13[%add3A_16, %dma_wait3A_457] : memref<10240x128xf32, #tpu.memory_space<vmem_shared>> -> memref<80x128xf32, #tpu.memory_space<vmem_shared>>
      %dma_wait3A_459 = arith.constant 0 : i32
      %dma_wait3A_460 = tpu.memref_slice %arg13[%add3A_16, %dma_wait3A_459] : memref<10240x128xf32, #tpu.memory_space<vmem_shared>> -> memref<80x128xf32, #tpu.memory_space<vmem_shared>>
      tpu.wait_dma2 semaphore(%run_scoped3A : memref<!tpu.dma_semaphore, #tpu.memory_space<semaphore_mem>>) src(%arg11 : memref<80x128xf32, #tpu.memory_space<vmem>>) dst(%dma_wait3A_460 : memref<80x128xf32, #tpu.memory_space<vmem_shared>>)
      tpu.yield
    }) : () -> ()
    %add3A_17 = arith.constant 480 : i32
    %add3A_18 = arith.addi %mul3A_5, %add3A_17 : i32
    "tpu.region"() ({
      %run_scoped3A = tpu.sem_alloc : memref<!tpu.dma_semaphore, #tpu.memory_space<semaphore_mem>>
      %dma_start3A_453 = arith.constant 0 : i32
      %dma_start3A_454 = tpu.memref_slice %arg13[%add3A_18, %dma_start3A_453] : memref<10240x128xf32, #tpu.memory_space<vmem_shared>> -> memref<80x128xf32, #tpu.memory_space<vmem_shared>>
      %dma_start3A_455 = arith.constant 0 : i32
      %dma_start3A_456 = tpu.memref_slice %arg13[%add3A_18, %dma_start3A_455] : memref<10240x128xf32, #tpu.memory_space<vmem_shared>> -> memref<80x128xf32, #tpu.memory_space<vmem_shared>>
      tpu.enqueue_dma source(%arg11 : memref<80x128xf32, #tpu.memory_space<vmem>>) target(%dma_start3A_456 : memref<80x128xf32, #tpu.memory_space<vmem_shared>>) target_semaphore(%run_scoped3A : memref<!tpu.dma_semaphore, #tpu.memory_space<semaphore_mem>>)
      %dma_wait3A_457 = arith.constant 0 : i32
      %dma_wait3A_458 = tpu.memref_slice %arg13[%add3A_18, %dma_wait3A_457] : memref<10240x128xf32, #tpu.memory_space<vmem_shared>> -> memref<80x128xf32, #tpu.memory_space<vmem_shared>>
      %dma_wait3A_459 = arith.constant 0 : i32
      %dma_wait3A_460 = tpu.memref_slice %arg13[%add3A_18, %dma_wait3A_459] : memref<10240x128xf32, #tpu.memory_space<vmem_shared>> -> memref<80x128xf32, #tpu.memory_space<vmem_shared>>
      tpu.wait_dma2 semaphore(%run_scoped3A : memref<!tpu.dma_semaphore, #tpu.memory_space<semaphore_mem>>) src(%arg11 : memref<80x128xf32, #tpu.memory_space<vmem>>) dst(%dma_wait3A_460 : memref<80x128xf32, #tpu.memory_space<vmem_shared>>)
      tpu.yield
    }) : () -> ()
    %add3A_19 = arith.constant 560 : i32
    %add3A_20 = arith.addi %mul3A_5, %add3A_19 : i32
    "tpu.region"() ({
      %run_scoped3A = tpu.sem_alloc : memref<!tpu.dma_semaphore, #tpu.memory_space<semaphore_mem>>
      %dma_start3A_453 = arith.constant 0 : i32
      %dma_start3A_454 = tpu.memref_slice %arg13[%add3A_20, %dma_start3A_453] : memref<10240x128xf32, #tpu.memory_space<vmem_shared>> -> memref<80x128xf32, #tpu.memory_space<vmem_shared>>
      %dma_start3A_455 = arith.constant 0 : i32
      %dma_start3A_456 = tpu.memref_slice %arg13[%add3A_20, %dma_start3A_455] : memref<10240x128xf32, #tpu.memory_space<vmem_shared>> -> memref<80x128xf32, #tpu.memory_space<vmem_shared>>
      tpu.enqueue_dma source(%arg11 : memref<80x128xf32, #tpu.memory_space<vmem>>) target(%dma_start3A_456 : memref<80x128xf32, #tpu.memory_space<vmem_shared>>) target_semaphore(%run_scoped3A : memref<!tpu.dma_semaphore, #tpu.memory_space<semaphore_mem>>)
      %dma_wait3A_457 = arith.constant 0 : i32
      %dma_wait3A_458 = tpu.memref_slice %arg13[%add3A_20, %dma_wait3A_457] : memref<10240x128xf32, #tpu.memory_space<vmem_shared>> -> memref<80x128xf32, #tpu.memory_space<vmem_shared>>
      %dma_wait3A_459 = arith.constant 0 : i32
      %dma_wait3A_460 = tpu.memref_slice %arg13[%add3A_20, %dma_wait3A_459] : memref<10240x128xf32, #tpu.memory_space<vmem_shared>> -> memref<80x128xf32, #tpu.memory_space<vmem_shared>>
      tpu.wait_dma2 semaphore(%run_scoped3A : memref<!tpu.dma_semaphore, #tpu.memory_space<semaphore_mem>>) src(%arg11 : memref<80x128xf32, #tpu.memory_space<vmem>>) dst(%dma_wait3A_460 : memref<80x128xf32, #tpu.memory_space<vmem_shared>>)
      tpu.yield
    }) : () -> ()
    %barrier3A = arith.constant 0 : index
    tpu.barrier barrier_id(%barrier3A)
    %mul3A_21 = arith.constant 16 : i32
    %mul3A_22 = arith.muli %arg0, %mul3A_21 : i32
    %add3A_23 = arith.addi %mul3A_22, %arg1 : i32
    %mul3A_24 = arith.constant 125 : i32
    %mul3A_25 = arith.muli %add3A_23, %mul3A_24 : i32
    %add3A_26 = arith.constant 0 : i32
    %add3A_27 = arith.addi %mul3A_25, %add3A_26 : i32
    %min3A = arith.constant 3999 : i32
    %min3A_28 = arith.minsi %add3A_27, %min3A : i32
    %dma_start3A = arith.constant 0 : i32
    %dma_start3A_29 = arith.constant 0 : i32
    %dma_start3A_30 = tpu.memref_slice %arg3[%min3A_28, %dma_start3A, %dma_start3A_29] : memref<4000x2x80xi32, #tpu.memory_space<hbm>> -> memref<1x2x80xi32, #tpu.memory_space<hbm>>
    %dma_start3A_31 = tpu.memref_squeeze %dma_start3A_30 : memref<1x2x80xi32, #tpu.memory_space<hbm>> -> memref<2x80xi32, #tpu.memory_space<hbm>>
    %dma_start3A_32 = arith.constant 0 : i32
    %dma_start3A_33 = arith.constant 0 : i32
    %dma_start3A_34 = tpu.memref_slice %arg3[%min3A_28, %dma_start3A_32, %dma_start3A_33] : memref<4000x2x80xi32, #tpu.memory_space<hbm>> -> memref<1x2x80xi32, #tpu.memory_space<hbm>>
    %dma_start3A_35 = tpu.memref_squeeze %dma_start3A_34 : memref<1x2x80xi32, #tpu.memory_space<hbm>> -> memref<2x80xi32, #tpu.memory_space<hbm>>
    tpu.enqueue_dma source(%dma_start3A_35 : memref<2x80xi32, #tpu.memory_space<hbm>>) target(%arg5 : memref<2x80xi32, #tpu.memory_space<vmem>>) target_semaphore(%arg14 : memref<!tpu.dma_semaphore, #tpu.memory_space<semaphore_mem>>)
    %add3A_36 = arith.constant 1 : i32
    %add3A_37 = arith.addi %mul3A_25, %add3A_36 : i32
    %min3A_38 = arith.constant 3999 : i32
    %min3A_39 = arith.minsi %add3A_37, %min3A_38 : i32
    %dma_start3A_40 = arith.constant 0 : i32
    %dma_start3A_41 = arith.constant 0 : i32
    %dma_start3A_42 = tpu.memref_slice %arg3[%min3A_39, %dma_start3A_40, %dma_start3A_41] : memref<4000x2x80xi32, #tpu.memory_space<hbm>> -> memref<1x2x80xi32, #tpu.memory_space<hbm>>
    %dma_start3A_43 = tpu.memref_squeeze %dma_start3A_42 : memref<1x2x80xi32, #tpu.memory_space<hbm>> -> memref<2x80xi32, #tpu.memory_space<hbm>>
    %dma_start3A_44 = arith.constant 0 : i32
    %dma_start3A_45 = arith.constant 0 : i32
    %dma_start3A_46 = tpu.memref_slice %arg3[%min3A_39, %dma_start3A_44, %dma_start3A_45] : memref<4000x2x80xi32, #tpu.memory_space<hbm>> -> memref<1x2x80xi32, #tpu.memory_space<hbm>>
    %dma_start3A_47 = tpu.memref_squeeze %dma_start3A_46 : memref<1x2x80xi32, #tpu.memory_space<hbm>> -> memref<2x80xi32, #tpu.memory_space<hbm>>
    tpu.enqueue_dma source(%dma_start3A_47 : memref<2x80xi32, #tpu.memory_space<hbm>>) target(%arg6 : memref<2x80xi32, #tpu.memory_space<vmem>>) target_semaphore(%arg15 : memref<!tpu.dma_semaphore, #tpu.memory_space<semaphore_mem>>)
    %dma_wait3A = arith.constant 0 : i32
    %dma_wait3A_48 = arith.constant 0 : i32
    %dma_wait3A_49 = arith.constant 0 : i32
    %dma_wait3A_50 = tpu.memref_slice %arg3[%dma_wait3A, %dma_wait3A_48, %dma_wait3A_49] : memref<4000x2x80xi32, #tpu.memory_space<hbm>> -> memref<1x2x80xi32, #tpu.memory_space<hbm>>
    %dma_wait3A_51 = tpu.memref_squeeze %dma_wait3A_50 : memref<1x2x80xi32, #tpu.memory_space<hbm>> -> memref<2x80xi32, #tpu.memory_space<hbm>>
    %dma_wait3A_52 = arith.constant 0 : i32
    %dma_wait3A_53 = arith.constant 0 : i32
    %dma_wait3A_54 = tpu.memref_slice %arg3[%dma_wait3A, %dma_wait3A_52, %dma_wait3A_53] : memref<4000x2x80xi32, #tpu.memory_space<hbm>> -> memref<1x2x80xi32, #tpu.memory_space<hbm>>
    %dma_wait3A_55 = tpu.memref_squeeze %dma_wait3A_54 : memref<1x2x80xi32, #tpu.memory_space<hbm>> -> memref<2x80xi32, #tpu.memory_space<hbm>>
    tpu.wait_dma2 semaphore(%arg14 : memref<!tpu.dma_semaphore, #tpu.memory_space<semaphore_mem>>) src(%dma_wait3A_55 : memref<2x80xi32, #tpu.memory_space<hbm>>) dst(%arg5 : memref<2x80xi32, #tpu.memory_space<vmem>>)
    %get3A = arith.constant 0 : i32
    %get3A_56 = arith.index_cast %get3A : i32 to index
    %get3A_57 = arith.constant 0 : index
    %get3A_58 = tpu.vector_load %arg5[%get3A_56, %get3A_57] {strides = array<i32>} : memref<2x80xi32, #tpu.memory_space<vmem>>, vector<1x16xi32>,
    %get3A_59 = vector.shape_cast %get3A_58 : vector<1x16xi32> to vector<16xi32>
    %swap3A = arith.constant 0 : index
    %swap3A_60 = tpu.vector_load %arg7[%swap3A] {strides = array<i32>} : memref<80xi32, #tpu.memory_space<vmem>>, vector<16xi32>,
    %swap3A_61 = vector.shape_cast %swap3A_60 : vector<16xi32> to vector<16xi32>
    %swap3A_62 = vector.shape_cast %get3A_59 : vector<16xi32> to vector<16xi32>
    tpu.vector_store %arg7[%swap3A], %swap3A_62 {strides = array<i32>} : memref<80xi32, #tpu.memory_space<vmem>>, vector<16xi32>,
    %get3A_63 = arith.constant 0 : i32
    %get3A_64 = arith.index_cast %get3A_63 : i32 to index
    %get3A_65 = arith.constant 16 : index
    %get3A_66 = tpu.vector_load %arg5[%get3A_64, %get3A_65] {strides = array<i32>} : memref<2x80xi32, #tpu.memory_space<vmem>>, vector<1x16xi32>,
    %get3A_67 = vector.shape_cast %get3A_66 : vector<1x16xi32> to vector<16xi32>
    %swap3A_68 = arith.constant 16 : index
    %swap3A_69 = tpu.vector_load %arg7[%swap3A_68] {strides = array<i32>} : memref<80xi32, #tpu.memory_space<vmem>>, vector<16xi32>,
    %swap3A_70 = vector.shape_cast %swap3A_69 : vector<16xi32> to vector<16xi32>
    %swap3A_71 = vector.shape_cast %get3A_67 : vector<16xi32> to vector<16xi32>
    tpu.vector_store %arg7[%swap3A_68], %swap3A_71 {strides = array<i32>} : memref<80xi32, #tpu.memory_space<vmem>>, vector<16xi32>,
    %get3A_72 = arith.constant 0 : i32
    %get3A_73 = arith.index_cast %get3A_72 : i32 to index
    %get3A_74 = arith.constant 32 : index
    %get3A_75 = tpu.vector_load %arg5[%get3A_73, %get3A_74] {strides = array<i32>} : memref<2x80xi32, #tpu.memory_space<vmem>>, vector<1x16xi32>,
    %get3A_76 = vector.shape_cast %get3A_75 : vector<1x16xi32> to vector<16xi32>
    %swap3A_77 = arith.constant 32 : index
    %swap3A_78 = tpu.vector_load %arg7[%swap3A_77] {strides = array<i32>} : memref<80xi32, #tpu.memory_space<vmem>>, vector<16xi32>,
    %swap3A_79 = vector.shape_cast %swap3A_78 : vector<16xi32> to vector<16xi32>
    %swap3A_80 = vector.shape_cast %get3A_76 : vector<16xi32> to vector<16xi32>
    tpu.vector_store %arg7[%swap3A_77], %swap3A_80 {strides = array<i32>} : memref<80xi32, #tpu.memory_space<vmem>>, vector<16xi32>,
    %get3A_81 = arith.constant 0 : i32
    %get3A_82 = arith.index_cast %get3A_81 : i32 to index
    %get3A_83 = arith.constant 48 : index
    %get3A_84 = tpu.vector_load %arg5[%get3A_82, %get3A_83] {strides = array<i32>} : memref<2x80xi32, #tpu.memory_space<vmem>>, vector<1x16xi32>,
    %get3A_85 = vector.shape_cast %get3A_84 : vector<1x16xi32> to vector<16xi32>
    %swap3A_86 = arith.constant 48 : index
    %swap3A_87 = tpu.vector_load %arg7[%swap3A_86] {strides = array<i32>} : memref<80xi32, #tpu.memory_space<vmem>>, vector<16xi32>,
    %swap3A_88 = vector.shape_cast %swap3A_87 : vector<16xi32> to vector<16xi32>
    %swap3A_89 = vector.shape_cast %get3A_85 : vector<16xi32> to vector<16xi32>
    tpu.vector_store %arg7[%swap3A_86], %swap3A_89 {strides = array<i32>} : memref<80xi32, #tpu.memory_space<vmem>>, vector<16xi32>,
    %get3A_90 = arith.constant 0 : i32
    %get3A_91 = arith.index_cast %get3A_90 : i32 to index
    %get3A_92 = arith.constant 64 : index
    %get3A_93 = tpu.vector_load %arg5[%get3A_91, %get3A_92] {strides = array<i32>} : memref<2x80xi32, #tpu.memory_space<vmem>>, vector<1x16xi32>,
    %get3A_94 = vector.shape_cast %get3A_93 : vector<1x16xi32> to vector<16xi32>
    %swap3A_95 = arith.constant 64 : index
    %swap3A_96 = tpu.vector_load %arg7[%swap3A_95] {strides = array<i32>} : memref<80xi32, #tpu.memory_space<vmem>>, vector<16xi32>,
    %swap3A_97 = vector.shape_cast %swap3A_96 : vector<16xi32> to vector<16xi32>
    %swap3A_98 = vector.shape_cast %get3A_94 : vector<16xi32> to vector<16xi32>
    tpu.vector_store %arg7[%swap3A_95], %swap3A_98 {strides = array<i32>} : memref<80xi32, #tpu.memory_space<vmem>>, vector<16xi32>,
    %get3A_99 = arith.constant 1 : i32
    %get3A_100 = arith.index_cast %get3A_99 : i32 to index
    %get3A_101 = arith.constant 0 : index
    %get3A_102 = tpu.vector_load %arg5[%get3A_100, %get3A_101] {strides = array<i32>} : memref<2x80xi32, #tpu.memory_space<vmem>>, vector<1x16xi32>,
    %get3A_103 = vector.shape_cast %get3A_102 : vector<1x16xi32> to vector<16xi32>
    %swap3A_104 = arith.constant 0 : index
    %swap3A_105 = tpu.vector_load %arg9[%swap3A_104] {strides = array<i32>} : memref<80xi32, #tpu.memory_space<vmem>>, vector<16xi32>,
    %swap3A_106 = vector.shape_cast %swap3A_105 : vector<16xi32> to vector<16xi32>
    %swap3A_107 = vector.shape_cast %get3A_103 : vector<16xi32> to vector<16xi32>
    tpu.vector_store %arg9[%swap3A_104], %swap3A_107 {strides = array<i32>} : memref<80xi32, #tpu.memory_space<vmem>>, vector<16xi32>,
    %get3A_108 = arith.constant 1 : i32
    %get3A_109 = arith.index_cast %get3A_108 : i32 to index
    %get3A_110 = arith.constant 16 : index
    %get3A_111 = tpu.vector_load %arg5[%get3A_109, %get3A_110] {strides = array<i32>} : memref<2x80xi32, #tpu.memory_space<vmem>>, vector<1x16xi32>,
    %get3A_112 = vector.shape_cast %get3A_111 : vector<1x16xi32> to vector<16xi32>
    %swap3A_113 = arith.constant 16 : index
    %swap3A_114 = tpu.vector_load %arg9[%swap3A_113] {strides = array<i32>} : memref<80xi32, #tpu.memory_space<vmem>>, vector<16xi32>,
    %swap3A_115 = vector.shape_cast %swap3A_114 : vector<16xi32> to vector<16xi32>
    %swap3A_116 = vector.shape_cast %get3A_112 : vector<16xi32> to vector<16xi32>
    tpu.vector_store %arg9[%swap3A_113], %swap3A_116 {strides = array<i32>} : memref<80xi32, #tpu.memory_space<vmem>>, vector<16xi32>,
    %get3A_117 = arith.constant 1 : i32
    %get3A_118 = arith.index_cast %get3A_117 : i32 to index
    %get3A_119 = arith.constant 32 : index
    %get3A_120 = tpu.vector_load %arg5[%get3A_118, %get3A_119] {strides = array<i32>} : memref<2x80xi32, #tpu.memory_space<vmem>>, vector<1x16xi32>,
    %get3A_121 = vector.shape_cast %get3A_120 : vector<1x16xi32> to vector<16xi32>
    %swap3A_122 = arith.constant 32 : index
    %swap3A_123 = tpu.vector_load %arg9[%swap3A_122] {strides = array<i32>} : memref<80xi32, #tpu.memory_space<vmem>>, vector<16xi32>,
    %swap3A_124 = vector.shape_cast %swap3A_123 : vector<16xi32> to vector<16xi32>
    %swap3A_125 = vector.shape_cast %get3A_121 : vector<16xi32> to vector<16xi32>
    tpu.vector_store %arg9[%swap3A_122], %swap3A_125 {strides = array<i32>} : memref<80xi32, #tpu.memory_space<vmem>>, vector<16xi32>,
    %get3A_126 = arith.constant 1 : i32
    %get3A_127 = arith.index_cast %get3A_126 : i32 to index
    %get3A_128 = arith.constant 48 : index
    %get3A_129 = tpu.vector_load %arg5[%get3A_127, %get3A_128] {strides = array<i32>} : memref<2x80xi32, #tpu.memory_space<vmem>>, vector<1x16xi32>,
    %get3A_130 = vector.shape_cast %get3A_129 : vector<1x16xi32> to vector<16xi32>
    %swap3A_131 = arith.constant 48 : index
    %swap3A_132 = tpu.vector_load %arg9[%swap3A_131] {strides = array<i32>} : memref<80xi32, #tpu.memory_space<vmem>>, vector<16xi32>,
    %swap3A_133 = vector.shape_cast %swap3A_132 : vector<16xi32> to vector<16xi32>
    %swap3A_134 = vector.shape_cast %get3A_130 : vector<16xi32> to vector<16xi32>
    tpu.vector_store %arg9[%swap3A_131], %swap3A_134 {strides = array<i32>} : memref<80xi32, #tpu.memory_space<vmem>>, vector<16xi32>,
    %get3A_135 = arith.constant 1 : i32
    %get3A_136 = arith.index_cast %get3A_135 : i32 to index
    %get3A_137 = arith.constant 64 : index
    %get3A_138 = tpu.vector_load %arg5[%get3A_136, %get3A_137] {strides = array<i32>} : memref<2x80xi32, #tpu.memory_space<vmem>>, vector<1x16xi32>,
    %get3A_139 = vector.shape_cast %get3A_138 : vector<1x16xi32> to vector<16xi32>
    %swap3A_140 = arith.constant 64 : index
    %swap3A_141 = tpu.vector_load %arg9[%swap3A_140] {strides = array<i32>} : memref<80xi32, #tpu.memory_space<vmem>>, vector<16xi32>,
    %swap3A_142 = vector.shape_cast %swap3A_141 : vector<16xi32> to vector<16xi32>
    %swap3A_143 = vector.shape_cast %get3A_139 : vector<16xi32> to vector<16xi32>
    tpu.vector_store %arg9[%swap3A_140], %swap3A_143 {strides = array<i32>} : memref<80xi32, #tpu.memory_space<vmem>>, vector<16xi32>,
    %add3A_144 = arith.constant 2 : i32
    %add3A_145 = arith.addi %mul3A_25, %add3A_144 : i32
    %min3A_146 = arith.constant 3999 : i32
    %min3A_147 = arith.minsi %add3A_145, %min3A_146 : i32
    %dma_start3A_148 = arith.constant 0 : i32
    %dma_start3A_149 = arith.constant 0 : i32
    %dma_start3A_150 = tpu.memref_slice %arg3[%min3A_147, %dma_start3A_148, %dma_start3A_149] : memref<4000x2x80xi32, #tpu.memory_space<hbm>> -> memref<1x2x80xi32, #tpu.memory_space<hbm>>
    %dma_start3A_151 = tpu.memref_squeeze %dma_start3A_150 : memref<1x2x80xi32, #tpu.memory_space<hbm>> -> memref<2x80xi32, #tpu.memory_space<hbm>>
    %dma_start3A_152 = arith.constant 0 : i32
    %dma_start3A_153 = arith.constant 0 : i32
    %dma_start3A_154 = tpu.memref_slice %arg3[%min3A_147, %dma_start3A_152, %dma_start3A_153] : memref<4000x2x80xi32, #tpu.memory_space<hbm>> -> memref<1x2x80xi32, #tpu.memory_space<hbm>>
    %dma_start3A_155 = tpu.memref_squeeze %dma_start3A_154 : memref<1x2x80xi32, #tpu.memory_space<hbm>> -> memref<2x80xi32, #tpu.memory_space<hbm>>
    tpu.enqueue_dma source(%dma_start3A_155 : memref<2x80xi32, #tpu.memory_space<hbm>>) target(%arg5 : memref<2x80xi32, #tpu.memory_space<vmem>>) target_semaphore(%arg14 : memref<!tpu.dma_semaphore, #tpu.memory_space<semaphore_mem>>)
    %dma_start3A_156 = arith.constant 0 : i32
    %dma_start3A_157 = arith.constant 0 : i32
    %dma_start3A_158 = tpu.memref_slice %arg2[%dma_start3A_156, %dma_start3A_157] : memref<10240x128xf32, #tpu.memory_space<hbm>> -> memref<10240x128xf32, #tpu.memory_space<hbm>>
    tpu.enqueue_indirect_dma source(%dma_start3A_158 : memref<10240x128xf32, #tpu.memory_space<hbm>>) target(%arg11 : memref<80x128xf32, #tpu.memory_space<vmem>>) offsets(%arg7 : memref<80xi32, #tpu.memory_space<vmem>>) semaphore(%arg16 : memref<!tpu.dma_semaphore, #tpu.memory_space<semaphore_mem>>)
    %dma_wait3A_159 = arith.constant 0 : i32
    %dma_wait3A_160 = arith.constant 0 : i32
    %dma_wait3A_161 = arith.constant 0 : i32
    %dma_wait3A_162 = tpu.memref_slice %arg3[%dma_wait3A_159, %dma_wait3A_160, %dma_wait3A_161] : memref<4000x2x80xi32, #tpu.memory_space<hbm>> -> memref<1x2x80xi32, #tpu.memory_space<hbm>>
    %dma_wait3A_163 = tpu.memref_squeeze %dma_wait3A_162 : memref<1x2x80xi32, #tpu.memory_space<hbm>> -> memref<2x80xi32, #tpu.memory_space<hbm>>
    %dma_wait3A_164 = arith.constant 0 : i32
    %dma_wait3A_165 = arith.constant 0 : i32
    %dma_wait3A_166 = tpu.memref_slice %arg3[%dma_wait3A_159, %dma_wait3A_164, %dma_wait3A_165] : memref<4000x2x80xi32, #tpu.memory_space<hbm>> -> memref<1x2x80xi32, #tpu.memory_space<hbm>>
    %dma_wait3A_167 = tpu.memref_squeeze %dma_wait3A_166 : memref<1x2x80xi32, #tpu.memory_space<hbm>> -> memref<2x80xi32, #tpu.memory_space<hbm>>
    tpu.wait_dma2 semaphore(%arg15 : memref<!tpu.dma_semaphore, #tpu.memory_space<semaphore_mem>>) src(%dma_wait3A_167 : memref<2x80xi32, #tpu.memory_space<hbm>>) dst(%arg6 : memref<2x80xi32, #tpu.memory_space<vmem>>)
    %get3A_168 = arith.constant 0 : i32
    %get3A_169 = arith.index_cast %get3A_168 : i32 to index
    %get3A_170 = arith.constant 0 : index
    %get3A_171 = tpu.vector_load %arg6[%get3A_169, %get3A_170] {strides = array<i32>} : memref<2x80xi32, #tpu.memory_space<vmem>>, vector<1x16xi32>,
    %get3A_172 = vector.shape_cast %get3A_171 : vector<1x16xi32> to vector<16xi32>
    %swap3A_173 = arith.constant 0 : index
    %swap3A_174 = tpu.vector_load %arg8[%swap3A_173] {strides = array<i32>} : memref<80xi32, #tpu.memory_space<vmem>>, vector<16xi32>,
    %swap3A_175 = vector.shape_cast %swap3A_174 : vector<16xi32> to vector<16xi32>
    %swap3A_176 = vector.shape_cast %get3A_172 : vector<16xi32> to vector<16xi32>
    tpu.vector_store %arg8[%swap3A_173], %swap3A_176 {strides = array<i32>} : memref<80xi32, #tpu.memory_space<vmem>>, vector<16xi32>,
    %get3A_177 = arith.constant 0 : i32
    %get3A_178 = arith.index_cast %get3A_177 : i32 to index
    %get3A_179 = arith.constant 16 : index
    %get3A_180 = tpu.vector_load %arg6[%get3A_178, %get3A_179] {strides = array<i32>} : memref<2x80xi32, #tpu.memory_space<vmem>>, vector<1x16xi32>,
    %get3A_181 = vector.shape_cast %get3A_180 : vector<1x16xi32> to vector<16xi32>
    %swap3A_182 = arith.constant 16 : index
    %swap3A_183 = tpu.vector_load %arg8[%swap3A_182] {strides = array<i32>} : memref<80xi32, #tpu.memory_space<vmem>>, vector<16xi32>,
    %swap3A_184 = vector.shape_cast %swap3A_183 : vector<16xi32> to vector<16xi32>
    %swap3A_185 = vector.shape_cast %get3A_181 : vector<16xi32> to vector<16xi32>
    tpu.vector_store %arg8[%swap3A_182], %swap3A_185 {strides = array<i32>} : memref<80xi32, #tpu.memory_space<vmem>>, vector<16xi32>,
    %get3A_186 = arith.constant 0 : i32
    %get3A_187 = arith.index_cast %get3A_186 : i32 to index
    %get3A_188 = arith.constant 32 : index
    %get3A_189 = tpu.vector_load %arg6[%get3A_187, %get3A_188] {strides = array<i32>} : memref<2x80xi32, #tpu.memory_space<vmem>>, vector<1x16xi32>,
    %get3A_190 = vector.shape_cast %get3A_189 : vector<1x16xi32> to vector<16xi32>
    %swap3A_191 = arith.constant 32 : index
    %swap3A_192 = tpu.vector_load %arg8[%swap3A_191] {strides = array<i32>} : memref<80xi32, #tpu.memory_space<vmem>>, vector<16xi32>,
    %swap3A_193 = vector.shape_cast %swap3A_192 : vector<16xi32> to vector<16xi32>
    %swap3A_194 = vector.shape_cast %get3A_190 : vector<16xi32> to vector<16xi32>
    tpu.vector_store %arg8[%swap3A_191], %swap3A_194 {strides = array<i32>} : memref<80xi32, #tpu.memory_space<vmem>>, vector<16xi32>,
    %get3A_195 = arith.constant 0 : i32
    %get3A_196 = arith.index_cast %get3A_195 : i32 to index
    %get3A_197 = arith.constant 48 : index
    %get3A_198 = tpu.vector_load %arg6[%get3A_196, %get3A_197] {strides = array<i32>} : memref<2x80xi32, #tpu.memory_space<vmem>>, vector<1x16xi32>,
    %get3A_199 = vector.shape_cast %get3A_198 : vector<1x16xi32> to vector<16xi32>
    %swap3A_200 = arith.constant 48 : index
    %swap3A_201 = tpu.vector_load %arg8[%swap3A_200] {strides = array<i32>} : memref<80xi32, #tpu.memory_space<vmem>>, vector<16xi32>,
    %swap3A_202 = vector.shape_cast %swap3A_201 : vector<16xi32> to vector<16xi32>
    %swap3A_203 = vector.shape_cast %get3A_199 : vector<16xi32> to vector<16xi32>
    tpu.vector_store %arg8[%swap3A_200], %swap3A_203 {strides = array<i32>} : memref<80xi32, #tpu.memory_space<vmem>>, vector<16xi32>,
    %get3A_204 = arith.constant 0 : i32
    %get3A_205 = arith.index_cast %get3A_204 : i32 to index
    %get3A_206 = arith.constant 64 : index
    %get3A_207 = tpu.vector_load %arg6[%get3A_205, %get3A_206] {strides = array<i32>} : memref<2x80xi32, #tpu.memory_space<vmem>>, vector<1x16xi32>,
    %get3A_208 = vector.shape_cast %get3A_207 : vector<1x16xi32> to vector<16xi32>
    %swap3A_209 = arith.constant 64 : index
    %swap3A_210 = tpu.vector_load %arg8[%swap3A_209] {strides = array<i32>} : memref<80xi32, #tpu.memory_space<vmem>>, vector<16xi32>,
    %swap3A_211 = vector.shape_cast %swap3A_210 : vector<16xi32> to vector<16xi32>
    %swap3A_212 = vector.shape_cast %get3A_208 : vector<16xi32> to vector<16xi32>
    tpu.vector_store %arg8[%swap3A_209], %swap3A_212 {strides = array<i32>} : memref<80xi32, #tpu.memory_space<vmem>>, vector<16xi32>,
    %get3A_213 = arith.constant 1 : i32
    %get3A_214 = arith.index_cast %get3A_213 : i32 to index
    %get3A_215 = arith.constant 0 : index
    %get3A_216 = tpu.vector_load %arg6[%get3A_214, %get3A_215] {strides = array<i32>} : memref<2x80xi32, #tpu.memory_space<vmem>>, vector<1x16xi32>,
    %get3A_217 = vector.shape_cast %get3A_216 : vector<1x16xi32> to vector<16xi32>
    %swap3A_218 = arith.constant 0 : index
    %swap3A_219 = tpu.vector_load %arg10[%swap3A_218] {strides = array<i32>} : memref<80xi32, #tpu.memory_space<vmem>>, vector<16xi32>,
    %swap3A_220 = vector.shape_cast %swap3A_219 : vector<16xi32> to vector<16xi32>
    %swap3A_221 = vector.shape_cast %get3A_217 : vector<16xi32> to vector<16xi32>
    tpu.vector_store %arg10[%swap3A_218], %swap3A_221 {strides = array<i32>} : memref<80xi32, #tpu.memory_space<vmem>>, vector<16xi32>,
    %get3A_222 = arith.constant 1 : i32
    %get3A_223 = arith.index_cast %get3A_222 : i32 to index
    %get3A_224 = arith.constant 16 : index
    %get3A_225 = tpu.vector_load %arg6[%get3A_223, %get3A_224] {strides = array<i32>} : memref<2x80xi32, #tpu.memory_space<vmem>>, vector<1x16xi32>,
    %get3A_226 = vector.shape_cast %get3A_225 : vector<1x16xi32> to vector<16xi32>
    %swap3A_227 = arith.constant 16 : index
    %swap3A_228 = tpu.vector_load %arg10[%swap3A_227] {strides = array<i32>} : memref<80xi32, #tpu.memory_space<vmem>>, vector<16xi32>,
    %swap3A_229 = vector.shape_cast %swap3A_228 : vector<16xi32> to vector<16xi32>
    %swap3A_230 = vector.shape_cast %get3A_226 : vector<16xi32> to vector<16xi32>
    tpu.vector_store %arg10[%swap3A_227], %swap3A_230 {strides = array<i32>} : memref<80xi32, #tpu.memory_space<vmem>>, vector<16xi32>,
    %get3A_231 = arith.constant 1 : i32
    %get3A_232 = arith.index_cast %get3A_231 : i32 to index
    %get3A_233 = arith.constant 32 : index
    %get3A_234 = tpu.vector_load %arg6[%get3A_232, %get3A_233] {strides = array<i32>} : memref<2x80xi32, #tpu.memory_space<vmem>>, vector<1x16xi32>,
    %get3A_235 = vector.shape_cast %get3A_234 : vector<1x16xi32> to vector<16xi32>
    %swap3A_236 = arith.constant 32 : index
    %swap3A_237 = tpu.vector_load %arg10[%swap3A_236] {strides = array<i32>} : memref<80xi32, #tpu.memory_space<vmem>>, vector<16xi32>,
    %swap3A_238 = vector.shape_cast %swap3A_237 : vector<16xi32> to vector<16xi32>
    %swap3A_239 = vector.shape_cast %get3A_235 : vector<16xi32> to vector<16xi32>
    tpu.vector_store %arg10[%swap3A_236], %swap3A_239 {strides = array<i32>} : memref<80xi32, #tpu.memory_space<vmem>>, vector<16xi32>,
    %get3A_240 = arith.constant 1 : i32
    %get3A_241 = arith.index_cast %get3A_240 : i32 to index
    %get3A_242 = arith.constant 48 : index
    %get3A_243 = tpu.vector_load %arg6[%get3A_241, %get3A_242] {strides = array<i32>} : memref<2x80xi32, #tpu.memory_space<vmem>>, vector<1x16xi32>,
    %get3A_244 = vector.shape_cast %get3A_243 : vector<1x16xi32> to vector<16xi32>
    %swap3A_245 = arith.constant 48 : index
    %swap3A_246 = tpu.vector_load %arg10[%swap3A_245] {strides = array<i32>} : memref<80xi32, #tpu.memory_space<vmem>>, vector<16xi32>,
    %swap3A_247 = vector.shape_cast %swap3A_246 : vector<16xi32> to vector<16xi32>
    %swap3A_248 = vector.shape_cast %get3A_244 : vector<16xi32> to vector<16xi32>
    tpu.vector_store %arg10[%swap3A_245], %swap3A_248 {strides = array<i32>} : memref<80xi32, #tpu.memory_space<vmem>>, vector<16xi32>,
    %get3A_249 = arith.constant 1 : i32
    %get3A_250 = arith.index_cast %get3A_249 : i32 to index
    %get3A_251 = arith.constant 64 : index
    %get3A_252 = tpu.vector_load %arg6[%get3A_250, %get3A_251] {strides = array<i32>} : memref<2x80xi32, #tpu.memory_space<vmem>>, vector<1x16xi32>,
    %get3A_253 = vector.shape_cast %get3A_252 : vector<1x16xi32> to vector<16xi32>
    %swap3A_254 = arith.constant 64 : index
    %swap3A_255 = tpu.vector_load %arg10[%swap3A_254] {strides = array<i32>} : memref<80xi32, #tpu.memory_space<vmem>>, vector<16xi32>,
    %swap3A_256 = vector.shape_cast %swap3A_255 : vector<16xi32> to vector<16xi32>
    %swap3A_257 = vector.shape_cast %get3A_253 : vector<16xi32> to vector<16xi32>
    tpu.vector_store %arg10[%swap3A_254], %swap3A_257 {strides = array<i32>} : memref<80xi32, #tpu.memory_space<vmem>>, vector<16xi32>,
    %add3A_258 = arith.constant 3 : i32
    %add3A_259 = arith.addi %mul3A_25, %add3A_258 : i32
    %min3A_260 = arith.constant 3999 : i32
    %min3A_261 = arith.minsi %add3A_259, %min3A_260 : i32
    %dma_start3A_262 = arith.constant 0 : i32
    %dma_start3A_263 = arith.constant 0 : i32
    %dma_start3A_264 = tpu.memref_slice %arg3[%min3A_261, %dma_start3A_262, %dma_start3A_263] : memref<4000x2x80xi32, #tpu.memory_space<hbm>> -> memref<1x2x80xi32, #tpu.memory_space<hbm>>
    %dma_start3A_265 = tpu.memref_squeeze %dma_start3A_264 : memref<1x2x80xi32, #tpu.memory_space<hbm>> -> memref<2x80xi32, #tpu.memory_space<hbm>>
    %dma_start3A_266 = arith.constant 0 : i32
    %dma_start3A_267 = arith.constant 0 : i32
    %dma_start3A_268 = tpu.memref_slice %arg3[%min3A_261, %dma_start3A_266, %dma_start3A_267] : memref<4000x2x80xi32, #tpu.memory_space<hbm>> -> memref<1x2x80xi32, #tpu.memory_space<hbm>>
    %dma_start3A_269 = tpu.memref_squeeze %dma_start3A_268 : memref<1x2x80xi32, #tpu.memory_space<hbm>> -> memref<2x80xi32, #tpu.memory_space<hbm>>
    tpu.enqueue_dma source(%dma_start3A_269 : memref<2x80xi32, #tpu.memory_space<hbm>>) target(%arg6 : memref<2x80xi32, #tpu.memory_space<vmem>>) target_semaphore(%arg15 : memref<!tpu.dma_semaphore, #tpu.memory_space<semaphore_mem>>)
    %dma_start3A_270 = arith.constant 0 : i32
    %dma_start3A_271 = arith.constant 0 : i32
    %dma_start3A_272 = tpu.memref_slice %arg2[%dma_start3A_270, %dma_start3A_271] : memref<10240x128xf32, #tpu.memory_space<hbm>> -> memref<10240x128xf32, #tpu.memory_space<hbm>>
    tpu.enqueue_indirect_dma source(%dma_start3A_272 : memref<10240x128xf32, #tpu.memory_space<hbm>>) target(%arg12 : memref<80x128xf32, #tpu.memory_space<vmem>>) offsets(%arg8 : memref<80xi32, #tpu.memory_space<vmem>>) semaphore(%arg17 : memref<!tpu.dma_semaphore, #tpu.memory_space<semaphore_mem>>)
    %scan3A_273 = arith.constant 0 : i32
    %scan3A_274 = arith.constant 0 : i32
    %scan3A_275 = arith.constant 61 : i32
    %scan3A_276 = arith.addi %scan3A_274, %scan3A_275 : i32
    %scan3A_277 = arith.constant 1 : i32
    scf.for %scan3A_453 = %scan3A_274 to %scan3A_276 step %scan3A_277  : i32 {
      %mul3A_454 = arith.constant 2 : i32
      %mul3A_455 = arith.muli %mul3A_454, %scan3A_453 : i32
      %dma_wait3A_456 = arith.constant 0 : i32
      %dma_wait3A_457 = arith.constant 0 : i32
      %dma_wait3A_458 = tpu.memref_slice %arg2[%dma_wait3A_456, %dma_wait3A_457] : memref<10240x128xf32, #tpu.memory_space<hbm>> -> memref<10240x128xf32, #tpu.memory_space<hbm>>
      tpu.wait_indirect_dma semaphore(%arg16 : memref<!tpu.dma_semaphore, #tpu.memory_space<semaphore_mem>>) src(%dma_wait3A_458 : memref<10240x128xf32, #tpu.memory_space<hbm>>) dst(%arg11 : memref<80x128xf32, #tpu.memory_space<vmem>>)
      "tpu.region"() ({
        %run_scoped3A = tpu.sem_alloc : memref<!tpu.dma_semaphore, #tpu.memory_space<semaphore_mem>>
        %dma_start3A_692 = arith.constant 0 : i32
        %dma_start3A_693 = arith.constant 0 : i32
        %dma_start3A_694 = tpu.memref_slice %arg13[%dma_start3A_692, %dma_start3A_693] : memref<10240x128xf32, #tpu.memory_space<vmem_shared>> -> memref<10240x128xf32, #tpu.memory_space<vmem_shared>>
        tpu.enqueue_indirect_dma source(%arg11 : memref<80x128xf32, #tpu.memory_space<vmem>>) target(%dma_start3A_694 : memref<10240x128xf32, #tpu.memory_space<vmem_shared>>) offsets(%arg9 : memref<80xi32, #tpu.memory_space<vmem>>) semaphore(%run_scoped3A : memref<!tpu.dma_semaphore, #tpu.memory_space<semaphore_mem>>) {add = true}
        %dma_wait3A_695 = arith.constant 0 : i32
        %dma_wait3A_696 = arith.constant 0 : i32
        %dma_wait3A_697 = tpu.memref_slice %arg13[%dma_wait3A_695, %dma_wait3A_696] : memref<10240x128xf32, #tpu.memory_space<vmem_shared>> -> memref<10240x128xf32, #tpu.memory_space<vmem_shared>>
        tpu.wait_indirect_dma semaphore(%run_scoped3A : memref<!tpu.dma_semaphore, #tpu.memory_space<semaphore_mem>>) src(%arg11 : memref<80x128xf32, #tpu.memory_space<vmem>>) dst(%dma_wait3A_697 : memref<10240x128xf32, #tpu.memory_space<vmem_shared>>)
        tpu.yield
      }) : () -> ()
      %add3A_459 = arith.constant 4 : i32
      %add3A_460 = arith.addi %mul3A_455, %add3A_459 : i32
      %dma_wait3A_461 = arith.constant 0 : i32
      %dma_wait3A_462 = arith.constant 0 : i32
      %dma_wait3A_463 = arith.constant 0 : i32
      %dma_wait3A_464 = tpu.memref_slice %arg3[%dma_wait3A_461, %dma_wait3A_462, %dma_wait3A_463] : memref<4000x2x80xi32, #tpu.memory_space<hbm>> -> memref<1x2x80xi32, #tpu.memory_space<hbm>>
      %dma_wait3A_465 = tpu.memref_squeeze %dma_wait3A_464 : memref<1x2x80xi32, #tpu.memory_space<hbm>> -> memref<2x80xi32, #tpu.memory_space<hbm>>
      %dma_wait3A_466 = arith.constant 0 : i32
      %dma_wait3A_467 = arith.constant 0 : i32
      %dma_wait3A_468 = tpu.memref_slice %arg3[%dma_wait3A_461, %dma_wait3A_466, %dma_wait3A_467] : memref<4000x2x80xi32, #tpu.memory_space<hbm>> -> memref<1x2x80xi32, #tpu.memory_space<hbm>>
      %dma_wait3A_469 = tpu.memref_squeeze %dma_wait3A_468 : memref<1x2x80xi32, #tpu.memory_space<hbm>> -> memref<2x80xi32, #tpu.memory_space<hbm>>
      tpu.wait_dma2 semaphore(%arg14 : memref<!tpu.dma_semaphore, #tpu.memory_space<semaphore_mem>>) src(%dma_wait3A_469 : memref<2x80xi32, #tpu.memory_space<hbm>>) dst(%arg5 : memref<2x80xi32, #tpu.memory_space<vmem>>)
      %get3A_470 = arith.constant 0 : i32
      %get3A_471 = arith.index_cast %get3A_470 : i32 to index
      %get3A_472 = arith.constant 0 : index
      %get3A_473 = tpu.vector_load %arg5[%get3A_471, %get3A_472] {strides = array<i32>} : memref<2x80xi32, #tpu.memory_space<vmem>>, vector<1x16xi32>,
      %get3A_474 = vector.shape_cast %get3A_473 : vector<1x16xi32> to vector<16xi32>
      %swap3A_475 = arith.constant 0 : index
      %swap3A_476 = tpu.vector_load %arg7[%swap3A_475] {strides = array<i32>} : memref<80xi32, #tpu.memory_space<vmem>>, vector<16xi32>,
      %swap3A_477 = vector.shape_cast %swap3A_476 : vector<16xi32> to vector<16xi32>
      %swap3A_478 = vector.shape_cast %get3A_474 : vector<16xi32> to vector<16xi32>
      tpu.vector_store %arg7[%swap3A_475], %swap3A_478 {strides = array<i32>} : memref<80xi32, #tpu.memory_space<vmem>>, vector<16xi32>,
      %get3A_479 = arith.constant 0 : i32
      %get3A_480 = arith.index_cast %get3A_479 : i32 to index
      %get3A_481 = arith.constant 16 : index
      %get3A_482 = tpu.vector_load %arg5[%get3A_480, %get3A_481] {strides = array<i32>} : memref<2x80xi32, #tpu.memory_space<vmem>>, vector<1x16xi32>,
      %get3A_483 = vector.shape_cast %get3A_482 : vector<1x16xi32> to vector<16xi32>
      %swap3A_484 = arith.constant 16 : index
      %swap3A_485 = tpu.vector_load %arg7[%swap3A_484] {strides = array<i32>} : memref<80xi32, #tpu.memory_space<vmem>>, vector<16xi32>,
      %swap3A_486 = vector.shape_cast %swap3A_485 : vector<16xi32> to vector<16xi32>
      %swap3A_487 = vector.shape_cast %get3A_483 : vector<16xi32> to vector<16xi32>
      tpu.vector_store %arg7[%swap3A_484], %swap3A_487 {strides = array<i32>} : memref<80xi32, #tpu.memory_space<vmem>>, vector<16xi32>,
      %get3A_488 = arith.constant 0 : i32
      %get3A_489 = arith.index_cast %get3A_488 : i32 to index
      %get3A_490 = arith.constant 32 : index
      %get3A_491 = tpu.vector_load %arg5[%get3A_489, %get3A_490] {strides = array<i32>} : memref<2x80xi32, #tpu.memory_space<vmem>>, vector<1x16xi32>,
      %get3A_492 = vector.shape_cast %get3A_491 : vector<1x16xi32> to vector<16xi32>
      %swap3A_493 = arith.constant 32 : index
      %swap3A_494 = tpu.vector_load %arg7[%swap3A_493] {strides = array<i32>} : memref<80xi32, #tpu.memory_space<vmem>>, vector<16xi32>,
      %swap3A_495 = vector.shape_cast %swap3A_494 : vector<16xi32> to vector<16xi32>
      %swap3A_496 = vector.shape_cast %get3A_492 : vector<16xi32> to vector<16xi32>
      tpu.vector_store %arg7[%swap3A_493], %swap3A_496 {strides = array<i32>} : memref<80xi32, #tpu.memory_space<vmem>>, vector<16xi32>,
      %get3A_497 = arith.constant 0 : i32
      %get3A_498 = arith.index_cast %get3A_497 : i32 to index
      %get3A_499 = arith.constant 48 : index
      %get3A_500 = tpu.vector_load %arg5[%get3A_498, %get3A_499] {strides = array<i32>} : memref<2x80xi32, #tpu.memory_space<vmem>>, vector<1x16xi32>,
      %get3A_501 = vector.shape_cast %get3A_500 : vector<1x16xi32> to vector<16xi32>
      %swap3A_502 = arith.constant 48 : index
      %swap3A_503 = tpu.vector_load %arg7[%swap3A_502] {strides = array<i32>} : memref<80xi32, #tpu.memory_space<vmem>>, vector<16xi32>,
      %swap3A_504 = vector.shape_cast %swap3A_503 : vector<16xi32> to vector<16xi32>
      %swap3A_505 = vector.shape_cast %get3A_501 : vector<16xi32> to vector<16xi32>
      tpu.vector_store %arg7[%swap3A_502], %swap3A_505 {strides = array<i32>} : memref<80xi32, #tpu.memory_space<vmem>>, vector<16xi32>,
      %get3A_506 = arith.constant 0 : i32
      %get3A_507 = arith.index_cast %get3A_506 : i32 to index
      %get3A_508 = arith.constant 64 : index
      %get3A_509 = tpu.vector_load %arg5[%get3A_507, %get3A_508] {strides = array<i32>} : memref<2x80xi32, #tpu.memory_space<vmem>>, vector<1x16xi32>,
      %get3A_510 = vector.shape_cast %get3A_509 : vector<1x16xi32> to vector<16xi32>
      %swap3A_511 = arith.constant 64 : index
      %swap3A_512 = tpu.vector_load %arg7[%swap3A_511] {strides = array<i32>} : memref<80xi32, #tpu.memory_space<vmem>>, vector<16xi32>,
      %swap3A_513 = vector.shape_cast %swap3A_512 : vector<16xi32> to vector<16xi32>
      %swap3A_514 = vector.shape_cast %get3A_510 : vector<16xi32> to vector<16xi32>
      tpu.vector_store %arg7[%swap3A_511], %swap3A_514 {strides = array<i32>} : memref<80xi32, #tpu.memory_space<vmem>>, vector<16xi32>,
      %get3A_515 = arith.constant 1 : i32
      %get3A_516 = arith.index_cast %get3A_515 : i32 to index
      %get3A_517 = arith.constant 0 : index
      %get3A_518 = tpu.vector_load %arg5[%get3A_516, %get3A_517] {strides = array<i32>} : memref<2x80xi32, #tpu.memory_space<vmem>>, vector<1x16xi32>,
      %get3A_519 = vector.shape_cast %get3A_518 : vector<1x16xi32> to vector<16xi32>
      %swap3A_520 = arith.constant 0 : index
      %swap3A_521 = tpu.vector_load %arg9[%swap3A_520] {strides = array<i32>} : memref<80xi32, #tpu.memory_space<vmem>>, vector<16xi32>,
      %swap3A_522 = vector.shape_cast %swap3A_521 : vector<16xi32> to vector<16xi32>
      %swap3A_523 = vector.shape_cast %get3A_519 : vector<16xi32> to vector<16xi32>
      tpu.vector_store %arg9[%swap3A_520], %swap3A_523 {strides = array<i32>} : memref<80xi32, #tpu.memory_space<vmem>>, vector<16xi32>,
      %get3A_524 = arith.constant 1 : i32
      %get3A_525 = arith.index_cast %get3A_524 : i32 to index
      %get3A_526 = arith.constant 16 : index
      %get3A_527 = tpu.vector_load %arg5[%get3A_525, %get3A_526] {strides = array<i32>} : memref<2x80xi32, #tpu.memory_space<vmem>>, vector<1x16xi32>,
      %get3A_528 = vector.shape_cast %get3A_527 : vector<1x16xi32> to vector<16xi32>
      %swap3A_529 = arith.constant 16 : index
      %swap3A_530 = tpu.vector_load %arg9[%swap3A_529] {strides = array<i32>} : memref<80xi32, #tpu.memory_space<vmem>>, vector<16xi32>,
      %swap3A_531 = vector.shape_cast %swap3A_530 : vector<16xi32> to vector<16xi32>
      %swap3A_532 = vector.shape_cast %get3A_528 : vector<16xi32> to vector<16xi32>
      tpu.vector_store %arg9[%swap3A_529], %swap3A_532 {strides = array<i32>} : memref<80xi32, #tpu.memory_space<vmem>>, vector<16xi32>,
      %get3A_533 = arith.constant 1 : i32
      %get3A_534 = arith.index_cast %get3A_533 : i32 to index
      %get3A_535 = arith.constant 32 : index
      %get3A_536 = tpu.vector_load %arg5[%get3A_534, %get3A_535] {strides = array<i32>} : memref<2x80xi32, #tpu.memory_space<vmem>>, vector<1x16xi32>,
      %get3A_537 = vector.shape_cast %get3A_536 : vector<1x16xi32> to vector<16xi32>
      %swap3A_538 = arith.constant 32 : index
      %swap3A_539 = tpu.vector_load %arg9[%swap3A_538] {strides = array<i32>} : memref<80xi32, #tpu.memory_space<vmem>>, vector<16xi32>,
      %swap3A_540 = vector.shape_cast %swap3A_539 : vector<16xi32> to vector<16xi32>
      %swap3A_541 = vector.shape_cast %get3A_537 : vector<16xi32> to vector<16xi32>
      tpu.vector_store %arg9[%swap3A_538], %swap3A_541 {strides = array<i32>} : memref<80xi32, #tpu.memory_space<vmem>>, vector<16xi32>,
      %get3A_542 = arith.constant 1 : i32
      %get3A_543 = arith.index_cast %get3A_542 : i32 to index
      %get3A_544 = arith.constant 48 : index
      %get3A_545 = tpu.vector_load %arg5[%get3A_543, %get3A_544] {strides = array<i32>} : memref<2x80xi32, #tpu.memory_space<vmem>>, vector<1x16xi32>,
      %get3A_546 = vector.shape_cast %get3A_545 : vector<1x16xi32> to vector<16xi32>
      %swap3A_547 = arith.constant 48 : index
      %swap3A_548 = tpu.vector_load %arg9[%swap3A_547] {strides = array<i32>} : memref<80xi32, #tpu.memory_space<vmem>>, vector<16xi32>,
      %swap3A_549 = vector.shape_cast %swap3A_548 : vector<16xi32> to vector<16xi32>
      %swap3A_550 = vector.shape_cast %get3A_546 : vector<16xi32> to vector<16xi32>
      tpu.vector_store %arg9[%swap3A_547], %swap3A_550 {strides = array<i32>} : memref<80xi32, #tpu.memory_space<vmem>>, vector<16xi32>,
      %get3A_551 = arith.constant 1 : i32
      %get3A_552 = arith.index_cast %get3A_551 : i32 to index
      %get3A_553 = arith.constant 64 : index
      %get3A_554 = tpu.vector_load %arg5[%get3A_552, %get3A_553] {strides = array<i32>} : memref<2x80xi32, #tpu.memory_space<vmem>>, vector<1x16xi32>,
      %get3A_555 = vector.shape_cast %get3A_554 : vector<1x16xi32> to vector<16xi32>
      %swap3A_556 = arith.constant 64 : index
      %swap3A_557 = tpu.vector_load %arg9[%swap3A_556] {strides = array<i32>} : memref<80xi32, #tpu.memory_space<vmem>>, vector<16xi32>,
      %swap3A_558 = vector.shape_cast %swap3A_557 : vector<16xi32> to vector<16xi32>
      %swap3A_559 = vector.shape_cast %get3A_555 : vector<16xi32> to vector<16xi32>
      tpu.vector_store %arg9[%swap3A_556], %swap3A_559 {strides = array<i32>} : memref<80xi32, #tpu.memory_space<vmem>>, vector<16xi32>,
      %add3A_560 = arith.addi %mul3A_25, %add3A_460 : i32
      %min3A_561 = arith.constant 3999 : i32
      %min3A_562 = arith.minsi %add3A_560, %min3A_561 : i32
      %dma_start3A_563 = arith.constant 0 : i32
      %dma_start3A_564 = arith.constant 0 : i32
      %dma_start3A_565 = tpu.memref_slice %arg3[%min3A_562, %dma_start3A_563, %dma_start3A_564] : memref<4000x2x80xi32, #tpu.memory_space<hbm>> -> memref<1x2x80xi32, #tpu.memory_space<hbm>>
      %dma_start3A_566 = tpu.memref_squeeze %dma_start3A_565 : memref<1x2x80xi32, #tpu.memory_space<hbm>> -> memref<2x80xi32, #tpu.memory_space<hbm>>
      %dma_start3A_567 = arith.constant 0 : i32
      %dma_start3A_568 = arith.constant 0 : i32
      %dma_start3A_569 = tpu.memref_slice %arg3[%min3A_562, %dma_start3A_567, %dma_start3A_568] : memref<4000x2x80xi32, #tpu.memory_space<hbm>> -> memref<1x2x80xi32, #tpu.memory_space<hbm>>
      %dma_start3A_570 = tpu.memref_squeeze %dma_start3A_569 : memref<1x2x80xi32, #tpu.memory_space<hbm>> -> memref<2x80xi32, #tpu.memory_space<hbm>>
      tpu.enqueue_dma source(%dma_start3A_570 : memref<2x80xi32, #tpu.memory_space<hbm>>) target(%arg5 : memref<2x80xi32, #tpu.memory_space<vmem>>) target_semaphore(%arg14 : memref<!tpu.dma_semaphore, #tpu.memory_space<semaphore_mem>>)
      %dma_start3A_571 = arith.constant 0 : i32
      %dma_start3A_572 = arith.constant 0 : i32
      %dma_start3A_573 = tpu.memref_slice %arg2[%dma_start3A_571, %dma_start3A_572] : memref<10240x128xf32, #tpu.memory_space<hbm>> -> memref<10240x128xf32, #tpu.memory_space<hbm>>
      tpu.enqueue_indirect_dma source(%dma_start3A_573 : memref<10240x128xf32, #tpu.memory_space<hbm>>) target(%arg11 : memref<80x128xf32, #tpu.memory_space<vmem>>) offsets(%arg7 : memref<80xi32, #tpu.memory_space<vmem>>) semaphore(%arg16 : memref<!tpu.dma_semaphore, #tpu.memory_space<semaphore_mem>>)
      %dma_wait3A_574 = arith.constant 0 : i32
      %dma_wait3A_575 = arith.constant 0 : i32
      %dma_wait3A_576 = tpu.memref_slice %arg2[%dma_wait3A_574, %dma_wait3A_575] : memref<10240x128xf32, #tpu.memory_space<hbm>> -> memref<10240x128xf32, #tpu.memory_space<hbm>>
      tpu.wait_indirect_dma semaphore(%arg17 : memref<!tpu.dma_semaphore, #tpu.memory_space<semaphore_mem>>) src(%dma_wait3A_576 : memref<10240x128xf32, #tpu.memory_space<hbm>>) dst(%arg12 : memref<80x128xf32, #tpu.memory_space<vmem>>)
      "tpu.region"() ({
        %run_scoped3A = tpu.sem_alloc : memref<!tpu.dma_semaphore, #tpu.memory_space<semaphore_mem>>
        %dma_start3A_692 = arith.constant 0 : i32
        %dma_start3A_693 = arith.constant 0 : i32
        %dma_start3A_694 = tpu.memref_slice %arg13[%dma_start3A_692, %dma_start3A_693] : memref<10240x128xf32, #tpu.memory_space<vmem_shared>> -> memref<10240x128xf32, #tpu.memory_space<vmem_shared>>
        tpu.enqueue_indirect_dma source(%arg12 : memref<80x128xf32, #tpu.memory_space<vmem>>) target(%dma_start3A_694 : memref<10240x128xf32, #tpu.memory_space<vmem_shared>>) offsets(%arg10 : memref<80xi32, #tpu.memory_space<vmem>>) semaphore(%run_scoped3A : memref<!tpu.dma_semaphore, #tpu.memory_space<semaphore_mem>>) {add = true}
        %dma_wait3A_695 = arith.constant 0 : i32
        %dma_wait3A_696 = arith.constant 0 : i32
        %dma_wait3A_697 = tpu.memref_slice %arg13[%dma_wait3A_695, %dma_wait3A_696] : memref<10240x128xf32, #tpu.memory_space<vmem_shared>> -> memref<10240x128xf32, #tpu.memory_space<vmem_shared>>
        tpu.wait_indirect_dma semaphore(%run_scoped3A : memref<!tpu.dma_semaphore, #tpu.memory_space<semaphore_mem>>) src(%arg12 : memref<80x128xf32, #tpu.memory_space<vmem>>) dst(%dma_wait3A_697 : memref<10240x128xf32, #tpu.memory_space<vmem_shared>>)
        tpu.yield
      }) : () -> ()
      %add3A_577 = arith.constant 5 : i32
      %add3A_578 = arith.addi %mul3A_455, %add3A_577 : i32
      %dma_wait3A_579 = arith.constant 0 : i32
      %dma_wait3A_580 = arith.constant 0 : i32
      %dma_wait3A_581 = arith.constant 0 : i32
      %dma_wait3A_582 = tpu.memref_slice %arg3[%dma_wait3A_579, %dma_wait3A_580, %dma_wait3A_581] : memref<4000x2x80xi32, #tpu.memory_space<hbm>> -> memref<1x2x80xi32, #tpu.memory_space<hbm>>
      %dma_wait3A_583 = tpu.memref_squeeze %dma_wait3A_582 : memref<1x2x80xi32, #tpu.memory_space<hbm>> -> memref<2x80xi32, #tpu.memory_space<hbm>>
      %dma_wait3A_584 = arith.constant 0 : i32
      %dma_wait3A_585 = arith.constant 0 : i32
      %dma_wait3A_586 = tpu.memref_slice %arg3[%dma_wait3A_579, %dma_wait3A_584, %dma_wait3A_585] : memref<4000x2x80xi32, #tpu.memory_space<hbm>> -> memref<1x2x80xi32, #tpu.memory_space<hbm>>
      %dma_wait3A_587 = tpu.memref_squeeze %dma_wait3A_586 : memref<1x2x80xi32, #tpu.memory_space<hbm>> -> memref<2x80xi32, #tpu.memory_space<hbm>>
      tpu.wait_dma2 semaphore(%arg15 : memref<!tpu.dma_semaphore, #tpu.memory_space<semaphore_mem>>) src(%dma_wait3A_587 : memref<2x80xi32, #tpu.memory_space<hbm>>) dst(%arg6 : memref<2x80xi32, #tpu.memory_space<vmem>>)
      %get3A_588 = arith.constant 0 : i32
      %get3A_589 = arith.index_cast %get3A_588 : i32 to index
      %get3A_590 = arith.constant 0 : index
      %get3A_591 = tpu.vector_load %arg6[%get3A_589, %get3A_590] {strides = array<i32>} : memref<2x80xi32, #tpu.memory_space<vmem>>, vector<1x16xi32>,
      %get3A_592 = vector.shape_cast %get3A_591 : vector<1x16xi32> to vector<16xi32>
      %swap3A_593 = arith.constant 0 : index
      %swap3A_594 = tpu.vector_load %arg8[%swap3A_593] {strides = array<i32>} : memref<80xi32, #tpu.memory_space<vmem>>, vector<16xi32>,
      %swap3A_595 = vector.shape_cast %swap3A_594 : vector<16xi32> to vector<16xi32>
      %swap3A_596 = vector.shape_cast %get3A_592 : vector<16xi32> to vector<16xi32>
      tpu.vector_store %arg8[%swap3A_593], %swap3A_596 {strides = array<i32>} : memref<80xi32, #tpu.memory_space<vmem>>, vector<16xi32>,
      %get3A_597 = arith.constant 0 : i32
      %get3A_598 = arith.index_cast %get3A_597 : i32 to index
      %get3A_599 = arith.constant 16 : index
      %get3A_600 = tpu.vector_load %arg6[%get3A_598, %get3A_599] {strides = array<i32>} : memref<2x80xi32, #tpu.memory_space<vmem>>, vector<1x16xi32>,
      %get3A_601 = vector.shape_cast %get3A_600 : vector<1x16xi32> to vector<16xi32>
      %swap3A_602 = arith.constant 16 : index
      %swap3A_603 = tpu.vector_load %arg8[%swap3A_602] {strides = array<i32>} : memref<80xi32, #tpu.memory_space<vmem>>, vector<16xi32>,
      %swap3A_604 = vector.shape_cast %swap3A_603 : vector<16xi32> to vector<16xi32>
      %swap3A_605 = vector.shape_cast %get3A_601 : vector<16xi32> to vector<16xi32>
      tpu.vector_store %arg8[%swap3A_602], %swap3A_605 {strides = array<i32>} : memref<80xi32, #tpu.memory_space<vmem>>, vector<16xi32>,
      %get3A_606 = arith.constant 0 : i32
      %get3A_607 = arith.index_cast %get3A_606 : i32 to index
      %get3A_608 = arith.constant 32 : index
      %get3A_609 = tpu.vector_load %arg6[%get3A_607, %get3A_608] {strides = array<i32>} : memref<2x80xi32, #tpu.memory_space<vmem>>, vector<1x16xi32>,
      %get3A_610 = vector.shape_cast %get3A_609 : vector<1x16xi32> to vector<16xi32>
      %swap3A_611 = arith.constant 32 : index
      %swap3A_612 = tpu.vector_load %arg8[%swap3A_611] {strides = array<i32>} : memref<80xi32, #tpu.memory_space<vmem>>, vector<16xi32>,
      %swap3A_613 = vector.shape_cast %swap3A_612 : vector<16xi32> to vector<16xi32>
      %swap3A_614 = vector.shape_cast %get3A_610 : vector<16xi32> to vector<16xi32>
      tpu.vector_store %arg8[%swap3A_611], %swap3A_614 {strides = array<i32>} : memref<80xi32, #tpu.memory_space<vmem>>, vector<16xi32>,
      %get3A_615 = arith.constant 0 : i32
      %get3A_616 = arith.index_cast %get3A_615 : i32 to index
      %get3A_617 = arith.constant 48 : index
      %get3A_618 = tpu.vector_load %arg6[%get3A_616, %get3A_617] {strides = array<i32>} : memref<2x80xi32, #tpu.memory_space<vmem>>, vector<1x16xi32>,
      %get3A_619 = vector.shape_cast %get3A_618 : vector<1x16xi32> to vector<16xi32>
      %swap3A_620 = arith.constant 48 : index
      %swap3A_621 = tpu.vector_load %arg8[%swap3A_620] {strides = array<i32>} : memref<80xi32, #tpu.memory_space<vmem>>, vector<16xi32>,
      %swap3A_622 = vector.shape_cast %swap3A_621 : vector<16xi32> to vector<16xi32>
      %swap3A_623 = vector.shape_cast %get3A_619 : vector<16xi32> to vector<16xi32>
      tpu.vector_store %arg8[%swap3A_620], %swap3A_623 {strides = array<i32>} : memref<80xi32, #tpu.memory_space<vmem>>, vector<16xi32>,
      %get3A_624 = arith.constant 0 : i32
      %get3A_625 = arith.index_cast %get3A_624 : i32 to index
      %get3A_626 = arith.constant 64 : index
      %get3A_627 = tpu.vector_load %arg6[%get3A_625, %get3A_626] {strides = array<i32>} : memref<2x80xi32, #tpu.memory_space<vmem>>, vector<1x16xi32>,
      %get3A_628 = vector.shape_cast %get3A_627 : vector<1x16xi32> to vector<16xi32>
      %swap3A_629 = arith.constant 64 : index
      %swap3A_630 = tpu.vector_load %arg8[%swap3A_629] {strides = array<i32>} : memref<80xi32, #tpu.memory_space<vmem>>, vector<16xi32>,
      %swap3A_631 = vector.shape_cast %swap3A_630 : vector<16xi32> to vector<16xi32>
      %swap3A_632 = vector.shape_cast %get3A_628 : vector<16xi32> to vector<16xi32>
      tpu.vector_store %arg8[%swap3A_629], %swap3A_632 {strides = array<i32>} : memref<80xi32, #tpu.memory_space<vmem>>, vector<16xi32>,
      %get3A_633 = arith.constant 1 : i32
      %get3A_634 = arith.index_cast %get3A_633 : i32 to index
      %get3A_635 = arith.constant 0 : index
      %get3A_636 = tpu.vector_load %arg6[%get3A_634, %get3A_635] {strides = array<i32>} : memref<2x80xi32, #tpu.memory_space<vmem>>, vector<1x16xi32>,
      %get3A_637 = vector.shape_cast %get3A_636 : vector<1x16xi32> to vector<16xi32>
      %swap3A_638 = arith.constant 0 : index
      %swap3A_639 = tpu.vector_load %arg10[%swap3A_638] {strides = array<i32>} : memref<80xi32, #tpu.memory_space<vmem>>, vector<16xi32>,
      %swap3A_640 = vector.shape_cast %swap3A_639 : vector<16xi32> to vector<16xi32>
      %swap3A_641 = vector.shape_cast %get3A_637 : vector<16xi32> to vector<16xi32>
      tpu.vector_store %arg10[%swap3A_638], %swap3A_641 {strides = array<i32>} : memref<80xi32, #tpu.memory_space<vmem>>, vector<16xi32>,
      %get3A_642 = arith.constant 1 : i32
      %get3A_643 = arith.index_cast %get3A_642 : i32 to index
      %get3A_644 = arith.constant 16 : index
      %get3A_645 = tpu.vector_load %arg6[%get3A_643, %get3A_644] {strides = array<i32>} : memref<2x80xi32, #tpu.memory_space<vmem>>, vector<1x16xi32>,
      %get3A_646 = vector.shape_cast %get3A_645 : vector<1x16xi32> to vector<16xi32>
      %swap3A_647 = arith.constant 16 : index
      %swap3A_648 = tpu.vector_load %arg10[%swap3A_647] {strides = array<i32>} : memref<80xi32, #tpu.memory_space<vmem>>, vector<16xi32>,
      %swap3A_649 = vector.shape_cast %swap3A_648 : vector<16xi32> to vector<16xi32>
      %swap3A_650 = vector.shape_cast %get3A_646 : vector<16xi32> to vector<16xi32>
      tpu.vector_store %arg10[%swap3A_647], %swap3A_650 {strides = array<i32>} : memref<80xi32, #tpu.memory_space<vmem>>, vector<16xi32>,
      %get3A_651 = arith.constant 1 : i32
      %get3A_652 = arith.index_cast %get3A_651 : i32 to index
      %get3A_653 = arith.constant 32 : index
      %get3A_654 = tpu.vector_load %arg6[%get3A_652, %get3A_653] {strides = array<i32>} : memref<2x80xi32, #tpu.memory_space<vmem>>, vector<1x16xi32>,
      %get3A_655 = vector.shape_cast %get3A_654 : vector<1x16xi32> to vector<16xi32>
      %swap3A_656 = arith.constant 32 : index
      %swap3A_657 = tpu.vector_load %arg10[%swap3A_656] {strides = array<i32>} : memref<80xi32, #tpu.memory_space<vmem>>, vector<16xi32>,
      %swap3A_658 = vector.shape_cast %swap3A_657 : vector<16xi32> to vector<16xi32>
      %swap3A_659 = vector.shape_cast %get3A_655 : vector<16xi32> to vector<16xi32>
      tpu.vector_store %arg10[%swap3A_656], %swap3A_659 {strides = array<i32>} : memref<80xi32, #tpu.memory_space<vmem>>, vector<16xi32>,
      %get3A_660 = arith.constant 1 : i32
      %get3A_661 = arith.index_cast %get3A_660 : i32 to index
      %get3A_662 = arith.constant 48 : index
      %get3A_663 = tpu.vector_load %arg6[%get3A_661, %get3A_662] {strides = array<i32>} : memref<2x80xi32, #tpu.memory_space<vmem>>, vector<1x16xi32>,
      %get3A_664 = vector.shape_cast %get3A_663 : vector<1x16xi32> to vector<16xi32>
      %swap3A_665 = arith.constant 48 : index
      %swap3A_666 = tpu.vector_load %arg10[%swap3A_665] {strides = array<i32>} : memref<80xi32, #tpu.memory_space<vmem>>, vector<16xi32>,
      %swap3A_667 = vector.shape_cast %swap3A_666 : vector<16xi32> to vector<16xi32>
      %swap3A_668 = vector.shape_cast %get3A_664 : vector<16xi32> to vector<16xi32>
      tpu.vector_store %arg10[%swap3A_665], %swap3A_668 {strides = array<i32>} : memref<80xi32, #tpu.memory_space<vmem>>, vector<16xi32>,
      %get3A_669 = arith.constant 1 : i32
      %get3A_670 = arith.index_cast %get3A_669 : i32 to index
      %get3A_671 = arith.constant 64 : index
      %get3A_672 = tpu.vector_load %arg6[%get3A_670, %get3A_671] {strides = array<i32>} : memref<2x80xi32, #tpu.memory_space<vmem>>, vector<1x16xi32>,
      %get3A_673 = vector.shape_cast %get3A_672 : vector<1x16xi32> to vector<16xi32>
      %swap3A_674 = arith.constant 64 : index
      %swap3A_675 = tpu.vector_load %arg10[%swap3A_674] {strides = array<i32>} : memref<80xi32, #tpu.memory_space<vmem>>, vector<16xi32>,
      %swap3A_676 = vector.shape_cast %swap3A_675 : vector<16xi32> to vector<16xi32>
      %swap3A_677 = vector.shape_cast %get3A_673 : vector<16xi32> to vector<16xi32>
      tpu.vector_store %arg10[%swap3A_674], %swap3A_677 {strides = array<i32>} : memref<80xi32, #tpu.memory_space<vmem>>, vector<16xi32>,
      %add3A_678 = arith.addi %mul3A_25, %add3A_578 : i32
      %min3A_679 = arith.constant 3999 : i32
      %min3A_680 = arith.minsi %add3A_678, %min3A_679 : i32
      %dma_start3A_681 = arith.constant 0 : i32
      %dma_start3A_682 = arith.constant 0 : i32
      %dma_start3A_683 = tpu.memref_slice %arg3[%min3A_680, %dma_start3A_681, %dma_start3A_682] : memref<4000x2x80xi32, #tpu.memory_space<hbm>> -> memref<1x2x80xi32, #tpu.memory_space<hbm>>
      %dma_start3A_684 = tpu.memref_squeeze %dma_start3A_683 : memref<1x2x80xi32, #tpu.memory_space<hbm>> -> memref<2x80xi32, #tpu.memory_space<hbm>>
      %dma_start3A_685 = arith.constant 0 : i32
      %dma_start3A_686 = arith.constant 0 : i32
      %dma_start3A_687 = tpu.memref_slice %arg3[%min3A_680, %dma_start3A_685, %dma_start3A_686] : memref<4000x2x80xi32, #tpu.memory_space<hbm>> -> memref<1x2x80xi32, #tpu.memory_space<hbm>>
      %dma_start3A_688 = tpu.memref_squeeze %dma_start3A_687 : memref<1x2x80xi32, #tpu.memory_space<hbm>> -> memref<2x80xi32, #tpu.memory_space<hbm>>
      tpu.enqueue_dma source(%dma_start3A_688 : memref<2x80xi32, #tpu.memory_space<hbm>>) target(%arg6 : memref<2x80xi32, #tpu.memory_space<vmem>>) target_semaphore(%arg15 : memref<!tpu.dma_semaphore, #tpu.memory_space<semaphore_mem>>)
      %dma_start3A_689 = arith.constant 0 : i32
      %dma_start3A_690 = arith.constant 0 : i32
      %dma_start3A_691 = tpu.memref_slice %arg2[%dma_start3A_689, %dma_start3A_690] : memref<10240x128xf32, #tpu.memory_space<hbm>> -> memref<10240x128xf32, #tpu.memory_space<hbm>>
      tpu.enqueue_indirect_dma source(%dma_start3A_691 : memref<10240x128xf32, #tpu.memory_space<hbm>>) target(%arg12 : memref<80x128xf32, #tpu.memory_space<vmem>>) offsets(%arg8 : memref<80xi32, #tpu.memory_space<vmem>>) semaphore(%arg17 : memref<!tpu.dma_semaphore, #tpu.memory_space<semaphore_mem>>)
    }
    %scan3A_278 = arith.constant 61 : i32
    %dma_wait3A_279 = arith.constant 0 : i32
    %dma_wait3A_280 = arith.constant 0 : i32
    %dma_wait3A_281 = tpu.memref_slice %arg2[%dma_wait3A_279, %dma_wait3A_280] : memref<10240x128xf32, #tpu.memory_space<hbm>> -> memref<10240x128xf32, #tpu.memory_space<hbm>>
    tpu.wait_indirect_dma semaphore(%arg16 : memref<!tpu.dma_semaphore, #tpu.memory_space<semaphore_mem>>) src(%dma_wait3A_281 : memref<10240x128xf32, #tpu.memory_space<hbm>>) dst(%arg11 : memref<80x128xf32, #tpu.memory_space<vmem>>)
    "tpu.region"() ({
      %run_scoped3A = tpu.sem_alloc : memref<!tpu.dma_semaphore, #tpu.memory_space<semaphore_mem>>
      %dma_start3A_453 = arith.constant 0 : i32
      %dma_start3A_454 = arith.constant 0 : i32
      %dma_start3A_455 = tpu.memref_slice %arg13[%dma_start3A_453, %dma_start3A_454] : memref<10240x128xf32, #tpu.memory_space<vmem_shared>> -> memref<10240x128xf32, #tpu.memory_space<vmem_shared>>
      tpu.enqueue_indirect_dma source(%arg11 : memref<80x128xf32, #tpu.memory_space<vmem>>) target(%dma_start3A_455 : memref<10240x128xf32, #tpu.memory_space<vmem_shared>>) offsets(%arg9 : memref<80xi32, #tpu.memory_space<vmem>>) semaphore(%run_scoped3A : memref<!tpu.dma_semaphore, #tpu.memory_space<semaphore_mem>>) {add = true}
      %dma_wait3A_456 = arith.constant 0 : i32
      %dma_wait3A_457 = arith.constant 0 : i32
      %dma_wait3A_458 = tpu.memref_slice %arg13[%dma_wait3A_456, %dma_wait3A_457] : memref<10240x128xf32, #tpu.memory_space<vmem_shared>> -> memref<10240x128xf32, #tpu.memory_space<vmem_shared>>
      tpu.wait_indirect_dma semaphore(%run_scoped3A : memref<!tpu.dma_semaphore, #tpu.memory_space<semaphore_mem>>) src(%arg11 : memref<80x128xf32, #tpu.memory_space<vmem>>) dst(%dma_wait3A_458 : memref<10240x128xf32, #tpu.memory_space<vmem_shared>>)
      tpu.yield
    }) : () -> ()
    %dma_wait3A_282 = arith.constant 0 : i32
    %dma_wait3A_283 = arith.constant 0 : i32
    %dma_wait3A_284 = arith.constant 0 : i32
    %dma_wait3A_285 = tpu.memref_slice %arg3[%dma_wait3A_282, %dma_wait3A_283, %dma_wait3A_284] : memref<4000x2x80xi32, #tpu.memory_space<hbm>> -> memref<1x2x80xi32, #tpu.memory_space<hbm>>
    %dma_wait3A_286 = tpu.memref_squeeze %dma_wait3A_285 : memref<1x2x80xi32, #tpu.memory_space<hbm>> -> memref<2x80xi32, #tpu.memory_space<hbm>>
    %dma_wait3A_287 = arith.constant 0 : i32
    %dma_wait3A_288 = arith.constant 0 : i32
    %dma_wait3A_289 = tpu.memref_slice %arg3[%dma_wait3A_282, %dma_wait3A_287, %dma_wait3A_288] : memref<4000x2x80xi32, #tpu.memory_space<hbm>> -> memref<1x2x80xi32, #tpu.memory_space<hbm>>
    %dma_wait3A_290 = tpu.memref_squeeze %dma_wait3A_289 : memref<1x2x80xi32, #tpu.memory_space<hbm>> -> memref<2x80xi32, #tpu.memory_space<hbm>>
    tpu.wait_dma2 semaphore(%arg14 : memref<!tpu.dma_semaphore, #tpu.memory_space<semaphore_mem>>) src(%dma_wait3A_290 : memref<2x80xi32, #tpu.memory_space<hbm>>) dst(%arg5 : memref<2x80xi32, #tpu.memory_space<vmem>>)
    %get3A_291 = arith.constant 0 : i32
    %get3A_292 = arith.index_cast %get3A_291 : i32 to index
    %get3A_293 = arith.constant 0 : index
    %get3A_294 = tpu.vector_load %arg5[%get3A_292, %get3A_293] {strides = array<i32>} : memref<2x80xi32, #tpu.memory_space<vmem>>, vector<1x16xi32>,
    %get3A_295 = vector.shape_cast %get3A_294 : vector<1x16xi32> to vector<16xi32>
    %swap3A_296 = arith.constant 0 : index
    %swap3A_297 = tpu.vector_load %arg7[%swap3A_296] {strides = array<i32>} : memref<80xi32, #tpu.memory_space<vmem>>, vector<16xi32>,
    %swap3A_298 = vector.shape_cast %swap3A_297 : vector<16xi32> to vector<16xi32>
    %swap3A_299 = vector.shape_cast %get3A_295 : vector<16xi32> to vector<16xi32>
    tpu.vector_store %arg7[%swap3A_296], %swap3A_299 {strides = array<i32>} : memref<80xi32, #tpu.memory_space<vmem>>, vector<16xi32>,
    %get3A_300 = arith.constant 0 : i32
    %get3A_301 = arith.index_cast %get3A_300 : i32 to index
    %get3A_302 = arith.constant 16 : index
    %get3A_303 = tpu.vector_load %arg5[%get3A_301, %get3A_302] {strides = array<i32>} : memref<2x80xi32, #tpu.memory_space<vmem>>, vector<1x16xi32>,
    %get3A_304 = vector.shape_cast %get3A_303 : vector<1x16xi32> to vector<16xi32>
    %swap3A_305 = arith.constant 16 : index
    %swap3A_306 = tpu.vector_load %arg7[%swap3A_305] {strides = array<i32>} : memref<80xi32, #tpu.memory_space<vmem>>, vector<16xi32>,
    %swap3A_307 = vector.shape_cast %swap3A_306 : vector<16xi32> to vector<16xi32>
    %swap3A_308 = vector.shape_cast %get3A_304 : vector<16xi32> to vector<16xi32>
    tpu.vector_store %arg7[%swap3A_305], %swap3A_308 {strides = array<i32>} : memref<80xi32, #tpu.memory_space<vmem>>, vector<16xi32>,
    %get3A_309 = arith.constant 0 : i32
    %get3A_310 = arith.index_cast %get3A_309 : i32 to index
    %get3A_311 = arith.constant 32 : index
    %get3A_312 = tpu.vector_load %arg5[%get3A_310, %get3A_311] {strides = array<i32>} : memref<2x80xi32, #tpu.memory_space<vmem>>, vector<1x16xi32>,
    %get3A_313 = vector.shape_cast %get3A_312 : vector<1x16xi32> to vector<16xi32>
    %swap3A_314 = arith.constant 32 : index
    %swap3A_315 = tpu.vector_load %arg7[%swap3A_314] {strides = array<i32>} : memref<80xi32, #tpu.memory_space<vmem>>, vector<16xi32>,
    %swap3A_316 = vector.shape_cast %swap3A_315 : vector<16xi32> to vector<16xi32>
    %swap3A_317 = vector.shape_cast %get3A_313 : vector<16xi32> to vector<16xi32>
    tpu.vector_store %arg7[%swap3A_314], %swap3A_317 {strides = array<i32>} : memref<80xi32, #tpu.memory_space<vmem>>, vector<16xi32>,
    %get3A_318 = arith.constant 0 : i32
    %get3A_319 = arith.index_cast %get3A_318 : i32 to index
    %get3A_320 = arith.constant 48 : index
    %get3A_321 = tpu.vector_load %arg5[%get3A_319, %get3A_320] {strides = array<i32>} : memref<2x80xi32, #tpu.memory_space<vmem>>, vector<1x16xi32>,
    %get3A_322 = vector.shape_cast %get3A_321 : vector<1x16xi32> to vector<16xi32>
    %swap3A_323 = arith.constant 48 : index
    %swap3A_324 = tpu.vector_load %arg7[%swap3A_323] {strides = array<i32>} : memref<80xi32, #tpu.memory_space<vmem>>, vector<16xi32>,
    %swap3A_325 = vector.shape_cast %swap3A_324 : vector<16xi32> to vector<16xi32>
    %swap3A_326 = vector.shape_cast %get3A_322 : vector<16xi32> to vector<16xi32>
    tpu.vector_store %arg7[%swap3A_323], %swap3A_326 {strides = array<i32>} : memref<80xi32, #tpu.memory_space<vmem>>, vector<16xi32>,
    %get3A_327 = arith.constant 0 : i32
    %get3A_328 = arith.index_cast %get3A_327 : i32 to index
    %get3A_329 = arith.constant 64 : index
    %get3A_330 = tpu.vector_load %arg5[%get3A_328, %get3A_329] {strides = array<i32>} : memref<2x80xi32, #tpu.memory_space<vmem>>, vector<1x16xi32>,
    %get3A_331 = vector.shape_cast %get3A_330 : vector<1x16xi32> to vector<16xi32>
    %swap3A_332 = arith.constant 64 : index
    %swap3A_333 = tpu.vector_load %arg7[%swap3A_332] {strides = array<i32>} : memref<80xi32, #tpu.memory_space<vmem>>, vector<16xi32>,
    %swap3A_334 = vector.shape_cast %swap3A_333 : vector<16xi32> to vector<16xi32>
    %swap3A_335 = vector.shape_cast %get3A_331 : vector<16xi32> to vector<16xi32>
    tpu.vector_store %arg7[%swap3A_332], %swap3A_335 {strides = array<i32>} : memref<80xi32, #tpu.memory_space<vmem>>, vector<16xi32>,
    %get3A_336 = arith.constant 1 : i32
    %get3A_337 = arith.index_cast %get3A_336 : i32 to index
    %get3A_338 = arith.constant 0 : index
    %get3A_339 = tpu.vector_load %arg5[%get3A_337, %get3A_338] {strides = array<i32>} : memref<2x80xi32, #tpu.memory_space<vmem>>, vector<1x16xi32>,
    %get3A_340 = vector.shape_cast %get3A_339 : vector<1x16xi32> to vector<16xi32>
    %swap3A_341 = arith.constant 0 : index
    %swap3A_342 = tpu.vector_load %arg9[%swap3A_341] {strides = array<i32>} : memref<80xi32, #tpu.memory_space<vmem>>, vector<16xi32>,
    %swap3A_343 = vector.shape_cast %swap3A_342 : vector<16xi32> to vector<16xi32>
    %swap3A_344 = vector.shape_cast %get3A_340 : vector<16xi32> to vector<16xi32>
    tpu.vector_store %arg9[%swap3A_341], %swap3A_344 {strides = array<i32>} : memref<80xi32, #tpu.memory_space<vmem>>, vector<16xi32>,
    %get3A_345 = arith.constant 1 : i32
    %get3A_346 = arith.index_cast %get3A_345 : i32 to index
    %get3A_347 = arith.constant 16 : index
    %get3A_348 = tpu.vector_load %arg5[%get3A_346, %get3A_347] {strides = array<i32>} : memref<2x80xi32, #tpu.memory_space<vmem>>, vector<1x16xi32>,
    %get3A_349 = vector.shape_cast %get3A_348 : vector<1x16xi32> to vector<16xi32>
    %swap3A_350 = arith.constant 16 : index
    %swap3A_351 = tpu.vector_load %arg9[%swap3A_350] {strides = array<i32>} : memref<80xi32, #tpu.memory_space<vmem>>, vector<16xi32>,
    %swap3A_352 = vector.shape_cast %swap3A_351 : vector<16xi32> to vector<16xi32>
    %swap3A_353 = vector.shape_cast %get3A_349 : vector<16xi32> to vector<16xi32>
    tpu.vector_store %arg9[%swap3A_350], %swap3A_353 {strides = array<i32>} : memref<80xi32, #tpu.memory_space<vmem>>, vector<16xi32>,
    %get3A_354 = arith.constant 1 : i32
    %get3A_355 = arith.index_cast %get3A_354 : i32 to index
    %get3A_356 = arith.constant 32 : index
    %get3A_357 = tpu.vector_load %arg5[%get3A_355, %get3A_356] {strides = array<i32>} : memref<2x80xi32, #tpu.memory_space<vmem>>, vector<1x16xi32>,
    %get3A_358 = vector.shape_cast %get3A_357 : vector<1x16xi32> to vector<16xi32>
    %swap3A_359 = arith.constant 32 : index
    %swap3A_360 = tpu.vector_load %arg9[%swap3A_359] {strides = array<i32>} : memref<80xi32, #tpu.memory_space<vmem>>, vector<16xi32>,
    %swap3A_361 = vector.shape_cast %swap3A_360 : vector<16xi32> to vector<16xi32>
    %swap3A_362 = vector.shape_cast %get3A_358 : vector<16xi32> to vector<16xi32>
    tpu.vector_store %arg9[%swap3A_359], %swap3A_362 {strides = array<i32>} : memref<80xi32, #tpu.memory_space<vmem>>, vector<16xi32>,
    %get3A_363 = arith.constant 1 : i32
    %get3A_364 = arith.index_cast %get3A_363 : i32 to index
    %get3A_365 = arith.constant 48 : index
    %get3A_366 = tpu.vector_load %arg5[%get3A_364, %get3A_365] {strides = array<i32>} : memref<2x80xi32, #tpu.memory_space<vmem>>, vector<1x16xi32>,
    %get3A_367 = vector.shape_cast %get3A_366 : vector<1x16xi32> to vector<16xi32>
    %swap3A_368 = arith.constant 48 : index
    %swap3A_369 = tpu.vector_load %arg9[%swap3A_368] {strides = array<i32>} : memref<80xi32, #tpu.memory_space<vmem>>, vector<16xi32>,
    %swap3A_370 = vector.shape_cast %swap3A_369 : vector<16xi32> to vector<16xi32>
    %swap3A_371 = vector.shape_cast %get3A_367 : vector<16xi32> to vector<16xi32>
    tpu.vector_store %arg9[%swap3A_368], %swap3A_371 {strides = array<i32>} : memref<80xi32, #tpu.memory_space<vmem>>, vector<16xi32>,
    %get3A_372 = arith.constant 1 : i32
    %get3A_373 = arith.index_cast %get3A_372 : i32 to index
    %get3A_374 = arith.constant 64 : index
    %get3A_375 = tpu.vector_load %arg5[%get3A_373, %get3A_374] {strides = array<i32>} : memref<2x80xi32, #tpu.memory_space<vmem>>, vector<1x16xi32>,
    %get3A_376 = vector.shape_cast %get3A_375 : vector<1x16xi32> to vector<16xi32>
    %swap3A_377 = arith.constant 64 : index
    %swap3A_378 = tpu.vector_load %arg9[%swap3A_377] {strides = array<i32>} : memref<80xi32, #tpu.memory_space<vmem>>, vector<16xi32>,
    %swap3A_379 = vector.shape_cast %swap3A_378 : vector<16xi32> to vector<16xi32>
    %swap3A_380 = vector.shape_cast %get3A_376 : vector<16xi32> to vector<16xi32>
    tpu.vector_store %arg9[%swap3A_377], %swap3A_380 {strides = array<i32>} : memref<80xi32, #tpu.memory_space<vmem>>, vector<16xi32>,
    %add3A_381 = arith.constant 124 : i32
    %add3A_382 = arith.addi %mul3A_25, %add3A_381 : i32
    %min3A_383 = arith.constant 3999 : i32
    %min3A_384 = arith.minsi %add3A_382, %min3A_383 : i32
    %dma_start3A_385 = arith.constant 0 : i32
    %dma_start3A_386 = arith.constant 0 : i32
    %dma_start3A_387 = tpu.memref_slice %arg3[%min3A_384, %dma_start3A_385, %dma_start3A_386] : memref<4000x2x80xi32, #tpu.memory_space<hbm>> -> memref<1x2x80xi32, #tpu.memory_space<hbm>>
    %dma_start3A_388 = tpu.memref_squeeze %dma_start3A_387 : memref<1x2x80xi32, #tpu.memory_space<hbm>> -> memref<2x80xi32, #tpu.memory_space<hbm>>
    %dma_start3A_389 = arith.constant 0 : i32
    %dma_start3A_390 = arith.constant 0 : i32
    %dma_start3A_391 = tpu.memref_slice %arg3[%min3A_384, %dma_start3A_389, %dma_start3A_390] : memref<4000x2x80xi32, #tpu.memory_space<hbm>> -> memref<1x2x80xi32, #tpu.memory_space<hbm>>
    %dma_start3A_392 = tpu.memref_squeeze %dma_start3A_391 : memref<1x2x80xi32, #tpu.memory_space<hbm>> -> memref<2x80xi32, #tpu.memory_space<hbm>>
    tpu.enqueue_dma source(%dma_start3A_392 : memref<2x80xi32, #tpu.memory_space<hbm>>) target(%arg5 : memref<2x80xi32, #tpu.memory_space<vmem>>) target_semaphore(%arg14 : memref<!tpu.dma_semaphore, #tpu.memory_space<semaphore_mem>>)
    %dma_start3A_393 = arith.constant 0 : i32
    %dma_start3A_394 = arith.constant 0 : i32
    %dma_start3A_395 = tpu.memref_slice %arg2[%dma_start3A_393, %dma_start3A_394] : memref<10240x128xf32, #tpu.memory_space<hbm>> -> memref<10240x128xf32, #tpu.memory_space<hbm>>
    tpu.enqueue_indirect_dma source(%dma_start3A_395 : memref<10240x128xf32, #tpu.memory_space<hbm>>) target(%arg11 : memref<80x128xf32, #tpu.memory_space<vmem>>) offsets(%arg7 : memref<80xi32, #tpu.memory_space<vmem>>) semaphore(%arg16 : memref<!tpu.dma_semaphore, #tpu.memory_space<semaphore_mem>>)
    %dma_wait3A_396 = arith.constant 0 : i32
    %dma_wait3A_397 = arith.constant 0 : i32
    %dma_wait3A_398 = tpu.memref_slice %arg2[%dma_wait3A_396, %dma_wait3A_397] : memref<10240x128xf32, #tpu.memory_space<hbm>> -> memref<10240x128xf32, #tpu.memory_space<hbm>>
    tpu.wait_indirect_dma semaphore(%arg17 : memref<!tpu.dma_semaphore, #tpu.memory_space<semaphore_mem>>) src(%dma_wait3A_398 : memref<10240x128xf32, #tpu.memory_space<hbm>>) dst(%arg12 : memref<80x128xf32, #tpu.memory_space<vmem>>)
    "tpu.region"() ({
      %run_scoped3A = tpu.sem_alloc : memref<!tpu.dma_semaphore, #tpu.memory_space<semaphore_mem>>
      %dma_start3A_453 = arith.constant 0 : i32
      %dma_start3A_454 = arith.constant 0 : i32
      %dma_start3A_455 = tpu.memref_slice %arg13[%dma_start3A_453, %dma_start3A_454] : memref<10240x128xf32, #tpu.memory_space<vmem_shared>> -> memref<10240x128xf32, #tpu.memory_space<vmem_shared>>
      tpu.enqueue_indirect_dma source(%arg12 : memref<80x128xf32, #tpu.memory_space<vmem>>) target(%dma_start3A_455 : memref<10240x128xf32, #tpu.memory_space<vmem_shared>>) offsets(%arg10 : memref<80xi32, #tpu.memory_space<vmem>>) semaphore(%run_scoped3A : memref<!tpu.dma_semaphore, #tpu.memory_space<semaphore_mem>>) {add = true}
      %dma_wait3A_456 = arith.constant 0 : i32
      %dma_wait3A_457 = arith.constant 0 : i32
      %dma_wait3A_458 = tpu.memref_slice %arg13[%dma_wait3A_456, %dma_wait3A_457] : memref<10240x128xf32, #tpu.memory_space<vmem_shared>> -> memref<10240x128xf32, #tpu.memory_space<vmem_shared>>
      tpu.wait_indirect_dma semaphore(%run_scoped3A : memref<!tpu.dma_semaphore, #tpu.memory_space<semaphore_mem>>) src(%arg12 : memref<80x128xf32, #tpu.memory_space<vmem>>) dst(%dma_wait3A_458 : memref<10240x128xf32, #tpu.memory_space<vmem_shared>>)
      tpu.yield
    }) : () -> ()
    %dma_wait3A_399 = arith.constant 0 : i32
    %dma_wait3A_400 = arith.constant 0 : i32
    %dma_wait3A_401 = tpu.memref_slice %arg2[%dma_wait3A_399, %dma_wait3A_400] : memref<10240x128xf32, #tpu.memory_space<hbm>> -> memref<10240x128xf32, #tpu.memory_space<hbm>>
    tpu.wait_indirect_dma semaphore(%arg16 : memref<!tpu.dma_semaphore, #tpu.memory_space<semaphore_mem>>) src(%dma_wait3A_401 : memref<10240x128xf32, #tpu.memory_space<hbm>>) dst(%arg11 : memref<80x128xf32, #tpu.memory_space<vmem>>)
    "tpu.region"() ({
      %run_scoped3A = tpu.sem_alloc : memref<!tpu.dma_semaphore, #tpu.memory_space<semaphore_mem>>
      %dma_start3A_453 = arith.constant 0 : i32
      %dma_start3A_454 = arith.constant 0 : i32
      %dma_start3A_455 = tpu.memref_slice %arg13[%dma_start3A_453, %dma_start3A_454] : memref<10240x128xf32, #tpu.memory_space<vmem_shared>> -> memref<10240x128xf32, #tpu.memory_space<vmem_shared>>
      tpu.enqueue_indirect_dma source(%arg11 : memref<80x128xf32, #tpu.memory_space<vmem>>) target(%dma_start3A_455 : memref<10240x128xf32, #tpu.memory_space<vmem_shared>>) offsets(%arg9 : memref<80xi32, #tpu.memory_space<vmem>>) semaphore(%run_scoped3A : memref<!tpu.dma_semaphore, #tpu.memory_space<semaphore_mem>>) {add = true}
      %dma_wait3A_456 = arith.constant 0 : i32
      %dma_wait3A_457 = arith.constant 0 : i32
      %dma_wait3A_458 = tpu.memref_slice %arg13[%dma_wait3A_456, %dma_wait3A_457] : memref<10240x128xf32, #tpu.memory_space<vmem_shared>> -> memref<10240x128xf32, #tpu.memory_space<vmem_shared>>
      tpu.wait_indirect_dma semaphore(%run_scoped3A : memref<!tpu.dma_semaphore, #tpu.memory_space<semaphore_mem>>) src(%arg11 : memref<80x128xf32, #tpu.memory_space<vmem>>) dst(%dma_wait3A_458 : memref<10240x128xf32, #tpu.memory_space<vmem_shared>>)
      tpu.yield
    }) : () -> ()
    %dma_wait3A_402 = arith.constant 0 : i32
    %dma_wait3A_403 = arith.constant 0 : i32
    %dma_wait3A_404 = arith.constant 0 : i32
    %dma_wait3A_405 = tpu.memref_slice %arg3[%dma_wait3A_402, %dma_wait3A_403, %dma_wait3A_404] : memref<4000x2x80xi32, #tpu.memory_space<hbm>> -> memref<1x2x80xi32, #tpu.memory_space<hbm>>
    %dma_wait3A_406 = tpu.memref_squeeze %dma_wait3A_405 : memref<1x2x80xi32, #tpu.memory_space<hbm>> -> memref<2x80xi32, #tpu.memory_space<hbm>>
    %dma_wait3A_407 = arith.constant 0 : i32
    %dma_wait3A_408 = arith.constant 0 : i32
    %dma_wait3A_409 = tpu.memref_slice %arg3[%dma_wait3A_402, %dma_wait3A_407, %dma_wait3A_408] : memref<4000x2x80xi32, #tpu.memory_space<hbm>> -> memref<1x2x80xi32, #tpu.memory_space<hbm>>
    %dma_wait3A_410 = tpu.memref_squeeze %dma_wait3A_409 : memref<1x2x80xi32, #tpu.memory_space<hbm>> -> memref<2x80xi32, #tpu.memory_space<hbm>>
    tpu.wait_dma2 semaphore(%arg14 : memref<!tpu.dma_semaphore, #tpu.memory_space<semaphore_mem>>) src(%dma_wait3A_410 : memref<2x80xi32, #tpu.memory_space<hbm>>) dst(%arg5 : memref<2x80xi32, #tpu.memory_space<vmem>>)
    %dma_wait3A_411 = arith.constant 0 : i32
    %dma_wait3A_412 = arith.constant 0 : i32
    %dma_wait3A_413 = arith.constant 0 : i32
    %dma_wait3A_414 = tpu.memref_slice %arg3[%dma_wait3A_411, %dma_wait3A_412, %dma_wait3A_413] : memref<4000x2x80xi32, #tpu.memory_space<hbm>> -> memref<1x2x80xi32, #tpu.memory_space<hbm>>
    %dma_wait3A_415 = tpu.memref_squeeze %dma_wait3A_414 : memref<1x2x80xi32, #tpu.memory_space<hbm>> -> memref<2x80xi32, #tpu.memory_space<hbm>>
    %dma_wait3A_416 = arith.constant 0 : i32
    %dma_wait3A_417 = arith.constant 0 : i32
    %dma_wait3A_418 = tpu.memref_slice %arg3[%dma_wait3A_411, %dma_wait3A_416, %dma_wait3A_417] : memref<4000x2x80xi32, #tpu.memory_space<hbm>> -> memref<1x2x80xi32, #tpu.memory_space<hbm>>
    %dma_wait3A_419 = tpu.memref_squeeze %dma_wait3A_418 : memref<1x2x80xi32, #tpu.memory_space<hbm>> -> memref<2x80xi32, #tpu.memory_space<hbm>>
    tpu.wait_dma2 semaphore(%arg15 : memref<!tpu.dma_semaphore, #tpu.memory_space<semaphore_mem>>) src(%dma_wait3A_419 : memref<2x80xi32, #tpu.memory_space<hbm>>) dst(%arg6 : memref<2x80xi32, #tpu.memory_space<vmem>>)
    %barrier3A_420 = arith.constant 0 : index
    tpu.barrier barrier_id(%barrier3A_420)
    %add3A_421 = arith.constant 0 : i32
    %add3A_422 = arith.addi %mul3A_5, %add3A_421 : i32
    "tpu.region"() ({
      %run_scoped3A = tpu.sem_alloc : memref<!tpu.dma_semaphore, #tpu.memory_space<semaphore_mem>>
      %dma_start3A_453 = arith.constant 0 : i32
      %dma_start3A_454 = tpu.memref_slice %arg13[%add3A_422, %dma_start3A_453] : memref<10240x128xf32, #tpu.memory_space<vmem_shared>> -> memref<80x128xf32, #tpu.memory_space<vmem_shared>>
      %dma_start3A_455 = arith.constant 0 : i32
      %dma_start3A_456 = tpu.memref_slice %arg13[%add3A_422, %dma_start3A_455] : memref<10240x128xf32, #tpu.memory_space<vmem_shared>> -> memref<80x128xf32, #tpu.memory_space<vmem_shared>>
      tpu.enqueue_dma source(%dma_start3A_456 : memref<80x128xf32, #tpu.memory_space<vmem_shared>>) target(%arg11 : memref<80x128xf32, #tpu.memory_space<vmem>>) target_semaphore(%run_scoped3A : memref<!tpu.dma_semaphore, #tpu.memory_space<semaphore_mem>>)
      %dma_wait3A_457 = arith.constant 0 : i32
      %dma_wait3A_458 = tpu.memref_slice %arg13[%add3A_422, %dma_wait3A_457] : memref<10240x128xf32, #tpu.memory_space<vmem_shared>> -> memref<80x128xf32, #tpu.memory_space<vmem_shared>>
      %dma_wait3A_459 = arith.constant 0 : i32
      %dma_wait3A_460 = tpu.memref_slice %arg13[%add3A_422, %dma_wait3A_459] : memref<10240x128xf32, #tpu.memory_space<vmem_shared>> -> memref<80x128xf32, #tpu.memory_space<vmem_shared>>
      tpu.wait_dma2 semaphore(%run_scoped3A : memref<!tpu.dma_semaphore, #tpu.memory_space<semaphore_mem>>) src(%dma_wait3A_460 : memref<80x128xf32, #tpu.memory_space<vmem_shared>>) dst(%arg11 : memref<80x128xf32, #tpu.memory_space<vmem>>)
      tpu.yield
    }) : () -> ()
    %add3A_423 = arith.constant 0 : i32
    %add3A_424 = arith.addi %mul3A_5, %add3A_423 : i32
    "tpu.region"() ({
      %run_scoped3A = tpu.sem_alloc : memref<!tpu.dma_semaphore, #tpu.memory_space<semaphore_mem>>
      %dma_start3A_453 = arith.constant 0 : i32
      %dma_start3A_454 = tpu.memref_slice %arg4[%arg0, %add3A_424, %dma_start3A_453] : memref<2x10240x128xf32, #tpu.memory_space<hbm>> -> memref<1x80x128xf32, #tpu.memory_space<hbm>>
      %dma_start3A_455 = tpu.memref_squeeze %dma_start3A_454 : memref<1x80x128xf32, #tpu.memory_space<hbm>> -> memref<80x128xf32, #tpu.memory_space<hbm>>
      %dma_start3A_456 = arith.constant 0 : i32
      %dma_start3A_457 = tpu.memref_slice %arg4[%arg0, %add3A_424, %dma_start3A_456] : memref<2x10240x128xf32, #tpu.memory_space<hbm>> -> memref<1x80x128xf32, #tpu.memory_space<hbm>>
      %dma_start3A_458 = tpu.memref_squeeze %dma_start3A_457 : memref<1x80x128xf32, #tpu.memory_space<hbm>> -> memref<80x128xf32, #tpu.memory_space<hbm>>
      tpu.enqueue_dma source(%arg11 : memref<80x128xf32, #tpu.memory_space<vmem>>) target(%dma_start3A_458 : memref<80x128xf32, #tpu.memory_space<hbm>>) target_semaphore(%run_scoped3A : memref<!tpu.dma_semaphore, #tpu.memory_space<semaphore_mem>>)
      %dma_wait3A_459 = arith.constant 0 : i32
      %dma_wait3A_460 = tpu.memref_slice %arg4[%arg0, %add3A_424, %dma_wait3A_459] : memref<2x10240x128xf32, #tpu.memory_space<hbm>> -> memref<1x80x128xf32, #tpu.memory_space<hbm>>
      %dma_wait3A_461 = tpu.memref_squeeze %dma_wait3A_460 : memref<1x80x128xf32, #tpu.memory_space<hbm>> -> memref<80x128xf32, #tpu.memory_space<hbm>>
      %dma_wait3A_462 = arith.constant 0 : i32
      %dma_wait3A_463 = tpu.memref_slice %arg4[%arg0, %add3A_424, %dma_wait3A_462] : memref<2x10240x128xf32, #tpu.memory_space<hbm>> -> memref<1x80x128xf32, #tpu.memory_space<hbm>>
      %dma_wait3A_464 = tpu.memref_squeeze %dma_wait3A_463 : memref<1x80x128xf32, #tpu.memory_space<hbm>> -> memref<80x128xf32, #tpu.memory_space<hbm>>
      tpu.wait_dma2 semaphore(%run_scoped3A : memref<!tpu.dma_semaphore, #tpu.memory_space<semaphore_mem>>) src(%arg11 : memref<80x128xf32, #tpu.memory_space<vmem>>) dst(%dma_wait3A_464 : memref<80x128xf32, #tpu.memory_space<hbm>>)
      tpu.yield
    }) : () -> ()
    %add3A_425 = arith.constant 80 : i32
    %add3A_426 = arith.addi %mul3A_5, %add3A_425 : i32
    "tpu.region"() ({
      %run_scoped3A = tpu.sem_alloc : memref<!tpu.dma_semaphore, #tpu.memory_space<semaphore_mem>>
      %dma_start3A_453 = arith.constant 0 : i32
      %dma_start3A_454 = tpu.memref_slice %arg13[%add3A_426, %dma_start3A_453] : memref<10240x128xf32, #tpu.memory_space<vmem_shared>> -> memref<80x128xf32, #tpu.memory_space<vmem_shared>>
      %dma_start3A_455 = arith.constant 0 : i32
      %dma_start3A_456 = tpu.memref_slice %arg13[%add3A_426, %dma_start3A_455] : memref<10240x128xf32, #tpu.memory_space<vmem_shared>> -> memref<80x128xf32, #tpu.memory_space<vmem_shared>>
      tpu.enqueue_dma source(%dma_start3A_456 : memref<80x128xf32, #tpu.memory_space<vmem_shared>>) target(%arg11 : memref<80x128xf32, #tpu.memory_space<vmem>>) target_semaphore(%run_scoped3A : memref<!tpu.dma_semaphore, #tpu.memory_space<semaphore_mem>>)
      %dma_wait3A_457 = arith.constant 0 : i32
      %dma_wait3A_458 = tpu.memref_slice %arg13[%add3A_426, %dma_wait3A_457] : memref<10240x128xf32, #tpu.memory_space<vmem_shared>> -> memref<80x128xf32, #tpu.memory_space<vmem_shared>>
      %dma_wait3A_459 = arith.constant 0 : i32
      %dma_wait3A_460 = tpu.memref_slice %arg13[%add3A_426, %dma_wait3A_459] : memref<10240x128xf32, #tpu.memory_space<vmem_shared>> -> memref<80x128xf32, #tpu.memory_space<vmem_shared>>
      tpu.wait_dma2 semaphore(%run_scoped3A : memref<!tpu.dma_semaphore, #tpu.memory_space<semaphore_mem>>) src(%dma_wait3A_460 : memref<80x128xf32, #tpu.memory_space<vmem_shared>>) dst(%arg11 : memref<80x128xf32, #tpu.memory_space<vmem>>)
      tpu.yield
    }) : () -> ()
    %add3A_427 = arith.constant 80 : i32
    %add3A_428 = arith.addi %mul3A_5, %add3A_427 : i32
    "tpu.region"() ({
      %run_scoped3A = tpu.sem_alloc : memref<!tpu.dma_semaphore, #tpu.memory_space<semaphore_mem>>
      %dma_start3A_453 = arith.constant 0 : i32
      %dma_start3A_454 = tpu.memref_slice %arg4[%arg0, %add3A_428, %dma_start3A_453] : memref<2x10240x128xf32, #tpu.memory_space<hbm>> -> memref<1x80x128xf32, #tpu.memory_space<hbm>>
      %dma_start3A_455 = tpu.memref_squeeze %dma_start3A_454 : memref<1x80x128xf32, #tpu.memory_space<hbm>> -> memref<80x128xf32, #tpu.memory_space<hbm>>
      %dma_start3A_456 = arith.constant 0 : i32
      %dma_start3A_457 = tpu.memref_slice %arg4[%arg0, %add3A_428, %dma_start3A_456] : memref<2x10240x128xf32, #tpu.memory_space<hbm>> -> memref<1x80x128xf32, #tpu.memory_space<hbm>>
      %dma_start3A_458 = tpu.memref_squeeze %dma_start3A_457 : memref<1x80x128xf32, #tpu.memory_space<hbm>> -> memref<80x128xf32, #tpu.memory_space<hbm>>
      tpu.enqueue_dma source(%arg11 : memref<80x128xf32, #tpu.memory_space<vmem>>) target(%dma_start3A_458 : memref<80x128xf32, #tpu.memory_space<hbm>>) target_semaphore(%run_scoped3A : memref<!tpu.dma_semaphore, #tpu.memory_space<semaphore_mem>>)
      %dma_wait3A_459 = arith.constant 0 : i32
      %dma_wait3A_460 = tpu.memref_slice %arg4[%arg0, %add3A_428, %dma_wait3A_459] : memref<2x10240x128xf32, #tpu.memory_space<hbm>> -> memref<1x80x128xf32, #tpu.memory_space<hbm>>
      %dma_wait3A_461 = tpu.memref_squeeze %dma_wait3A_460 : memref<1x80x128xf32, #tpu.memory_space<hbm>> -> memref<80x128xf32, #tpu.memory_space<hbm>>
      %dma_wait3A_462 = arith.constant 0 : i32
      %dma_wait3A_463 = tpu.memref_slice %arg4[%arg0, %add3A_428, %dma_wait3A_462] : memref<2x10240x128xf32, #tpu.memory_space<hbm>> -> memref<1x80x128xf32, #tpu.memory_space<hbm>>
      %dma_wait3A_464 = tpu.memref_squeeze %dma_wait3A_463 : memref<1x80x128xf32, #tpu.memory_space<hbm>> -> memref<80x128xf32, #tpu.memory_space<hbm>>
      tpu.wait_dma2 semaphore(%run_scoped3A : memref<!tpu.dma_semaphore, #tpu.memory_space<semaphore_mem>>) src(%arg11 : memref<80x128xf32, #tpu.memory_space<vmem>>) dst(%dma_wait3A_464 : memref<80x128xf32, #tpu.memory_space<hbm>>)
      tpu.yield
    }) : () -> ()
    %add3A_429 = arith.constant 160 : i32
    %add3A_430 = arith.addi %mul3A_5, %add3A_429 : i32
    "tpu.region"() ({
      %run_scoped3A = tpu.sem_alloc : memref<!tpu.dma_semaphore, #tpu.memory_space<semaphore_mem>>
      %dma_start3A_453 = arith.constant 0 : i32
      %dma_start3A_454 = tpu.memref_slice %arg13[%add3A_430, %dma_start3A_453] : memref<10240x128xf32, #tpu.memory_space<vmem_shared>> -> memref<80x128xf32, #tpu.memory_space<vmem_shared>>
      %dma_start3A_455 = arith.constant 0 : i32
      %dma_start3A_456 = tpu.memref_slice %arg13[%add3A_430, %dma_start3A_455] : memref<10240x128xf32, #tpu.memory_space<vmem_shared>> -> memref<80x128xf32, #tpu.memory_space<vmem_shared>>
      tpu.enqueue_dma source(%dma_start3A_456 : memref<80x128xf32, #tpu.memory_space<vmem_shared>>) target(%arg11 : memref<80x128xf32, #tpu.memory_space<vmem>>) target_semaphore(%run_scoped3A : memref<!tpu.dma_semaphore, #tpu.memory_space<semaphore_mem>>)
      %dma_wait3A_457 = arith.constant 0 : i32
      %dma_wait3A_458 = tpu.memref_slice %arg13[%add3A_430, %dma_wait3A_457] : memref<10240x128xf32, #tpu.memory_space<vmem_shared>> -> memref<80x128xf32, #tpu.memory_space<vmem_shared>>
      %dma_wait3A_459 = arith.constant 0 : i32
      %dma_wait3A_460 = tpu.memref_slice %arg13[%add3A_430, %dma_wait3A_459] : memref<10240x128xf32, #tpu.memory_space<vmem_shared>> -> memref<80x128xf32, #tpu.memory_space<vmem_shared>>
      tpu.wait_dma2 semaphore(%run_scoped3A : memref<!tpu.dma_semaphore, #tpu.memory_space<semaphore_mem>>) src(%dma_wait3A_460 : memref<80x128xf32, #tpu.memory_space<vmem_shared>>) dst(%arg11 : memref<80x128xf32, #tpu.memory_space<vmem>>)
      tpu.yield
    }) : () -> ()
    %add3A_431 = arith.constant 160 : i32
    %add3A_432 = arith.addi %mul3A_5, %add3A_431 : i32
    "tpu.region"() ({
      %run_scoped3A = tpu.sem_alloc : memref<!tpu.dma_semaphore, #tpu.memory_space<semaphore_mem>>
      %dma_start3A_453 = arith.constant 0 : i32
      %dma_start3A_454 = tpu.memref_slice %arg4[%arg0, %add3A_432, %dma_start3A_453] : memref<2x10240x128xf32, #tpu.memory_space<hbm>> -> memref<1x80x128xf32, #tpu.memory_space<hbm>>
      %dma_start3A_455 = tpu.memref_squeeze %dma_start3A_454 : memref<1x80x128xf32, #tpu.memory_space<hbm>> -> memref<80x128xf32, #tpu.memory_space<hbm>>
      %dma_start3A_456 = arith.constant 0 : i32
      %dma_start3A_457 = tpu.memref_slice %arg4[%arg0, %add3A_432, %dma_start3A_456] : memref<2x10240x128xf32, #tpu.memory_space<hbm>> -> memref<1x80x128xf32, #tpu.memory_space<hbm>>
      %dma_start3A_458 = tpu.memref_squeeze %dma_start3A_457 : memref<1x80x128xf32, #tpu.memory_space<hbm>> -> memref<80x128xf32, #tpu.memory_space<hbm>>
      tpu.enqueue_dma source(%arg11 : memref<80x128xf32, #tpu.memory_space<vmem>>) target(%dma_start3A_458 : memref<80x128xf32, #tpu.memory_space<hbm>>) target_semaphore(%run_scoped3A : memref<!tpu.dma_semaphore, #tpu.memory_space<semaphore_mem>>)
      %dma_wait3A_459 = arith.constant 0 : i32
      %dma_wait3A_460 = tpu.memref_slice %arg4[%arg0, %add3A_432, %dma_wait3A_459] : memref<2x10240x128xf32, #tpu.memory_space<hbm>> -> memref<1x80x128xf32, #tpu.memory_space<hbm>>
      %dma_wait3A_461 = tpu.memref_squeeze %dma_wait3A_460 : memref<1x80x128xf32, #tpu.memory_space<hbm>> -> memref<80x128xf32, #tpu.memory_space<hbm>>
      %dma_wait3A_462 = arith.constant 0 : i32
      %dma_wait3A_463 = tpu.memref_slice %arg4[%arg0, %add3A_432, %dma_wait3A_462] : memref<2x10240x128xf32, #tpu.memory_space<hbm>> -> memref<1x80x128xf32, #tpu.memory_space<hbm>>
      %dma_wait3A_464 = tpu.memref_squeeze %dma_wait3A_463 : memref<1x80x128xf32, #tpu.memory_space<hbm>> -> memref<80x128xf32, #tpu.memory_space<hbm>>
      tpu.wait_dma2 semaphore(%run_scoped3A : memref<!tpu.dma_semaphore, #tpu.memory_space<semaphore_mem>>) src(%arg11 : memref<80x128xf32, #tpu.memory_space<vmem>>) dst(%dma_wait3A_464 : memref<80x128xf32, #tpu.memory_space<hbm>>)
      tpu.yield
    }) : () -> ()
    %add3A_433 = arith.constant 240 : i32
    %add3A_434 = arith.addi %mul3A_5, %add3A_433 : i32
    "tpu.region"() ({
      %run_scoped3A = tpu.sem_alloc : memref<!tpu.dma_semaphore, #tpu.memory_space<semaphore_mem>>
      %dma_start3A_453 = arith.constant 0 : i32
      %dma_start3A_454 = tpu.memref_slice %arg13[%add3A_434, %dma_start3A_453] : memref<10240x128xf32, #tpu.memory_space<vmem_shared>> -> memref<80x128xf32, #tpu.memory_space<vmem_shared>>
      %dma_start3A_455 = arith.constant 0 : i32
      %dma_start3A_456 = tpu.memref_slice %arg13[%add3A_434, %dma_start3A_455] : memref<10240x128xf32, #tpu.memory_space<vmem_shared>> -> memref<80x128xf32, #tpu.memory_space<vmem_shared>>
      tpu.enqueue_dma source(%dma_start3A_456 : memref<80x128xf32, #tpu.memory_space<vmem_shared>>) target(%arg11 : memref<80x128xf32, #tpu.memory_space<vmem>>) target_semaphore(%run_scoped3A : memref<!tpu.dma_semaphore, #tpu.memory_space<semaphore_mem>>)
      %dma_wait3A_457 = arith.constant 0 : i32
      %dma_wait3A_458 = tpu.memref_slice %arg13[%add3A_434, %dma_wait3A_457] : memref<10240x128xf32, #tpu.memory_space<vmem_shared>> -> memref<80x128xf32, #tpu.memory_space<vmem_shared>>
      %dma_wait3A_459 = arith.constant 0 : i32
      %dma_wait3A_460 = tpu.memref_slice %arg13[%add3A_434, %dma_wait3A_459] : memref<10240x128xf32, #tpu.memory_space<vmem_shared>> -> memref<80x128xf32, #tpu.memory_space<vmem_shared>>
      tpu.wait_dma2 semaphore(%run_scoped3A : memref<!tpu.dma_semaphore, #tpu.memory_space<semaphore_mem>>) src(%dma_wait3A_460 : memref<80x128xf32, #tpu.memory_space<vmem_shared>>) dst(%arg11 : memref<80x128xf32, #tpu.memory_space<vmem>>)
      tpu.yield
    }) : () -> ()
    %add3A_435 = arith.constant 240 : i32
    %add3A_436 = arith.addi %mul3A_5, %add3A_435 : i32
    "tpu.region"() ({
      %run_scoped3A = tpu.sem_alloc : memref<!tpu.dma_semaphore, #tpu.memory_space<semaphore_mem>>
      %dma_start3A_453 = arith.constant 0 : i32
      %dma_start3A_454 = tpu.memref_slice %arg4[%arg0, %add3A_436, %dma_start3A_453] : memref<2x10240x128xf32, #tpu.memory_space<hbm>> -> memref<1x80x128xf32, #tpu.memory_space<hbm>>
      %dma_start3A_455 = tpu.memref_squeeze %dma_start3A_454 : memref<1x80x128xf32, #tpu.memory_space<hbm>> -> memref<80x128xf32, #tpu.memory_space<hbm>>
      %dma_start3A_456 = arith.constant 0 : i32
      %dma_start3A_457 = tpu.memref_slice %arg4[%arg0, %add3A_436, %dma_start3A_456] : memref<2x10240x128xf32, #tpu.memory_space<hbm>> -> memref<1x80x128xf32, #tpu.memory_space<hbm>>
      %dma_start3A_458 = tpu.memref_squeeze %dma_start3A_457 : memref<1x80x128xf32, #tpu.memory_space<hbm>> -> memref<80x128xf32, #tpu.memory_space<hbm>>
      tpu.enqueue_dma source(%arg11 : memref<80x128xf32, #tpu.memory_space<vmem>>) target(%dma_start3A_458 : memref<80x128xf32, #tpu.memory_space<hbm>>) target_semaphore(%run_scoped3A : memref<!tpu.dma_semaphore, #tpu.memory_space<semaphore_mem>>)
      %dma_wait3A_459 = arith.constant 0 : i32
      %dma_wait3A_460 = tpu.memref_slice %arg4[%arg0, %add3A_436, %dma_wait3A_459] : memref<2x10240x128xf32, #tpu.memory_space<hbm>> -> memref<1x80x128xf32, #tpu.memory_space<hbm>>
      %dma_wait3A_461 = tpu.memref_squeeze %dma_wait3A_460 : memref<1x80x128xf32, #tpu.memory_space<hbm>> -> memref<80x128xf32, #tpu.memory_space<hbm>>
      %dma_wait3A_462 = arith.constant 0 : i32
      %dma_wait3A_463 = tpu.memref_slice %arg4[%arg0, %add3A_436, %dma_wait3A_462] : memref<2x10240x128xf32, #tpu.memory_space<hbm>> -> memref<1x80x128xf32, #tpu.memory_space<hbm>>
      %dma_wait3A_464 = tpu.memref_squeeze %dma_wait3A_463 : memref<1x80x128xf32, #tpu.memory_space<hbm>> -> memref<80x128xf32, #tpu.memory_space<hbm>>
      tpu.wait_dma2 semaphore(%run_scoped3A : memref<!tpu.dma_semaphore, #tpu.memory_space<semaphore_mem>>) src(%arg11 : memref<80x128xf32, #tpu.memory_space<vmem>>) dst(%dma_wait3A_464 : memref<80x128xf32, #tpu.memory_space<hbm>>)
      tpu.yield
    }) : () -> ()
    %add3A_437 = arith.constant 320 : i32
    %add3A_438 = arith.addi %mul3A_5, %add3A_437 : i32
    "tpu.region"() ({
      %run_scoped3A = tpu.sem_alloc : memref<!tpu.dma_semaphore, #tpu.memory_space<semaphore_mem>>
      %dma_start3A_453 = arith.constant 0 : i32
      %dma_start3A_454 = tpu.memref_slice %arg13[%add3A_438, %dma_start3A_453] : memref<10240x128xf32, #tpu.memory_space<vmem_shared>> -> memref<80x128xf32, #tpu.memory_space<vmem_shared>>
      %dma_start3A_455 = arith.constant 0 : i32
      %dma_start3A_456 = tpu.memref_slice %arg13[%add3A_438, %dma_start3A_455] : memref<10240x128xf32, #tpu.memory_space<vmem_shared>> -> memref<80x128xf32, #tpu.memory_space<vmem_shared>>
      tpu.enqueue_dma source(%dma_start3A_456 : memref<80x128xf32, #tpu.memory_space<vmem_shared>>) target(%arg11 : memref<80x128xf32, #tpu.memory_space<vmem>>) target_semaphore(%run_scoped3A : memref<!tpu.dma_semaphore, #tpu.memory_space<semaphore_mem>>)
      %dma_wait3A_457 = arith.constant 0 : i32
      %dma_wait3A_458 = tpu.memref_slice %arg13[%add3A_438, %dma_wait3A_457] : memref<10240x128xf32, #tpu.memory_space<vmem_shared>> -> memref<80x128xf32, #tpu.memory_space<vmem_shared>>
      %dma_wait3A_459 = arith.constant 0 : i32
      %dma_wait3A_460 = tpu.memref_slice %arg13[%add3A_438, %dma_wait3A_459] : memref<10240x128xf32, #tpu.memory_space<vmem_shared>> -> memref<80x128xf32, #tpu.memory_space<vmem_shared>>
      tpu.wait_dma2 semaphore(%run_scoped3A : memref<!tpu.dma_semaphore, #tpu.memory_space<semaphore_mem>>) src(%dma_wait3A_460 : memref<80x128xf32, #tpu.memory_space<vmem_shared>>) dst(%arg11 : memref<80x128xf32, #tpu.memory_space<vmem>>)
      tpu.yield
    }) : () -> ()
    %add3A_439 = arith.constant 320 : i32
    %add3A_440 = arith.addi %mul3A_5, %add3A_439 : i32
    "tpu.region"() ({
      %run_scoped3A = tpu.sem_alloc : memref<!tpu.dma_semaphore, #tpu.memory_space<semaphore_mem>>
      %dma_start3A_453 = arith.constant 0 : i32
      %dma_start3A_454 = tpu.memref_slice %arg4[%arg0, %add3A_440, %dma_start3A_453] : memref<2x10240x128xf32, #tpu.memory_space<hbm>> -> memref<1x80x128xf32, #tpu.memory_space<hbm>>
      %dma_start3A_455 = tpu.memref_squeeze %dma_start3A_454 : memref<1x80x128xf32, #tpu.memory_space<hbm>> -> memref<80x128xf32, #tpu.memory_space<hbm>>
      %dma_start3A_456 = arith.constant 0 : i32
      %dma_start3A_457 = tpu.memref_slice %arg4[%arg0, %add3A_440, %dma_start3A_456] : memref<2x10240x128xf32, #tpu.memory_space<hbm>> -> memref<1x80x128xf32, #tpu.memory_space<hbm>>
      %dma_start3A_458 = tpu.memref_squeeze %dma_start3A_457 : memref<1x80x128xf32, #tpu.memory_space<hbm>> -> memref<80x128xf32, #tpu.memory_space<hbm>>
      tpu.enqueue_dma source(%arg11 : memref<80x128xf32, #tpu.memory_space<vmem>>) target(%dma_start3A_458 : memref<80x128xf32, #tpu.memory_space<hbm>>) target_semaphore(%run_scoped3A : memref<!tpu.dma_semaphore, #tpu.memory_space<semaphore_mem>>)
      %dma_wait3A_459 = arith.constant 0 : i32
      %dma_wait3A_460 = tpu.memref_slice %arg4[%arg0, %add3A_440, %dma_wait3A_459] : memref<2x10240x128xf32, #tpu.memory_space<hbm>> -> memref<1x80x128xf32, #tpu.memory_space<hbm>>
      %dma_wait3A_461 = tpu.memref_squeeze %dma_wait3A_460 : memref<1x80x128xf32, #tpu.memory_space<hbm>> -> memref<80x128xf32, #tpu.memory_space<hbm>>
      %dma_wait3A_462 = arith.constant 0 : i32
      %dma_wait3A_463 = tpu.memref_slice %arg4[%arg0, %add3A_440, %dma_wait3A_462] : memref<2x10240x128xf32, #tpu.memory_space<hbm>> -> memref<1x80x128xf32, #tpu.memory_space<hbm>>
      %dma_wait3A_464 = tpu.memref_squeeze %dma_wait3A_463 : memref<1x80x128xf32, #tpu.memory_space<hbm>> -> memref<80x128xf32, #tpu.memory_space<hbm>>
      tpu.wait_dma2 semaphore(%run_scoped3A : memref<!tpu.dma_semaphore, #tpu.memory_space<semaphore_mem>>) src(%arg11 : memref<80x128xf32, #tpu.memory_space<vmem>>) dst(%dma_wait3A_464 : memref<80x128xf32, #tpu.memory_space<hbm>>)
      tpu.yield
    }) : () -> ()
    %add3A_441 = arith.constant 400 : i32
    %add3A_442 = arith.addi %mul3A_5, %add3A_441 : i32
    "tpu.region"() ({
      %run_scoped3A = tpu.sem_alloc : memref<!tpu.dma_semaphore, #tpu.memory_space<semaphore_mem>>
      %dma_start3A_453 = arith.constant 0 : i32
      %dma_start3A_454 = tpu.memref_slice %arg13[%add3A_442, %dma_start3A_453] : memref<10240x128xf32, #tpu.memory_space<vmem_shared>> -> memref<80x128xf32, #tpu.memory_space<vmem_shared>>
      %dma_start3A_455 = arith.constant 0 : i32
      %dma_start3A_456 = tpu.memref_slice %arg13[%add3A_442, %dma_start3A_455] : memref<10240x128xf32, #tpu.memory_space<vmem_shared>> -> memref<80x128xf32, #tpu.memory_space<vmem_shared>>
      tpu.enqueue_dma source(%dma_start3A_456 : memref<80x128xf32, #tpu.memory_space<vmem_shared>>) target(%arg11 : memref<80x128xf32, #tpu.memory_space<vmem>>) target_semaphore(%run_scoped3A : memref<!tpu.dma_semaphore, #tpu.memory_space<semaphore_mem>>)
      %dma_wait3A_457 = arith.constant 0 : i32
      %dma_wait3A_458 = tpu.memref_slice %arg13[%add3A_442, %dma_wait3A_457] : memref<10240x128xf32, #tpu.memory_space<vmem_shared>> -> memref<80x128xf32, #tpu.memory_space<vmem_shared>>
      %dma_wait3A_459 = arith.constant 0 : i32
      %dma_wait3A_460 = tpu.memref_slice %arg13[%add3A_442, %dma_wait3A_459] : memref<10240x128xf32, #tpu.memory_space<vmem_shared>> -> memref<80x128xf32, #tpu.memory_space<vmem_shared>>
      tpu.wait_dma2 semaphore(%run_scoped3A : memref<!tpu.dma_semaphore, #tpu.memory_space<semaphore_mem>>) src(%dma_wait3A_460 : memref<80x128xf32, #tpu.memory_space<vmem_shared>>) dst(%arg11 : memref<80x128xf32, #tpu.memory_space<vmem>>)
      tpu.yield
    }) : () -> ()
    %add3A_443 = arith.constant 400 : i32
    %add3A_444 = arith.addi %mul3A_5, %add3A_443 : i32
    "tpu.region"() ({
      %run_scoped3A = tpu.sem_alloc : memref<!tpu.dma_semaphore, #tpu.memory_space<semaphore_mem>>
      %dma_start3A_453 = arith.constant 0 : i32
      %dma_start3A_454 = tpu.memref_slice %arg4[%arg0, %add3A_444, %dma_start3A_453] : memref<2x10240x128xf32, #tpu.memory_space<hbm>> -> memref<1x80x128xf32, #tpu.memory_space<hbm>>
      %dma_start3A_455 = tpu.memref_squeeze %dma_start3A_454 : memref<1x80x128xf32, #tpu.memory_space<hbm>> -> memref<80x128xf32, #tpu.memory_space<hbm>>
      %dma_start3A_456 = arith.constant 0 : i32
      %dma_start3A_457 = tpu.memref_slice %arg4[%arg0, %add3A_444, %dma_start3A_456] : memref<2x10240x128xf32, #tpu.memory_space<hbm>> -> memref<1x80x128xf32, #tpu.memory_space<hbm>>
      %dma_start3A_458 = tpu.memref_squeeze %dma_start3A_457 : memref<1x80x128xf32, #tpu.memory_space<hbm>> -> memref<80x128xf32, #tpu.memory_space<hbm>>
      tpu.enqueue_dma source(%arg11 : memref<80x128xf32, #tpu.memory_space<vmem>>) target(%dma_start3A_458 : memref<80x128xf32, #tpu.memory_space<hbm>>) target_semaphore(%run_scoped3A : memref<!tpu.dma_semaphore, #tpu.memory_space<semaphore_mem>>)
      %dma_wait3A_459 = arith.constant 0 : i32
      %dma_wait3A_460 = tpu.memref_slice %arg4[%arg0, %add3A_444, %dma_wait3A_459] : memref<2x10240x128xf32, #tpu.memory_space<hbm>> -> memref<1x80x128xf32, #tpu.memory_space<hbm>>
      %dma_wait3A_461 = tpu.memref_squeeze %dma_wait3A_460 : memref<1x80x128xf32, #tpu.memory_space<hbm>> -> memref<80x128xf32, #tpu.memory_space<hbm>>
      %dma_wait3A_462 = arith.constant 0 : i32
      %dma_wait3A_463 = tpu.memref_slice %arg4[%arg0, %add3A_444, %dma_wait3A_462] : memref<2x10240x128xf32, #tpu.memory_space<hbm>> -> memref<1x80x128xf32, #tpu.memory_space<hbm>>
      %dma_wait3A_464 = tpu.memref_squeeze %dma_wait3A_463 : memref<1x80x128xf32, #tpu.memory_space<hbm>> -> memref<80x128xf32, #tpu.memory_space<hbm>>
      tpu.wait_dma2 semaphore(%run_scoped3A : memref<!tpu.dma_semaphore, #tpu.memory_space<semaphore_mem>>) src(%arg11 : memref<80x128xf32, #tpu.memory_space<vmem>>) dst(%dma_wait3A_464 : memref<80x128xf32, #tpu.memory_space<hbm>>)
      tpu.yield
    }) : () -> ()
    %add3A_445 = arith.constant 480 : i32
    %add3A_446 = arith.addi %mul3A_5, %add3A_445 : i32
    "tpu.region"() ({
      %run_scoped3A = tpu.sem_alloc : memref<!tpu.dma_semaphore, #tpu.memory_space<semaphore_mem>>
      %dma_start3A_453 = arith.constant 0 : i32
      %dma_start3A_454 = tpu.memref_slice %arg13[%add3A_446, %dma_start3A_453] : memref<10240x128xf32, #tpu.memory_space<vmem_shared>> -> memref<80x128xf32, #tpu.memory_space<vmem_shared>>
      %dma_start3A_455 = arith.constant 0 : i32
      %dma_start3A_456 = tpu.memref_slice %arg13[%add3A_446, %dma_start3A_455] : memref<10240x128xf32, #tpu.memory_space<vmem_shared>> -> memref<80x128xf32, #tpu.memory_space<vmem_shared>>
      tpu.enqueue_dma source(%dma_start3A_456 : memref<80x128xf32, #tpu.memory_space<vmem_shared>>) target(%arg11 : memref<80x128xf32, #tpu.memory_space<vmem>>) target_semaphore(%run_scoped3A : memref<!tpu.dma_semaphore, #tpu.memory_space<semaphore_mem>>)
      %dma_wait3A_457 = arith.constant 0 : i32
      %dma_wait3A_458 = tpu.memref_slice %arg13[%add3A_446, %dma_wait3A_457] : memref<10240x128xf32, #tpu.memory_space<vmem_shared>> -> memref<80x128xf32, #tpu.memory_space<vmem_shared>>
      %dma_wait3A_459 = arith.constant 0 : i32
      %dma_wait3A_460 = tpu.memref_slice %arg13[%add3A_446, %dma_wait3A_459] : memref<10240x128xf32, #tpu.memory_space<vmem_shared>> -> memref<80x128xf32, #tpu.memory_space<vmem_shared>>
      tpu.wait_dma2 semaphore(%run_scoped3A : memref<!tpu.dma_semaphore, #tpu.memory_space<semaphore_mem>>) src(%dma_wait3A_460 : memref<80x128xf32, #tpu.memory_space<vmem_shared>>) dst(%arg11 : memref<80x128xf32, #tpu.memory_space<vmem>>)
      tpu.yield
    }) : () -> ()
    %add3A_447 = arith.constant 480 : i32
    %add3A_448 = arith.addi %mul3A_5, %add3A_447 : i32
    "tpu.region"() ({
      %run_scoped3A = tpu.sem_alloc : memref<!tpu.dma_semaphore, #tpu.memory_space<semaphore_mem>>
      %dma_start3A_453 = arith.constant 0 : i32
      %dma_start3A_454 = tpu.memref_slice %arg4[%arg0, %add3A_448, %dma_start3A_453] : memref<2x10240x128xf32, #tpu.memory_space<hbm>> -> memref<1x80x128xf32, #tpu.memory_space<hbm>>
      %dma_start3A_455 = tpu.memref_squeeze %dma_start3A_454 : memref<1x80x128xf32, #tpu.memory_space<hbm>> -> memref<80x128xf32, #tpu.memory_space<hbm>>
      %dma_start3A_456 = arith.constant 0 : i32
      %dma_start3A_457 = tpu.memref_slice %arg4[%arg0, %add3A_448, %dma_start3A_456] : memref<2x10240x128xf32, #tpu.memory_space<hbm>> -> memref<1x80x128xf32, #tpu.memory_space<hbm>>
      %dma_start3A_458 = tpu.memref_squeeze %dma_start3A_457 : memref<1x80x128xf32, #tpu.memory_space<hbm>> -> memref<80x128xf32, #tpu.memory_space<hbm>>
      tpu.enqueue_dma source(%arg11 : memref<80x128xf32, #tpu.memory_space<vmem>>) target(%dma_start3A_458 : memref<80x128xf32, #tpu.memory_space<hbm>>) target_semaphore(%run_scoped3A : memref<!tpu.dma_semaphore, #tpu.memory_space<semaphore_mem>>)
      %dma_wait3A_459 = arith.constant 0 : i32
      %dma_wait3A_460 = tpu.memref_slice %arg4[%arg0, %add3A_448, %dma_wait3A_459] : memref<2x10240x128xf32, #tpu.memory_space<hbm>> -> memref<1x80x128xf32, #tpu.memory_space<hbm>>
      %dma_wait3A_461 = tpu.memref_squeeze %dma_wait3A_460 : memref<1x80x128xf32, #tpu.memory_space<hbm>> -> memref<80x128xf32, #tpu.memory_space<hbm>>
      %dma_wait3A_462 = arith.constant 0 : i32
      %dma_wait3A_463 = tpu.memref_slice %arg4[%arg0, %add3A_448, %dma_wait3A_462] : memref<2x10240x128xf32, #tpu.memory_space<hbm>> -> memref<1x80x128xf32, #tpu.memory_space<hbm>>
      %dma_wait3A_464 = tpu.memref_squeeze %dma_wait3A_463 : memref<1x80x128xf32, #tpu.memory_space<hbm>> -> memref<80x128xf32, #tpu.memory_space<hbm>>
      tpu.wait_dma2 semaphore(%run_scoped3A : memref<!tpu.dma_semaphore, #tpu.memory_space<semaphore_mem>>) src(%arg11 : memref<80x128xf32, #tpu.memory_space<vmem>>) dst(%dma_wait3A_464 : memref<80x128xf32, #tpu.memory_space<hbm>>)
      tpu.yield
    }) : () -> ()
    %add3A_449 = arith.constant 560 : i32
    %add3A_450 = arith.addi %mul3A_5, %add3A_449 : i32
    "tpu.region"() ({
      %run_scoped3A = tpu.sem_alloc : memref<!tpu.dma_semaphore, #tpu.memory_space<semaphore_mem>>
      %dma_start3A_453 = arith.constant 0 : i32
      %dma_start3A_454 = tpu.memref_slice %arg13[%add3A_450, %dma_start3A_453] : memref<10240x128xf32, #tpu.memory_space<vmem_shared>> -> memref<80x128xf32, #tpu.memory_space<vmem_shared>>
      %dma_start3A_455 = arith.constant 0 : i32
      %dma_start3A_456 = tpu.memref_slice %arg13[%add3A_450, %dma_start3A_455] : memref<10240x128xf32, #tpu.memory_space<vmem_shared>> -> memref<80x128xf32, #tpu.memory_space<vmem_shared>>
      tpu.enqueue_dma source(%dma_start3A_456 : memref<80x128xf32, #tpu.memory_space<vmem_shared>>) target(%arg11 : memref<80x128xf32, #tpu.memory_space<vmem>>) target_semaphore(%run_scoped3A : memref<!tpu.dma_semaphore, #tpu.memory_space<semaphore_mem>>)
      %dma_wait3A_457 = arith.constant 0 : i32
      %dma_wait3A_458 = tpu.memref_slice %arg13[%add3A_450, %dma_wait3A_457] : memref<10240x128xf32, #tpu.memory_space<vmem_shared>> -> memref<80x128xf32, #tpu.memory_space<vmem_shared>>
      %dma_wait3A_459 = arith.constant 0 : i32
      %dma_wait3A_460 = tpu.memref_slice %arg13[%add3A_450, %dma_wait3A_459] : memref<10240x128xf32, #tpu.memory_space<vmem_shared>> -> memref<80x128xf32, #tpu.memory_space<vmem_shared>>
      tpu.wait_dma2 semaphore(%run_scoped3A : memref<!tpu.dma_semaphore, #tpu.memory_space<semaphore_mem>>) src(%dma_wait3A_460 : memref<80x128xf32, #tpu.memory_space<vmem_shared>>) dst(%arg11 : memref<80x128xf32, #tpu.memory_space<vmem>>)
      tpu.yield
    }) : () -> ()
    %add3A_451 = arith.constant 560 : i32
    %add3A_452 = arith.addi %mul3A_5, %add3A_451 : i32
    "tpu.region"() ({
      %run_scoped3A = tpu.sem_alloc : memref<!tpu.dma_semaphore, #tpu.memory_space<semaphore_mem>>
      %dma_start3A_453 = arith.constant 0 : i32
      %dma_start3A_454 = tpu.memref_slice %arg4[%arg0, %add3A_452, %dma_start3A_453] : memref<2x10240x128xf32, #tpu.memory_space<hbm>> -> memref<1x80x128xf32, #tpu.memory_space<hbm>>
      %dma_start3A_455 = tpu.memref_squeeze %dma_start3A_454 : memref<1x80x128xf32, #tpu.memory_space<hbm>> -> memref<80x128xf32, #tpu.memory_space<hbm>>
      %dma_start3A_456 = arith.constant 0 : i32
      %dma_start3A_457 = tpu.memref_slice %arg4[%arg0, %add3A_452, %dma_start3A_456] : memref<2x10240x128xf32, #tpu.memory_space<hbm>> -> memref<1x80x128xf32, #tpu.memory_space<hbm>>
      %dma_start3A_458 = tpu.memref_squeeze %dma_start3A_457 : memref<1x80x128xf32, #tpu.memory_space<hbm>> -> memref<80x128xf32, #tpu.memory_space<hbm>>
      tpu.enqueue_dma source(%arg11 : memref<80x128xf32, #tpu.memory_space<vmem>>) target(%dma_start3A_458 : memref<80x128xf32, #tpu.memory_space<hbm>>) target_semaphore(%run_scoped3A : memref<!tpu.dma_semaphore, #tpu.memory_space<semaphore_mem>>)
      %dma_wait3A_459 = arith.constant 0 : i32
      %dma_wait3A_460 = tpu.memref_slice %arg4[%arg0, %add3A_452, %dma_wait3A_459] : memref<2x10240x128xf32, #tpu.memory_space<hbm>> -> memref<1x80x128xf32, #tpu.memory_space<hbm>>
      %dma_wait3A_461 = tpu.memref_squeeze %dma_wait3A_460 : memref<1x80x128xf32, #tpu.memory_space<hbm>> -> memref<80x128xf32, #tpu.memory_space<hbm>>
      %dma_wait3A_462 = arith.constant 0 : i32
      %dma_wait3A_463 = tpu.memref_slice %arg4[%arg0, %add3A_452, %dma_wait3A_462] : memref<2x10240x128xf32, #tpu.memory_space<hbm>> -> memref<1x80x128xf32, #tpu.memory_space<hbm>>
      %dma_wait3A_464 = tpu.memref_squeeze %dma_wait3A_463 : memref<1x80x128xf32, #tpu.memory_space<hbm>> -> memref<80x128xf32, #tpu.memory_space<hbm>>
      tpu.wait_dma2 semaphore(%run_scoped3A : memref<!tpu.dma_semaphore, #tpu.memory_space<semaphore_mem>>) src(%arg11 : memref<80x128xf32, #tpu.memory_space<vmem>>) dst(%dma_wait3A_464 : memref<80x128xf32, #tpu.memory_space<hbm>>)
      tpu.yield
    }) : () -> ()
    return
  }
}

#map = affine_map<(d0, d1) -> (0, 0)>
#map1 = affine_map<(d0, d1) -> (0, 0, 0)>
module attributes {stable_mosaic.version = 14 : i64} {
  func.func @_sc_edge_agg(%arg0: i32, %arg1: i32, %arg2: memref<10240x128xf32, #tpu.memory_space<hbm>>, %arg3: memref<4000x2x80xi32, #tpu.memory_space<hbm>>, %arg4: memref<2x10240x128xf32, #tpu.memory_space<hbm>>, %arg5: memref<2x80xi32, #tpu.memory_space<vmem>>, %arg6: memref<2x80xi32, #tpu.memory_space<vmem>>, %arg7: memref<80xi32, #tpu.memory_space<vmem>>, %arg8: memref<80xi32, #tpu.memory_space<vmem>>, %arg9: memref<80xi32, #tpu.memory_space<vmem>>, %arg10: memref<80xi32, #tpu.memory_space<vmem>>, %arg11: memref<80x128xf32, #tpu.memory_space<vmem>>, %arg12: memref<80x128xf32, #tpu.memory_space<vmem>>, %arg13: memref<10240x128xf32, #tpu.memory_space<vmem_shared>>, %arg14: memref<!tpu.dma_semaphore, #tpu.memory_space<semaphore_mem>>, %arg15: memref<!tpu.dma_semaphore, #tpu.memory_space<semaphore_mem>>, %arg16: memref<!tpu.dma_semaphore, #tpu.memory_space<semaphore_mem>>, %arg17: memref<!tpu.dma_semaphore, #tpu.memory_space<semaphore_mem>>) attributes {dimension_semantics = [#tpu.dimension_semantics<core_parallel>, #tpu.dimension_semantics<subcore_parallel>], iteration_bounds = array<i64: 2, 16>, scalar_prefetch = 0 : i64, scratch_operands = 13 : i64, tpu.core_type = #tpu.core_type<sc_vector_subcore>, window_params = [{transform_indices = #map}, {transform_indices = #map1}, {transform_indices = #map1}]} {
    %scan3A = arith.constant 0 : i32
    %scan3A_0 = arith.constant 0 : i32
    %scan3A_1 = arith.constant 80 : i32
    %scan3A_2 = arith.addi %scan3A_0, %scan3A_1 : i32
    %scan3A_3 = arith.constant 1 : i32
    scf.for %scan3A_453 = %scan3A_0 to %scan3A_2 step %scan3A_3  : i32 {
      %broadcast_in_dim3A = arith.constant 0.000000e+00 : f32
      %broadcast_in_dim3A_454 = vector.broadcast %broadcast_in_dim3A : f32 to vector<16xf32>
      %swap3A_455 = arith.index_cast %scan3A_453 : i32 to index
      %swap3A_456 = arith.constant 0 : index
      %swap3A_457 = tpu.vector_load %arg11[%swap3A_455, %swap3A_456] {strides = array<i32>} : memref<80x128xf32, #tpu.memory_space<vmem>>, vector<1x16xf32>,
      %swap3A_458 = vector.shape_cast %swap3A_457 : vector<1x16xf32> to vector<16xf32>
      %swap3A_459 = vector.shape_cast %broadcast_in_dim3A_454 : vector<16xf32> to vector<1x16xf32>
      tpu.vector_store %arg11[%swap3A_455, %swap3A_456], %swap3A_459 {strides = array<i32>} : memref<80x128xf32, #tpu.memory_space<vmem>>, vector<1x16xf32>,
      %broadcast_in_dim3A_460 = arith.constant 0.000000e+00 : f32
      %broadcast_in_dim3A_461 = vector.broadcast %broadcast_in_dim3A_460 : f32 to vector<16xf32>
      %swap3A_462 = arith.index_cast %scan3A_453 : i32 to index
      %swap3A_463 = arith.constant 16 : index
      %swap3A_464 = tpu.vector_load %arg11[%swap3A_462, %swap3A_463] {strides = array<i32>} : memref<80x128xf32, #tpu.memory_space<vmem>>, vector<1x16xf32>,
      %swap3A_465 = vector.shape_cast %swap3A_464 : vector<1x16xf32> to vector<16xf32>
      %swap3A_466 = vector.shape_cast %broadcast_in_dim3A_461 : vector<16xf32> to vector<1x16xf32>
      tpu.vector_store %arg11[%swap3A_462, %swap3A_463], %swap3A_466 {strides = array<i32>} : memref<80x128xf32, #tpu.memory_space<vmem>>, vector<1x16xf32>,
      %broadcast_in_dim3A_467 = arith.constant 0.000000e+00 : f32
      %broadcast_in_dim3A_468 = vector.broadcast %broadcast_in_dim3A_467 : f32 to vector<16xf32>
      %swap3A_469 = arith.index_cast %scan3A_453 : i32 to index
      %swap3A_470 = arith.constant 32 : index
      %swap3A_471 = tpu.vector_load %arg11[%swap3A_469, %swap3A_470] {strides = array<i32>} : memref<80x128xf32, #tpu.memory_space<vmem>>, vector<1x16xf32>,
      %swap3A_472 = vector.shape_cast %swap3A_471 : vector<1x16xf32> to vector<16xf32>
      %swap3A_473 = vector.shape_cast %broadcast_in_dim3A_468 : vector<16xf32> to vector<1x16xf32>
      tpu.vector_store %arg11[%swap3A_469, %swap3A_470], %swap3A_473 {strides = array<i32>} : memref<80x128xf32, #tpu.memory_space<vmem>>, vector<1x16xf32>,
      %broadcast_in_dim3A_474 = arith.constant 0.000000e+00 : f32
      %broadcast_in_dim3A_475 = vector.broadcast %broadcast_in_dim3A_474 : f32 to vector<16xf32>
      %swap3A_476 = arith.index_cast %scan3A_453 : i32 to index
      %swap3A_477 = arith.constant 48 : index
      %swap3A_478 = tpu.vector_load %arg11[%swap3A_476, %swap3A_477] {strides = array<i32>} : memref<80x128xf32, #tpu.memory_space<vmem>>, vector<1x16xf32>,
      %swap3A_479 = vector.shape_cast %swap3A_478 : vector<1x16xf32> to vector<16xf32>
      %swap3A_480 = vector.shape_cast %broadcast_in_dim3A_475 : vector<16xf32> to vector<1x16xf32>
      tpu.vector_store %arg11[%swap3A_476, %swap3A_477], %swap3A_480 {strides = array<i32>} : memref<80x128xf32, #tpu.memory_space<vmem>>, vector<1x16xf32>,
      %broadcast_in_dim3A_481 = arith.constant 0.000000e+00 : f32
      %broadcast_in_dim3A_482 = vector.broadcast %broadcast_in_dim3A_481 : f32 to vector<16xf32>
      %swap3A_483 = arith.index_cast %scan3A_453 : i32 to index
      %swap3A_484 = arith.constant 64 : index
      %swap3A_485 = tpu.vector_load %arg11[%swap3A_483, %swap3A_484] {strides = array<i32>} : memref<80x128xf32, #tpu.memory_space<vmem>>, vector<1x16xf32>,
      %swap3A_486 = vector.shape_cast %swap3A_485 : vector<1x16xf32> to vector<16xf32>
      %swap3A_487 = vector.shape_cast %broadcast_in_dim3A_482 : vector<16xf32> to vector<1x16xf32>
      tpu.vector_store %arg11[%swap3A_483, %swap3A_484], %swap3A_487 {strides = array<i32>} : memref<80x128xf32, #tpu.memory_space<vmem>>, vector<1x16xf32>,
      %broadcast_in_dim3A_488 = arith.constant 0.000000e+00 : f32
      %broadcast_in_dim3A_489 = vector.broadcast %broadcast_in_dim3A_488 : f32 to vector<16xf32>
      %swap3A_490 = arith.index_cast %scan3A_453 : i32 to index
      %swap3A_491 = arith.constant 80 : index
      %swap3A_492 = tpu.vector_load %arg11[%swap3A_490, %swap3A_491] {strides = array<i32>} : memref<80x128xf32, #tpu.memory_space<vmem>>, vector<1x16xf32>,
      %swap3A_493 = vector.shape_cast %swap3A_492 : vector<1x16xf32> to vector<16xf32>
      %swap3A_494 = vector.shape_cast %broadcast_in_dim3A_489 : vector<16xf32> to vector<1x16xf32>
      tpu.vector_store %arg11[%swap3A_490, %swap3A_491], %swap3A_494 {strides = array<i32>} : memref<80x128xf32, #tpu.memory_space<vmem>>, vector<1x16xf32>,
      %broadcast_in_dim3A_495 = arith.constant 0.000000e+00 : f32
      %broadcast_in_dim3A_496 = vector.broadcast %broadcast_in_dim3A_495 : f32 to vector<16xf32>
      %swap3A_497 = arith.index_cast %scan3A_453 : i32 to index
      %swap3A_498 = arith.constant 96 : index
      %swap3A_499 = tpu.vector_load %arg11[%swap3A_497, %swap3A_498] {strides = array<i32>} : memref<80x128xf32, #tpu.memory_space<vmem>>, vector<1x16xf32>,
      %swap3A_500 = vector.shape_cast %swap3A_499 : vector<1x16xf32> to vector<16xf32>
      %swap3A_501 = vector.shape_cast %broadcast_in_dim3A_496 : vector<16xf32> to vector<1x16xf32>
      tpu.vector_store %arg11[%swap3A_497, %swap3A_498], %swap3A_501 {strides = array<i32>} : memref<80x128xf32, #tpu.memory_space<vmem>>, vector<1x16xf32>,
      %broadcast_in_dim3A_502 = arith.constant 0.000000e+00 : f32
      %broadcast_in_dim3A_503 = vector.broadcast %broadcast_in_dim3A_502 : f32 to vector<16xf32>
      %swap3A_504 = arith.index_cast %scan3A_453 : i32 to index
      %swap3A_505 = arith.constant 112 : index
      %swap3A_506 = tpu.vector_load %arg11[%swap3A_504, %swap3A_505] {strides = array<i32>} : memref<80x128xf32, #tpu.memory_space<vmem>>, vector<1x16xf32>,
      %swap3A_507 = vector.shape_cast %swap3A_506 : vector<1x16xf32> to vector<16xf32>
      %swap3A_508 = vector.shape_cast %broadcast_in_dim3A_503 : vector<16xf32> to vector<1x16xf32>
      tpu.vector_store %arg11[%swap3A_504, %swap3A_505], %swap3A_508 {strides = array<i32>} : memref<80x128xf32, #tpu.memory_space<vmem>>, vector<1x16xf32>,
    }
    %scan3A_4 = arith.constant 80 : i32
    %mul3A = arith.constant 640 : i32
    %mul3A_5 = arith.muli %arg1, %mul3A : i32
    %add3A = arith.constant 0 : i32
    %add3A_6 = arith.addi %mul3A_5, %add3A : i32
    "tpu.region"() ({
      %run_scoped3A = tpu.sem_alloc : memref<!tpu.dma_semaphore, #tpu.memory_space<semaphore_mem>>
      %dma_start3A_453 = arith.constant 0 : i32
      %dma_start3A_454 = tpu.memref_slice %arg13[%add3A_6, %dma_start3A_453] : memref<10240x128xf32, #tpu.memory_space<vmem_shared>> -> memref<80x128xf32, #tpu.memory_space<vmem_shared>>
      %dma_start3A_455 = arith.constant 0 : i32
      %dma_start3A_456 = tpu.memref_slice %arg13[%add3A_6, %dma_start3A_455] : memref<10240x128xf32, #tpu.memory_space<vmem_shared>> -> memref<80x128xf32, #tpu.memory_space<vmem_shared>>
      tpu.enqueue_dma source(%arg11 : memref<80x128xf32, #tpu.memory_space<vmem>>) target(%dma_start3A_456 : memref<80x128xf32, #tpu.memory_space<vmem_shared>>) target_semaphore(%run_scoped3A : memref<!tpu.dma_semaphore, #tpu.memory_space<semaphore_mem>>)
      %dma_wait3A_457 = arith.constant 0 : i32
      %dma_wait3A_458 = tpu.memref_slice %arg13[%add3A_6, %dma_wait3A_457] : memref<10240x128xf32, #tpu.memory_space<vmem_shared>> -> memref<80x128xf32, #tpu.memory_space<vmem_shared>>
      %dma_wait3A_459 = arith.constant 0 : i32
      %dma_wait3A_460 = tpu.memref_slice %arg13[%add3A_6, %dma_wait3A_459] : memref<10240x128xf32, #tpu.memory_space<vmem_shared>> -> memref<80x128xf32, #tpu.memory_space<vmem_shared>>
      tpu.wait_dma2 semaphore(%run_scoped3A : memref<!tpu.dma_semaphore, #tpu.memory_space<semaphore_mem>>) src(%arg11 : memref<80x128xf32, #tpu.memory_space<vmem>>) dst(%dma_wait3A_460 : memref<80x128xf32, #tpu.memory_space<vmem_shared>>)
      tpu.yield
    }) : () -> ()
    %add3A_7 = arith.constant 80 : i32
    %add3A_8 = arith.addi %mul3A_5, %add3A_7 : i32
    "tpu.region"() ({
      %run_scoped3A = tpu.sem_alloc : memref<!tpu.dma_semaphore, #tpu.memory_space<semaphore_mem>>
      %dma_start3A_453 = arith.constant 0 : i32
      %dma_start3A_454 = tpu.memref_slice %arg13[%add3A_8, %dma_start3A_453] : memref<10240x128xf32, #tpu.memory_space<vmem_shared>> -> memref<80x128xf32, #tpu.memory_space<vmem_shared>>
      %dma_start3A_455 = arith.constant 0 : i32
      %dma_start3A_456 = tpu.memref_slice %arg13[%add3A_8, %dma_start3A_455] : memref<10240x128xf32, #tpu.memory_space<vmem_shared>> -> memref<80x128xf32, #tpu.memory_space<vmem_shared>>
      tpu.enqueue_dma source(%arg11 : memref<80x128xf32, #tpu.memory_space<vmem>>) target(%dma_start3A_456 : memref<80x128xf32, #tpu.memory_space<vmem_shared>>) target_semaphore(%run_scoped3A : memref<!tpu.dma_semaphore, #tpu.memory_space<semaphore_mem>>)
      %dma_wait3A_457 = arith.constant 0 : i32
      %dma_wait3A_458 = tpu.memref_slice %arg13[%add3A_8, %dma_wait3A_457] : memref<10240x128xf32, #tpu.memory_space<vmem_shared>> -> memref<80x128xf32, #tpu.memory_space<vmem_shared>>
      %dma_wait3A_459 = arith.constant 0 : i32
      %dma_wait3A_460 = tpu.memref_slice %arg13[%add3A_8, %dma_wait3A_459] : memref<10240x128xf32, #tpu.memory_space<vmem_shared>> -> memref<80x128xf32, #tpu.memory_space<vmem_shared>>
      tpu.wait_dma2 semaphore(%run_scoped3A : memref<!tpu.dma_semaphore, #tpu.memory_space<semaphore_mem>>) src(%arg11 : memref<80x128xf32, #tpu.memory_space<vmem>>) dst(%dma_wait3A_460 : memref<80x128xf32, #tpu.memory_space<vmem_shared>>)
      tpu.yield
    }) : () -> ()
    %add3A_9 = arith.constant 160 : i32
    %add3A_10 = arith.addi %mul3A_5, %add3A_9 : i32
    "tpu.region"() ({
      %run_scoped3A = tpu.sem_alloc : memref<!tpu.dma_semaphore, #tpu.memory_space<semaphore_mem>>
      %dma_start3A_453 = arith.constant 0 : i32
      %dma_start3A_454 = tpu.memref_slice %arg13[%add3A_10, %dma_start3A_453] : memref<10240x128xf32, #tpu.memory_space<vmem_shared>> -> memref<80x128xf32, #tpu.memory_space<vmem_shared>>
      %dma_start3A_455 = arith.constant 0 : i32
      %dma_start3A_456 = tpu.memref_slice %arg13[%add3A_10, %dma_start3A_455] : memref<10240x128xf32, #tpu.memory_space<vmem_shared>> -> memref<80x128xf32, #tpu.memory_space<vmem_shared>>
      tpu.enqueue_dma source(%arg11 : memref<80x128xf32, #tpu.memory_space<vmem>>) target(%dma_start3A_456 : memref<80x128xf32, #tpu.memory_space<vmem_shared>>) target_semaphore(%run_scoped3A : memref<!tpu.dma_semaphore, #tpu.memory_space<semaphore_mem>>)
      %dma_wait3A_457 = arith.constant 0 : i32
      %dma_wait3A_458 = tpu.memref_slice %arg13[%add3A_10, %dma_wait3A_457] : memref<10240x128xf32, #tpu.memory_space<vmem_shared>> -> memref<80x128xf32, #tpu.memory_space<vmem_shared>>
      %dma_wait3A_459 = arith.constant 0 : i32
      %dma_wait3A_460 = tpu.memref_slice %arg13[%add3A_10, %dma_wait3A_459] : memref<10240x128xf32, #tpu.memory_space<vmem_shared>> -> memref<80x128xf32, #tpu.memory_space<vmem_shared>>
      tpu.wait_dma2 semaphore(%run_scoped3A : memref<!tpu.dma_semaphore, #tpu.memory_space<semaphore_mem>>) src(%arg11 : memref<80x128xf32, #tpu.memory_space<vmem>>) dst(%dma_wait3A_460 : memref<80x128xf32, #tpu.memory_space<vmem_shared>>)
      tpu.yield
    }) : () -> ()
    %add3A_11 = arith.constant 240 : i32
    %add3A_12 = arith.addi %mul3A_5, %add3A_11 : i32
    "tpu.region"() ({
      %run_scoped3A = tpu.sem_alloc : memref<!tpu.dma_semaphore, #tpu.memory_space<semaphore_mem>>
      %dma_start3A_453 = arith.constant 0 : i32
      %dma_start3A_454 = tpu.memref_slice %arg13[%add3A_12, %dma_start3A_453] : memref<10240x128xf32, #tpu.memory_space<vmem_shared>> -> memref<80x128xf32, #tpu.memory_space<vmem_shared>>
      %dma_start3A_455 = arith.constant 0 : i32
      %dma_start3A_456 = tpu.memref_slice %arg13[%add3A_12, %dma_start3A_455] : memref<10240x128xf32, #tpu.memory_space<vmem_shared>> -> memref<80x128xf32, #tpu.memory_space<vmem_shared>>
      tpu.enqueue_dma source(%arg11 : memref<80x128xf32, #tpu.memory_space<vmem>>) target(%dma_start3A_456 : memref<80x128xf32, #tpu.memory_space<vmem_shared>>) target_semaphore(%run_scoped3A : memref<!tpu.dma_semaphore, #tpu.memory_space<semaphore_mem>>)
      %dma_wait3A_457 = arith.constant 0 : i32
      %dma_wait3A_458 = tpu.memref_slice %arg13[%add3A_12, %dma_wait3A_457] : memref<10240x128xf32, #tpu.memory_space<vmem_shared>> -> memref<80x128xf32, #tpu.memory_space<vmem_shared>>
      %dma_wait3A_459 = arith.constant 0 : i32
      %dma_wait3A_460 = tpu.memref_slice %arg13[%add3A_12, %dma_wait3A_459] : memref<10240x128xf32, #tpu.memory_space<vmem_shared>> -> memref<80x128xf32, #tpu.memory_space<vmem_shared>>
      tpu.wait_dma2 semaphore(%run_scoped3A : memref<!tpu.dma_semaphore, #tpu.memory_space<semaphore_mem>>) src(%arg11 : memref<80x128xf32, #tpu.memory_space<vmem>>) dst(%dma_wait3A_460 : memref<80x128xf32, #tpu.memory_space<vmem_shared>>)
      tpu.yield
    }) : () -> ()
    %add3A_13 = arith.constant 320 : i32
    %add3A_14 = arith.addi %mul3A_5, %add3A_13 : i32
    "tpu.region"() ({
      %run_scoped3A = tpu.sem_alloc : memref<!tpu.dma_semaphore, #tpu.memory_space<semaphore_mem>>
      %dma_start3A_453 = arith.constant 0 : i32
      %dma_start3A_454 = tpu.memref_slice %arg13[%add3A_14, %dma_start3A_453] : memref<10240x128xf32, #tpu.memory_space<vmem_shared>> -> memref<80x128xf32, #tpu.memory_space<vmem_shared>>
      %dma_start3A_455 = arith.constant 0 : i32
      %dma_start3A_456 = tpu.memref_slice %arg13[%add3A_14, %dma_start3A_455] : memref<10240x128xf32, #tpu.memory_space<vmem_shared>> -> memref<80x128xf32, #tpu.memory_space<vmem_shared>>
      tpu.enqueue_dma source(%arg11 : memref<80x128xf32, #tpu.memory_space<vmem>>) target(%dma_start3A_456 : memref<80x128xf32, #tpu.memory_space<vmem_shared>>) target_semaphore(%run_scoped3A : memref<!tpu.dma_semaphore, #tpu.memory_space<semaphore_mem>>)
      %dma_wait3A_457 = arith.constant 0 : i32
      %dma_wait3A_458 = tpu.memref_slice %arg13[%add3A_14, %dma_wait3A_457] : memref<10240x128xf32, #tpu.memory_space<vmem_shared>> -> memref<80x128xf32, #tpu.memory_space<vmem_shared>>
      %dma_wait3A_459 = arith.constant 0 : i32
      %dma_wait3A_460 = tpu.memref_slice %arg13[%add3A_14, %dma_wait3A_459] : memref<10240x128xf32, #tpu.memory_space<vmem_shared>> -> memref<80x128xf32, #tpu.memory_space<vmem_shared>>
      tpu.wait_dma2 semaphore(%run_scoped3A : memref<!tpu.dma_semaphore, #tpu.memory_space<semaphore_mem>>) src(%arg11 : memref<80x128xf32, #tpu.memory_space<vmem>>) dst(%dma_wait3A_460 : memref<80x128xf32, #tpu.memory_space<vmem_shared>>)
      tpu.yield
    }) : () -> ()
    %add3A_15 = arith.constant 400 : i32
    %add3A_16 = arith.addi %mul3A_5, %add3A_15 : i32
    "tpu.region"() ({
      %run_scoped3A = tpu.sem_alloc : memref<!tpu.dma_semaphore, #tpu.memory_space<semaphore_mem>>
      %dma_start3A_453 = arith.constant 0 : i32
      %dma_start3A_454 = tpu.memref_slice %arg13[%add3A_16, %dma_start3A_453] : memref<10240x128xf32, #tpu.memory_space<vmem_shared>> -> memref<80x128xf32, #tpu.memory_space<vmem_shared>>
      %dma_start3A_455 = arith.constant 0 : i32
      %dma_start3A_456 = tpu.memref_slice %arg13[%add3A_16, %dma_start3A_455] : memref<10240x128xf32, #tpu.memory_space<vmem_shared>> -> memref<80x128xf32, #tpu.memory_space<vmem_shared>>
      tpu.enqueue_dma source(%arg11 : memref<80x128xf32, #tpu.memory_space<vmem>>) target(%dma_start3A_456 : memref<80x128xf32, #tpu.memory_space<vmem_shared>>) target_semaphore(%run_scoped3A : memref<!tpu.dma_semaphore, #tpu.memory_space<semaphore_mem>>)
      %dma_wait3A_457 = arith.constant 0 : i32
      %dma_wait3A_458 = tpu.memref_slice %arg13[%add3A_16, %dma_wait3A_457] : memref<10240x128xf32, #tpu.memory_space<vmem_shared>> -> memref<80x128xf32, #tpu.memory_space<vmem_shared>>
      %dma_wait3A_459 = arith.constant 0 : i32
      %dma_wait3A_460 = tpu.memref_slice %arg13[%add3A_16, %dma_wait3A_459] : memref<10240x128xf32, #tpu.memory_space<vmem_shared>> -> memref<80x128xf32, #tpu.memory_space<vmem_shared>>
      tpu.wait_dma2 semaphore(%run_scoped3A : memref<!tpu.dma_semaphore, #tpu.memory_space<semaphore_mem>>) src(%arg11 : memref<80x128xf32, #tpu.memory_space<vmem>>) dst(%dma_wait3A_460 : memref<80x128xf32, #tpu.memory_space<vmem_shared>>)
      tpu.yield
    }) : () -> ()
    %add3A_17 = arith.constant 480 : i32
    %add3A_18 = arith.addi %mul3A_5, %add3A_17 : i32
    "tpu.region"() ({
      %run_scoped3A = tpu.sem_alloc : memref<!tpu.dma_semaphore, #tpu.memory_space<semaphore_mem>>
      %dma_start3A_453 = arith.constant 0 : i32
      %dma_start3A_454 = tpu.memref_slice %arg13[%add3A_18, %dma_start3A_453] : memref<10240x128xf32, #tpu.memory_space<vmem_shared>> -> memref<80x128xf32, #tpu.memory_space<vmem_shared>>
      %dma_start3A_455 = arith.constant 0 : i32
      %dma_start3A_456 = tpu.memref_slice %arg13[%add3A_18, %dma_start3A_455] : memref<10240x128xf32, #tpu.memory_space<vmem_shared>> -> memref<80x128xf32, #tpu.memory_space<vmem_shared>>
      tpu.enqueue_dma source(%arg11 : memref<80x128xf32, #tpu.memory_space<vmem>>) target(%dma_start3A_456 : memref<80x128xf32, #tpu.memory_space<vmem_shared>>) target_semaphore(%run_scoped3A : memref<!tpu.dma_semaphore, #tpu.memory_space<semaphore_mem>>)
      %dma_wait3A_457 = arith.constant 0 : i32
      %dma_wait3A_458 = tpu.memref_slice %arg13[%add3A_18, %dma_wait3A_457] : memref<10240x128xf32, #tpu.memory_space<vmem_shared>> -> memref<80x128xf32, #tpu.memory_space<vmem_shared>>
      %dma_wait3A_459 = arith.constant 0 : i32
      %dma_wait3A_460 = tpu.memref_slice %arg13[%add3A_18, %dma_wait3A_459] : memref<10240x128xf32, #tpu.memory_space<vmem_shared>> -> memref<80x128xf32, #tpu.memory_space<vmem_shared>>
      tpu.wait_dma2 semaphore(%run_scoped3A : memref<!tpu.dma_semaphore, #tpu.memory_space<semaphore_mem>>) src(%arg11 : memref<80x128xf32, #tpu.memory_space<vmem>>) dst(%dma_wait3A_460 : memref<80x128xf32, #tpu.memory_space<vmem_shared>>)
      tpu.yield
    }) : () -> ()
    %add3A_19 = arith.constant 560 : i32
    %add3A_20 = arith.addi %mul3A_5, %add3A_19 : i32
    "tpu.region"() ({
      %run_scoped3A = tpu.sem_alloc : memref<!tpu.dma_semaphore, #tpu.memory_space<semaphore_mem>>
      %dma_start3A_453 = arith.constant 0 : i32
      %dma_start3A_454 = tpu.memref_slice %arg13[%add3A_20, %dma_start3A_453] : memref<10240x128xf32, #tpu.memory_space<vmem_shared>> -> memref<80x128xf32, #tpu.memory_space<vmem_shared>>
      %dma_start3A_455 = arith.constant 0 : i32
      %dma_start3A_456 = tpu.memref_slice %arg13[%add3A_20, %dma_start3A_455] : memref<10240x128xf32, #tpu.memory_space<vmem_shared>> -> memref<80x128xf32, #tpu.memory_space<vmem_shared>>
      tpu.enqueue_dma source(%arg11 : memref<80x128xf32, #tpu.memory_space<vmem>>) target(%dma_start3A_456 : memref<80x128xf32, #tpu.memory_space<vmem_shared>>) target_semaphore(%run_scoped3A : memref<!tpu.dma_semaphore, #tpu.memory_space<semaphore_mem>>)
      %dma_wait3A_457 = arith.constant 0 : i32
      %dma_wait3A_458 = tpu.memref_slice %arg13[%add3A_20, %dma_wait3A_457] : memref<10240x128xf32, #tpu.memory_space<vmem_shared>> -> memref<80x128xf32, #tpu.memory_space<vmem_shared>>
      %dma_wait3A_459 = arith.constant 0 : i32
      %dma_wait3A_460 = tpu.memref_slice %arg13[%add3A_20, %dma_wait3A_459] : memref<10240x128xf32, #tpu.memory_space<vmem_shared>> -> memref<80x128xf32, #tpu.memory_space<vmem_shared>>
      tpu.wait_dma2 semaphore(%run_scoped3A : memref<!tpu.dma_semaphore, #tpu.memory_space<semaphore_mem>>) src(%arg11 : memref<80x128xf32, #tpu.memory_space<vmem>>) dst(%dma_wait3A_460 : memref<80x128xf32, #tpu.memory_space<vmem_shared>>)
      tpu.yield
    }) : () -> ()
    %barrier3A = arith.constant 0 : index
    tpu.barrier barrier_id(%barrier3A)
    %mul3A_21 = arith.constant 16 : i32
    %mul3A_22 = arith.muli %arg0, %mul3A_21 : i32
    %add3A_23 = arith.addi %mul3A_22, %arg1 : i32
    %mul3A_24 = arith.constant 125 : i32
    %mul3A_25 = arith.muli %add3A_23, %mul3A_24 : i32
    %add3A_26 = arith.constant 0 : i32
    %add3A_27 = arith.addi %mul3A_25, %add3A_26 : i32
    %min3A = arith.constant 3999 : i32
    %min3A_28 = arith.minsi %add3A_27, %min3A : i32
    %dma_start3A = arith.constant 0 : i32
    %dma_start3A_29 = arith.constant 0 : i32
    %dma_start3A_30 = tpu.memref_slice %arg3[%min3A_28, %dma_start3A, %dma_start3A_29] : memref<4000x2x80xi32, #tpu.memory_space<hbm>> -> memref<1x2x80xi32, #tpu.memory_space<hbm>>
    %dma_start3A_31 = tpu.memref_squeeze %dma_start3A_30 : memref<1x2x80xi32, #tpu.memory_space<hbm>> -> memref<2x80xi32, #tpu.memory_space<hbm>>
    %dma_start3A_32 = arith.constant 0 : i32
    %dma_start3A_33 = arith.constant 0 : i32
    %dma_start3A_34 = tpu.memref_slice %arg3[%min3A_28, %dma_start3A_32, %dma_start3A_33] : memref<4000x2x80xi32, #tpu.memory_space<hbm>> -> memref<1x2x80xi32, #tpu.memory_space<hbm>>
    %dma_start3A_35 = tpu.memref_squeeze %dma_start3A_34 : memref<1x2x80xi32, #tpu.memory_space<hbm>> -> memref<2x80xi32, #tpu.memory_space<hbm>>
    tpu.enqueue_dma source(%dma_start3A_35 : memref<2x80xi32, #tpu.memory_space<hbm>>) target(%arg5 : memref<2x80xi32, #tpu.memory_space<vmem>>) target_semaphore(%arg14 : memref<!tpu.dma_semaphore, #tpu.memory_space<semaphore_mem>>)
    %add3A_36 = arith.constant 1 : i32
    %add3A_37 = arith.addi %mul3A_25, %add3A_36 : i32
    %min3A_38 = arith.constant 3999 : i32
    %min3A_39 = arith.minsi %add3A_37, %min3A_38 : i32
    %dma_start3A_40 = arith.constant 0 : i32
    %dma_start3A_41 = arith.constant 0 : i32
    %dma_start3A_42 = tpu.memref_slice %arg3[%min3A_39, %dma_start3A_40, %dma_start3A_41] : memref<4000x2x80xi32, #tpu.memory_space<hbm>> -> memref<1x2x80xi32, #tpu.memory_space<hbm>>
    %dma_start3A_43 = tpu.memref_squeeze %dma_start3A_42 : memref<1x2x80xi32, #tpu.memory_space<hbm>> -> memref<2x80xi32, #tpu.memory_space<hbm>>
    %dma_start3A_44 = arith.constant 0 : i32
    %dma_start3A_45 = arith.constant 0 : i32
    %dma_start3A_46 = tpu.memref_slice %arg3[%min3A_39, %dma_start3A_44, %dma_start3A_45] : memref<4000x2x80xi32, #tpu.memory_space<hbm>> -> memref<1x2x80xi32, #tpu.memory_space<hbm>>
    %dma_start3A_47 = tpu.memref_squeeze %dma_start3A_46 : memref<1x2x80xi32, #tpu.memory_space<hbm>> -> memref<2x80xi32, #tpu.memory_space<hbm>>
    tpu.enqueue_dma source(%dma_start3A_47 : memref<2x80xi32, #tpu.memory_space<hbm>>) target(%arg6 : memref<2x80xi32, #tpu.memory_space<vmem>>) target_semaphore(%arg15 : memref<!tpu.dma_semaphore, #tpu.memory_space<semaphore_mem>>)
    %dma_wait3A = arith.constant 0 : i32
    %dma_wait3A_48 = arith.constant 0 : i32
    %dma_wait3A_49 = arith.constant 0 : i32
    %dma_wait3A_50 = tpu.memref_slice %arg3[%dma_wait3A, %dma_wait3A_48, %dma_wait3A_49] : memref<4000x2x80xi32, #tpu.memory_space<hbm>> -> memref<1x2x80xi32, #tpu.memory_space<hbm>>
    %dma_wait3A_51 = tpu.memref_squeeze %dma_wait3A_50 : memref<1x2x80xi32, #tpu.memory_space<hbm>> -> memref<2x80xi32, #tpu.memory_space<hbm>>
    %dma_wait3A_52 = arith.constant 0 : i32
    %dma_wait3A_53 = arith.constant 0 : i32
    %dma_wait3A_54 = tpu.memref_slice %arg3[%dma_wait3A, %dma_wait3A_52, %dma_wait3A_53] : memref<4000x2x80xi32, #tpu.memory_space<hbm>> -> memref<1x2x80xi32, #tpu.memory_space<hbm>>
    %dma_wait3A_55 = tpu.memref_squeeze %dma_wait3A_54 : memref<1x2x80xi32, #tpu.memory_space<hbm>> -> memref<2x80xi32, #tpu.memory_space<hbm>>
    tpu.wait_dma2 semaphore(%arg14 : memref<!tpu.dma_semaphore, #tpu.memory_space<semaphore_mem>>) src(%dma_wait3A_55 : memref<2x80xi32, #tpu.memory_space<hbm>>) dst(%arg5 : memref<2x80xi32, #tpu.memory_space<vmem>>)
    %get3A = arith.constant 0 : i32
    %get3A_56 = arith.index_cast %get3A : i32 to index
    %get3A_57 = arith.constant 0 : index
    %get3A_58 = tpu.vector_load %arg5[%get3A_56, %get3A_57] {strides = array<i32>} : memref<2x80xi32, #tpu.memory_space<vmem>>, vector<1x16xi32>,
    %get3A_59 = vector.shape_cast %get3A_58 : vector<1x16xi32> to vector<16xi32>
    %swap3A = arith.constant 0 : index
    %swap3A_60 = tpu.vector_load %arg7[%swap3A] {strides = array<i32>} : memref<80xi32, #tpu.memory_space<vmem>>, vector<16xi32>,
    %swap3A_61 = vector.shape_cast %swap3A_60 : vector<16xi32> to vector<16xi32>
    %swap3A_62 = vector.shape_cast %get3A_59 : vector<16xi32> to vector<16xi32>
    tpu.vector_store %arg7[%swap3A], %swap3A_62 {strides = array<i32>} : memref<80xi32, #tpu.memory_space<vmem>>, vector<16xi32>,
    %get3A_63 = arith.constant 0 : i32
    %get3A_64 = arith.index_cast %get3A_63 : i32 to index
    %get3A_65 = arith.constant 16 : index
    %get3A_66 = tpu.vector_load %arg5[%get3A_64, %get3A_65] {strides = array<i32>} : memref<2x80xi32, #tpu.memory_space<vmem>>, vector<1x16xi32>,
    %get3A_67 = vector.shape_cast %get3A_66 : vector<1x16xi32> to vector<16xi32>
    %swap3A_68 = arith.constant 16 : index
    %swap3A_69 = tpu.vector_load %arg7[%swap3A_68] {strides = array<i32>} : memref<80xi32, #tpu.memory_space<vmem>>, vector<16xi32>,
    %swap3A_70 = vector.shape_cast %swap3A_69 : vector<16xi32> to vector<16xi32>
    %swap3A_71 = vector.shape_cast %get3A_67 : vector<16xi32> to vector<16xi32>
    tpu.vector_store %arg7[%swap3A_68], %swap3A_71 {strides = array<i32>} : memref<80xi32, #tpu.memory_space<vmem>>, vector<16xi32>,
    %get3A_72 = arith.constant 0 : i32
    %get3A_73 = arith.index_cast %get3A_72 : i32 to index
    %get3A_74 = arith.constant 32 : index
    %get3A_75 = tpu.vector_load %arg5[%get3A_73, %get3A_74] {strides = array<i32>} : memref<2x80xi32, #tpu.memory_space<vmem>>, vector<1x16xi32>,
    %get3A_76 = vector.shape_cast %get3A_75 : vector<1x16xi32> to vector<16xi32>
    %swap3A_77 = arith.constant 32 : index
    %swap3A_78 = tpu.vector_load %arg7[%swap3A_77] {strides = array<i32>} : memref<80xi32, #tpu.memory_space<vmem>>, vector<16xi32>,
    %swap3A_79 = vector.shape_cast %swap3A_78 : vector<16xi32> to vector<16xi32>
    %swap3A_80 = vector.shape_cast %get3A_76 : vector<16xi32> to vector<16xi32>
    tpu.vector_store %arg7[%swap3A_77], %swap3A_80 {strides = array<i32>} : memref<80xi32, #tpu.memory_space<vmem>>, vector<16xi32>,
    %get3A_81 = arith.constant 0 : i32
    %get3A_82 = arith.index_cast %get3A_81 : i32 to index
    %get3A_83 = arith.constant 48 : index
    %get3A_84 = tpu.vector_load %arg5[%get3A_82, %get3A_83] {strides = array<i32>} : memref<2x80xi32, #tpu.memory_space<vmem>>, vector<1x16xi32>,
    %get3A_85 = vector.shape_cast %get3A_84 : vector<1x16xi32> to vector<16xi32>
    %swap3A_86 = arith.constant 48 : index
    %swap3A_87 = tpu.vector_load %arg7[%swap3A_86] {strides = array<i32>} : memref<80xi32, #tpu.memory_space<vmem>>, vector<16xi32>,
    %swap3A_88 = vector.shape_cast %swap3A_87 : vector<16xi32> to vector<16xi32>
    %swap3A_89 = vector.shape_cast %get3A_85 : vector<16xi32> to vector<16xi32>
    tpu.vector_store %arg7[%swap3A_86], %swap3A_89 {strides = array<i32>} : memref<80xi32, #tpu.memory_space<vmem>>, vector<16xi32>,
    %get3A_90 = arith.constant 0 : i32
    %get3A_91 = arith.index_cast %get3A_90 : i32 to index
    %get3A_92 = arith.constant 64 : index
    %get3A_93 = tpu.vector_load %arg5[%get3A_91, %get3A_92] {strides = array<i32>} : memref<2x80xi32, #tpu.memory_space<vmem>>, vector<1x16xi32>,
    %get3A_94 = vector.shape_cast %get3A_93 : vector<1x16xi32> to vector<16xi32>
    %swap3A_95 = arith.constant 64 : index
    %swap3A_96 = tpu.vector_load %arg7[%swap3A_95] {strides = array<i32>} : memref<80xi32, #tpu.memory_space<vmem>>, vector<16xi32>,
    %swap3A_97 = vector.shape_cast %swap3A_96 : vector<16xi32> to vector<16xi32>
    %swap3A_98 = vector.shape_cast %get3A_94 : vector<16xi32> to vector<16xi32>
    tpu.vector_store %arg7[%swap3A_95], %swap3A_98 {strides = array<i32>} : memref<80xi32, #tpu.memory_space<vmem>>, vector<16xi32>,
    %get3A_99 = arith.constant 1 : i32
    %get3A_100 = arith.index_cast %get3A_99 : i32 to index
    %get3A_101 = arith.constant 0 : index
    %get3A_102 = tpu.vector_load %arg5[%get3A_100, %get3A_101] {strides = array<i32>} : memref<2x80xi32, #tpu.memory_space<vmem>>, vector<1x16xi32>,
    %get3A_103 = vector.shape_cast %get3A_102 : vector<1x16xi32> to vector<16xi32>
    %swap3A_104 = arith.constant 0 : index
    %swap3A_105 = tpu.vector_load %arg9[%swap3A_104] {strides = array<i32>} : memref<80xi32, #tpu.memory_space<vmem>>, vector<16xi32>,
    %swap3A_106 = vector.shape_cast %swap3A_105 : vector<16xi32> to vector<16xi32>
    %swap3A_107 = vector.shape_cast %get3A_103 : vector<16xi32> to vector<16xi32>
    tpu.vector_store %arg9[%swap3A_104], %swap3A_107 {strides = array<i32>} : memref<80xi32, #tpu.memory_space<vmem>>, vector<16xi32>,
    %get3A_108 = arith.constant 1 : i32
    %get3A_109 = arith.index_cast %get3A_108 : i32 to index
    %get3A_110 = arith.constant 16 : index
    %get3A_111 = tpu.vector_load %arg5[%get3A_109, %get3A_110] {strides = array<i32>} : memref<2x80xi32, #tpu.memory_space<vmem>>, vector<1x16xi32>,
    %get3A_112 = vector.shape_cast %get3A_111 : vector<1x16xi32> to vector<16xi32>
    %swap3A_113 = arith.constant 16 : index
    %swap3A_114 = tpu.vector_load %arg9[%swap3A_113] {strides = array<i32>} : memref<80xi32, #tpu.memory_space<vmem>>, vector<16xi32>,
    %swap3A_115 = vector.shape_cast %swap3A_114 : vector<16xi32> to vector<16xi32>
    %swap3A_116 = vector.shape_cast %get3A_112 : vector<16xi32> to vector<16xi32>
    tpu.vector_store %arg9[%swap3A_113], %swap3A_116 {strides = array<i32>} : memref<80xi32, #tpu.memory_space<vmem>>, vector<16xi32>,
    %get3A_117 = arith.constant 1 : i32
    %get3A_118 = arith.index_cast %get3A_117 : i32 to index
    %get3A_119 = arith.constant 32 : index
    %get3A_120 = tpu.vector_load %arg5[%get3A_118, %get3A_119] {strides = array<i32>} : memref<2x80xi32, #tpu.memory_space<vmem>>, vector<1x16xi32>,
    %get3A_121 = vector.shape_cast %get3A_120 : vector<1x16xi32> to vector<16xi32>
    %swap3A_122 = arith.constant 32 : index
    %swap3A_123 = tpu.vector_load %arg9[%swap3A_122] {strides = array<i32>} : memref<80xi32, #tpu.memory_space<vmem>>, vector<16xi32>,
    %swap3A_124 = vector.shape_cast %swap3A_123 : vector<16xi32> to vector<16xi32>
    %swap3A_125 = vector.shape_cast %get3A_121 : vector<16xi32> to vector<16xi32>
    tpu.vector_store %arg9[%swap3A_122], %swap3A_125 {strides = array<i32>} : memref<80xi32, #tpu.memory_space<vmem>>, vector<16xi32>,
    %get3A_126 = arith.constant 1 : i32
    %get3A_127 = arith.index_cast %get3A_126 : i32 to index
    %get3A_128 = arith.constant 48 : index
    %get3A_129 = tpu.vector_load %arg5[%get3A_127, %get3A_128] {strides = array<i32>} : memref<2x80xi32, #tpu.memory_space<vmem>>, vector<1x16xi32>,
    %get3A_130 = vector.shape_cast %get3A_129 : vector<1x16xi32> to vector<16xi32>
    %swap3A_131 = arith.constant 48 : index
    %swap3A_132 = tpu.vector_load %arg9[%swap3A_131] {strides = array<i32>} : memref<80xi32, #tpu.memory_space<vmem>>, vector<16xi32>,
    %swap3A_133 = vector.shape_cast %swap3A_132 : vector<16xi32> to vector<16xi32>
    %swap3A_134 = vector.shape_cast %get3A_130 : vector<16xi32> to vector<16xi32>
    tpu.vector_store %arg9[%swap3A_131], %swap3A_134 {strides = array<i32>} : memref<80xi32, #tpu.memory_space<vmem>>, vector<16xi32>,
    %get3A_135 = arith.constant 1 : i32
    %get3A_136 = arith.index_cast %get3A_135 : i32 to index
    %get3A_137 = arith.constant 64 : index
    %get3A_138 = tpu.vector_load %arg5[%get3A_136, %get3A_137] {strides = array<i32>} : memref<2x80xi32, #tpu.memory_space<vmem>>, vector<1x16xi32>,
    %get3A_139 = vector.shape_cast %get3A_138 : vector<1x16xi32> to vector<16xi32>
    %swap3A_140 = arith.constant 64 : index
    %swap3A_141 = tpu.vector_load %arg9[%swap3A_140] {strides = array<i32>} : memref<80xi32, #tpu.memory_space<vmem>>, vector<16xi32>,
    %swap3A_142 = vector.shape_cast %swap3A_141 : vector<16xi32> to vector<16xi32>
    %swap3A_143 = vector.shape_cast %get3A_139 : vector<16xi32> to vector<16xi32>
    tpu.vector_store %arg9[%swap3A_140], %swap3A_143 {strides = array<i32>} : memref<80xi32, #tpu.memory_space<vmem>>, vector<16xi32>,
    %add3A_144 = arith.constant 2 : i32
    %add3A_145 = arith.addi %mul3A_25, %add3A_144 : i32
    %min3A_146 = arith.constant 3999 : i32
    %min3A_147 = arith.minsi %add3A_145, %min3A_146 : i32
    %dma_start3A_148 = arith.constant 0 : i32
    %dma_start3A_149 = arith.constant 0 : i32
    %dma_start3A_150 = tpu.memref_slice %arg3[%min3A_147, %dma_start3A_148, %dma_start3A_149] : memref<4000x2x80xi32, #tpu.memory_space<hbm>> -> memref<1x2x80xi32, #tpu.memory_space<hbm>>
    %dma_start3A_151 = tpu.memref_squeeze %dma_start3A_150 : memref<1x2x80xi32, #tpu.memory_space<hbm>> -> memref<2x80xi32, #tpu.memory_space<hbm>>
    %dma_start3A_152 = arith.constant 0 : i32
    %dma_start3A_153 = arith.constant 0 : i32
    %dma_start3A_154 = tpu.memref_slice %arg3[%min3A_147, %dma_start3A_152, %dma_start3A_153] : memref<4000x2x80xi32, #tpu.memory_space<hbm>> -> memref<1x2x80xi32, #tpu.memory_space<hbm>>
    %dma_start3A_155 = tpu.memref_squeeze %dma_start3A_154 : memref<1x2x80xi32, #tpu.memory_space<hbm>> -> memref<2x80xi32, #tpu.memory_space<hbm>>
    tpu.enqueue_dma source(%dma_start3A_155 : memref<2x80xi32, #tpu.memory_space<hbm>>) target(%arg5 : memref<2x80xi32, #tpu.memory_space<vmem>>) target_semaphore(%arg14 : memref<!tpu.dma_semaphore, #tpu.memory_space<semaphore_mem>>)
    %dma_start3A_156 = arith.constant 0 : i32
    %dma_start3A_157 = arith.constant 0 : i32
    %dma_start3A_158 = tpu.memref_slice %arg2[%dma_start3A_156, %dma_start3A_157] : memref<10240x128xf32, #tpu.memory_space<hbm>> -> memref<10240x128xf32, #tpu.memory_space<hbm>>
    tpu.enqueue_indirect_dma source(%dma_start3A_158 : memref<10240x128xf32, #tpu.memory_space<hbm>>) target(%arg11 : memref<80x128xf32, #tpu.memory_space<vmem>>) offsets(%arg7 : memref<80xi32, #tpu.memory_space<vmem>>) semaphore(%arg16 : memref<!tpu.dma_semaphore, #tpu.memory_space<semaphore_mem>>)
    %dma_wait3A_159 = arith.constant 0 : i32
    %dma_wait3A_160 = arith.constant 0 : i32
    %dma_wait3A_161 = arith.constant 0 : i32
    %dma_wait3A_162 = tpu.memref_slice %arg3[%dma_wait3A_159, %dma_wait3A_160, %dma_wait3A_161] : memref<4000x2x80xi32, #tpu.memory_space<hbm>> -> memref<1x2x80xi32, #tpu.memory_space<hbm>>
    %dma_wait3A_163 = tpu.memref_squeeze %dma_wait3A_162 : memref<1x2x80xi32, #tpu.memory_space<hbm>> -> memref<2x80xi32, #tpu.memory_space<hbm>>
    %dma_wait3A_164 = arith.constant 0 : i32
    %dma_wait3A_165 = arith.constant 0 : i32
    %dma_wait3A_166 = tpu.memref_slice %arg3[%dma_wait3A_159, %dma_wait3A_164, %dma_wait3A_165] : memref<4000x2x80xi32, #tpu.memory_space<hbm>> -> memref<1x2x80xi32, #tpu.memory_space<hbm>>
    %dma_wait3A_167 = tpu.memref_squeeze %dma_wait3A_166 : memref<1x2x80xi32, #tpu.memory_space<hbm>> -> memref<2x80xi32, #tpu.memory_space<hbm>>
    tpu.wait_dma2 semaphore(%arg15 : memref<!tpu.dma_semaphore, #tpu.memory_space<semaphore_mem>>) src(%dma_wait3A_167 : memref<2x80xi32, #tpu.memory_space<hbm>>) dst(%arg6 : memref<2x80xi32, #tpu.memory_space<vmem>>)
    %get3A_168 = arith.constant 0 : i32
    %get3A_169 = arith.index_cast %get3A_168 : i32 to index
    %get3A_170 = arith.constant 0 : index
    %get3A_171 = tpu.vector_load %arg6[%get3A_169, %get3A_170] {strides = array<i32>} : memref<2x80xi32, #tpu.memory_space<vmem>>, vector<1x16xi32>,
    %get3A_172 = vector.shape_cast %get3A_171 : vector<1x16xi32> to vector<16xi32>
    %swap3A_173 = arith.constant 0 : index
    %swap3A_174 = tpu.vector_load %arg8[%swap3A_173] {strides = array<i32>} : memref<80xi32, #tpu.memory_space<vmem>>, vector<16xi32>,
    %swap3A_175 = vector.shape_cast %swap3A_174 : vector<16xi32> to vector<16xi32>
    %swap3A_176 = vector.shape_cast %get3A_172 : vector<16xi32> to vector<16xi32>
    tpu.vector_store %arg8[%swap3A_173], %swap3A_176 {strides = array<i32>} : memref<80xi32, #tpu.memory_space<vmem>>, vector<16xi32>,
    %get3A_177 = arith.constant 0 : i32
    %get3A_178 = arith.index_cast %get3A_177 : i32 to index
    %get3A_179 = arith.constant 16 : index
    %get3A_180 = tpu.vector_load %arg6[%get3A_178, %get3A_179] {strides = array<i32>} : memref<2x80xi32, #tpu.memory_space<vmem>>, vector<1x16xi32>,
    %get3A_181 = vector.shape_cast %get3A_180 : vector<1x16xi32> to vector<16xi32>
    %swap3A_182 = arith.constant 16 : index
    %swap3A_183 = tpu.vector_load %arg8[%swap3A_182] {strides = array<i32>} : memref<80xi32, #tpu.memory_space<vmem>>, vector<16xi32>,
    %swap3A_184 = vector.shape_cast %swap3A_183 : vector<16xi32> to vector<16xi32>
    %swap3A_185 = vector.shape_cast %get3A_181 : vector<16xi32> to vector<16xi32>
    tpu.vector_store %arg8[%swap3A_182], %swap3A_185 {strides = array<i32>} : memref<80xi32, #tpu.memory_space<vmem>>, vector<16xi32>,
    %get3A_186 = arith.constant 0 : i32
    %get3A_187 = arith.index_cast %get3A_186 : i32 to index
    %get3A_188 = arith.constant 32 : index
    %get3A_189 = tpu.vector_load %arg6[%get3A_187, %get3A_188] {strides = array<i32>} : memref<2x80xi32, #tpu.memory_space<vmem>>, vector<1x16xi32>,
    %get3A_190 = vector.shape_cast %get3A_189 : vector<1x16xi32> to vector<16xi32>
    %swap3A_191 = arith.constant 32 : index
    %swap3A_192 = tpu.vector_load %arg8[%swap3A_191] {strides = array<i32>} : memref<80xi32, #tpu.memory_space<vmem>>, vector<16xi32>,
    %swap3A_193 = vector.shape_cast %swap3A_192 : vector<16xi32> to vector<16xi32>
    %swap3A_194 = vector.shape_cast %get3A_190 : vector<16xi32> to vector<16xi32>
    tpu.vector_store %arg8[%swap3A_191], %swap3A_194 {strides = array<i32>} : memref<80xi32, #tpu.memory_space<vmem>>, vector<16xi32>,
    %get3A_195 = arith.constant 0 : i32
    %get3A_196 = arith.index_cast %get3A_195 : i32 to index
    %get3A_197 = arith.constant 48 : index
    %get3A_198 = tpu.vector_load %arg6[%get3A_196, %get3A_197] {strides = array<i32>} : memref<2x80xi32, #tpu.memory_space<vmem>>, vector<1x16xi32>,
    %get3A_199 = vector.shape_cast %get3A_198 : vector<1x16xi32> to vector<16xi32>
    %swap3A_200 = arith.constant 48 : index
    %swap3A_201 = tpu.vector_load %arg8[%swap3A_200] {strides = array<i32>} : memref<80xi32, #tpu.memory_space<vmem>>, vector<16xi32>,
    %swap3A_202 = vector.shape_cast %swap3A_201 : vector<16xi32> to vector<16xi32>
    %swap3A_203 = vector.shape_cast %get3A_199 : vector<16xi32> to vector<16xi32>
    tpu.vector_store %arg8[%swap3A_200], %swap3A_203 {strides = array<i32>} : memref<80xi32, #tpu.memory_space<vmem>>, vector<16xi32>,
    %get3A_204 = arith.constant 0 : i32
    %get3A_205 = arith.index_cast %get3A_204 : i32 to index
    %get3A_206 = arith.constant 64 : index
    %get3A_207 = tpu.vector_load %arg6[%get3A_205, %get3A_206] {strides = array<i32>} : memref<2x80xi32, #tpu.memory_space<vmem>>, vector<1x16xi32>,
    %get3A_208 = vector.shape_cast %get3A_207 : vector<1x16xi32> to vector<16xi32>
    %swap3A_209 = arith.constant 64 : index
    %swap3A_210 = tpu.vector_load %arg8[%swap3A_209] {strides = array<i32>} : memref<80xi32, #tpu.memory_space<vmem>>, vector<16xi32>,
    %swap3A_211 = vector.shape_cast %swap3A_210 : vector<16xi32> to vector<16xi32>
    %swap3A_212 = vector.shape_cast %get3A_208 : vector<16xi32> to vector<16xi32>
    tpu.vector_store %arg8[%swap3A_209], %swap3A_212 {strides = array<i32>} : memref<80xi32, #tpu.memory_space<vmem>>, vector<16xi32>,
    %get3A_213 = arith.constant 1 : i32
    %get3A_214 = arith.index_cast %get3A_213 : i32 to index
    %get3A_215 = arith.constant 0 : index
    %get3A_216 = tpu.vector_load %arg6[%get3A_214, %get3A_215] {strides = array<i32>} : memref<2x80xi32, #tpu.memory_space<vmem>>, vector<1x16xi32>,
    %get3A_217 = vector.shape_cast %get3A_216 : vector<1x16xi32> to vector<16xi32>
    %swap3A_218 = arith.constant 0 : index
    %swap3A_219 = tpu.vector_load %arg10[%swap3A_218] {strides = array<i32>} : memref<80xi32, #tpu.memory_space<vmem>>, vector<16xi32>,
    %swap3A_220 = vector.shape_cast %swap3A_219 : vector<16xi32> to vector<16xi32>
    %swap3A_221 = vector.shape_cast %get3A_217 : vector<16xi32> to vector<16xi32>
    tpu.vector_store %arg10[%swap3A_218], %swap3A_221 {strides = array<i32>} : memref<80xi32, #tpu.memory_space<vmem>>, vector<16xi32>,
    %get3A_222 = arith.constant 1 : i32
    %get3A_223 = arith.index_cast %get3A_222 : i32 to index
    %get3A_224 = arith.constant 16 : index
    %get3A_225 = tpu.vector_load %arg6[%get3A_223, %get3A_224] {strides = array<i32>} : memref<2x80xi32, #tpu.memory_space<vmem>>, vector<1x16xi32>,
    %get3A_226 = vector.shape_cast %get3A_225 : vector<1x16xi32> to vector<16xi32>
    %swap3A_227 = arith.constant 16 : index
    %swap3A_228 = tpu.vector_load %arg10[%swap3A_227] {strides = array<i32>} : memref<80xi32, #tpu.memory_space<vmem>>, vector<16xi32>,
    %swap3A_229 = vector.shape_cast %swap3A_228 : vector<16xi32> to vector<16xi32>
    %swap3A_230 = vector.shape_cast %get3A_226 : vector<16xi32> to vector<16xi32>
    tpu.vector_store %arg10[%swap3A_227], %swap3A_230 {strides = array<i32>} : memref<80xi32, #tpu.memory_space<vmem>>, vector<16xi32>,
    %get3A_231 = arith.constant 1 : i32
    %get3A_232 = arith.index_cast %get3A_231 : i32 to index
    %get3A_233 = arith.constant 32 : index
    %get3A_234 = tpu.vector_load %arg6[%get3A_232, %get3A_233] {strides = array<i32>} : memref<2x80xi32, #tpu.memory_space<vmem>>, vector<1x16xi32>,
    %get3A_235 = vector.shape_cast %get3A_234 : vector<1x16xi32> to vector<16xi32>
    %swap3A_236 = arith.constant 32 : index
    %swap3A_237 = tpu.vector_load %arg10[%swap3A_236] {strides = array<i32>} : memref<80xi32, #tpu.memory_space<vmem>>, vector<16xi32>,
    %swap3A_238 = vector.shape_cast %swap3A_237 : vector<16xi32> to vector<16xi32>
    %swap3A_239 = vector.shape_cast %get3A_235 : vector<16xi32> to vector<16xi32>
    tpu.vector_store %arg10[%swap3A_236], %swap3A_239 {strides = array<i32>} : memref<80xi32, #tpu.memory_space<vmem>>, vector<16xi32>,
    %get3A_240 = arith.constant 1 : i32
    %get3A_241 = arith.index_cast %get3A_240 : i32 to index
    %get3A_242 = arith.constant 48 : index
    %get3A_243 = tpu.vector_load %arg6[%get3A_241, %get3A_242] {strides = array<i32>} : memref<2x80xi32, #tpu.memory_space<vmem>>, vector<1x16xi32>,
    %get3A_244 = vector.shape_cast %get3A_243 : vector<1x16xi32> to vector<16xi32>
    %swap3A_245 = arith.constant 48 : index
    %swap3A_246 = tpu.vector_load %arg10[%swap3A_245] {strides = array<i32>} : memref<80xi32, #tpu.memory_space<vmem>>, vector<16xi32>,
    %swap3A_247 = vector.shape_cast %swap3A_246 : vector<16xi32> to vector<16xi32>
    %swap3A_248 = vector.shape_cast %get3A_244 : vector<16xi32> to vector<16xi32>
    tpu.vector_store %arg10[%swap3A_245], %swap3A_248 {strides = array<i32>} : memref<80xi32, #tpu.memory_space<vmem>>, vector<16xi32>,
    %get3A_249 = arith.constant 1 : i32
    %get3A_250 = arith.index_cast %get3A_249 : i32 to index
    %get3A_251 = arith.constant 64 : index
    %get3A_252 = tpu.vector_load %arg6[%get3A_250, %get3A_251] {strides = array<i32>} : memref<2x80xi32, #tpu.memory_space<vmem>>, vector<1x16xi32>,
    %get3A_253 = vector.shape_cast %get3A_252 : vector<1x16xi32> to vector<16xi32>
    %swap3A_254 = arith.constant 64 : index
    %swap3A_255 = tpu.vector_load %arg10[%swap3A_254] {strides = array<i32>} : memref<80xi32, #tpu.memory_space<vmem>>, vector<16xi32>,
    %swap3A_256 = vector.shape_cast %swap3A_255 : vector<16xi32> to vector<16xi32>
    %swap3A_257 = vector.shape_cast %get3A_253 : vector<16xi32> to vector<16xi32>
    tpu.vector_store %arg10[%swap3A_254], %swap3A_257 {strides = array<i32>} : memref<80xi32, #tpu.memory_space<vmem>>, vector<16xi32>,
    %add3A_258 = arith.constant 3 : i32
    %add3A_259 = arith.addi %mul3A_25, %add3A_258 : i32
    %min3A_260 = arith.constant 3999 : i32
    %min3A_261 = arith.minsi %add3A_259, %min3A_260 : i32
    %dma_start3A_262 = arith.constant 0 : i32
    %dma_start3A_263 = arith.constant 0 : i32
    %dma_start3A_264 = tpu.memref_slice %arg3[%min3A_261, %dma_start3A_262, %dma_start3A_263] : memref<4000x2x80xi32, #tpu.memory_space<hbm>> -> memref<1x2x80xi32, #tpu.memory_space<hbm>>
    %dma_start3A_265 = tpu.memref_squeeze %dma_start3A_264 : memref<1x2x80xi32, #tpu.memory_space<hbm>> -> memref<2x80xi32, #tpu.memory_space<hbm>>
    %dma_start3A_266 = arith.constant 0 : i32
    %dma_start3A_267 = arith.constant 0 : i32
    %dma_start3A_268 = tpu.memref_slice %arg3[%min3A_261, %dma_start3A_266, %dma_start3A_267] : memref<4000x2x80xi32, #tpu.memory_space<hbm>> -> memref<1x2x80xi32, #tpu.memory_space<hbm>>
    %dma_start3A_269 = tpu.memref_squeeze %dma_start3A_268 : memref<1x2x80xi32, #tpu.memory_space<hbm>> -> memref<2x80xi32, #tpu.memory_space<hbm>>
    tpu.enqueue_dma source(%dma_start3A_269 : memref<2x80xi32, #tpu.memory_space<hbm>>) target(%arg6 : memref<2x80xi32, #tpu.memory_space<vmem>>) target_semaphore(%arg15 : memref<!tpu.dma_semaphore, #tpu.memory_space<semaphore_mem>>)
    %dma_start3A_270 = arith.constant 0 : i32
    %dma_start3A_271 = arith.constant 0 : i32
    %dma_start3A_272 = tpu.memref_slice %arg2[%dma_start3A_270, %dma_start3A_271] : memref<10240x128xf32, #tpu.memory_space<hbm>> -> memref<10240x128xf32, #tpu.memory_space<hbm>>
    tpu.enqueue_indirect_dma source(%dma_start3A_272 : memref<10240x128xf32, #tpu.memory_space<hbm>>) target(%arg12 : memref<80x128xf32, #tpu.memory_space<vmem>>) offsets(%arg8 : memref<80xi32, #tpu.memory_space<vmem>>) semaphore(%arg17 : memref<!tpu.dma_semaphore, #tpu.memory_space<semaphore_mem>>)
    %scan3A_273 = arith.constant 0 : i32
    %scan3A_274 = arith.constant 0 : i32
    %scan3A_275 = arith.constant 61 : i32
    %scan3A_276 = arith.addi %scan3A_274, %scan3A_275 : i32
    %scan3A_277 = arith.constant 1 : i32
    scf.for %scan3A_453 = %scan3A_274 to %scan3A_276 step %scan3A_277  : i32 {
      %mul3A_454 = arith.constant 2 : i32
      %mul3A_455 = arith.muli %mul3A_454, %scan3A_453 : i32
      %dma_wait3A_456 = arith.constant 0 : i32
      %dma_wait3A_457 = arith.constant 0 : i32
      %dma_wait3A_458 = tpu.memref_slice %arg2[%dma_wait3A_456, %dma_wait3A_457] : memref<10240x128xf32, #tpu.memory_space<hbm>> -> memref<10240x128xf32, #tpu.memory_space<hbm>>
      tpu.wait_indirect_dma semaphore(%arg16 : memref<!tpu.dma_semaphore, #tpu.memory_space<semaphore_mem>>) src(%dma_wait3A_458 : memref<10240x128xf32, #tpu.memory_space<hbm>>) dst(%arg11 : memref<80x128xf32, #tpu.memory_space<vmem>>)
      "tpu.region"() ({
        %run_scoped3A = tpu.sem_alloc : memref<!tpu.dma_semaphore, #tpu.memory_space<semaphore_mem>>
        %dma_start3A_692 = arith.constant 0 : i32
        %dma_start3A_693 = arith.constant 0 : i32
        %dma_start3A_694 = tpu.memref_slice %arg13[%dma_start3A_692, %dma_start3A_693] : memref<10240x128xf32, #tpu.memory_space<vmem_shared>> -> memref<10240x128xf32, #tpu.memory_space<vmem_shared>>
        tpu.enqueue_indirect_dma source(%arg11 : memref<80x128xf32, #tpu.memory_space<vmem>>) target(%dma_start3A_694 : memref<10240x128xf32, #tpu.memory_space<vmem_shared>>) offsets(%arg9 : memref<80xi32, #tpu.memory_space<vmem>>) semaphore(%run_scoped3A : memref<!tpu.dma_semaphore, #tpu.memory_space<semaphore_mem>>) {add = true}
        %dma_wait3A_695 = arith.constant 0 : i32
        %dma_wait3A_696 = arith.constant 0 : i32
        %dma_wait3A_697 = tpu.memref_slice %arg13[%dma_wait3A_695, %dma_wait3A_696] : memref<10240x128xf32, #tpu.memory_space<vmem_shared>> -> memref<10240x128xf32, #tpu.memory_space<vmem_shared>>
        tpu.wait_indirect_dma semaphore(%run_scoped3A : memref<!tpu.dma_semaphore, #tpu.memory_space<semaphore_mem>>) src(%arg11 : memref<80x128xf32, #tpu.memory_space<vmem>>) dst(%dma_wait3A_697 : memref<10240x128xf32, #tpu.memory_space<vmem_shared>>)
        tpu.yield
      }) : () -> ()
      %add3A_459 = arith.constant 4 : i32
      %add3A_460 = arith.addi %mul3A_455, %add3A_459 : i32
      %dma_wait3A_461 = arith.constant 0 : i32
      %dma_wait3A_462 = arith.constant 0 : i32
      %dma_wait3A_463 = arith.constant 0 : i32
      %dma_wait3A_464 = tpu.memref_slice %arg3[%dma_wait3A_461, %dma_wait3A_462, %dma_wait3A_463] : memref<4000x2x80xi32, #tpu.memory_space<hbm>> -> memref<1x2x80xi32, #tpu.memory_space<hbm>>
      %dma_wait3A_465 = tpu.memref_squeeze %dma_wait3A_464 : memref<1x2x80xi32, #tpu.memory_space<hbm>> -> memref<2x80xi32, #tpu.memory_space<hbm>>
      %dma_wait3A_466 = arith.constant 0 : i32
      %dma_wait3A_467 = arith.constant 0 : i32
      %dma_wait3A_468 = tpu.memref_slice %arg3[%dma_wait3A_461, %dma_wait3A_466, %dma_wait3A_467] : memref<4000x2x80xi32, #tpu.memory_space<hbm>> -> memref<1x2x80xi32, #tpu.memory_space<hbm>>
      %dma_wait3A_469 = tpu.memref_squeeze %dma_wait3A_468 : memref<1x2x80xi32, #tpu.memory_space<hbm>> -> memref<2x80xi32, #tpu.memory_space<hbm>>
      tpu.wait_dma2 semaphore(%arg14 : memref<!tpu.dma_semaphore, #tpu.memory_space<semaphore_mem>>) src(%dma_wait3A_469 : memref<2x80xi32, #tpu.memory_space<hbm>>) dst(%arg5 : memref<2x80xi32, #tpu.memory_space<vmem>>)
      %get3A_470 = arith.constant 0 : i32
      %get3A_471 = arith.index_cast %get3A_470 : i32 to index
      %get3A_472 = arith.constant 0 : index
      %get3A_473 = tpu.vector_load %arg5[%get3A_471, %get3A_472] {strides = array<i32>} : memref<2x80xi32, #tpu.memory_space<vmem>>, vector<1x16xi32>,
      %get3A_474 = vector.shape_cast %get3A_473 : vector<1x16xi32> to vector<16xi32>
      %swap3A_475 = arith.constant 0 : index
      %swap3A_476 = tpu.vector_load %arg7[%swap3A_475] {strides = array<i32>} : memref<80xi32, #tpu.memory_space<vmem>>, vector<16xi32>,
      %swap3A_477 = vector.shape_cast %swap3A_476 : vector<16xi32> to vector<16xi32>
      %swap3A_478 = vector.shape_cast %get3A_474 : vector<16xi32> to vector<16xi32>
      tpu.vector_store %arg7[%swap3A_475], %swap3A_478 {strides = array<i32>} : memref<80xi32, #tpu.memory_space<vmem>>, vector<16xi32>,
      %get3A_479 = arith.constant 0 : i32
      %get3A_480 = arith.index_cast %get3A_479 : i32 to index
      %get3A_481 = arith.constant 16 : index
      %get3A_482 = tpu.vector_load %arg5[%get3A_480, %get3A_481] {strides = array<i32>} : memref<2x80xi32, #tpu.memory_space<vmem>>, vector<1x16xi32>,
      %get3A_483 = vector.shape_cast %get3A_482 : vector<1x16xi32> to vector<16xi32>
      %swap3A_484 = arith.constant 16 : index
      %swap3A_485 = tpu.vector_load %arg7[%swap3A_484] {strides = array<i32>} : memref<80xi32, #tpu.memory_space<vmem>>, vector<16xi32>,
      %swap3A_486 = vector.shape_cast %swap3A_485 : vector<16xi32> to vector<16xi32>
      %swap3A_487 = vector.shape_cast %get3A_483 : vector<16xi32> to vector<16xi32>
      tpu.vector_store %arg7[%swap3A_484], %swap3A_487 {strides = array<i32>} : memref<80xi32, #tpu.memory_space<vmem>>, vector<16xi32>,
      %get3A_488 = arith.constant 0 : i32
      %get3A_489 = arith.index_cast %get3A_488 : i32 to index
      %get3A_490 = arith.constant 32 : index
      %get3A_491 = tpu.vector_load %arg5[%get3A_489, %get3A_490] {strides = array<i32>} : memref<2x80xi32, #tpu.memory_space<vmem>>, vector<1x16xi32>,
      %get3A_492 = vector.shape_cast %get3A_491 : vector<1x16xi32> to vector<16xi32>
      %swap3A_493 = arith.constant 32 : index
      %swap3A_494 = tpu.vector_load %arg7[%swap3A_493] {strides = array<i32>} : memref<80xi32, #tpu.memory_space<vmem>>, vector<16xi32>,
      %swap3A_495 = vector.shape_cast %swap3A_494 : vector<16xi32> to vector<16xi32>
      %swap3A_496 = vector.shape_cast %get3A_492 : vector<16xi32> to vector<16xi32>
      tpu.vector_store %arg7[%swap3A_493], %swap3A_496 {strides = array<i32>} : memref<80xi32, #tpu.memory_space<vmem>>, vector<16xi32>,
      %get3A_497 = arith.constant 0 : i32
      %get3A_498 = arith.index_cast %get3A_497 : i32 to index
      %get3A_499 = arith.constant 48 : index
      %get3A_500 = tpu.vector_load %arg5[%get3A_498, %get3A_499] {strides = array<i32>} : memref<2x80xi32, #tpu.memory_space<vmem>>, vector<1x16xi32>,
      %get3A_501 = vector.shape_cast %get3A_500 : vector<1x16xi32> to vector<16xi32>
      %swap3A_502 = arith.constant 48 : index
      %swap3A_503 = tpu.vector_load %arg7[%swap3A_502] {strides = array<i32>} : memref<80xi32, #tpu.memory_space<vmem>>, vector<16xi32>,
      %swap3A_504 = vector.shape_cast %swap3A_503 : vector<16xi32> to vector<16xi32>
      %swap3A_505 = vector.shape_cast %get3A_501 : vector<16xi32> to vector<16xi32>
      tpu.vector_store %arg7[%swap3A_502], %swap3A_505 {strides = array<i32>} : memref<80xi32, #tpu.memory_space<vmem>>, vector<16xi32>,
      %get3A_506 = arith.constant 0 : i32
      %get3A_507 = arith.index_cast %get3A_506 : i32 to index
      %get3A_508 = arith.constant 64 : index
      %get3A_509 = tpu.vector_load %arg5[%get3A_507, %get3A_508] {strides = array<i32>} : memref<2x80xi32, #tpu.memory_space<vmem>>, vector<1x16xi32>,
      %get3A_510 = vector.shape_cast %get3A_509 : vector<1x16xi32> to vector<16xi32>
      %swap3A_511 = arith.constant 64 : index
      %swap3A_512 = tpu.vector_load %arg7[%swap3A_511] {strides = array<i32>} : memref<80xi32, #tpu.memory_space<vmem>>, vector<16xi32>,
      %swap3A_513 = vector.shape_cast %swap3A_512 : vector<16xi32> to vector<16xi32>
      %swap3A_514 = vector.shape_cast %get3A_510 : vector<16xi32> to vector<16xi32>
      tpu.vector_store %arg7[%swap3A_511], %swap3A_514 {strides = array<i32>} : memref<80xi32, #tpu.memory_space<vmem>>, vector<16xi32>,
      %get3A_515 = arith.constant 1 : i32
      %get3A_516 = arith.index_cast %get3A_515 : i32 to index
      %get3A_517 = arith.constant 0 : index
      %get3A_518 = tpu.vector_load %arg5[%get3A_516, %get3A_517] {strides = array<i32>} : memref<2x80xi32, #tpu.memory_space<vmem>>, vector<1x16xi32>,
      %get3A_519 = vector.shape_cast %get3A_518 : vector<1x16xi32> to vector<16xi32>
      %swap3A_520 = arith.constant 0 : index
      %swap3A_521 = tpu.vector_load %arg9[%swap3A_520] {strides = array<i32>} : memref<80xi32, #tpu.memory_space<vmem>>, vector<16xi32>,
      %swap3A_522 = vector.shape_cast %swap3A_521 : vector<16xi32> to vector<16xi32>
      %swap3A_523 = vector.shape_cast %get3A_519 : vector<16xi32> to vector<16xi32>
      tpu.vector_store %arg9[%swap3A_520], %swap3A_523 {strides = array<i32>} : memref<80xi32, #tpu.memory_space<vmem>>, vector<16xi32>,
      %get3A_524 = arith.constant 1 : i32
      %get3A_525 = arith.index_cast %get3A_524 : i32 to index
      %get3A_526 = arith.constant 16 : index
      %get3A_527 = tpu.vector_load %arg5[%get3A_525, %get3A_526] {strides = array<i32>} : memref<2x80xi32, #tpu.memory_space<vmem>>, vector<1x16xi32>,
      %get3A_528 = vector.shape_cast %get3A_527 : vector<1x16xi32> to vector<16xi32>
      %swap3A_529 = arith.constant 16 : index
      %swap3A_530 = tpu.vector_load %arg9[%swap3A_529] {strides = array<i32>} : memref<80xi32, #tpu.memory_space<vmem>>, vector<16xi32>,
      %swap3A_531 = vector.shape_cast %swap3A_530 : vector<16xi32> to vector<16xi32>
      %swap3A_532 = vector.shape_cast %get3A_528 : vector<16xi32> to vector<16xi32>
      tpu.vector_store %arg9[%swap3A_529], %swap3A_532 {strides = array<i32>} : memref<80xi32, #tpu.memory_space<vmem>>, vector<16xi32>,
      %get3A_533 = arith.constant 1 : i32
      %get3A_534 = arith.index_cast %get3A_533 : i32 to index
      %get3A_535 = arith.constant 32 : index
      %get3A_536 = tpu.vector_load %arg5[%get3A_534, %get3A_535] {strides = array<i32>} : memref<2x80xi32, #tpu.memory_space<vmem>>, vector<1x16xi32>,
      %get3A_537 = vector.shape_cast %get3A_536 : vector<1x16xi32> to vector<16xi32>
      %swap3A_538 = arith.constant 32 : index
      %swap3A_539 = tpu.vector_load %arg9[%swap3A_538] {strides = array<i32>} : memref<80xi32, #tpu.memory_space<vmem>>, vector<16xi32>,
      %swap3A_540 = vector.shape_cast %swap3A_539 : vector<16xi32> to vector<16xi32>
      %swap3A_541 = vector.shape_cast %get3A_537 : vector<16xi32> to vector<16xi32>
      tpu.vector_store %arg9[%swap3A_538], %swap3A_541 {strides = array<i32>} : memref<80xi32, #tpu.memory_space<vmem>>, vector<16xi32>,
      %get3A_542 = arith.constant 1 : i32
      %get3A_543 = arith.index_cast %get3A_542 : i32 to index
      %get3A_544 = arith.constant 48 : index
      %get3A_545 = tpu.vector_load %arg5[%get3A_543, %get3A_544] {strides = array<i32>} : memref<2x80xi32, #tpu.memory_space<vmem>>, vector<1x16xi32>,
      %get3A_546 = vector.shape_cast %get3A_545 : vector<1x16xi32> to vector<16xi32>
      %swap3A_547 = arith.constant 48 : index
      %swap3A_548 = tpu.vector_load %arg9[%swap3A_547] {strides = array<i32>} : memref<80xi32, #tpu.memory_space<vmem>>, vector<16xi32>,
      %swap3A_549 = vector.shape_cast %swap3A_548 : vector<16xi32> to vector<16xi32>
      %swap3A_550 = vector.shape_cast %get3A_546 : vector<16xi32> to vector<16xi32>
      tpu.vector_store %arg9[%swap3A_547], %swap3A_550 {strides = array<i32>} : memref<80xi32, #tpu.memory_space<vmem>>, vector<16xi32>,
      %get3A_551 = arith.constant 1 : i32
      %get3A_552 = arith.index_cast %get3A_551 : i32 to index
      %get3A_553 = arith.constant 64 : index
      %get3A_554 = tpu.vector_load %arg5[%get3A_552, %get3A_553] {strides = array<i32>} : memref<2x80xi32, #tpu.memory_space<vmem>>, vector<1x16xi32>,
      %get3A_555 = vector.shape_cast %get3A_554 : vector<1x16xi32> to vector<16xi32>
      %swap3A_556 = arith.constant 64 : index
      %swap3A_557 = tpu.vector_load %arg9[%swap3A_556] {strides = array<i32>} : memref<80xi32, #tpu.memory_space<vmem>>, vector<16xi32>,
      %swap3A_558 = vector.shape_cast %swap3A_557 : vector<16xi32> to vector<16xi32>
      %swap3A_559 = vector.shape_cast %get3A_555 : vector<16xi32> to vector<16xi32>
      tpu.vector_store %arg9[%swap3A_556], %swap3A_559 {strides = array<i32>} : memref<80xi32, #tpu.memory_space<vmem>>, vector<16xi32>,
      %add3A_560 = arith.addi %mul3A_25, %add3A_460 : i32
      %min3A_561 = arith.constant 3999 : i32
      %min3A_562 = arith.minsi %add3A_560, %min3A_561 : i32
      %dma_start3A_563 = arith.constant 0 : i32
      %dma_start3A_564 = arith.constant 0 : i32
      %dma_start3A_565 = tpu.memref_slice %arg3[%min3A_562, %dma_start3A_563, %dma_start3A_564] : memref<4000x2x80xi32, #tpu.memory_space<hbm>> -> memref<1x2x80xi32, #tpu.memory_space<hbm>>
      %dma_start3A_566 = tpu.memref_squeeze %dma_start3A_565 : memref<1x2x80xi32, #tpu.memory_space<hbm>> -> memref<2x80xi32, #tpu.memory_space<hbm>>
      %dma_start3A_567 = arith.constant 0 : i32
      %dma_start3A_568 = arith.constant 0 : i32
      %dma_start3A_569 = tpu.memref_slice %arg3[%min3A_562, %dma_start3A_567, %dma_start3A_568] : memref<4000x2x80xi32, #tpu.memory_space<hbm>> -> memref<1x2x80xi32, #tpu.memory_space<hbm>>
      %dma_start3A_570 = tpu.memref_squeeze %dma_start3A_569 : memref<1x2x80xi32, #tpu.memory_space<hbm>> -> memref<2x80xi32, #tpu.memory_space<hbm>>
      tpu.enqueue_dma source(%dma_start3A_570 : memref<2x80xi32, #tpu.memory_space<hbm>>) target(%arg5 : memref<2x80xi32, #tpu.memory_space<vmem>>) target_semaphore(%arg14 : memref<!tpu.dma_semaphore, #tpu.memory_space<semaphore_mem>>)
      %dma_start3A_571 = arith.constant 0 : i32
      %dma_start3A_572 = arith.constant 0 : i32
      %dma_start3A_573 = tpu.memref_slice %arg2[%dma_start3A_571, %dma_start3A_572] : memref<10240x128xf32, #tpu.memory_space<hbm>> -> memref<10240x128xf32, #tpu.memory_space<hbm>>
      tpu.enqueue_indirect_dma source(%dma_start3A_573 : memref<10240x128xf32, #tpu.memory_space<hbm>>) target(%arg11 : memref<80x128xf32, #tpu.memory_space<vmem>>) offsets(%arg7 : memref<80xi32, #tpu.memory_space<vmem>>) semaphore(%arg16 : memref<!tpu.dma_semaphore, #tpu.memory_space<semaphore_mem>>)
      %dma_wait3A_574 = arith.constant 0 : i32
      %dma_wait3A_575 = arith.constant 0 : i32
      %dma_wait3A_576 = tpu.memref_slice %arg2[%dma_wait3A_574, %dma_wait3A_575] : memref<10240x128xf32, #tpu.memory_space<hbm>> -> memref<10240x128xf32, #tpu.memory_space<hbm>>
      tpu.wait_indirect_dma semaphore(%arg17 : memref<!tpu.dma_semaphore, #tpu.memory_space<semaphore_mem>>) src(%dma_wait3A_576 : memref<10240x128xf32, #tpu.memory_space<hbm>>) dst(%arg12 : memref<80x128xf32, #tpu.memory_space<vmem>>)
      "tpu.region"() ({
        %run_scoped3A = tpu.sem_alloc : memref<!tpu.dma_semaphore, #tpu.memory_space<semaphore_mem>>
        %dma_start3A_692 = arith.constant 0 : i32
        %dma_start3A_693 = arith.constant 0 : i32
        %dma_start3A_694 = tpu.memref_slice %arg13[%dma_start3A_692, %dma_start3A_693] : memref<10240x128xf32, #tpu.memory_space<vmem_shared>> -> memref<10240x128xf32, #tpu.memory_space<vmem_shared>>
        tpu.enqueue_indirect_dma source(%arg12 : memref<80x128xf32, #tpu.memory_space<vmem>>) target(%dma_start3A_694 : memref<10240x128xf32, #tpu.memory_space<vmem_shared>>) offsets(%arg10 : memref<80xi32, #tpu.memory_space<vmem>>) semaphore(%run_scoped3A : memref<!tpu.dma_semaphore, #tpu.memory_space<semaphore_mem>>) {add = true}
        %dma_wait3A_695 = arith.constant 0 : i32
        %dma_wait3A_696 = arith.constant 0 : i32
        %dma_wait3A_697 = tpu.memref_slice %arg13[%dma_wait3A_695, %dma_wait3A_696] : memref<10240x128xf32, #tpu.memory_space<vmem_shared>> -> memref<10240x128xf32, #tpu.memory_space<vmem_shared>>
        tpu.wait_indirect_dma semaphore(%run_scoped3A : memref<!tpu.dma_semaphore, #tpu.memory_space<semaphore_mem>>) src(%arg12 : memref<80x128xf32, #tpu.memory_space<vmem>>) dst(%dma_wait3A_697 : memref<10240x128xf32, #tpu.memory_space<vmem_shared>>)
        tpu.yield
      }) : () -> ()
      %add3A_577 = arith.constant 5 : i32
      %add3A_578 = arith.addi %mul3A_455, %add3A_577 : i32
      %dma_wait3A_579 = arith.constant 0 : i32
      %dma_wait3A_580 = arith.constant 0 : i32
      %dma_wait3A_581 = arith.constant 0 : i32
      %dma_wait3A_582 = tpu.memref_slice %arg3[%dma_wait3A_579, %dma_wait3A_580, %dma_wait3A_581] : memref<4000x2x80xi32, #tpu.memory_space<hbm>> -> memref<1x2x80xi32, #tpu.memory_space<hbm>>
      %dma_wait3A_583 = tpu.memref_squeeze %dma_wait3A_582 : memref<1x2x80xi32, #tpu.memory_space<hbm>> -> memref<2x80xi32, #tpu.memory_space<hbm>>
      %dma_wait3A_584 = arith.constant 0 : i32
      %dma_wait3A_585 = arith.constant 0 : i32
      %dma_wait3A_586 = tpu.memref_slice %arg3[%dma_wait3A_579, %dma_wait3A_584, %dma_wait3A_585] : memref<4000x2x80xi32, #tpu.memory_space<hbm>> -> memref<1x2x80xi32, #tpu.memory_space<hbm>>
      %dma_wait3A_587 = tpu.memref_squeeze %dma_wait3A_586 : memref<1x2x80xi32, #tpu.memory_space<hbm>> -> memref<2x80xi32, #tpu.memory_space<hbm>>
      tpu.wait_dma2 semaphore(%arg15 : memref<!tpu.dma_semaphore, #tpu.memory_space<semaphore_mem>>) src(%dma_wait3A_587 : memref<2x80xi32, #tpu.memory_space<hbm>>) dst(%arg6 : memref<2x80xi32, #tpu.memory_space<vmem>>)
      %get3A_588 = arith.constant 0 : i32
      %get3A_589 = arith.index_cast %get3A_588 : i32 to index
      %get3A_590 = arith.constant 0 : index
      %get3A_591 = tpu.vector_load %arg6[%get3A_589, %get3A_590] {strides = array<i32>} : memref<2x80xi32, #tpu.memory_space<vmem>>, vector<1x16xi32>,
      %get3A_592 = vector.shape_cast %get3A_591 : vector<1x16xi32> to vector<16xi32>
      %swap3A_593 = arith.constant 0 : index
      %swap3A_594 = tpu.vector_load %arg8[%swap3A_593] {strides = array<i32>} : memref<80xi32, #tpu.memory_space<vmem>>, vector<16xi32>,
      %swap3A_595 = vector.shape_cast %swap3A_594 : vector<16xi32> to vector<16xi32>
      %swap3A_596 = vector.shape_cast %get3A_592 : vector<16xi32> to vector<16xi32>
      tpu.vector_store %arg8[%swap3A_593], %swap3A_596 {strides = array<i32>} : memref<80xi32, #tpu.memory_space<vmem>>, vector<16xi32>,
      %get3A_597 = arith.constant 0 : i32
      %get3A_598 = arith.index_cast %get3A_597 : i32 to index
      %get3A_599 = arith.constant 16 : index
      %get3A_600 = tpu.vector_load %arg6[%get3A_598, %get3A_599] {strides = array<i32>} : memref<2x80xi32, #tpu.memory_space<vmem>>, vector<1x16xi32>,
      %get3A_601 = vector.shape_cast %get3A_600 : vector<1x16xi32> to vector<16xi32>
      %swap3A_602 = arith.constant 16 : index
      %swap3A_603 = tpu.vector_load %arg8[%swap3A_602] {strides = array<i32>} : memref<80xi32, #tpu.memory_space<vmem>>, vector<16xi32>,
      %swap3A_604 = vector.shape_cast %swap3A_603 : vector<16xi32> to vector<16xi32>
      %swap3A_605 = vector.shape_cast %get3A_601 : vector<16xi32> to vector<16xi32>
      tpu.vector_store %arg8[%swap3A_602], %swap3A_605 {strides = array<i32>} : memref<80xi32, #tpu.memory_space<vmem>>, vector<16xi32>,
      %get3A_606 = arith.constant 0 : i32
      %get3A_607 = arith.index_cast %get3A_606 : i32 to index
      %get3A_608 = arith.constant 32 : index
      %get3A_609 = tpu.vector_load %arg6[%get3A_607, %get3A_608] {strides = array<i32>} : memref<2x80xi32, #tpu.memory_space<vmem>>, vector<1x16xi32>,
      %get3A_610 = vector.shape_cast %get3A_609 : vector<1x16xi32> to vector<16xi32>
      %swap3A_611 = arith.constant 32 : index
      %swap3A_612 = tpu.vector_load %arg8[%swap3A_611] {strides = array<i32>} : memref<80xi32, #tpu.memory_space<vmem>>, vector<16xi32>,
      %swap3A_613 = vector.shape_cast %swap3A_612 : vector<16xi32> to vector<16xi32>
      %swap3A_614 = vector.shape_cast %get3A_610 : vector<16xi32> to vector<16xi32>
      tpu.vector_store %arg8[%swap3A_611], %swap3A_614 {strides = array<i32>} : memref<80xi32, #tpu.memory_space<vmem>>, vector<16xi32>,
      %get3A_615 = arith.constant 0 : i32
      %get3A_616 = arith.index_cast %get3A_615 : i32 to index
      %get3A_617 = arith.constant 48 : index
      %get3A_618 = tpu.vector_load %arg6[%get3A_616, %get3A_617] {strides = array<i32>} : memref<2x80xi32, #tpu.memory_space<vmem>>, vector<1x16xi32>,
      %get3A_619 = vector.shape_cast %get3A_618 : vector<1x16xi32> to vector<16xi32>
      %swap3A_620 = arith.constant 48 : index
      %swap3A_621 = tpu.vector_load %arg8[%swap3A_620] {strides = array<i32>} : memref<80xi32, #tpu.memory_space<vmem>>, vector<16xi32>,
      %swap3A_622 = vector.shape_cast %swap3A_621 : vector<16xi32> to vector<16xi32>
      %swap3A_623 = vector.shape_cast %get3A_619 : vector<16xi32> to vector<16xi32>
      tpu.vector_store %arg8[%swap3A_620], %swap3A_623 {strides = array<i32>} : memref<80xi32, #tpu.memory_space<vmem>>, vector<16xi32>,
      %get3A_624 = arith.constant 0 : i32
      %get3A_625 = arith.index_cast %get3A_624 : i32 to index
      %get3A_626 = arith.constant 64 : index
      %get3A_627 = tpu.vector_load %arg6[%get3A_625, %get3A_626] {strides = array<i32>} : memref<2x80xi32, #tpu.memory_space<vmem>>, vector<1x16xi32>,
      %get3A_628 = vector.shape_cast %get3A_627 : vector<1x16xi32> to vector<16xi32>
      %swap3A_629 = arith.constant 64 : index
      %swap3A_630 = tpu.vector_load %arg8[%swap3A_629] {strides = array<i32>} : memref<80xi32, #tpu.memory_space<vmem>>, vector<16xi32>,
      %swap3A_631 = vector.shape_cast %swap3A_630 : vector<16xi32> to vector<16xi32>
      %swap3A_632 = vector.shape_cast %get3A_628 : vector<16xi32> to vector<16xi32>
      tpu.vector_store %arg8[%swap3A_629], %swap3A_632 {strides = array<i32>} : memref<80xi32, #tpu.memory_space<vmem>>, vector<16xi32>,
      %get3A_633 = arith.constant 1 : i32
      %get3A_634 = arith.index_cast %get3A_633 : i32 to index
      %get3A_635 = arith.constant 0 : index
      %get3A_636 = tpu.vector_load %arg6[%get3A_634, %get3A_635] {strides = array<i32>} : memref<2x80xi32, #tpu.memory_space<vmem>>, vector<1x16xi32>,
      %get3A_637 = vector.shape_cast %get3A_636 : vector<1x16xi32> to vector<16xi32>
      %swap3A_638 = arith.constant 0 : index
      %swap3A_639 = tpu.vector_load %arg10[%swap3A_638] {strides = array<i32>} : memref<80xi32, #tpu.memory_space<vmem>>, vector<16xi32>,
      %swap3A_640 = vector.shape_cast %swap3A_639 : vector<16xi32> to vector<16xi32>
      %swap3A_641 = vector.shape_cast %get3A_637 : vector<16xi32> to vector<16xi32>
      tpu.vector_store %arg10[%swap3A_638], %swap3A_641 {strides = array<i32>} : memref<80xi32, #tpu.memory_space<vmem>>, vector<16xi32>,
      %get3A_642 = arith.constant 1 : i32
      %get3A_643 = arith.index_cast %get3A_642 : i32 to index
      %get3A_644 = arith.constant 16 : index
      %get3A_645 = tpu.vector_load %arg6[%get3A_643, %get3A_644] {strides = array<i32>} : memref<2x80xi32, #tpu.memory_space<vmem>>, vector<1x16xi32>,
      %get3A_646 = vector.shape_cast %get3A_645 : vector<1x16xi32> to vector<16xi32>
      %swap3A_647 = arith.constant 16 : index
      %swap3A_648 = tpu.vector_load %arg10[%swap3A_647] {strides = array<i32>} : memref<80xi32, #tpu.memory_space<vmem>>, vector<16xi32>,
      %swap3A_649 = vector.shape_cast %swap3A_648 : vector<16xi32> to vector<16xi32>
      %swap3A_650 = vector.shape_cast %get3A_646 : vector<16xi32> to vector<16xi32>
      tpu.vector_store %arg10[%swap3A_647], %swap3A_650 {strides = array<i32>} : memref<80xi32, #tpu.memory_space<vmem>>, vector<16xi32>,
      %get3A_651 = arith.constant 1 : i32
      %get3A_652 = arith.index_cast %get3A_651 : i32 to index
      %get3A_653 = arith.constant 32 : index
      %get3A_654 = tpu.vector_load %arg6[%get3A_652, %get3A_653] {strides = array<i32>} : memref<2x80xi32, #tpu.memory_space<vmem>>, vector<1x16xi32>,
      %get3A_655 = vector.shape_cast %get3A_654 : vector<1x16xi32> to vector<16xi32>
      %swap3A_656 = arith.constant 32 : index
      %swap3A_657 = tpu.vector_load %arg10[%swap3A_656] {strides = array<i32>} : memref<80xi32, #tpu.memory_space<vmem>>, vector<16xi32>,
      %swap3A_658 = vector.shape_cast %swap3A_657 : vector<16xi32> to vector<16xi32>
      %swap3A_659 = vector.shape_cast %get3A_655 : vector<16xi32> to vector<16xi32>
      tpu.vector_store %arg10[%swap3A_656], %swap3A_659 {strides = array<i32>} : memref<80xi32, #tpu.memory_space<vmem>>, vector<16xi32>,
      %get3A_660 = arith.constant 1 : i32
      %get3A_661 = arith.index_cast %get3A_660 : i32 to index
      %get3A_662 = arith.constant 48 : index
      %get3A_663 = tpu.vector_load %arg6[%get3A_661, %get3A_662] {strides = array<i32>} : memref<2x80xi32, #tpu.memory_space<vmem>>, vector<1x16xi32>,
      %get3A_664 = vector.shape_cast %get3A_663 : vector<1x16xi32> to vector<16xi32>
      %swap3A_665 = arith.constant 48 : index
      %swap3A_666 = tpu.vector_load %arg10[%swap3A_665] {strides = array<i32>} : memref<80xi32, #tpu.memory_space<vmem>>, vector<16xi32>,
      %swap3A_667 = vector.shape_cast %swap3A_666 : vector<16xi32> to vector<16xi32>
      %swap3A_668 = vector.shape_cast %get3A_664 : vector<16xi32> to vector<16xi32>
      tpu.vector_store %arg10[%swap3A_665], %swap3A_668 {strides = array<i32>} : memref<80xi32, #tpu.memory_space<vmem>>, vector<16xi32>,
      %get3A_669 = arith.constant 1 : i32
      %get3A_670 = arith.index_cast %get3A_669 : i32 to index
      %get3A_671 = arith.constant 64 : index
      %get3A_672 = tpu.vector_load %arg6[%get3A_670, %get3A_671] {strides = array<i32>} : memref<2x80xi32, #tpu.memory_space<vmem>>, vector<1x16xi32>,
      %get3A_673 = vector.shape_cast %get3A_672 : vector<1x16xi32> to vector<16xi32>
      %swap3A_674 = arith.constant 64 : index
      %swap3A_675 = tpu.vector_load %arg10[%swap3A_674] {strides = array<i32>} : memref<80xi32, #tpu.memory_space<vmem>>, vector<16xi32>,
      %swap3A_676 = vector.shape_cast %swap3A_675 : vector<16xi32> to vector<16xi32>
      %swap3A_677 = vector.shape_cast %get3A_673 : vector<16xi32> to vector<16xi32>
      tpu.vector_store %arg10[%swap3A_674], %swap3A_677 {strides = array<i32>} : memref<80xi32, #tpu.memory_space<vmem>>, vector<16xi32>,
      %add3A_678 = arith.addi %mul3A_25, %add3A_578 : i32
      %min3A_679 = arith.constant 3999 : i32
      %min3A_680 = arith.minsi %add3A_678, %min3A_679 : i32
      %dma_start3A_681 = arith.constant 0 : i32
      %dma_start3A_682 = arith.constant 0 : i32
      %dma_start3A_683 = tpu.memref_slice %arg3[%min3A_680, %dma_start3A_681, %dma_start3A_682] : memref<4000x2x80xi32, #tpu.memory_space<hbm>> -> memref<1x2x80xi32, #tpu.memory_space<hbm>>
      %dma_start3A_684 = tpu.memref_squeeze %dma_start3A_683 : memref<1x2x80xi32, #tpu.memory_space<hbm>> -> memref<2x80xi32, #tpu.memory_space<hbm>>
      %dma_start3A_685 = arith.constant 0 : i32
      %dma_start3A_686 = arith.constant 0 : i32
      %dma_start3A_687 = tpu.memref_slice %arg3[%min3A_680, %dma_start3A_685, %dma_start3A_686] : memref<4000x2x80xi32, #tpu.memory_space<hbm>> -> memref<1x2x80xi32, #tpu.memory_space<hbm>>
      %dma_start3A_688 = tpu.memref_squeeze %dma_start3A_687 : memref<1x2x80xi32, #tpu.memory_space<hbm>> -> memref<2x80xi32, #tpu.memory_space<hbm>>
      tpu.enqueue_dma source(%dma_start3A_688 : memref<2x80xi32, #tpu.memory_space<hbm>>) target(%arg6 : memref<2x80xi32, #tpu.memory_space<vmem>>) target_semaphore(%arg15 : memref<!tpu.dma_semaphore, #tpu.memory_space<semaphore_mem>>)
      %dma_start3A_689 = arith.constant 0 : i32
      %dma_start3A_690 = arith.constant 0 : i32
      %dma_start3A_691 = tpu.memref_slice %arg2[%dma_start3A_689, %dma_start3A_690] : memref<10240x128xf32, #tpu.memory_space<hbm>> -> memref<10240x128xf32, #tpu.memory_space<hbm>>
      tpu.enqueue_indirect_dma source(%dma_start3A_691 : memref<10240x128xf32, #tpu.memory_space<hbm>>) target(%arg12 : memref<80x128xf32, #tpu.memory_space<vmem>>) offsets(%arg8 : memref<80xi32, #tpu.memory_space<vmem>>) semaphore(%arg17 : memref<!tpu.dma_semaphore, #tpu.memory_space<semaphore_mem>>)
    }
    %scan3A_278 = arith.constant 61 : i32
    %dma_wait3A_279 = arith.constant 0 : i32
    %dma_wait3A_280 = arith.constant 0 : i32
    %dma_wait3A_281 = tpu.memref_slice %arg2[%dma_wait3A_279, %dma_wait3A_280] : memref<10240x128xf32, #tpu.memory_space<hbm>> -> memref<10240x128xf32, #tpu.memory_space<hbm>>
    tpu.wait_indirect_dma semaphore(%arg16 : memref<!tpu.dma_semaphore, #tpu.memory_space<semaphore_mem>>) src(%dma_wait3A_281 : memref<10240x128xf32, #tpu.memory_space<hbm>>) dst(%arg11 : memref<80x128xf32, #tpu.memory_space<vmem>>)
    "tpu.region"() ({
      %run_scoped3A = tpu.sem_alloc : memref<!tpu.dma_semaphore, #tpu.memory_space<semaphore_mem>>
      %dma_start3A_453 = arith.constant 0 : i32
      %dma_start3A_454 = arith.constant 0 : i32
      %dma_start3A_455 = tpu.memref_slice %arg13[%dma_start3A_453, %dma_start3A_454] : memref<10240x128xf32, #tpu.memory_space<vmem_shared>> -> memref<10240x128xf32, #tpu.memory_space<vmem_shared>>
      tpu.enqueue_indirect_dma source(%arg11 : memref<80x128xf32, #tpu.memory_space<vmem>>) target(%dma_start3A_455 : memref<10240x128xf32, #tpu.memory_space<vmem_shared>>) offsets(%arg9 : memref<80xi32, #tpu.memory_space<vmem>>) semaphore(%run_scoped3A : memref<!tpu.dma_semaphore, #tpu.memory_space<semaphore_mem>>) {add = true}
      %dma_wait3A_456 = arith.constant 0 : i32
      %dma_wait3A_457 = arith.constant 0 : i32
      %dma_wait3A_458 = tpu.memref_slice %arg13[%dma_wait3A_456, %dma_wait3A_457] : memref<10240x128xf32, #tpu.memory_space<vmem_shared>> -> memref<10240x128xf32, #tpu.memory_space<vmem_shared>>
      tpu.wait_indirect_dma semaphore(%run_scoped3A : memref<!tpu.dma_semaphore, #tpu.memory_space<semaphore_mem>>) src(%arg11 : memref<80x128xf32, #tpu.memory_space<vmem>>) dst(%dma_wait3A_458 : memref<10240x128xf32, #tpu.memory_space<vmem_shared>>)
      tpu.yield
    }) : () -> ()
    %dma_wait3A_282 = arith.constant 0 : i32
    %dma_wait3A_283 = arith.constant 0 : i32
    %dma_wait3A_284 = arith.constant 0 : i32
    %dma_wait3A_285 = tpu.memref_slice %arg3[%dma_wait3A_282, %dma_wait3A_283, %dma_wait3A_284] : memref<4000x2x80xi32, #tpu.memory_space<hbm>> -> memref<1x2x80xi32, #tpu.memory_space<hbm>>
    %dma_wait3A_286 = tpu.memref_squeeze %dma_wait3A_285 : memref<1x2x80xi32, #tpu.memory_space<hbm>> -> memref<2x80xi32, #tpu.memory_space<hbm>>
    %dma_wait3A_287 = arith.constant 0 : i32
    %dma_wait3A_288 = arith.constant 0 : i32
    %dma_wait3A_289 = tpu.memref_slice %arg3[%dma_wait3A_282, %dma_wait3A_287, %dma_wait3A_288] : memref<4000x2x80xi32, #tpu.memory_space<hbm>> -> memref<1x2x80xi32, #tpu.memory_space<hbm>>
    %dma_wait3A_290 = tpu.memref_squeeze %dma_wait3A_289 : memref<1x2x80xi32, #tpu.memory_space<hbm>> -> memref<2x80xi32, #tpu.memory_space<hbm>>
    tpu.wait_dma2 semaphore(%arg14 : memref<!tpu.dma_semaphore, #tpu.memory_space<semaphore_mem>>) src(%dma_wait3A_290 : memref<2x80xi32, #tpu.memory_space<hbm>>) dst(%arg5 : memref<2x80xi32, #tpu.memory_space<vmem>>)
    %get3A_291 = arith.constant 0 : i32
    %get3A_292 = arith.index_cast %get3A_291 : i32 to index
    %get3A_293 = arith.constant 0 : index
    %get3A_294 = tpu.vector_load %arg5[%get3A_292, %get3A_293] {strides = array<i32>} : memref<2x80xi32, #tpu.memory_space<vmem>>, vector<1x16xi32>,
    %get3A_295 = vector.shape_cast %get3A_294 : vector<1x16xi32> to vector<16xi32>
    %swap3A_296 = arith.constant 0 : index
    %swap3A_297 = tpu.vector_load %arg7[%swap3A_296] {strides = array<i32>} : memref<80xi32, #tpu.memory_space<vmem>>, vector<16xi32>,
    %swap3A_298 = vector.shape_cast %swap3A_297 : vector<16xi32> to vector<16xi32>
    %swap3A_299 = vector.shape_cast %get3A_295 : vector<16xi32> to vector<16xi32>
    tpu.vector_store %arg7[%swap3A_296], %swap3A_299 {strides = array<i32>} : memref<80xi32, #tpu.memory_space<vmem>>, vector<16xi32>,
    %get3A_300 = arith.constant 0 : i32
    %get3A_301 = arith.index_cast %get3A_300 : i32 to index
    %get3A_302 = arith.constant 16 : index
    %get3A_303 = tpu.vector_load %arg5[%get3A_301, %get3A_302] {strides = array<i32>} : memref<2x80xi32, #tpu.memory_space<vmem>>, vector<1x16xi32>,
    %get3A_304 = vector.shape_cast %get3A_303 : vector<1x16xi32> to vector<16xi32>
    %swap3A_305 = arith.constant 16 : index
    %swap3A_306 = tpu.vector_load %arg7[%swap3A_305] {strides = array<i32>} : memref<80xi32, #tpu.memory_space<vmem>>, vector<16xi32>,
    %swap3A_307 = vector.shape_cast %swap3A_306 : vector<16xi32> to vector<16xi32>
    %swap3A_308 = vector.shape_cast %get3A_304 : vector<16xi32> to vector<16xi32>
    tpu.vector_store %arg7[%swap3A_305], %swap3A_308 {strides = array<i32>} : memref<80xi32, #tpu.memory_space<vmem>>, vector<16xi32>,
    %get3A_309 = arith.constant 0 : i32
    %get3A_310 = arith.index_cast %get3A_309 : i32 to index
    %get3A_311 = arith.constant 32 : index
    %get3A_312 = tpu.vector_load %arg5[%get3A_310, %get3A_311] {strides = array<i32>} : memref<2x80xi32, #tpu.memory_space<vmem>>, vector<1x16xi32>,
    %get3A_313 = vector.shape_cast %get3A_312 : vector<1x16xi32> to vector<16xi32>
    %swap3A_314 = arith.constant 32 : index
    %swap3A_315 = tpu.vector_load %arg7[%swap3A_314] {strides = array<i32>} : memref<80xi32, #tpu.memory_space<vmem>>, vector<16xi32>,
    %swap3A_316 = vector.shape_cast %swap3A_315 : vector<16xi32> to vector<16xi32>
    %swap3A_317 = vector.shape_cast %get3A_313 : vector<16xi32> to vector<16xi32>
    tpu.vector_store %arg7[%swap3A_314], %swap3A_317 {strides = array<i32>} : memref<80xi32, #tpu.memory_space<vmem>>, vector<16xi32>,
    %get3A_318 = arith.constant 0 : i32
    %get3A_319 = arith.index_cast %get3A_318 : i32 to index
    %get3A_320 = arith.constant 48 : index
    %get3A_321 = tpu.vector_load %arg5[%get3A_319, %get3A_320] {strides = array<i32>} : memref<2x80xi32, #tpu.memory_space<vmem>>, vector<1x16xi32>,
    %get3A_322 = vector.shape_cast %get3A_321 : vector<1x16xi32> to vector<16xi32>
    %swap3A_323 = arith.constant 48 : index
    %swap3A_324 = tpu.vector_load %arg7[%swap3A_323] {strides = array<i32>} : memref<80xi32, #tpu.memory_space<vmem>>, vector<16xi32>,
    %swap3A_325 = vector.shape_cast %swap3A_324 : vector<16xi32> to vector<16xi32>
    %swap3A_326 = vector.shape_cast %get3A_322 : vector<16xi32> to vector<16xi32>
    tpu.vector_store %arg7[%swap3A_323], %swap3A_326 {strides = array<i32>} : memref<80xi32, #tpu.memory_space<vmem>>, vector<16xi32>,
    %get3A_327 = arith.constant 0 : i32
    %get3A_328 = arith.index_cast %get3A_327 : i32 to index
    %get3A_329 = arith.constant 64 : index
    %get3A_330 = tpu.vector_load %arg5[%get3A_328, %get3A_329] {strides = array<i32>} : memref<2x80xi32, #tpu.memory_space<vmem>>, vector<1x16xi32>,
    %get3A_331 = vector.shape_cast %get3A_330 : vector<1x16xi32> to vector<16xi32>
    %swap3A_332 = arith.constant 64 : index
    %swap3A_333 = tpu.vector_load %arg7[%swap3A_332] {strides = array<i32>} : memref<80xi32, #tpu.memory_space<vmem>>, vector<16xi32>,
    %swap3A_334 = vector.shape_cast %swap3A_333 : vector<16xi32> to vector<16xi32>
    %swap3A_335 = vector.shape_cast %get3A_331 : vector<16xi32> to vector<16xi32>
    tpu.vector_store %arg7[%swap3A_332], %swap3A_335 {strides = array<i32>} : memref<80xi32, #tpu.memory_space<vmem>>, vector<16xi32>,
    %get3A_336 = arith.constant 1 : i32
    %get3A_337 = arith.index_cast %get3A_336 : i32 to index
    %get3A_338 = arith.constant 0 : index
    %get3A_339 = tpu.vector_load %arg5[%get3A_337, %get3A_338] {strides = array<i32>} : memref<2x80xi32, #tpu.memory_space<vmem>>, vector<1x16xi32>,
    %get3A_340 = vector.shape_cast %get3A_339 : vector<1x16xi32> to vector<16xi32>
    %swap3A_341 = arith.constant 0 : index
    %swap3A_342 = tpu.vector_load %arg9[%swap3A_341] {strides = array<i32>} : memref<80xi32, #tpu.memory_space<vmem>>, vector<16xi32>,
    %swap3A_343 = vector.shape_cast %swap3A_342 : vector<16xi32> to vector<16xi32>
    %swap3A_344 = vector.shape_cast %get3A_340 : vector<16xi32> to vector<16xi32>
    tpu.vector_store %arg9[%swap3A_341], %swap3A_344 {strides = array<i32>} : memref<80xi32, #tpu.memory_space<vmem>>, vector<16xi32>,
    %get3A_345 = arith.constant 1 : i32
    %get3A_346 = arith.index_cast %get3A_345 : i32 to index
    %get3A_347 = arith.constant 16 : index
    %get3A_348 = tpu.vector_load %arg5[%get3A_346, %get3A_347] {strides = array<i32>} : memref<2x80xi32, #tpu.memory_space<vmem>>, vector<1x16xi32>,
    %get3A_349 = vector.shape_cast %get3A_348 : vector<1x16xi32> to vector<16xi32>
    %swap3A_350 = arith.constant 16 : index
    %swap3A_351 = tpu.vector_load %arg9[%swap3A_350] {strides = array<i32>} : memref<80xi32, #tpu.memory_space<vmem>>, vector<16xi32>,
    %swap3A_352 = vector.shape_cast %swap3A_351 : vector<16xi32> to vector<16xi32>
    %swap3A_353 = vector.shape_cast %get3A_349 : vector<16xi32> to vector<16xi32>
    tpu.vector_store %arg9[%swap3A_350], %swap3A_353 {strides = array<i32>} : memref<80xi32, #tpu.memory_space<vmem>>, vector<16xi32>,
    %get3A_354 = arith.constant 1 : i32
    %get3A_355 = arith.index_cast %get3A_354 : i32 to index
    %get3A_356 = arith.constant 32 : index
    %get3A_357 = tpu.vector_load %arg5[%get3A_355, %get3A_356] {strides = array<i32>} : memref<2x80xi32, #tpu.memory_space<vmem>>, vector<1x16xi32>,
    %get3A_358 = vector.shape_cast %get3A_357 : vector<1x16xi32> to vector<16xi32>
    %swap3A_359 = arith.constant 32 : index
    %swap3A_360 = tpu.vector_load %arg9[%swap3A_359] {strides = array<i32>} : memref<80xi32, #tpu.memory_space<vmem>>, vector<16xi32>,
    %swap3A_361 = vector.shape_cast %swap3A_360 : vector<16xi32> to vector<16xi32>
    %swap3A_362 = vector.shape_cast %get3A_358 : vector<16xi32> to vector<16xi32>
    tpu.vector_store %arg9[%swap3A_359], %swap3A_362 {strides = array<i32>} : memref<80xi32, #tpu.memory_space<vmem>>, vector<16xi32>,
    %get3A_363 = arith.constant 1 : i32
    %get3A_364 = arith.index_cast %get3A_363 : i32 to index
    %get3A_365 = arith.constant 48 : index
    %get3A_366 = tpu.vector_load %arg5[%get3A_364, %get3A_365] {strides = array<i32>} : memref<2x80xi32, #tpu.memory_space<vmem>>, vector<1x16xi32>,
    %get3A_367 = vector.shape_cast %get3A_366 : vector<1x16xi32> to vector<16xi32>
    %swap3A_368 = arith.constant 48 : index
    %swap3A_369 = tpu.vector_load %arg9[%swap3A_368] {strides = array<i32>} : memref<80xi32, #tpu.memory_space<vmem>>, vector<16xi32>,
    %swap3A_370 = vector.shape_cast %swap3A_369 : vector<16xi32> to vector<16xi32>
    %swap3A_371 = vector.shape_cast %get3A_367 : vector<16xi32> to vector<16xi32>
    tpu.vector_store %arg9[%swap3A_368], %swap3A_371 {strides = array<i32>} : memref<80xi32, #tpu.memory_space<vmem>>, vector<16xi32>,
    %get3A_372 = arith.constant 1 : i32
    %get3A_373 = arith.index_cast %get3A_372 : i32 to index
    %get3A_374 = arith.constant 64 : index
    %get3A_375 = tpu.vector_load %arg5[%get3A_373, %get3A_374] {strides = array<i32>} : memref<2x80xi32, #tpu.memory_space<vmem>>, vector<1x16xi32>,
    %get3A_376 = vector.shape_cast %get3A_375 : vector<1x16xi32> to vector<16xi32>
    %swap3A_377 = arith.constant 64 : index
    %swap3A_378 = tpu.vector_load %arg9[%swap3A_377] {strides = array<i32>} : memref<80xi32, #tpu.memory_space<vmem>>, vector<16xi32>,
    %swap3A_379 = vector.shape_cast %swap3A_378 : vector<16xi32> to vector<16xi32>
    %swap3A_380 = vector.shape_cast %get3A_376 : vector<16xi32> to vector<16xi32>
    tpu.vector_store %arg9[%swap3A_377], %swap3A_380 {strides = array<i32>} : memref<80xi32, #tpu.memory_space<vmem>>, vector<16xi32>,
    %add3A_381 = arith.constant 124 : i32
    %add3A_382 = arith.addi %mul3A_25, %add3A_381 : i32
    %min3A_383 = arith.constant 3999 : i32
    %min3A_384 = arith.minsi %add3A_382, %min3A_383 : i32
    %dma_start3A_385 = arith.constant 0 : i32
    %dma_start3A_386 = arith.constant 0 : i32
    %dma_start3A_387 = tpu.memref_slice %arg3[%min3A_384, %dma_start3A_385, %dma_start3A_386] : memref<4000x2x80xi32, #tpu.memory_space<hbm>> -> memref<1x2x80xi32, #tpu.memory_space<hbm>>
    %dma_start3A_388 = tpu.memref_squeeze %dma_start3A_387 : memref<1x2x80xi32, #tpu.memory_space<hbm>> -> memref<2x80xi32, #tpu.memory_space<hbm>>
    %dma_start3A_389 = arith.constant 0 : i32
    %dma_start3A_390 = arith.constant 0 : i32
    %dma_start3A_391 = tpu.memref_slice %arg3[%min3A_384, %dma_start3A_389, %dma_start3A_390] : memref<4000x2x80xi32, #tpu.memory_space<hbm>> -> memref<1x2x80xi32, #tpu.memory_space<hbm>>
    %dma_start3A_392 = tpu.memref_squeeze %dma_start3A_391 : memref<1x2x80xi32, #tpu.memory_space<hbm>> -> memref<2x80xi32, #tpu.memory_space<hbm>>
    tpu.enqueue_dma source(%dma_start3A_392 : memref<2x80xi32, #tpu.memory_space<hbm>>) target(%arg5 : memref<2x80xi32, #tpu.memory_space<vmem>>) target_semaphore(%arg14 : memref<!tpu.dma_semaphore, #tpu.memory_space<semaphore_mem>>)
    %dma_start3A_393 = arith.constant 0 : i32
    %dma_start3A_394 = arith.constant 0 : i32
    %dma_start3A_395 = tpu.memref_slice %arg2[%dma_start3A_393, %dma_start3A_394] : memref<10240x128xf32, #tpu.memory_space<hbm>> -> memref<10240x128xf32, #tpu.memory_space<hbm>>
    tpu.enqueue_indirect_dma source(%dma_start3A_395 : memref<10240x128xf32, #tpu.memory_space<hbm>>) target(%arg11 : memref<80x128xf32, #tpu.memory_space<vmem>>) offsets(%arg7 : memref<80xi32, #tpu.memory_space<vmem>>) semaphore(%arg16 : memref<!tpu.dma_semaphore, #tpu.memory_space<semaphore_mem>>)
    %dma_wait3A_396 = arith.constant 0 : i32
    %dma_wait3A_397 = arith.constant 0 : i32
    %dma_wait3A_398 = tpu.memref_slice %arg2[%dma_wait3A_396, %dma_wait3A_397] : memref<10240x128xf32, #tpu.memory_space<hbm>> -> memref<10240x128xf32, #tpu.memory_space<hbm>>
    tpu.wait_indirect_dma semaphore(%arg17 : memref<!tpu.dma_semaphore, #tpu.memory_space<semaphore_mem>>) src(%dma_wait3A_398 : memref<10240x128xf32, #tpu.memory_space<hbm>>) dst(%arg12 : memref<80x128xf32, #tpu.memory_space<vmem>>)
    "tpu.region"() ({
      %run_scoped3A = tpu.sem_alloc : memref<!tpu.dma_semaphore, #tpu.memory_space<semaphore_mem>>
      %dma_start3A_453 = arith.constant 0 : i32
      %dma_start3A_454 = arith.constant 0 : i32
      %dma_start3A_455 = tpu.memref_slice %arg13[%dma_start3A_453, %dma_start3A_454] : memref<10240x128xf32, #tpu.memory_space<vmem_shared>> -> memref<10240x128xf32, #tpu.memory_space<vmem_shared>>
      tpu.enqueue_indirect_dma source(%arg12 : memref<80x128xf32, #tpu.memory_space<vmem>>) target(%dma_start3A_455 : memref<10240x128xf32, #tpu.memory_space<vmem_shared>>) offsets(%arg10 : memref<80xi32, #tpu.memory_space<vmem>>) semaphore(%run_scoped3A : memref<!tpu.dma_semaphore, #tpu.memory_space<semaphore_mem>>) {add = true}
      %dma_wait3A_456 = arith.constant 0 : i32
      %dma_wait3A_457 = arith.constant 0 : i32
      %dma_wait3A_458 = tpu.memref_slice %arg13[%dma_wait3A_456, %dma_wait3A_457] : memref<10240x128xf32, #tpu.memory_space<vmem_shared>> -> memref<10240x128xf32, #tpu.memory_space<vmem_shared>>
      tpu.wait_indirect_dma semaphore(%run_scoped3A : memref<!tpu.dma_semaphore, #tpu.memory_space<semaphore_mem>>) src(%arg12 : memref<80x128xf32, #tpu.memory_space<vmem>>) dst(%dma_wait3A_458 : memref<10240x128xf32, #tpu.memory_space<vmem_shared>>)
      tpu.yield
    }) : () -> ()
    %dma_wait3A_399 = arith.constant 0 : i32
    %dma_wait3A_400 = arith.constant 0 : i32
    %dma_wait3A_401 = tpu.memref_slice %arg2[%dma_wait3A_399, %dma_wait3A_400] : memref<10240x128xf32, #tpu.memory_space<hbm>> -> memref<10240x128xf32, #tpu.memory_space<hbm>>
    tpu.wait_indirect_dma semaphore(%arg16 : memref<!tpu.dma_semaphore, #tpu.memory_space<semaphore_mem>>) src(%dma_wait3A_401 : memref<10240x128xf32, #tpu.memory_space<hbm>>) dst(%arg11 : memref<80x128xf32, #tpu.memory_space<vmem>>)
    "tpu.region"() ({
      %run_scoped3A = tpu.sem_alloc : memref<!tpu.dma_semaphore, #tpu.memory_space<semaphore_mem>>
      %dma_start3A_453 = arith.constant 0 : i32
      %dma_start3A_454 = arith.constant 0 : i32
      %dma_start3A_455 = tpu.memref_slice %arg13[%dma_start3A_453, %dma_start3A_454] : memref<10240x128xf32, #tpu.memory_space<vmem_shared>> -> memref<10240x128xf32, #tpu.memory_space<vmem_shared>>
      tpu.enqueue_indirect_dma source(%arg11 : memref<80x128xf32, #tpu.memory_space<vmem>>) target(%dma_start3A_455 : memref<10240x128xf32, #tpu.memory_space<vmem_shared>>) offsets(%arg9 : memref<80xi32, #tpu.memory_space<vmem>>) semaphore(%run_scoped3A : memref<!tpu.dma_semaphore, #tpu.memory_space<semaphore_mem>>) {add = true}
      %dma_wait3A_456 = arith.constant 0 : i32
      %dma_wait3A_457 = arith.constant 0 : i32
      %dma_wait3A_458 = tpu.memref_slice %arg13[%dma_wait3A_456, %dma_wait3A_457] : memref<10240x128xf32, #tpu.memory_space<vmem_shared>> -> memref<10240x128xf32, #tpu.memory_space<vmem_shared>>
      tpu.wait_indirect_dma semaphore(%run_scoped3A : memref<!tpu.dma_semaphore, #tpu.memory_space<semaphore_mem>>) src(%arg11 : memref<80x128xf32, #tpu.memory_space<vmem>>) dst(%dma_wait3A_458 : memref<10240x128xf32, #tpu.memory_space<vmem_shared>>)
      tpu.yield
    }) : () -> ()
    %dma_wait3A_402 = arith.constant 0 : i32
    %dma_wait3A_403 = arith.constant 0 : i32
    %dma_wait3A_404 = arith.constant 0 : i32
    %dma_wait3A_405 = tpu.memref_slice %arg3[%dma_wait3A_402, %dma_wait3A_403, %dma_wait3A_404] : memref<4000x2x80xi32, #tpu.memory_space<hbm>> -> memref<1x2x80xi32, #tpu.memory_space<hbm>>
    %dma_wait3A_406 = tpu.memref_squeeze %dma_wait3A_405 : memref<1x2x80xi32, #tpu.memory_space<hbm>> -> memref<2x80xi32, #tpu.memory_space<hbm>>
    %dma_wait3A_407 = arith.constant 0 : i32
    %dma_wait3A_408 = arith.constant 0 : i32
    %dma_wait3A_409 = tpu.memref_slice %arg3[%dma_wait3A_402, %dma_wait3A_407, %dma_wait3A_408] : memref<4000x2x80xi32, #tpu.memory_space<hbm>> -> memref<1x2x80xi32, #tpu.memory_space<hbm>>
    %dma_wait3A_410 = tpu.memref_squeeze %dma_wait3A_409 : memref<1x2x80xi32, #tpu.memory_space<hbm>> -> memref<2x80xi32, #tpu.memory_space<hbm>>
    tpu.wait_dma2 semaphore(%arg14 : memref<!tpu.dma_semaphore, #tpu.memory_space<semaphore_mem>>) src(%dma_wait3A_410 : memref<2x80xi32, #tpu.memory_space<hbm>>) dst(%arg5 : memref<2x80xi32, #tpu.memory_space<vmem>>)
    %dma_wait3A_411 = arith.constant 0 : i32
    %dma_wait3A_412 = arith.constant 0 : i32
    %dma_wait3A_413 = arith.constant 0 : i32
    %dma_wait3A_414 = tpu.memref_slice %arg3[%dma_wait3A_411, %dma_wait3A_412, %dma_wait3A_413] : memref<4000x2x80xi32, #tpu.memory_space<hbm>> -> memref<1x2x80xi32, #tpu.memory_space<hbm>>
    %dma_wait3A_415 = tpu.memref_squeeze %dma_wait3A_414 : memref<1x2x80xi32, #tpu.memory_space<hbm>> -> memref<2x80xi32, #tpu.memory_space<hbm>>
    %dma_wait3A_416 = arith.constant 0 : i32
    %dma_wait3A_417 = arith.constant 0 : i32
    %dma_wait3A_418 = tpu.memref_slice %arg3[%dma_wait3A_411, %dma_wait3A_416, %dma_wait3A_417] : memref<4000x2x80xi32, #tpu.memory_space<hbm>> -> memref<1x2x80xi32, #tpu.memory_space<hbm>>
    %dma_wait3A_419 = tpu.memref_squeeze %dma_wait3A_418 : memref<1x2x80xi32, #tpu.memory_space<hbm>> -> memref<2x80xi32, #tpu.memory_space<hbm>>
    tpu.wait_dma2 semaphore(%arg15 : memref<!tpu.dma_semaphore, #tpu.memory_space<semaphore_mem>>) src(%dma_wait3A_419 : memref<2x80xi32, #tpu.memory_space<hbm>>) dst(%arg6 : memref<2x80xi32, #tpu.memory_space<vmem>>)
    %barrier3A_420 = arith.constant 0 : index
    tpu.barrier barrier_id(%barrier3A_420)
    %add3A_421 = arith.constant 0 : i32
    %add3A_422 = arith.addi %mul3A_5, %add3A_421 : i32
    "tpu.region"() ({
      %run_scoped3A = tpu.sem_alloc : memref<!tpu.dma_semaphore, #tpu.memory_space<semaphore_mem>>
      %dma_start3A_453 = arith.constant 0 : i32
      %dma_start3A_454 = tpu.memref_slice %arg13[%add3A_422, %dma_start3A_453] : memref<10240x128xf32, #tpu.memory_space<vmem_shared>> -> memref<80x128xf32, #tpu.memory_space<vmem_shared>>
      %dma_start3A_455 = arith.constant 0 : i32
      %dma_start3A_456 = tpu.memref_slice %arg13[%add3A_422, %dma_start3A_455] : memref<10240x128xf32, #tpu.memory_space<vmem_shared>> -> memref<80x128xf32, #tpu.memory_space<vmem_shared>>
      tpu.enqueue_dma source(%dma_start3A_456 : memref<80x128xf32, #tpu.memory_space<vmem_shared>>) target(%arg11 : memref<80x128xf32, #tpu.memory_space<vmem>>) target_semaphore(%run_scoped3A : memref<!tpu.dma_semaphore, #tpu.memory_space<semaphore_mem>>)
      %dma_wait3A_457 = arith.constant 0 : i32
      %dma_wait3A_458 = tpu.memref_slice %arg13[%add3A_422, %dma_wait3A_457] : memref<10240x128xf32, #tpu.memory_space<vmem_shared>> -> memref<80x128xf32, #tpu.memory_space<vmem_shared>>
      %dma_wait3A_459 = arith.constant 0 : i32
      %dma_wait3A_460 = tpu.memref_slice %arg13[%add3A_422, %dma_wait3A_459] : memref<10240x128xf32, #tpu.memory_space<vmem_shared>> -> memref<80x128xf32, #tpu.memory_space<vmem_shared>>
      tpu.wait_dma2 semaphore(%run_scoped3A : memref<!tpu.dma_semaphore, #tpu.memory_space<semaphore_mem>>) src(%dma_wait3A_460 : memref<80x128xf32, #tpu.memory_space<vmem_shared>>) dst(%arg11 : memref<80x128xf32, #tpu.memory_space<vmem>>)
      tpu.yield
    }) : () -> ()
    %add3A_423 = arith.constant 0 : i32
    %add3A_424 = arith.addi %mul3A_5, %add3A_423 : i32
    "tpu.region"() ({
      %run_scoped3A = tpu.sem_alloc : memref<!tpu.dma_semaphore, #tpu.memory_space<semaphore_mem>>
      %dma_start3A_453 = arith.constant 0 : i32
      %dma_start3A_454 = tpu.memref_slice %arg4[%arg0, %add3A_424, %dma_start3A_453] : memref<2x10240x128xf32, #tpu.memory_space<hbm>> -> memref<1x80x128xf32, #tpu.memory_space<hbm>>
      %dma_start3A_455 = tpu.memref_squeeze %dma_start3A_454 : memref<1x80x128xf32, #tpu.memory_space<hbm>> -> memref<80x128xf32, #tpu.memory_space<hbm>>
      %dma_start3A_456 = arith.constant 0 : i32
      %dma_start3A_457 = tpu.memref_slice %arg4[%arg0, %add3A_424, %dma_start3A_456] : memref<2x10240x128xf32, #tpu.memory_space<hbm>> -> memref<1x80x128xf32, #tpu.memory_space<hbm>>
      %dma_start3A_458 = tpu.memref_squeeze %dma_start3A_457 : memref<1x80x128xf32, #tpu.memory_space<hbm>> -> memref<80x128xf32, #tpu.memory_space<hbm>>
      tpu.enqueue_dma source(%arg11 : memref<80x128xf32, #tpu.memory_space<vmem>>) target(%dma_start3A_458 : memref<80x128xf32, #tpu.memory_space<hbm>>) target_semaphore(%run_scoped3A : memref<!tpu.dma_semaphore, #tpu.memory_space<semaphore_mem>>)
      %dma_wait3A_459 = arith.constant 0 : i32
      %dma_wait3A_460 = tpu.memref_slice %arg4[%arg0, %add3A_424, %dma_wait3A_459] : memref<2x10240x128xf32, #tpu.memory_space<hbm>> -> memref<1x80x128xf32, #tpu.memory_space<hbm>>
      %dma_wait3A_461 = tpu.memref_squeeze %dma_wait3A_460 : memref<1x80x128xf32, #tpu.memory_space<hbm>> -> memref<80x128xf32, #tpu.memory_space<hbm>>
      %dma_wait3A_462 = arith.constant 0 : i32
      %dma_wait3A_463 = tpu.memref_slice %arg4[%arg0, %add3A_424, %dma_wait3A_462] : memref<2x10240x128xf32, #tpu.memory_space<hbm>> -> memref<1x80x128xf32, #tpu.memory_space<hbm>>
      %dma_wait3A_464 = tpu.memref_squeeze %dma_wait3A_463 : memref<1x80x128xf32, #tpu.memory_space<hbm>> -> memref<80x128xf32, #tpu.memory_space<hbm>>
      tpu.wait_dma2 semaphore(%run_scoped3A : memref<!tpu.dma_semaphore, #tpu.memory_space<semaphore_mem>>) src(%arg11 : memref<80x128xf32, #tpu.memory_space<vmem>>) dst(%dma_wait3A_464 : memref<80x128xf32, #tpu.memory_space<hbm>>)
      tpu.yield
    }) : () -> ()
    %add3A_425 = arith.constant 80 : i32
    %add3A_426 = arith.addi %mul3A_5, %add3A_425 : i32
    "tpu.region"() ({
      %run_scoped3A = tpu.sem_alloc : memref<!tpu.dma_semaphore, #tpu.memory_space<semaphore_mem>>
      %dma_start3A_453 = arith.constant 0 : i32
      %dma_start3A_454 = tpu.memref_slice %arg13[%add3A_426, %dma_start3A_453] : memref<10240x128xf32, #tpu.memory_space<vmem_shared>> -> memref<80x128xf32, #tpu.memory_space<vmem_shared>>
      %dma_start3A_455 = arith.constant 0 : i32
      %dma_start3A_456 = tpu.memref_slice %arg13[%add3A_426, %dma_start3A_455] : memref<10240x128xf32, #tpu.memory_space<vmem_shared>> -> memref<80x128xf32, #tpu.memory_space<vmem_shared>>
      tpu.enqueue_dma source(%dma_start3A_456 : memref<80x128xf32, #tpu.memory_space<vmem_shared>>) target(%arg11 : memref<80x128xf32, #tpu.memory_space<vmem>>) target_semaphore(%run_scoped3A : memref<!tpu.dma_semaphore, #tpu.memory_space<semaphore_mem>>)
      %dma_wait3A_457 = arith.constant 0 : i32
      %dma_wait3A_458 = tpu.memref_slice %arg13[%add3A_426, %dma_wait3A_457] : memref<10240x128xf32, #tpu.memory_space<vmem_shared>> -> memref<80x128xf32, #tpu.memory_space<vmem_shared>>
      %dma_wait3A_459 = arith.constant 0 : i32
      %dma_wait3A_460 = tpu.memref_slice %arg13[%add3A_426, %dma_wait3A_459] : memref<10240x128xf32, #tpu.memory_space<vmem_shared>> -> memref<80x128xf32, #tpu.memory_space<vmem_shared>>
      tpu.wait_dma2 semaphore(%run_scoped3A : memref<!tpu.dma_semaphore, #tpu.memory_space<semaphore_mem>>) src(%dma_wait3A_460 : memref<80x128xf32, #tpu.memory_space<vmem_shared>>) dst(%arg11 : memref<80x128xf32, #tpu.memory_space<vmem>>)
      tpu.yield
    }) : () -> ()
    %add3A_427 = arith.constant 80 : i32
    %add3A_428 = arith.addi %mul3A_5, %add3A_427 : i32
    "tpu.region"() ({
      %run_scoped3A = tpu.sem_alloc : memref<!tpu.dma_semaphore, #tpu.memory_space<semaphore_mem>>
      %dma_start3A_453 = arith.constant 0 : i32
      %dma_start3A_454 = tpu.memref_slice %arg4[%arg0, %add3A_428, %dma_start3A_453] : memref<2x10240x128xf32, #tpu.memory_space<hbm>> -> memref<1x80x128xf32, #tpu.memory_space<hbm>>
      %dma_start3A_455 = tpu.memref_squeeze %dma_start3A_454 : memref<1x80x128xf32, #tpu.memory_space<hbm>> -> memref<80x128xf32, #tpu.memory_space<hbm>>
      %dma_start3A_456 = arith.constant 0 : i32
      %dma_start3A_457 = tpu.memref_slice %arg4[%arg0, %add3A_428, %dma_start3A_456] : memref<2x10240x128xf32, #tpu.memory_space<hbm>> -> memref<1x80x128xf32, #tpu.memory_space<hbm>>
      %dma_start3A_458 = tpu.memref_squeeze %dma_start3A_457 : memref<1x80x128xf32, #tpu.memory_space<hbm>> -> memref<80x128xf32, #tpu.memory_space<hbm>>
      tpu.enqueue_dma source(%arg11 : memref<80x128xf32, #tpu.memory_space<vmem>>) target(%dma_start3A_458 : memref<80x128xf32, #tpu.memory_space<hbm>>) target_semaphore(%run_scoped3A : memref<!tpu.dma_semaphore, #tpu.memory_space<semaphore_mem>>)
      %dma_wait3A_459 = arith.constant 0 : i32
      %dma_wait3A_460 = tpu.memref_slice %arg4[%arg0, %add3A_428, %dma_wait3A_459] : memref<2x10240x128xf32, #tpu.memory_space<hbm>> -> memref<1x80x128xf32, #tpu.memory_space<hbm>>
      %dma_wait3A_461 = tpu.memref_squeeze %dma_wait3A_460 : memref<1x80x128xf32, #tpu.memory_space<hbm>> -> memref<80x128xf32, #tpu.memory_space<hbm>>
      %dma_wait3A_462 = arith.constant 0 : i32
      %dma_wait3A_463 = tpu.memref_slice %arg4[%arg0, %add3A_428, %dma_wait3A_462] : memref<2x10240x128xf32, #tpu.memory_space<hbm>> -> memref<1x80x128xf32, #tpu.memory_space<hbm>>
      %dma_wait3A_464 = tpu.memref_squeeze %dma_wait3A_463 : memref<1x80x128xf32, #tpu.memory_space<hbm>> -> memref<80x128xf32, #tpu.memory_space<hbm>>
      tpu.wait_dma2 semaphore(%run_scoped3A : memref<!tpu.dma_semaphore, #tpu.memory_space<semaphore_mem>>) src(%arg11 : memref<80x128xf32, #tpu.memory_space<vmem>>) dst(%dma_wait3A_464 : memref<80x128xf32, #tpu.memory_space<hbm>>)
      tpu.yield
    }) : () -> ()
    %add3A_429 = arith.constant 160 : i32
    %add3A_430 = arith.addi %mul3A_5, %add3A_429 : i32
    "tpu.region"() ({
      %run_scoped3A = tpu.sem_alloc : memref<!tpu.dma_semaphore, #tpu.memory_space<semaphore_mem>>
      %dma_start3A_453 = arith.constant 0 : i32
      %dma_start3A_454 = tpu.memref_slice %arg13[%add3A_430, %dma_start3A_453] : memref<10240x128xf32, #tpu.memory_space<vmem_shared>> -> memref<80x128xf32, #tpu.memory_space<vmem_shared>>
      %dma_start3A_455 = arith.constant 0 : i32
      %dma_start3A_456 = tpu.memref_slice %arg13[%add3A_430, %dma_start3A_455] : memref<10240x128xf32, #tpu.memory_space<vmem_shared>> -> memref<80x128xf32, #tpu.memory_space<vmem_shared>>
      tpu.enqueue_dma source(%dma_start3A_456 : memref<80x128xf32, #tpu.memory_space<vmem_shared>>) target(%arg11 : memref<80x128xf32, #tpu.memory_space<vmem>>) target_semaphore(%run_scoped3A : memref<!tpu.dma_semaphore, #tpu.memory_space<semaphore_mem>>)
      %dma_wait3A_457 = arith.constant 0 : i32
      %dma_wait3A_458 = tpu.memref_slice %arg13[%add3A_430, %dma_wait3A_457] : memref<10240x128xf32, #tpu.memory_space<vmem_shared>> -> memref<80x128xf32, #tpu.memory_space<vmem_shared>>
      %dma_wait3A_459 = arith.constant 0 : i32
      %dma_wait3A_460 = tpu.memref_slice %arg13[%add3A_430, %dma_wait3A_459] : memref<10240x128xf32, #tpu.memory_space<vmem_shared>> -> memref<80x128xf32, #tpu.memory_space<vmem_shared>>
      tpu.wait_dma2 semaphore(%run_scoped3A : memref<!tpu.dma_semaphore, #tpu.memory_space<semaphore_mem>>) src(%dma_wait3A_460 : memref<80x128xf32, #tpu.memory_space<vmem_shared>>) dst(%arg11 : memref<80x128xf32, #tpu.memory_space<vmem>>)
      tpu.yield
    }) : () -> ()
    %add3A_431 = arith.constant 160 : i32
    %add3A_432 = arith.addi %mul3A_5, %add3A_431 : i32
    "tpu.region"() ({
      %run_scoped3A = tpu.sem_alloc : memref<!tpu.dma_semaphore, #tpu.memory_space<semaphore_mem>>
      %dma_start3A_453 = arith.constant 0 : i32
      %dma_start3A_454 = tpu.memref_slice %arg4[%arg0, %add3A_432, %dma_start3A_453] : memref<2x10240x128xf32, #tpu.memory_space<hbm>> -> memref<1x80x128xf32, #tpu.memory_space<hbm>>
      %dma_start3A_455 = tpu.memref_squeeze %dma_start3A_454 : memref<1x80x128xf32, #tpu.memory_space<hbm>> -> memref<80x128xf32, #tpu.memory_space<hbm>>
      %dma_start3A_456 = arith.constant 0 : i32
      %dma_start3A_457 = tpu.memref_slice %arg4[%arg0, %add3A_432, %dma_start3A_456] : memref<2x10240x128xf32, #tpu.memory_space<hbm>> -> memref<1x80x128xf32, #tpu.memory_space<hbm>>
      %dma_start3A_458 = tpu.memref_squeeze %dma_start3A_457 : memref<1x80x128xf32, #tpu.memory_space<hbm>> -> memref<80x128xf32, #tpu.memory_space<hbm>>
      tpu.enqueue_dma source(%arg11 : memref<80x128xf32, #tpu.memory_space<vmem>>) target(%dma_start3A_458 : memref<80x128xf32, #tpu.memory_space<hbm>>) target_semaphore(%run_scoped3A : memref<!tpu.dma_semaphore, #tpu.memory_space<semaphore_mem>>)
      %dma_wait3A_459 = arith.constant 0 : i32
      %dma_wait3A_460 = tpu.memref_slice %arg4[%arg0, %add3A_432, %dma_wait3A_459] : memref<2x10240x128xf32, #tpu.memory_space<hbm>> -> memref<1x80x128xf32, #tpu.memory_space<hbm>>
      %dma_wait3A_461 = tpu.memref_squeeze %dma_wait3A_460 : memref<1x80x128xf32, #tpu.memory_space<hbm>> -> memref<80x128xf32, #tpu.memory_space<hbm>>
      %dma_wait3A_462 = arith.constant 0 : i32
      %dma_wait3A_463 = tpu.memref_slice %arg4[%arg0, %add3A_432, %dma_wait3A_462] : memref<2x10240x128xf32, #tpu.memory_space<hbm>> -> memref<1x80x128xf32, #tpu.memory_space<hbm>>
      %dma_wait3A_464 = tpu.memref_squeeze %dma_wait3A_463 : memref<1x80x128xf32, #tpu.memory_space<hbm>> -> memref<80x128xf32, #tpu.memory_space<hbm>>
      tpu.wait_dma2 semaphore(%run_scoped3A : memref<!tpu.dma_semaphore, #tpu.memory_space<semaphore_mem>>) src(%arg11 : memref<80x128xf32, #tpu.memory_space<vmem>>) dst(%dma_wait3A_464 : memref<80x128xf32, #tpu.memory_space<hbm>>)
      tpu.yield
    }) : () -> ()
    %add3A_433 = arith.constant 240 : i32
    %add3A_434 = arith.addi %mul3A_5, %add3A_433 : i32
    "tpu.region"() ({
      %run_scoped3A = tpu.sem_alloc : memref<!tpu.dma_semaphore, #tpu.memory_space<semaphore_mem>>
      %dma_start3A_453 = arith.constant 0 : i32
      %dma_start3A_454 = tpu.memref_slice %arg13[%add3A_434, %dma_start3A_453] : memref<10240x128xf32, #tpu.memory_space<vmem_shared>> -> memref<80x128xf32, #tpu.memory_space<vmem_shared>>
      %dma_start3A_455 = arith.constant 0 : i32
      %dma_start3A_456 = tpu.memref_slice %arg13[%add3A_434, %dma_start3A_455] : memref<10240x128xf32, #tpu.memory_space<vmem_shared>> -> memref<80x128xf32, #tpu.memory_space<vmem_shared>>
      tpu.enqueue_dma source(%dma_start3A_456 : memref<80x128xf32, #tpu.memory_space<vmem_shared>>) target(%arg11 : memref<80x128xf32, #tpu.memory_space<vmem>>) target_semaphore(%run_scoped3A : memref<!tpu.dma_semaphore, #tpu.memory_space<semaphore_mem>>)
      %dma_wait3A_457 = arith.constant 0 : i32
      %dma_wait3A_458 = tpu.memref_slice %arg13[%add3A_434, %dma_wait3A_457] : memref<10240x128xf32, #tpu.memory_space<vmem_shared>> -> memref<80x128xf32, #tpu.memory_space<vmem_shared>>
      %dma_wait3A_459 = arith.constant 0 : i32
      %dma_wait3A_460 = tpu.memref_slice %arg13[%add3A_434, %dma_wait3A_459] : memref<10240x128xf32, #tpu.memory_space<vmem_shared>> -> memref<80x128xf32, #tpu.memory_space<vmem_shared>>
      tpu.wait_dma2 semaphore(%run_scoped3A : memref<!tpu.dma_semaphore, #tpu.memory_space<semaphore_mem>>) src(%dma_wait3A_460 : memref<80x128xf32, #tpu.memory_space<vmem_shared>>) dst(%arg11 : memref<80x128xf32, #tpu.memory_space<vmem>>)
      tpu.yield
    }) : () -> ()
    %add3A_435 = arith.constant 240 : i32
    %add3A_436 = arith.addi %mul3A_5, %add3A_435 : i32
    "tpu.region"() ({
      %run_scoped3A = tpu.sem_alloc : memref<!tpu.dma_semaphore, #tpu.memory_space<semaphore_mem>>
      %dma_start3A_453 = arith.constant 0 : i32
      %dma_start3A_454 = tpu.memref_slice %arg4[%arg0, %add3A_436, %dma_start3A_453] : memref<2x10240x128xf32, #tpu.memory_space<hbm>> -> memref<1x80x128xf32, #tpu.memory_space<hbm>>
      %dma_start3A_455 = tpu.memref_squeeze %dma_start3A_454 : memref<1x80x128xf32, #tpu.memory_space<hbm>> -> memref<80x128xf32, #tpu.memory_space<hbm>>
      %dma_start3A_456 = arith.constant 0 : i32
      %dma_start3A_457 = tpu.memref_slice %arg4[%arg0, %add3A_436, %dma_start3A_456] : memref<2x10240x128xf32, #tpu.memory_space<hbm>> -> memref<1x80x128xf32, #tpu.memory_space<hbm>>
      %dma_start3A_458 = tpu.memref_squeeze %dma_start3A_457 : memref<1x80x128xf32, #tpu.memory_space<hbm>> -> memref<80x128xf32, #tpu.memory_space<hbm>>
      tpu.enqueue_dma source(%arg11 : memref<80x128xf32, #tpu.memory_space<vmem>>) target(%dma_start3A_458 : memref<80x128xf32, #tpu.memory_space<hbm>>) target_semaphore(%run_scoped3A : memref<!tpu.dma_semaphore, #tpu.memory_space<semaphore_mem>>)
      %dma_wait3A_459 = arith.constant 0 : i32
      %dma_wait3A_460 = tpu.memref_slice %arg4[%arg0, %add3A_436, %dma_wait3A_459] : memref<2x10240x128xf32, #tpu.memory_space<hbm>> -> memref<1x80x128xf32, #tpu.memory_space<hbm>>
      %dma_wait3A_461 = tpu.memref_squeeze %dma_wait3A_460 : memref<1x80x128xf32, #tpu.memory_space<hbm>> -> memref<80x128xf32, #tpu.memory_space<hbm>>
      %dma_wait3A_462 = arith.constant 0 : i32
      %dma_wait3A_463 = tpu.memref_slice %arg4[%arg0, %add3A_436, %dma_wait3A_462] : memref<2x10240x128xf32, #tpu.memory_space<hbm>> -> memref<1x80x128xf32, #tpu.memory_space<hbm>>
      %dma_wait3A_464 = tpu.memref_squeeze %dma_wait3A_463 : memref<1x80x128xf32, #tpu.memory_space<hbm>> -> memref<80x128xf32, #tpu.memory_space<hbm>>
      tpu.wait_dma2 semaphore(%run_scoped3A : memref<!tpu.dma_semaphore, #tpu.memory_space<semaphore_mem>>) src(%arg11 : memref<80x128xf32, #tpu.memory_space<vmem>>) dst(%dma_wait3A_464 : memref<80x128xf32, #tpu.memory_space<hbm>>)
      tpu.yield
    }) : () -> ()
    %add3A_437 = arith.constant 320 : i32
    %add3A_438 = arith.addi %mul3A_5, %add3A_437 : i32
    "tpu.region"() ({
      %run_scoped3A = tpu.sem_alloc : memref<!tpu.dma_semaphore, #tpu.memory_space<semaphore_mem>>
      %dma_start3A_453 = arith.constant 0 : i32
      %dma_start3A_454 = tpu.memref_slice %arg13[%add3A_438, %dma_start3A_453] : memref<10240x128xf32, #tpu.memory_space<vmem_shared>> -> memref<80x128xf32, #tpu.memory_space<vmem_shared>>
      %dma_start3A_455 = arith.constant 0 : i32
      %dma_start3A_456 = tpu.memref_slice %arg13[%add3A_438, %dma_start3A_455] : memref<10240x128xf32, #tpu.memory_space<vmem_shared>> -> memref<80x128xf32, #tpu.memory_space<vmem_shared>>
      tpu.enqueue_dma source(%dma_start3A_456 : memref<80x128xf32, #tpu.memory_space<vmem_shared>>) target(%arg11 : memref<80x128xf32, #tpu.memory_space<vmem>>) target_semaphore(%run_scoped3A : memref<!tpu.dma_semaphore, #tpu.memory_space<semaphore_mem>>)
      %dma_wait3A_457 = arith.constant 0 : i32
      %dma_wait3A_458 = tpu.memref_slice %arg13[%add3A_438, %dma_wait3A_457] : memref<10240x128xf32, #tpu.memory_space<vmem_shared>> -> memref<80x128xf32, #tpu.memory_space<vmem_shared>>
      %dma_wait3A_459 = arith.constant 0 : i32
      %dma_wait3A_460 = tpu.memref_slice %arg13[%add3A_438, %dma_wait3A_459] : memref<10240x128xf32, #tpu.memory_space<vmem_shared>> -> memref<80x128xf32, #tpu.memory_space<vmem_shared>>
      tpu.wait_dma2 semaphore(%run_scoped3A : memref<!tpu.dma_semaphore, #tpu.memory_space<semaphore_mem>>) src(%dma_wait3A_460 : memref<80x128xf32, #tpu.memory_space<vmem_shared>>) dst(%arg11 : memref<80x128xf32, #tpu.memory_space<vmem>>)
      tpu.yield
    }) : () -> ()
    %add3A_439 = arith.constant 320 : i32
    %add3A_440 = arith.addi %mul3A_5, %add3A_439 : i32
    "tpu.region"() ({
      %run_scoped3A = tpu.sem_alloc : memref<!tpu.dma_semaphore, #tpu.memory_space<semaphore_mem>>
      %dma_start3A_453 = arith.constant 0 : i32
      %dma_start3A_454 = tpu.memref_slice %arg4[%arg0, %add3A_440, %dma_start3A_453] : memref<2x10240x128xf32, #tpu.memory_space<hbm>> -> memref<1x80x128xf32, #tpu.memory_space<hbm>>
      %dma_start3A_455 = tpu.memref_squeeze %dma_start3A_454 : memref<1x80x128xf32, #tpu.memory_space<hbm>> -> memref<80x128xf32, #tpu.memory_space<hbm>>
      %dma_start3A_456 = arith.constant 0 : i32
      %dma_start3A_457 = tpu.memref_slice %arg4[%arg0, %add3A_440, %dma_start3A_456] : memref<2x10240x128xf32, #tpu.memory_space<hbm>> -> memref<1x80x128xf32, #tpu.memory_space<hbm>>
      %dma_start3A_458 = tpu.memref_squeeze %dma_start3A_457 : memref<1x80x128xf32, #tpu.memory_space<hbm>> -> memref<80x128xf32, #tpu.memory_space<hbm>>
      tpu.enqueue_dma source(%arg11 : memref<80x128xf32, #tpu.memory_space<vmem>>) target(%dma_start3A_458 : memref<80x128xf32, #tpu.memory_space<hbm>>) target_semaphore(%run_scoped3A : memref<!tpu.dma_semaphore, #tpu.memory_space<semaphore_mem>>)
      %dma_wait3A_459 = arith.constant 0 : i32
      %dma_wait3A_460 = tpu.memref_slice %arg4[%arg0, %add3A_440, %dma_wait3A_459] : memref<2x10240x128xf32, #tpu.memory_space<hbm>> -> memref<1x80x128xf32, #tpu.memory_space<hbm>>
      %dma_wait3A_461 = tpu.memref_squeeze %dma_wait3A_460 : memref<1x80x128xf32, #tpu.memory_space<hbm>> -> memref<80x128xf32, #tpu.memory_space<hbm>>
      %dma_wait3A_462 = arith.constant 0 : i32
      %dma_wait3A_463 = tpu.memref_slice %arg4[%arg0, %add3A_440, %dma_wait3A_462] : memref<2x10240x128xf32, #tpu.memory_space<hbm>> -> memref<1x80x128xf32, #tpu.memory_space<hbm>>
      %dma_wait3A_464 = tpu.memref_squeeze %dma_wait3A_463 : memref<1x80x128xf32, #tpu.memory_space<hbm>> -> memref<80x128xf32, #tpu.memory_space<hbm>>
      tpu.wait_dma2 semaphore(%run_scoped3A : memref<!tpu.dma_semaphore, #tpu.memory_space<semaphore_mem>>) src(%arg11 : memref<80x128xf32, #tpu.memory_space<vmem>>) dst(%dma_wait3A_464 : memref<80x128xf32, #tpu.memory_space<hbm>>)
      tpu.yield
    }) : () -> ()
    %add3A_441 = arith.constant 400 : i32
    %add3A_442 = arith.addi %mul3A_5, %add3A_441 : i32
    "tpu.region"() ({
      %run_scoped3A = tpu.sem_alloc : memref<!tpu.dma_semaphore, #tpu.memory_space<semaphore_mem>>
      %dma_start3A_453 = arith.constant 0 : i32
      %dma_start3A_454 = tpu.memref_slice %arg13[%add3A_442, %dma_start3A_453] : memref<10240x128xf32, #tpu.memory_space<vmem_shared>> -> memref<80x128xf32, #tpu.memory_space<vmem_shared>>
      %dma_start3A_455 = arith.constant 0 : i32
      %dma_start3A_456 = tpu.memref_slice %arg13[%add3A_442, %dma_start3A_455] : memref<10240x128xf32, #tpu.memory_space<vmem_shared>> -> memref<80x128xf32, #tpu.memory_space<vmem_shared>>
      tpu.enqueue_dma source(%dma_start3A_456 : memref<80x128xf32, #tpu.memory_space<vmem_shared>>) target(%arg11 : memref<80x128xf32, #tpu.memory_space<vmem>>) target_semaphore(%run_scoped3A : memref<!tpu.dma_semaphore, #tpu.memory_space<semaphore_mem>>)
      %dma_wait3A_457 = arith.constant 0 : i32
      %dma_wait3A_458 = tpu.memref_slice %arg13[%add3A_442, %dma_wait3A_457] : memref<10240x128xf32, #tpu.memory_space<vmem_shared>> -> memref<80x128xf32, #tpu.memory_space<vmem_shared>>
      %dma_wait3A_459 = arith.constant 0 : i32
      %dma_wait3A_460 = tpu.memref_slice %arg13[%add3A_442, %dma_wait3A_459] : memref<10240x128xf32, #tpu.memory_space<vmem_shared>> -> memref<80x128xf32, #tpu.memory_space<vmem_shared>>
      tpu.wait_dma2 semaphore(%run_scoped3A : memref<!tpu.dma_semaphore, #tpu.memory_space<semaphore_mem>>) src(%dma_wait3A_460 : memref<80x128xf32, #tpu.memory_space<vmem_shared>>) dst(%arg11 : memref<80x128xf32, #tpu.memory_space<vmem>>)
      tpu.yield
    }) : () -> ()
    %add3A_443 = arith.constant 400 : i32
    %add3A_444 = arith.addi %mul3A_5, %add3A_443 : i32
    "tpu.region"() ({
      %run_scoped3A = tpu.sem_alloc : memref<!tpu.dma_semaphore, #tpu.memory_space<semaphore_mem>>
      %dma_start3A_453 = arith.constant 0 : i32
      %dma_start3A_454 = tpu.memref_slice %arg4[%arg0, %add3A_444, %dma_start3A_453] : memref<2x10240x128xf32, #tpu.memory_space<hbm>> -> memref<1x80x128xf32, #tpu.memory_space<hbm>>
      %dma_start3A_455 = tpu.memref_squeeze %dma_start3A_454 : memref<1x80x128xf32, #tpu.memory_space<hbm>> -> memref<80x128xf32, #tpu.memory_space<hbm>>
      %dma_start3A_456 = arith.constant 0 : i32
      %dma_start3A_457 = tpu.memref_slice %arg4[%arg0, %add3A_444, %dma_start3A_456] : memref<2x10240x128xf32, #tpu.memory_space<hbm>> -> memref<1x80x128xf32, #tpu.memory_space<hbm>>
      %dma_start3A_458 = tpu.memref_squeeze %dma_start3A_457 : memref<1x80x128xf32, #tpu.memory_space<hbm>> -> memref<80x128xf32, #tpu.memory_space<hbm>>
      tpu.enqueue_dma source(%arg11 : memref<80x128xf32, #tpu.memory_space<vmem>>) target(%dma_start3A_458 : memref<80x128xf32, #tpu.memory_space<hbm>>) target_semaphore(%run_scoped3A : memref<!tpu.dma_semaphore, #tpu.memory_space<semaphore_mem>>)
      %dma_wait3A_459 = arith.constant 0 : i32
      %dma_wait3A_460 = tpu.memref_slice %arg4[%arg0, %add3A_444, %dma_wait3A_459] : memref<2x10240x128xf32, #tpu.memory_space<hbm>> -> memref<1x80x128xf32, #tpu.memory_space<hbm>>
      %dma_wait3A_461 = tpu.memref_squeeze %dma_wait3A_460 : memref<1x80x128xf32, #tpu.memory_space<hbm>> -> memref<80x128xf32, #tpu.memory_space<hbm>>
      %dma_wait3A_462 = arith.constant 0 : i32
      %dma_wait3A_463 = tpu.memref_slice %arg4[%arg0, %add3A_444, %dma_wait3A_462] : memref<2x10240x128xf32, #tpu.memory_space<hbm>> -> memref<1x80x128xf32, #tpu.memory_space<hbm>>
      %dma_wait3A_464 = tpu.memref_squeeze %dma_wait3A_463 : memref<1x80x128xf32, #tpu.memory_space<hbm>> -> memref<80x128xf32, #tpu.memory_space<hbm>>
      tpu.wait_dma2 semaphore(%run_scoped3A : memref<!tpu.dma_semaphore, #tpu.memory_space<semaphore_mem>>) src(%arg11 : memref<80x128xf32, #tpu.memory_space<vmem>>) dst(%dma_wait3A_464 : memref<80x128xf32, #tpu.memory_space<hbm>>)
      tpu.yield
    }) : () -> ()
    %add3A_445 = arith.constant 480 : i32
    %add3A_446 = arith.addi %mul3A_5, %add3A_445 : i32
    "tpu.region"() ({
      %run_scoped3A = tpu.sem_alloc : memref<!tpu.dma_semaphore, #tpu.memory_space<semaphore_mem>>
      %dma_start3A_453 = arith.constant 0 : i32
      %dma_start3A_454 = tpu.memref_slice %arg13[%add3A_446, %dma_start3A_453] : memref<10240x128xf32, #tpu.memory_space<vmem_shared>> -> memref<80x128xf32, #tpu.memory_space<vmem_shared>>
      %dma_start3A_455 = arith.constant 0 : i32
      %dma_start3A_456 = tpu.memref_slice %arg13[%add3A_446, %dma_start3A_455] : memref<10240x128xf32, #tpu.memory_space<vmem_shared>> -> memref<80x128xf32, #tpu.memory_space<vmem_shared>>
      tpu.enqueue_dma source(%dma_start3A_456 : memref<80x128xf32, #tpu.memory_space<vmem_shared>>) target(%arg11 : memref<80x128xf32, #tpu.memory_space<vmem>>) target_semaphore(%run_scoped3A : memref<!tpu.dma_semaphore, #tpu.memory_space<semaphore_mem>>)
      %dma_wait3A_457 = arith.constant 0 : i32
      %dma_wait3A_458 = tpu.memref_slice %arg13[%add3A_446, %dma_wait3A_457] : memref<10240x128xf32, #tpu.memory_space<vmem_shared>> -> memref<80x128xf32, #tpu.memory_space<vmem_shared>>
      %dma_wait3A_459 = arith.constant 0 : i32
      %dma_wait3A_460 = tpu.memref_slice %arg13[%add3A_446, %dma_wait3A_459] : memref<10240x128xf32, #tpu.memory_space<vmem_shared>> -> memref<80x128xf32, #tpu.memory_space<vmem_shared>>
      tpu.wait_dma2 semaphore(%run_scoped3A : memref<!tpu.dma_semaphore, #tpu.memory_space<semaphore_mem>>) src(%dma_wait3A_460 : memref<80x128xf32, #tpu.memory_space<vmem_shared>>) dst(%arg11 : memref<80x128xf32, #tpu.memory_space<vmem>>)
      tpu.yield
    }) : () -> ()
    %add3A_447 = arith.constant 480 : i32
    %add3A_448 = arith.addi %mul3A_5, %add3A_447 : i32
    "tpu.region"() ({
      %run_scoped3A = tpu.sem_alloc : memref<!tpu.dma_semaphore, #tpu.memory_space<semaphore_mem>>
      %dma_start3A_453 = arith.constant 0 : i32
      %dma_start3A_454 = tpu.memref_slice %arg4[%arg0, %add3A_448, %dma_start3A_453] : memref<2x10240x128xf32, #tpu.memory_space<hbm>> -> memref<1x80x128xf32, #tpu.memory_space<hbm>>
      %dma_start3A_455 = tpu.memref_squeeze %dma_start3A_454 : memref<1x80x128xf32, #tpu.memory_space<hbm>> -> memref<80x128xf32, #tpu.memory_space<hbm>>
      %dma_start3A_456 = arith.constant 0 : i32
      %dma_start3A_457 = tpu.memref_slice %arg4[%arg0, %add3A_448, %dma_start3A_456] : memref<2x10240x128xf32, #tpu.memory_space<hbm>> -> memref<1x80x128xf32, #tpu.memory_space<hbm>>
      %dma_start3A_458 = tpu.memref_squeeze %dma_start3A_457 : memref<1x80x128xf32, #tpu.memory_space<hbm>> -> memref<80x128xf32, #tpu.memory_space<hbm>>
      tpu.enqueue_dma source(%arg11 : memref<80x128xf32, #tpu.memory_space<vmem>>) target(%dma_start3A_458 : memref<80x128xf32, #tpu.memory_space<hbm>>) target_semaphore(%run_scoped3A : memref<!tpu.dma_semaphore, #tpu.memory_space<semaphore_mem>>)
      %dma_wait3A_459 = arith.constant 0 : i32
      %dma_wait3A_460 = tpu.memref_slice %arg4[%arg0, %add3A_448, %dma_wait3A_459] : memref<2x10240x128xf32, #tpu.memory_space<hbm>> -> memref<1x80x128xf32, #tpu.memory_space<hbm>>
      %dma_wait3A_461 = tpu.memref_squeeze %dma_wait3A_460 : memref<1x80x128xf32, #tpu.memory_space<hbm>> -> memref<80x128xf32, #tpu.memory_space<hbm>>
      %dma_wait3A_462 = arith.constant 0 : i32
      %dma_wait3A_463 = tpu.memref_slice %arg4[%arg0, %add3A_448, %dma_wait3A_462] : memref<2x10240x128xf32, #tpu.memory_space<hbm>> -> memref<1x80x128xf32, #tpu.memory_space<hbm>>
      %dma_wait3A_464 = tpu.memref_squeeze %dma_wait3A_463 : memref<1x80x128xf32, #tpu.memory_space<hbm>> -> memref<80x128xf32, #tpu.memory_space<hbm>>
      tpu.wait_dma2 semaphore(%run_scoped3A : memref<!tpu.dma_semaphore, #tpu.memory_space<semaphore_mem>>) src(%arg11 : memref<80x128xf32, #tpu.memory_space<vmem>>) dst(%dma_wait3A_464 : memref<80x128xf32, #tpu.memory_space<hbm>>)
      tpu.yield
    }) : () -> ()
    %add3A_449 = arith.constant 560 : i32
    %add3A_450 = arith.addi %mul3A_5, %add3A_449 : i32
    "tpu.region"() ({
      %run_scoped3A = tpu.sem_alloc : memref<!tpu.dma_semaphore, #tpu.memory_space<semaphore_mem>>
      %dma_start3A_453 = arith.constant 0 : i32
      %dma_start3A_454 = tpu.memref_slice %arg13[%add3A_450, %dma_start3A_453] : memref<10240x128xf32, #tpu.memory_space<vmem_shared>> -> memref<80x128xf32, #tpu.memory_space<vmem_shared>>
      %dma_start3A_455 = arith.constant 0 : i32
      %dma_start3A_456 = tpu.memref_slice %arg13[%add3A_450, %dma_start3A_455] : memref<10240x128xf32, #tpu.memory_space<vmem_shared>> -> memref<80x128xf32, #tpu.memory_space<vmem_shared>>
      tpu.enqueue_dma source(%dma_start3A_456 : memref<80x128xf32, #tpu.memory_space<vmem_shared>>) target(%arg11 : memref<80x128xf32, #tpu.memory_space<vmem>>) target_semaphore(%run_scoped3A : memref<!tpu.dma_semaphore, #tpu.memory_space<semaphore_mem>>)
      %dma_wait3A_457 = arith.constant 0 : i32
      %dma_wait3A_458 = tpu.memref_slice %arg13[%add3A_450, %dma_wait3A_457] : memref<10240x128xf32, #tpu.memory_space<vmem_shared>> -> memref<80x128xf32, #tpu.memory_space<vmem_shared>>
      %dma_wait3A_459 = arith.constant 0 : i32
      %dma_wait3A_460 = tpu.memref_slice %arg13[%add3A_450, %dma_wait3A_459] : memref<10240x128xf32, #tpu.memory_space<vmem_shared>> -> memref<80x128xf32, #tpu.memory_space<vmem_shared>>
      tpu.wait_dma2 semaphore(%run_scoped3A : memref<!tpu.dma_semaphore, #tpu.memory_space<semaphore_mem>>) src(%dma_wait3A_460 : memref<80x128xf32, #tpu.memory_space<vmem_shared>>) dst(%arg11 : memref<80x128xf32, #tpu.memory_space<vmem>>)
      tpu.yield
    }) : () -> ()
    %add3A_451 = arith.constant 560 : i32
    %add3A_452 = arith.addi %mul3A_5, %add3A_451 : i32
    "tpu.region"() ({
      %run_scoped3A = tpu.sem_alloc : memref<!tpu.dma_semaphore, #tpu.memory_space<semaphore_mem>>
      %dma_start3A_453 = arith.constant 0 : i32
      %dma_start3A_454 = tpu.memref_slice %arg4[%arg0, %add3A_452, %dma_start3A_453] : memref<2x10240x128xf32, #tpu.memory_space<hbm>> -> memref<1x80x128xf32, #tpu.memory_space<hbm>>
      %dma_start3A_455 = tpu.memref_squeeze %dma_start3A_454 : memref<1x80x128xf32, #tpu.memory_space<hbm>> -> memref<80x128xf32, #tpu.memory_space<hbm>>
      %dma_start3A_456 = arith.constant 0 : i32
      %dma_start3A_457 = tpu.memref_slice %arg4[%arg0, %add3A_452, %dma_start3A_456] : memref<2x10240x128xf32, #tpu.memory_space<hbm>> -> memref<1x80x128xf32, #tpu.memory_space<hbm>>
      %dma_start3A_458 = tpu.memref_squeeze %dma_start3A_457 : memref<1x80x128xf32, #tpu.memory_space<hbm>> -> memref<80x128xf32, #tpu.memory_space<hbm>>
      tpu.enqueue_dma source(%arg11 : memref<80x128xf32, #tpu.memory_space<vmem>>) target(%dma_start3A_458 : memref<80x128xf32, #tpu.memory_space<hbm>>) target_semaphore(%run_scoped3A : memref<!tpu.dma_semaphore, #tpu.memory_space<semaphore_mem>>)
      %dma_wait3A_459 = arith.constant 0 : i32
      %dma_wait3A_460 = tpu.memref_slice %arg4[%arg0, %add3A_452, %dma_wait3A_459] : memref<2x10240x128xf32, #tpu.memory_space<hbm>> -> memref<1x80x128xf32, #tpu.memory_space<hbm>>
      %dma_wait3A_461 = tpu.memref_squeeze %dma_wait3A_460 : memref<1x80x128xf32, #tpu.memory_space<hbm>> -> memref<80x128xf32, #tpu.memory_space<hbm>>
      %dma_wait3A_462 = arith.constant 0 : i32
      %dma_wait3A_463 = tpu.memref_slice %arg4[%arg0, %add3A_452, %dma_wait3A_462] : memref<2x10240x128xf32, #tpu.memory_space<hbm>> -> memref<1x80x128xf32, #tpu.memory_space<hbm>>
      %dma_wait3A_464 = tpu.memref_squeeze %dma_wait3A_463 : memref<1x80x128xf32, #tpu.memory_space<hbm>> -> memref<80x128xf32, #tpu.memory_space<hbm>>
      tpu.wait_dma2 semaphore(%run_scoped3A : memref<!tpu.dma_semaphore, #tpu.memory_space<semaphore_mem>>) src(%arg11 : memref<80x128xf32, #tpu.memory_space<vmem>>) dst(%dma_wait3A_464 : memref<80x128xf32, #tpu.memory_space<hbm>>)
      tpu.yield
    }) : () -> ()
    return
  }
}

#map = affine_map<(d0, d1) -> (0, 0)>
module attributes {stable_mosaic.version = 14 : i64} {
  func.func @_sc_degree(%arg0: i32, %arg1: i32, %arg2: memref<2560x128xi32, #tpu.memory_space<hbm>>, %arg3: memref<2x10240xf32, #tpu.memory_space<hbm>>, %arg4: memref<80x128xi32, #tpu.memory_space<vmem>>, %arg5: memref<128xi32, #tpu.memory_space<vmem>>, %arg6: memref<128xi32, #tpu.memory_space<vmem>>, %arg7: memref<128xf32, #tpu.memory_space<vmem>>, %arg8: memref<640xf32, #tpu.memory_space<vmem>>, %arg9: memref<10240xf32, #tpu.memory_space<vmem_shared>>, %arg10: memref<!tpu.dma_semaphore, #tpu.memory_space<semaphore_mem>>, %arg11: memref<!tpu.dma_semaphore, #tpu.memory_space<semaphore_mem>>) attributes {dimension_semantics = [#tpu.dimension_semantics<core_parallel>, #tpu.dimension_semantics<subcore_parallel>], iteration_bounds = array<i64: 2, 16>, scalar_prefetch = 0 : i64, scratch_operands = 8 : i64, tpu.core_type = #tpu.core_type<sc_vector_subcore>, window_params = [{transform_indices = #map}, {transform_indices = #map}]} {
    %broadcast_in_dim3A = arith.constant 1.000000e+00 : f32
    %broadcast_in_dim3A_0 = vector.broadcast %broadcast_in_dim3A : f32 to vector<16xf32>
    %swap3A = arith.constant 0 : index
    %swap3A_1 = tpu.vector_load %arg7[%swap3A] {strides = array<i32>} : memref<128xf32, #tpu.memory_space<vmem>>, vector<16xf32>,
    %swap3A_2 = vector.shape_cast %swap3A_1 : vector<16xf32> to vector<16xf32>
    %swap3A_3 = vector.shape_cast %broadcast_in_dim3A_0 : vector<16xf32> to vector<16xf32>
    tpu.vector_store %arg7[%swap3A], %swap3A_3 {strides = array<i32>} : memref<128xf32, #tpu.memory_space<vmem>>, vector<16xf32>,
    %broadcast_in_dim3A_4 = arith.constant 1.000000e+00 : f32
    %broadcast_in_dim3A_5 = vector.broadcast %broadcast_in_dim3A_4 : f32 to vector<16xf32>
    %swap3A_6 = arith.constant 16 : index
    %swap3A_7 = tpu.vector_load %arg7[%swap3A_6] {strides = array<i32>} : memref<128xf32, #tpu.memory_space<vmem>>, vector<16xf32>,
    %swap3A_8 = vector.shape_cast %swap3A_7 : vector<16xf32> to vector<16xf32>
    %swap3A_9 = vector.shape_cast %broadcast_in_dim3A_5 : vector<16xf32> to vector<16xf32>
    tpu.vector_store %arg7[%swap3A_6], %swap3A_9 {strides = array<i32>} : memref<128xf32, #tpu.memory_space<vmem>>, vector<16xf32>,
    %broadcast_in_dim3A_10 = arith.constant 1.000000e+00 : f32
    %broadcast_in_dim3A_11 = vector.broadcast %broadcast_in_dim3A_10 : f32 to vector<16xf32>
    %swap3A_12 = arith.constant 32 : index
    %swap3A_13 = tpu.vector_load %arg7[%swap3A_12] {strides = array<i32>} : memref<128xf32, #tpu.memory_space<vmem>>, vector<16xf32>,
    %swap3A_14 = vector.shape_cast %swap3A_13 : vector<16xf32> to vector<16xf32>
    %swap3A_15 = vector.shape_cast %broadcast_in_dim3A_11 : vector<16xf32> to vector<16xf32>
    tpu.vector_store %arg7[%swap3A_12], %swap3A_15 {strides = array<i32>} : memref<128xf32, #tpu.memory_space<vmem>>, vector<16xf32>,
    %broadcast_in_dim3A_16 = arith.constant 1.000000e+00 : f32
    %broadcast_in_dim3A_17 = vector.broadcast %broadcast_in_dim3A_16 : f32 to vector<16xf32>
    %swap3A_18 = arith.constant 48 : index
    %swap3A_19 = tpu.vector_load %arg7[%swap3A_18] {strides = array<i32>} : memref<128xf32, #tpu.memory_space<vmem>>, vector<16xf32>,
    %swap3A_20 = vector.shape_cast %swap3A_19 : vector<16xf32> to vector<16xf32>
    %swap3A_21 = vector.shape_cast %broadcast_in_dim3A_17 : vector<16xf32> to vector<16xf32>
    tpu.vector_store %arg7[%swap3A_18], %swap3A_21 {strides = array<i32>} : memref<128xf32, #tpu.memory_space<vmem>>, vector<16xf32>,
    %broadcast_in_dim3A_22 = arith.constant 1.000000e+00 : f32
    %broadcast_in_dim3A_23 = vector.broadcast %broadcast_in_dim3A_22 : f32 to vector<16xf32>
    %swap3A_24 = arith.constant 64 : index
    %swap3A_25 = tpu.vector_load %arg7[%swap3A_24] {strides = array<i32>} : memref<128xf32, #tpu.memory_space<vmem>>, vector<16xf32>,
    %swap3A_26 = vector.shape_cast %swap3A_25 : vector<16xf32> to vector<16xf32>
    %swap3A_27 = vector.shape_cast %broadcast_in_dim3A_23 : vector<16xf32> to vector<16xf32>
    tpu.vector_store %arg7[%swap3A_24], %swap3A_27 {strides = array<i32>} : memref<128xf32, #tpu.memory_space<vmem>>, vector<16xf32>,
    %broadcast_in_dim3A_28 = arith.constant 1.000000e+00 : f32
    %broadcast_in_dim3A_29 = vector.broadcast %broadcast_in_dim3A_28 : f32 to vector<16xf32>
    %swap3A_30 = arith.constant 80 : index
    %swap3A_31 = tpu.vector_load %arg7[%swap3A_30] {strides = array<i32>} : memref<128xf32, #tpu.memory_space<vmem>>, vector<16xf32>,
    %swap3A_32 = vector.shape_cast %swap3A_31 : vector<16xf32> to vector<16xf32>
    %swap3A_33 = vector.shape_cast %broadcast_in_dim3A_29 : vector<16xf32> to vector<16xf32>
    tpu.vector_store %arg7[%swap3A_30], %swap3A_33 {strides = array<i32>} : memref<128xf32, #tpu.memory_space<vmem>>, vector<16xf32>,
    %broadcast_in_dim3A_34 = arith.constant 1.000000e+00 : f32
    %broadcast_in_dim3A_35 = vector.broadcast %broadcast_in_dim3A_34 : f32 to vector<16xf32>
    %swap3A_36 = arith.constant 96 : index
    %swap3A_37 = tpu.vector_load %arg7[%swap3A_36] {strides = array<i32>} : memref<128xf32, #tpu.memory_space<vmem>>, vector<16xf32>,
    %swap3A_38 = vector.shape_cast %swap3A_37 : vector<16xf32> to vector<16xf32>
    %swap3A_39 = vector.shape_cast %broadcast_in_dim3A_35 : vector<16xf32> to vector<16xf32>
    tpu.vector_store %arg7[%swap3A_36], %swap3A_39 {strides = array<i32>} : memref<128xf32, #tpu.memory_space<vmem>>, vector<16xf32>,
    %broadcast_in_dim3A_40 = arith.constant 1.000000e+00 : f32
    %broadcast_in_dim3A_41 = vector.broadcast %broadcast_in_dim3A_40 : f32 to vector<16xf32>
    %swap3A_42 = arith.constant 112 : index
    %swap3A_43 = tpu.vector_load %arg7[%swap3A_42] {strides = array<i32>} : memref<128xf32, #tpu.memory_space<vmem>>, vector<16xf32>,
    %swap3A_44 = vector.shape_cast %swap3A_43 : vector<16xf32> to vector<16xf32>
    %swap3A_45 = vector.shape_cast %broadcast_in_dim3A_41 : vector<16xf32> to vector<16xf32>
    tpu.vector_store %arg7[%swap3A_42], %swap3A_45 {strides = array<i32>} : memref<128xf32, #tpu.memory_space<vmem>>, vector<16xf32>,
    %scan3A = arith.constant 0 : i32
    %scan3A_46 = arith.constant 0 : i32
    %scan3A_47 = arith.constant 40 : i32
    %scan3A_48 = arith.addi %scan3A_46, %scan3A_47 : i32
    %scan3A_49 = arith.constant 1 : i32
    scf.for %scan3A_212 = %scan3A_46 to %scan3A_48 step %scan3A_49  : i32 {
      %broadcast_in_dim3A_213 = arith.constant 0.000000e+00 : f32
      %broadcast_in_dim3A_214 = vector.broadcast %broadcast_in_dim3A_213 : f32 to vector<16xf32>
      %mul3A_215 = arith.constant 16 : i32
      %mul3A_216 = arith.muli %scan3A_212, %mul3A_215 : i32
      %swap3A_217 = arith.index_cast %mul3A_216 : i32 to index
      %swap3A_218 = tpu.vector_load %arg8[%swap3A_217] {strides = array<i32>} : memref<640xf32, #tpu.memory_space<vmem>>, vector<16xf32>,
      %swap3A_219 = vector.shape_cast %swap3A_218 : vector<16xf32> to vector<16xf32>
      %swap3A_220 = vector.shape_cast %broadcast_in_dim3A_214 : vector<16xf32> to vector<16xf32>
      tpu.vector_store %arg8[%swap3A_217], %swap3A_220 {strides = array<i32>} : memref<640xf32, #tpu.memory_space<vmem>>, vector<16xf32>,
    }
    %scan3A_50 = arith.constant 40 : i32
    %mul3A = arith.constant 640 : i32
    %mul3A_51 = arith.muli %arg1, %mul3A : i32
    "tpu.region"() ({
      %run_scoped3A = tpu.sem_alloc : memref<!tpu.dma_semaphore, #tpu.memory_space<semaphore_mem>>
      %dma_start3A_212 = tpu.memref_slice %arg9[%mul3A_51] : memref<10240xf32, #tpu.memory_space<vmem_shared>> -> memref<640xf32, #tpu.memory_space<vmem_shared>>
      %dma_start3A_213 = tpu.memref_slice %arg9[%mul3A_51] : memref<10240xf32, #tpu.memory_space<vmem_shared>> -> memref<640xf32, #tpu.memory_space<vmem_shared>>
      tpu.enqueue_dma source(%arg8 : memref<640xf32, #tpu.memory_space<vmem>>) target(%dma_start3A_213 : memref<640xf32, #tpu.memory_space<vmem_shared>>) target_semaphore(%run_scoped3A : memref<!tpu.dma_semaphore, #tpu.memory_space<semaphore_mem>>)
      %dma_wait3A_214 = tpu.memref_slice %arg9[%mul3A_51] : memref<10240xf32, #tpu.memory_space<vmem_shared>> -> memref<640xf32, #tpu.memory_space<vmem_shared>>
      %dma_wait3A_215 = tpu.memref_slice %arg9[%mul3A_51] : memref<10240xf32, #tpu.memory_space<vmem_shared>> -> memref<640xf32, #tpu.memory_space<vmem_shared>>
      tpu.wait_dma2 semaphore(%run_scoped3A : memref<!tpu.dma_semaphore, #tpu.memory_space<semaphore_mem>>) src(%arg8 : memref<640xf32, #tpu.memory_space<vmem>>) dst(%dma_wait3A_215 : memref<640xf32, #tpu.memory_space<vmem_shared>>)
      tpu.yield
    }) : () -> ()
    %barrier3A = arith.constant 0 : index
    tpu.barrier barrier_id(%barrier3A)
    %mul3A_52 = arith.constant 16 : i32
    %mul3A_53 = arith.muli %arg0, %mul3A_52 : i32
    %add3A = arith.addi %mul3A_53, %arg1 : i32
    %mul3A_54 = arith.constant 80 : i32
    %mul3A_55 = arith.muli %add3A, %mul3A_54 : i32
    "tpu.region"() ({
      %run_scoped3A = tpu.sem_alloc : memref<!tpu.dma_semaphore, #tpu.memory_space<semaphore_mem>>
      %dma_start3A_212 = arith.constant 0 : i32
      %dma_start3A_213 = tpu.memref_slice %arg2[%mul3A_55, %dma_start3A_212] : memref<2560x128xi32, #tpu.memory_space<hbm>> -> memref<80x128xi32, #tpu.memory_space<hbm>>
      %dma_start3A_214 = arith.constant 0 : i32
      %dma_start3A_215 = tpu.memref_slice %arg2[%mul3A_55, %dma_start3A_214] : memref<2560x128xi32, #tpu.memory_space<hbm>> -> memref<80x128xi32, #tpu.memory_space<hbm>>
      tpu.enqueue_dma source(%dma_start3A_215 : memref<80x128xi32, #tpu.memory_space<hbm>>) target(%arg4 : memref<80x128xi32, #tpu.memory_space<vmem>>) target_semaphore(%run_scoped3A : memref<!tpu.dma_semaphore, #tpu.memory_space<semaphore_mem>>)
      %dma_wait3A_216 = arith.constant 0 : i32
      %dma_wait3A_217 = tpu.memref_slice %arg2[%mul3A_55, %dma_wait3A_216] : memref<2560x128xi32, #tpu.memory_space<hbm>> -> memref<80x128xi32, #tpu.memory_space<hbm>>
      %dma_wait3A_218 = arith.constant 0 : i32
      %dma_wait3A_219 = tpu.memref_slice %arg2[%mul3A_55, %dma_wait3A_218] : memref<2560x128xi32, #tpu.memory_space<hbm>> -> memref<80x128xi32, #tpu.memory_space<hbm>>
      tpu.wait_dma2 semaphore(%run_scoped3A : memref<!tpu.dma_semaphore, #tpu.memory_space<semaphore_mem>>) src(%dma_wait3A_219 : memref<80x128xi32, #tpu.memory_space<hbm>>) dst(%arg4 : memref<80x128xi32, #tpu.memory_space<vmem>>)
      tpu.yield
    }) : () -> ()
    %get3A = arith.constant 0 : i32
    %get3A_56 = arith.index_cast %get3A : i32 to index
    %get3A_57 = arith.constant 0 : index
    %get3A_58 = tpu.vector_load %arg4[%get3A_56, %get3A_57] {strides = array<i32>} : memref<80x128xi32, #tpu.memory_space<vmem>>, vector<1x16xi32>,
    %get3A_59 = vector.shape_cast %get3A_58 : vector<1x16xi32> to vector<16xi32>
    %swap3A_60 = arith.constant 0 : index
    %swap3A_61 = tpu.vector_load %arg5[%swap3A_60] {strides = array<i32>} : memref<128xi32, #tpu.memory_space<vmem>>, vector<16xi32>,
    %swap3A_62 = vector.shape_cast %swap3A_61 : vector<16xi32> to vector<16xi32>
    %swap3A_63 = vector.shape_cast %get3A_59 : vector<16xi32> to vector<16xi32>
    tpu.vector_store %arg5[%swap3A_60], %swap3A_63 {strides = array<i32>} : memref<128xi32, #tpu.memory_space<vmem>>, vector<16xi32>,
    %get3A_64 = arith.constant 0 : i32
    %get3A_65 = arith.index_cast %get3A_64 : i32 to index
    %get3A_66 = arith.constant 16 : index
    %get3A_67 = tpu.vector_load %arg4[%get3A_65, %get3A_66] {strides = array<i32>} : memref<80x128xi32, #tpu.memory_space<vmem>>, vector<1x16xi32>,
    %get3A_68 = vector.shape_cast %get3A_67 : vector<1x16xi32> to vector<16xi32>
    %swap3A_69 = arith.constant 16 : index
    %swap3A_70 = tpu.vector_load %arg5[%swap3A_69] {strides = array<i32>} : memref<128xi32, #tpu.memory_space<vmem>>, vector<16xi32>,
    %swap3A_71 = vector.shape_cast %swap3A_70 : vector<16xi32> to vector<16xi32>
    %swap3A_72 = vector.shape_cast %get3A_68 : vector<16xi32> to vector<16xi32>
    tpu.vector_store %arg5[%swap3A_69], %swap3A_72 {strides = array<i32>} : memref<128xi32, #tpu.memory_space<vmem>>, vector<16xi32>,
    %get3A_73 = arith.constant 0 : i32
    %get3A_74 = arith.index_cast %get3A_73 : i32 to index
    %get3A_75 = arith.constant 32 : index
    %get3A_76 = tpu.vector_load %arg4[%get3A_74, %get3A_75] {strides = array<i32>} : memref<80x128xi32, #tpu.memory_space<vmem>>, vector<1x16xi32>,
    %get3A_77 = vector.shape_cast %get3A_76 : vector<1x16xi32> to vector<16xi32>
    %swap3A_78 = arith.constant 32 : index
    %swap3A_79 = tpu.vector_load %arg5[%swap3A_78] {strides = array<i32>} : memref<128xi32, #tpu.memory_space<vmem>>, vector<16xi32>,
    %swap3A_80 = vector.shape_cast %swap3A_79 : vector<16xi32> to vector<16xi32>
    %swap3A_81 = vector.shape_cast %get3A_77 : vector<16xi32> to vector<16xi32>
    tpu.vector_store %arg5[%swap3A_78], %swap3A_81 {strides = array<i32>} : memref<128xi32, #tpu.memory_space<vmem>>, vector<16xi32>,
    %get3A_82 = arith.constant 0 : i32
    %get3A_83 = arith.index_cast %get3A_82 : i32 to index
    %get3A_84 = arith.constant 48 : index
    %get3A_85 = tpu.vector_load %arg4[%get3A_83, %get3A_84] {strides = array<i32>} : memref<80x128xi32, #tpu.memory_space<vmem>>, vector<1x16xi32>,
    %get3A_86 = vector.shape_cast %get3A_85 : vector<1x16xi32> to vector<16xi32>
    %swap3A_87 = arith.constant 48 : index
    %swap3A_88 = tpu.vector_load %arg5[%swap3A_87] {strides = array<i32>} : memref<128xi32, #tpu.memory_space<vmem>>, vector<16xi32>,
    %swap3A_89 = vector.shape_cast %swap3A_88 : vector<16xi32> to vector<16xi32>
    %swap3A_90 = vector.shape_cast %get3A_86 : vector<16xi32> to vector<16xi32>
    tpu.vector_store %arg5[%swap3A_87], %swap3A_90 {strides = array<i32>} : memref<128xi32, #tpu.memory_space<vmem>>, vector<16xi32>,
    %get3A_91 = arith.constant 0 : i32
    %get3A_92 = arith.index_cast %get3A_91 : i32 to index
    %get3A_93 = arith.constant 64 : index
    %get3A_94 = tpu.vector_load %arg4[%get3A_92, %get3A_93] {strides = array<i32>} : memref<80x128xi32, #tpu.memory_space<vmem>>, vector<1x16xi32>,
    %get3A_95 = vector.shape_cast %get3A_94 : vector<1x16xi32> to vector<16xi32>
    %swap3A_96 = arith.constant 64 : index
    %swap3A_97 = tpu.vector_load %arg5[%swap3A_96] {strides = array<i32>} : memref<128xi32, #tpu.memory_space<vmem>>, vector<16xi32>,
    %swap3A_98 = vector.shape_cast %swap3A_97 : vector<16xi32> to vector<16xi32>
    %swap3A_99 = vector.shape_cast %get3A_95 : vector<16xi32> to vector<16xi32>
    tpu.vector_store %arg5[%swap3A_96], %swap3A_99 {strides = array<i32>} : memref<128xi32, #tpu.memory_space<vmem>>, vector<16xi32>,
    %get3A_100 = arith.constant 0 : i32
    %get3A_101 = arith.index_cast %get3A_100 : i32 to index
    %get3A_102 = arith.constant 80 : index
    %get3A_103 = tpu.vector_load %arg4[%get3A_101, %get3A_102] {strides = array<i32>} : memref<80x128xi32, #tpu.memory_space<vmem>>, vector<1x16xi32>,
    %get3A_104 = vector.shape_cast %get3A_103 : vector<1x16xi32> to vector<16xi32>
    %swap3A_105 = arith.constant 80 : index
    %swap3A_106 = tpu.vector_load %arg5[%swap3A_105] {strides = array<i32>} : memref<128xi32, #tpu.memory_space<vmem>>, vector<16xi32>,
    %swap3A_107 = vector.shape_cast %swap3A_106 : vector<16xi32> to vector<16xi32>
    %swap3A_108 = vector.shape_cast %get3A_104 : vector<16xi32> to vector<16xi32>
    tpu.vector_store %arg5[%swap3A_105], %swap3A_108 {strides = array<i32>} : memref<128xi32, #tpu.memory_space<vmem>>, vector<16xi32>,
    %get3A_109 = arith.constant 0 : i32
    %get3A_110 = arith.index_cast %get3A_109 : i32 to index
    %get3A_111 = arith.constant 96 : index
    %get3A_112 = tpu.vector_load %arg4[%get3A_110, %get3A_111] {strides = array<i32>} : memref<80x128xi32, #tpu.memory_space<vmem>>, vector<1x16xi32>,
    %get3A_113 = vector.shape_cast %get3A_112 : vector<1x16xi32> to vector<16xi32>
    %swap3A_114 = arith.constant 96 : index
    %swap3A_115 = tpu.vector_load %arg5[%swap3A_114] {strides = array<i32>} : memref<128xi32, #tpu.memory_space<vmem>>, vector<16xi32>,
    %swap3A_116 = vector.shape_cast %swap3A_115 : vector<16xi32> to vector<16xi32>
    %swap3A_117 = vector.shape_cast %get3A_113 : vector<16xi32> to vector<16xi32>
    tpu.vector_store %arg5[%swap3A_114], %swap3A_117 {strides = array<i32>} : memref<128xi32, #tpu.memory_space<vmem>>, vector<16xi32>,
    %get3A_118 = arith.constant 0 : i32
    %get3A_119 = arith.index_cast %get3A_118 : i32 to index
    %get3A_120 = arith.constant 112 : index
    %get3A_121 = tpu.vector_load %arg4[%get3A_119, %get3A_120] {strides = array<i32>} : memref<80x128xi32, #tpu.memory_space<vmem>>, vector<1x16xi32>,
    %get3A_122 = vector.shape_cast %get3A_121 : vector<1x16xi32> to vector<16xi32>
    %swap3A_123 = arith.constant 112 : index
    %swap3A_124 = tpu.vector_load %arg5[%swap3A_123] {strides = array<i32>} : memref<128xi32, #tpu.memory_space<vmem>>, vector<16xi32>,
    %swap3A_125 = vector.shape_cast %swap3A_124 : vector<16xi32> to vector<16xi32>
    %swap3A_126 = vector.shape_cast %get3A_122 : vector<16xi32> to vector<16xi32>
    tpu.vector_store %arg5[%swap3A_123], %swap3A_126 {strides = array<i32>} : memref<128xi32, #tpu.memory_space<vmem>>, vector<16xi32>,
    %dma_start3A = arith.constant 0 : i32
    %dma_start3A_127 = tpu.memref_slice %arg9[%dma_start3A] : memref<10240xf32, #tpu.memory_space<vmem_shared>> -> memref<10240xf32, #tpu.memory_space<vmem_shared>>
    tpu.enqueue_indirect_dma source(%arg7 : memref<128xf32, #tpu.memory_space<vmem>>) target(%dma_start3A_127 : memref<10240xf32, #tpu.memory_space<vmem_shared>>) offsets(%arg5 : memref<128xi32, #tpu.memory_space<vmem>>) semaphore(%arg10 : memref<!tpu.dma_semaphore, #tpu.memory_space<semaphore_mem>>) {add = true}
    %get3A_128 = arith.constant 1 : i32
    %get3A_129 = arith.index_cast %get3A_128 : i32 to index
    %get3A_130 = arith.constant 0 : index
    %get3A_131 = tpu.vector_load %arg4[%get3A_129, %get3A_130] {strides = array<i32>} : memref<80x128xi32, #tpu.memory_space<vmem>>, vector<1x16xi32>,
    %get3A_132 = vector.shape_cast %get3A_131 : vector<1x16xi32> to vector<16xi32>
    %swap3A_133 = arith.constant 0 : index
    %swap3A_134 = tpu.vector_load %arg6[%swap3A_133] {strides = array<i32>} : memref<128xi32, #tpu.memory_space<vmem>>, vector<16xi32>,
    %swap3A_135 = vector.shape_cast %swap3A_134 : vector<16xi32> to vector<16xi32>
    %swap3A_136 = vector.shape_cast %get3A_132 : vector<16xi32> to vector<16xi32>
    tpu.vector_store %arg6[%swap3A_133], %swap3A_136 {strides = array<i32>} : memref<128xi32, #tpu.memory_space<vmem>>, vector<16xi32>,
    %get3A_137 = arith.constant 1 : i32
    %get3A_138 = arith.index_cast %get3A_137 : i32 to index
    %get3A_139 = arith.constant 16 : index
    %get3A_140 = tpu.vector_load %arg4[%get3A_138, %get3A_139] {strides = array<i32>} : memref<80x128xi32, #tpu.memory_space<vmem>>, vector<1x16xi32>,
    %get3A_141 = vector.shape_cast %get3A_140 : vector<1x16xi32> to vector<16xi32>
    %swap3A_142 = arith.constant 16 : index
    %swap3A_143 = tpu.vector_load %arg6[%swap3A_142] {strides = array<i32>} : memref<128xi32, #tpu.memory_space<vmem>>, vector<16xi32>,
    %swap3A_144 = vector.shape_cast %swap3A_143 : vector<16xi32> to vector<16xi32>
    %swap3A_145 = vector.shape_cast %get3A_141 : vector<16xi32> to vector<16xi32>
    tpu.vector_store %arg6[%swap3A_142], %swap3A_145 {strides = array<i32>} : memref<128xi32, #tpu.memory_space<vmem>>, vector<16xi32>,
    %get3A_146 = arith.constant 1 : i32
    %get3A_147 = arith.index_cast %get3A_146 : i32 to index
    %get3A_148 = arith.constant 32 : index
    %get3A_149 = tpu.vector_load %arg4[%get3A_147, %get3A_148] {strides = array<i32>} : memref<80x128xi32, #tpu.memory_space<vmem>>, vector<1x16xi32>,
    %get3A_150 = vector.shape_cast %get3A_149 : vector<1x16xi32> to vector<16xi32>
    %swap3A_151 = arith.constant 32 : index
    %swap3A_152 = tpu.vector_load %arg6[%swap3A_151] {strides = array<i32>} : memref<128xi32, #tpu.memory_space<vmem>>, vector<16xi32>,
    %swap3A_153 = vector.shape_cast %swap3A_152 : vector<16xi32> to vector<16xi32>
    %swap3A_154 = vector.shape_cast %get3A_150 : vector<16xi32> to vector<16xi32>
    tpu.vector_store %arg6[%swap3A_151], %swap3A_154 {strides = array<i32>} : memref<128xi32, #tpu.memory_space<vmem>>, vector<16xi32>,
    %get3A_155 = arith.constant 1 : i32
    %get3A_156 = arith.index_cast %get3A_155 : i32 to index
    %get3A_157 = arith.constant 48 : index
    %get3A_158 = tpu.vector_load %arg4[%get3A_156, %get3A_157] {strides = array<i32>} : memref<80x128xi32, #tpu.memory_space<vmem>>, vector<1x16xi32>,
    %get3A_159 = vector.shape_cast %get3A_158 : vector<1x16xi32> to vector<16xi32>
    %swap3A_160 = arith.constant 48 : index
    %swap3A_161 = tpu.vector_load %arg6[%swap3A_160] {strides = array<i32>} : memref<128xi32, #tpu.memory_space<vmem>>, vector<16xi32>,
    %swap3A_162 = vector.shape_cast %swap3A_161 : vector<16xi32> to vector<16xi32>
    %swap3A_163 = vector.shape_cast %get3A_159 : vector<16xi32> to vector<16xi32>
    tpu.vector_store %arg6[%swap3A_160], %swap3A_163 {strides = array<i32>} : memref<128xi32, #tpu.memory_space<vmem>>, vector<16xi32>,
    %get3A_164 = arith.constant 1 : i32
    %get3A_165 = arith.index_cast %get3A_164 : i32 to index
    %get3A_166 = arith.constant 64 : index
    %get3A_167 = tpu.vector_load %arg4[%get3A_165, %get3A_166] {strides = array<i32>} : memref<80x128xi32, #tpu.memory_space<vmem>>, vector<1x16xi32>,
    %get3A_168 = vector.shape_cast %get3A_167 : vector<1x16xi32> to vector<16xi32>
    %swap3A_169 = arith.constant 64 : index
    %swap3A_170 = tpu.vector_load %arg6[%swap3A_169] {strides = array<i32>} : memref<128xi32, #tpu.memory_space<vmem>>, vector<16xi32>,
    %swap3A_171 = vector.shape_cast %swap3A_170 : vector<16xi32> to vector<16xi32>
    %swap3A_172 = vector.shape_cast %get3A_168 : vector<16xi32> to vector<16xi32>
    tpu.vector_store %arg6[%swap3A_169], %swap3A_172 {strides = array<i32>} : memref<128xi32, #tpu.memory_space<vmem>>, vector<16xi32>,
    %get3A_173 = arith.constant 1 : i32
    %get3A_174 = arith.index_cast %get3A_173 : i32 to index
    %get3A_175 = arith.constant 80 : index
    %get3A_176 = tpu.vector_load %arg4[%get3A_174, %get3A_175] {strides = array<i32>} : memref<80x128xi32, #tpu.memory_space<vmem>>, vector<1x16xi32>,
    %get3A_177 = vector.shape_cast %get3A_176 : vector<1x16xi32> to vector<16xi32>
    %swap3A_178 = arith.constant 80 : index
    %swap3A_179 = tpu.vector_load %arg6[%swap3A_178] {strides = array<i32>} : memref<128xi32, #tpu.memory_space<vmem>>, vector<16xi32>,
    %swap3A_180 = vector.shape_cast %swap3A_179 : vector<16xi32> to vector<16xi32>
    %swap3A_181 = vector.shape_cast %get3A_177 : vector<16xi32> to vector<16xi32>
    tpu.vector_store %arg6[%swap3A_178], %swap3A_181 {strides = array<i32>} : memref<128xi32, #tpu.memory_space<vmem>>, vector<16xi32>,
    %get3A_182 = arith.constant 1 : i32
    %get3A_183 = arith.index_cast %get3A_182 : i32 to index
    %get3A_184 = arith.constant 96 : index
    %get3A_185 = tpu.vector_load %arg4[%get3A_183, %get3A_184] {strides = array<i32>} : memref<80x128xi32, #tpu.memory_space<vmem>>, vector<1x16xi32>,
    %get3A_186 = vector.shape_cast %get3A_185 : vector<1x16xi32> to vector<16xi32>
    %swap3A_187 = arith.constant 96 : index
    %swap3A_188 = tpu.vector_load %arg6[%swap3A_187] {strides = array<i32>} : memref<128xi32, #tpu.memory_space<vmem>>, vector<16xi32>,
    %swap3A_189 = vector.shape_cast %swap3A_188 : vector<16xi32> to vector<16xi32>
    %swap3A_190 = vector.shape_cast %get3A_186 : vector<16xi32> to vector<16xi32>
    tpu.vector_store %arg6[%swap3A_187], %swap3A_190 {strides = array<i32>} : memref<128xi32, #tpu.memory_space<vmem>>, vector<16xi32>,
    %get3A_191 = arith.constant 1 : i32
    %get3A_192 = arith.index_cast %get3A_191 : i32 to index
    %get3A_193 = arith.constant 112 : index
    %get3A_194 = tpu.vector_load %arg4[%get3A_192, %get3A_193] {strides = array<i32>} : memref<80x128xi32, #tpu.memory_space<vmem>>, vector<1x16xi32>,
    %get3A_195 = vector.shape_cast %get3A_194 : vector<1x16xi32> to vector<16xi32>
    %swap3A_196 = arith.constant 112 : index
    %swap3A_197 = tpu.vector_load %arg6[%swap3A_196] {strides = array<i32>} : memref<128xi32, #tpu.memory_space<vmem>>, vector<16xi32>,
    %swap3A_198 = vector.shape_cast %swap3A_197 : vector<16xi32> to vector<16xi32>
    %swap3A_199 = vector.shape_cast %get3A_195 : vector<16xi32> to vector<16xi32>
    tpu.vector_store %arg6[%swap3A_196], %swap3A_199 {strides = array<i32>} : memref<128xi32, #tpu.memory_space<vmem>>, vector<16xi32>,
    %dma_start3A_200 = arith.constant 0 : i32
    %dma_start3A_201 = tpu.memref_slice %arg9[%dma_start3A_200] : memref<10240xf32, #tpu.memory_space<vmem_shared>> -> memref<10240xf32, #tpu.memory_space<vmem_shared>>
    tpu.enqueue_indirect_dma source(%arg7 : memref<128xf32, #tpu.memory_space<vmem>>) target(%dma_start3A_201 : memref<10240xf32, #tpu.memory_space<vmem_shared>>) offsets(%arg6 : memref<128xi32, #tpu.memory_space<vmem>>) semaphore(%arg11 : memref<!tpu.dma_semaphore, #tpu.memory_space<semaphore_mem>>) {add = true}
    %scan3A_202 = arith.constant 0 : i32
    %scan3A_203 = arith.constant 0 : i32
    %scan3A_204 = arith.constant 39 : i32
    %scan3A_205 = arith.addi %scan3A_203, %scan3A_204 : i32
    %scan3A_206 = arith.constant 1 : i32
    scf.for %scan3A_212 = %scan3A_203 to %scan3A_205 step %scan3A_206  : i32 {
      %mul3A_213 = arith.constant 2 : i32
      %mul3A_214 = arith.muli %mul3A_213, %scan3A_212 : i32
      %dma_wait3A_215 = arith.constant 0 : i32
      %dma_wait3A_216 = tpu.memref_slice %arg9[%dma_wait3A_215] : memref<10240xf32, #tpu.memory_space<vmem_shared>> -> memref<10240xf32, #tpu.memory_space<vmem_shared>>
      tpu.wait_indirect_dma semaphore(%arg10 : memref<!tpu.dma_semaphore, #tpu.memory_space<semaphore_mem>>) src(%arg7 : memref<128xf32, #tpu.memory_space<vmem>>) dst(%dma_wait3A_216 : memref<10240xf32, #tpu.memory_space<vmem_shared>>)
      %add3A_217 = arith.constant 2 : i32
      %add3A_218 = arith.addi %mul3A_214, %add3A_217 : i32
      %get3A_219 = arith.index_cast %add3A_218 : i32 to index
      %get3A_220 = arith.constant 0 : index
      %get3A_221 = tpu.vector_load %arg4[%get3A_219, %get3A_220] {strides = array<i32>} : memref<80x128xi32, #tpu.memory_space<vmem>>, vector<1x16xi32>,
      %get3A_222 = vector.shape_cast %get3A_221 : vector<1x16xi32> to vector<16xi32>
      %swap3A_223 = arith.constant 0 : index
      %swap3A_224 = tpu.vector_load %arg5[%swap3A_223] {strides = array<i32>} : memref<128xi32, #tpu.memory_space<vmem>>, vector<16xi32>,
      %swap3A_225 = vector.shape_cast %swap3A_224 : vector<16xi32> to vector<16xi32>
      %swap3A_226 = vector.shape_cast %get3A_222 : vector<16xi32> to vector<16xi32>
      tpu.vector_store %arg5[%swap3A_223], %swap3A_226 {strides = array<i32>} : memref<128xi32, #tpu.memory_space<vmem>>, vector<16xi32>,
      %get3A_227 = arith.index_cast %add3A_218 : i32 to index
      %get3A_228 = arith.constant 16 : index
      %get3A_229 = tpu.vector_load %arg4[%get3A_227, %get3A_228] {strides = array<i32>} : memref<80x128xi32, #tpu.memory_space<vmem>>, vector<1x16xi32>,
      %get3A_230 = vector.shape_cast %get3A_229 : vector<1x16xi32> to vector<16xi32>
      %swap3A_231 = arith.constant 16 : index
      %swap3A_232 = tpu.vector_load %arg5[%swap3A_231] {strides = array<i32>} : memref<128xi32, #tpu.memory_space<vmem>>, vector<16xi32>,
      %swap3A_233 = vector.shape_cast %swap3A_232 : vector<16xi32> to vector<16xi32>
      %swap3A_234 = vector.shape_cast %get3A_230 : vector<16xi32> to vector<16xi32>
      tpu.vector_store %arg5[%swap3A_231], %swap3A_234 {strides = array<i32>} : memref<128xi32, #tpu.memory_space<vmem>>, vector<16xi32>,
      %get3A_235 = arith.index_cast %add3A_218 : i32 to index
      %get3A_236 = arith.constant 32 : index
      %get3A_237 = tpu.vector_load %arg4[%get3A_235, %get3A_236] {strides = array<i32>} : memref<80x128xi32, #tpu.memory_space<vmem>>, vector<1x16xi32>,
      %get3A_238 = vector.shape_cast %get3A_237 : vector<1x16xi32> to vector<16xi32>
      %swap3A_239 = arith.constant 32 : index
      %swap3A_240 = tpu.vector_load %arg5[%swap3A_239] {strides = array<i32>} : memref<128xi32, #tpu.memory_space<vmem>>, vector<16xi32>,
      %swap3A_241 = vector.shape_cast %swap3A_240 : vector<16xi32> to vector<16xi32>
      %swap3A_242 = vector.shape_cast %get3A_238 : vector<16xi32> to vector<16xi32>
      tpu.vector_store %arg5[%swap3A_239], %swap3A_242 {strides = array<i32>} : memref<128xi32, #tpu.memory_space<vmem>>, vector<16xi32>,
      %get3A_243 = arith.index_cast %add3A_218 : i32 to index
      %get3A_244 = arith.constant 48 : index
      %get3A_245 = tpu.vector_load %arg4[%get3A_243, %get3A_244] {strides = array<i32>} : memref<80x128xi32, #tpu.memory_space<vmem>>, vector<1x16xi32>,
      %get3A_246 = vector.shape_cast %get3A_245 : vector<1x16xi32> to vector<16xi32>
      %swap3A_247 = arith.constant 48 : index
      %swap3A_248 = tpu.vector_load %arg5[%swap3A_247] {strides = array<i32>} : memref<128xi32, #tpu.memory_space<vmem>>, vector<16xi32>,
      %swap3A_249 = vector.shape_cast %swap3A_248 : vector<16xi32> to vector<16xi32>
      %swap3A_250 = vector.shape_cast %get3A_246 : vector<16xi32> to vector<16xi32>
      tpu.vector_store %arg5[%swap3A_247], %swap3A_250 {strides = array<i32>} : memref<128xi32, #tpu.memory_space<vmem>>, vector<16xi32>,
      %get3A_251 = arith.index_cast %add3A_218 : i32 to index
      %get3A_252 = arith.constant 64 : index
      %get3A_253 = tpu.vector_load %arg4[%get3A_251, %get3A_252] {strides = array<i32>} : memref<80x128xi32, #tpu.memory_space<vmem>>, vector<1x16xi32>,
      %get3A_254 = vector.shape_cast %get3A_253 : vector<1x16xi32> to vector<16xi32>
      %swap3A_255 = arith.constant 64 : index
      %swap3A_256 = tpu.vector_load %arg5[%swap3A_255] {strides = array<i32>} : memref<128xi32, #tpu.memory_space<vmem>>, vector<16xi32>,
      %swap3A_257 = vector.shape_cast %swap3A_256 : vector<16xi32> to vector<16xi32>
      %swap3A_258 = vector.shape_cast %get3A_254 : vector<16xi32> to vector<16xi32>
      tpu.vector_store %arg5[%swap3A_255], %swap3A_258 {strides = array<i32>} : memref<128xi32, #tpu.memory_space<vmem>>, vector<16xi32>,
      %get3A_259 = arith.index_cast %add3A_218 : i32 to index
      %get3A_260 = arith.constant 80 : index
      %get3A_261 = tpu.vector_load %arg4[%get3A_259, %get3A_260] {strides = array<i32>} : memref<80x128xi32, #tpu.memory_space<vmem>>, vector<1x16xi32>,
      %get3A_262 = vector.shape_cast %get3A_261 : vector<1x16xi32> to vector<16xi32>
      %swap3A_263 = arith.constant 80 : index
      %swap3A_264 = tpu.vector_load %arg5[%swap3A_263] {strides = array<i32>} : memref<128xi32, #tpu.memory_space<vmem>>, vector<16xi32>,
      %swap3A_265 = vector.shape_cast %swap3A_264 : vector<16xi32> to vector<16xi32>
      %swap3A_266 = vector.shape_cast %get3A_262 : vector<16xi32> to vector<16xi32>
      tpu.vector_store %arg5[%swap3A_263], %swap3A_266 {strides = array<i32>} : memref<128xi32, #tpu.memory_space<vmem>>, vector<16xi32>,
      %get3A_267 = arith.index_cast %add3A_218 : i32 to index
      %get3A_268 = arith.constant 96 : index
      %get3A_269 = tpu.vector_load %arg4[%get3A_267, %get3A_268] {strides = array<i32>} : memref<80x128xi32, #tpu.memory_space<vmem>>, vector<1x16xi32>,
      %get3A_270 = vector.shape_cast %get3A_269 : vector<1x16xi32> to vector<16xi32>
      %swap3A_271 = arith.constant 96 : index
      %swap3A_272 = tpu.vector_load %arg5[%swap3A_271] {strides = array<i32>} : memref<128xi32, #tpu.memory_space<vmem>>, vector<16xi32>,
      %swap3A_273 = vector.shape_cast %swap3A_272 : vector<16xi32> to vector<16xi32>
      %swap3A_274 = vector.shape_cast %get3A_270 : vector<16xi32> to vector<16xi32>
      tpu.vector_store %arg5[%swap3A_271], %swap3A_274 {strides = array<i32>} : memref<128xi32, #tpu.memory_space<vmem>>, vector<16xi32>,
      %get3A_275 = arith.index_cast %add3A_218 : i32 to index
      %get3A_276 = arith.constant 112 : index
      %get3A_277 = tpu.vector_load %arg4[%get3A_275, %get3A_276] {strides = array<i32>} : memref<80x128xi32, #tpu.memory_space<vmem>>, vector<1x16xi32>,
      %get3A_278 = vector.shape_cast %get3A_277 : vector<1x16xi32> to vector<16xi32>
      %swap3A_279 = arith.constant 112 : index
      %swap3A_280 = tpu.vector_load %arg5[%swap3A_279] {strides = array<i32>} : memref<128xi32, #tpu.memory_space<vmem>>, vector<16xi32>,
      %swap3A_281 = vector.shape_cast %swap3A_280 : vector<16xi32> to vector<16xi32>
      %swap3A_282 = vector.shape_cast %get3A_278 : vector<16xi32> to vector<16xi32>
      tpu.vector_store %arg5[%swap3A_279], %swap3A_282 {strides = array<i32>} : memref<128xi32, #tpu.memory_space<vmem>>, vector<16xi32>,
      %dma_start3A_283 = arith.constant 0 : i32
      %dma_start3A_284 = tpu.memref_slice %arg9[%dma_start3A_283] : memref<10240xf32, #tpu.memory_space<vmem_shared>> -> memref<10240xf32, #tpu.memory_space<vmem_shared>>
      tpu.enqueue_indirect_dma source(%arg7 : memref<128xf32, #tpu.memory_space<vmem>>) target(%dma_start3A_284 : memref<10240xf32, #tpu.memory_space<vmem_shared>>) offsets(%arg5 : memref<128xi32, #tpu.memory_space<vmem>>) semaphore(%arg10 : memref<!tpu.dma_semaphore, #tpu.memory_space<semaphore_mem>>) {add = true}
      %dma_wait3A_285 = arith.constant 0 : i32
      %dma_wait3A_286 = tpu.memref_slice %arg9[%dma_wait3A_285] : memref<10240xf32, #tpu.memory_space<vmem_shared>> -> memref<10240xf32, #tpu.memory_space<vmem_shared>>
      tpu.wait_indirect_dma semaphore(%arg11 : memref<!tpu.dma_semaphore, #tpu.memory_space<semaphore_mem>>) src(%arg7 : memref<128xf32, #tpu.memory_space<vmem>>) dst(%dma_wait3A_286 : memref<10240xf32, #tpu.memory_space<vmem_shared>>)
      %add3A_287 = arith.constant 3 : i32
      %add3A_288 = arith.addi %mul3A_214, %add3A_287 : i32
      %get3A_289 = arith.index_cast %add3A_288 : i32 to index
      %get3A_290 = arith.constant 0 : index
      %get3A_291 = tpu.vector_load %arg4[%get3A_289, %get3A_290] {strides = array<i32>} : memref<80x128xi32, #tpu.memory_space<vmem>>, vector<1x16xi32>,
      %get3A_292 = vector.shape_cast %get3A_291 : vector<1x16xi32> to vector<16xi32>
      %swap3A_293 = arith.constant 0 : index
      %swap3A_294 = tpu.vector_load %arg6[%swap3A_293] {strides = array<i32>} : memref<128xi32, #tpu.memory_space<vmem>>, vector<16xi32>,
      %swap3A_295 = vector.shape_cast %swap3A_294 : vector<16xi32> to vector<16xi32>
      %swap3A_296 = vector.shape_cast %get3A_292 : vector<16xi32> to vector<16xi32>
      tpu.vector_store %arg6[%swap3A_293], %swap3A_296 {strides = array<i32>} : memref<128xi32, #tpu.memory_space<vmem>>, vector<16xi32>,
      %get3A_297 = arith.index_cast %add3A_288 : i32 to index
      %get3A_298 = arith.constant 16 : index
      %get3A_299 = tpu.vector_load %arg4[%get3A_297, %get3A_298] {strides = array<i32>} : memref<80x128xi32, #tpu.memory_space<vmem>>, vector<1x16xi32>,
      %get3A_300 = vector.shape_cast %get3A_299 : vector<1x16xi32> to vector<16xi32>
      %swap3A_301 = arith.constant 16 : index
      %swap3A_302 = tpu.vector_load %arg6[%swap3A_301] {strides = array<i32>} : memref<128xi32, #tpu.memory_space<vmem>>, vector<16xi32>,
      %swap3A_303 = vector.shape_cast %swap3A_302 : vector<16xi32> to vector<16xi32>
      %swap3A_304 = vector.shape_cast %get3A_300 : vector<16xi32> to vector<16xi32>
      tpu.vector_store %arg6[%swap3A_301], %swap3A_304 {strides = array<i32>} : memref<128xi32, #tpu.memory_space<vmem>>, vector<16xi32>,
      %get3A_305 = arith.index_cast %add3A_288 : i32 to index
      %get3A_306 = arith.constant 32 : index
      %get3A_307 = tpu.vector_load %arg4[%get3A_305, %get3A_306] {strides = array<i32>} : memref<80x128xi32, #tpu.memory_space<vmem>>, vector<1x16xi32>,
      %get3A_308 = vector.shape_cast %get3A_307 : vector<1x16xi32> to vector<16xi32>
      %swap3A_309 = arith.constant 32 : index
      %swap3A_310 = tpu.vector_load %arg6[%swap3A_309] {strides = array<i32>} : memref<128xi32, #tpu.memory_space<vmem>>, vector<16xi32>,
      %swap3A_311 = vector.shape_cast %swap3A_310 : vector<16xi32> to vector<16xi32>
      %swap3A_312 = vector.shape_cast %get3A_308 : vector<16xi32> to vector<16xi32>
      tpu.vector_store %arg6[%swap3A_309], %swap3A_312 {strides = array<i32>} : memref<128xi32, #tpu.memory_space<vmem>>, vector<16xi32>,
      %get3A_313 = arith.index_cast %add3A_288 : i32 to index
      %get3A_314 = arith.constant 48 : index
      %get3A_315 = tpu.vector_load %arg4[%get3A_313, %get3A_314] {strides = array<i32>} : memref<80x128xi32, #tpu.memory_space<vmem>>, vector<1x16xi32>,
      %get3A_316 = vector.shape_cast %get3A_315 : vector<1x16xi32> to vector<16xi32>
      %swap3A_317 = arith.constant 48 : index
      %swap3A_318 = tpu.vector_load %arg6[%swap3A_317] {strides = array<i32>} : memref<128xi32, #tpu.memory_space<vmem>>, vector<16xi32>,
      %swap3A_319 = vector.shape_cast %swap3A_318 : vector<16xi32> to vector<16xi32>
      %swap3A_320 = vector.shape_cast %get3A_316 : vector<16xi32> to vector<16xi32>
      tpu.vector_store %arg6[%swap3A_317], %swap3A_320 {strides = array<i32>} : memref<128xi32, #tpu.memory_space<vmem>>, vector<16xi32>,
      %get3A_321 = arith.index_cast %add3A_288 : i32 to index
      %get3A_322 = arith.constant 64 : index
      %get3A_323 = tpu.vector_load %arg4[%get3A_321, %get3A_322] {strides = array<i32>} : memref<80x128xi32, #tpu.memory_space<vmem>>, vector<1x16xi32>,
      %get3A_324 = vector.shape_cast %get3A_323 : vector<1x16xi32> to vector<16xi32>
      %swap3A_325 = arith.constant 64 : index
      %swap3A_326 = tpu.vector_load %arg6[%swap3A_325] {strides = array<i32>} : memref<128xi32, #tpu.memory_space<vmem>>, vector<16xi32>,
      %swap3A_327 = vector.shape_cast %swap3A_326 : vector<16xi32> to vector<16xi32>
      %swap3A_328 = vector.shape_cast %get3A_324 : vector<16xi32> to vector<16xi32>
      tpu.vector_store %arg6[%swap3A_325], %swap3A_328 {strides = array<i32>} : memref<128xi32, #tpu.memory_space<vmem>>, vector<16xi32>,
      %get3A_329 = arith.index_cast %add3A_288 : i32 to index
      %get3A_330 = arith.constant 80 : index
      %get3A_331 = tpu.vector_load %arg4[%get3A_329, %get3A_330] {strides = array<i32>} : memref<80x128xi32, #tpu.memory_space<vmem>>, vector<1x16xi32>,
      %get3A_332 = vector.shape_cast %get3A_331 : vector<1x16xi32> to vector<16xi32>
      %swap3A_333 = arith.constant 80 : index
      %swap3A_334 = tpu.vector_load %arg6[%swap3A_333] {strides = array<i32>} : memref<128xi32, #tpu.memory_space<vmem>>, vector<16xi32>,
      %swap3A_335 = vector.shape_cast %swap3A_334 : vector<16xi32> to vector<16xi32>
      %swap3A_336 = vector.shape_cast %get3A_332 : vector<16xi32> to vector<16xi32>
      tpu.vector_store %arg6[%swap3A_333], %swap3A_336 {strides = array<i32>} : memref<128xi32, #tpu.memory_space<vmem>>, vector<16xi32>,
      %get3A_337 = arith.index_cast %add3A_288 : i32 to index
      %get3A_338 = arith.constant 96 : index
      %get3A_339 = tpu.vector_load %arg4[%get3A_337, %get3A_338] {strides = array<i32>} : memref<80x128xi32, #tpu.memory_space<vmem>>, vector<1x16xi32>,
      %get3A_340 = vector.shape_cast %get3A_339 : vector<1x16xi32> to vector<16xi32>
      %swap3A_341 = arith.constant 96 : index
      %swap3A_342 = tpu.vector_load %arg6[%swap3A_341] {strides = array<i32>} : memref<128xi32, #tpu.memory_space<vmem>>, vector<16xi32>,
      %swap3A_343 = vector.shape_cast %swap3A_342 : vector<16xi32> to vector<16xi32>
      %swap3A_344 = vector.shape_cast %get3A_340 : vector<16xi32> to vector<16xi32>
      tpu.vector_store %arg6[%swap3A_341], %swap3A_344 {strides = array<i32>} : memref<128xi32, #tpu.memory_space<vmem>>, vector<16xi32>,
      %get3A_345 = arith.index_cast %add3A_288 : i32 to index
      %get3A_346 = arith.constant 112 : index
      %get3A_347 = tpu.vector_load %arg4[%get3A_345, %get3A_346] {strides = array<i32>} : memref<80x128xi32, #tpu.memory_space<vmem>>, vector<1x16xi32>,
      %get3A_348 = vector.shape_cast %get3A_347 : vector<1x16xi32> to vector<16xi32>
      %swap3A_349 = arith.constant 112 : index
      %swap3A_350 = tpu.vector_load %arg6[%swap3A_349] {strides = array<i32>} : memref<128xi32, #tpu.memory_space<vmem>>, vector<16xi32>,
      %swap3A_351 = vector.shape_cast %swap3A_350 : vector<16xi32> to vector<16xi32>
      %swap3A_352 = vector.shape_cast %get3A_348 : vector<16xi32> to vector<16xi32>
      tpu.vector_store %arg6[%swap3A_349], %swap3A_352 {strides = array<i32>} : memref<128xi32, #tpu.memory_space<vmem>>, vector<16xi32>,
      %dma_start3A_353 = arith.constant 0 : i32
      %dma_start3A_354 = tpu.memref_slice %arg9[%dma_start3A_353] : memref<10240xf32, #tpu.memory_space<vmem_shared>> -> memref<10240xf32, #tpu.memory_space<vmem_shared>>
      tpu.enqueue_indirect_dma source(%arg7 : memref<128xf32, #tpu.memory_space<vmem>>) target(%dma_start3A_354 : memref<10240xf32, #tpu.memory_space<vmem_shared>>) offsets(%arg6 : memref<128xi32, #tpu.memory_space<vmem>>) semaphore(%arg11 : memref<!tpu.dma_semaphore, #tpu.memory_space<semaphore_mem>>) {add = true}
    }
    %scan3A_207 = arith.constant 39 : i32
    %dma_wait3A = arith.constant 0 : i32
    %dma_wait3A_208 = tpu.memref_slice %arg9[%dma_wait3A] : memref<10240xf32, #tpu.memory_space<vmem_shared>> -> memref<10240xf32, #tpu.memory_space<vmem_shared>>
    tpu.wait_indirect_dma semaphore(%arg10 : memref<!tpu.dma_semaphore, #tpu.memory_space<semaphore_mem>>) src(%arg7 : memref<128xf32, #tpu.memory_space<vmem>>) dst(%dma_wait3A_208 : memref<10240xf32, #tpu.memory_space<vmem_shared>>)
    %dma_wait3A_209 = arith.constant 0 : i32
    %dma_wait3A_210 = tpu.memref_slice %arg9[%dma_wait3A_209] : memref<10240xf32, #tpu.memory_space<vmem_shared>> -> memref<10240xf32, #tpu.memory_space<vmem_shared>>
    tpu.wait_indirect_dma semaphore(%arg11 : memref<!tpu.dma_semaphore, #tpu.memory_space<semaphore_mem>>) src(%arg7 : memref<128xf32, #tpu.memory_space<vmem>>) dst(%dma_wait3A_210 : memref<10240xf32, #tpu.memory_space<vmem_shared>>)
    %barrier3A_211 = arith.constant 0 : index
    tpu.barrier barrier_id(%barrier3A_211)
    "tpu.region"() ({
      %run_scoped3A = tpu.sem_alloc : memref<!tpu.dma_semaphore, #tpu.memory_space<semaphore_mem>>
      %dma_start3A_212 = tpu.memref_slice %arg9[%mul3A_51] : memref<10240xf32, #tpu.memory_space<vmem_shared>> -> memref<640xf32, #tpu.memory_space<vmem_shared>>
      %dma_start3A_213 = tpu.memref_slice %arg9[%mul3A_51] : memref<10240xf32, #tpu.memory_space<vmem_shared>> -> memref<640xf32, #tpu.memory_space<vmem_shared>>
      tpu.enqueue_dma source(%dma_start3A_213 : memref<640xf32, #tpu.memory_space<vmem_shared>>) target(%arg8 : memref<640xf32, #tpu.memory_space<vmem>>) target_semaphore(%run_scoped3A : memref<!tpu.dma_semaphore, #tpu.memory_space<semaphore_mem>>)
      %dma_wait3A_214 = tpu.memref_slice %arg9[%mul3A_51] : memref<10240xf32, #tpu.memory_space<vmem_shared>> -> memref<640xf32, #tpu.memory_space<vmem_shared>>
      %dma_wait3A_215 = tpu.memref_slice %arg9[%mul3A_51] : memref<10240xf32, #tpu.memory_space<vmem_shared>> -> memref<640xf32, #tpu.memory_space<vmem_shared>>
      tpu.wait_dma2 semaphore(%run_scoped3A : memref<!tpu.dma_semaphore, #tpu.memory_space<semaphore_mem>>) src(%dma_wait3A_215 : memref<640xf32, #tpu.memory_space<vmem_shared>>) dst(%arg8 : memref<640xf32, #tpu.memory_space<vmem>>)
      tpu.yield
    }) : () -> ()
    "tpu.region"() ({
      %run_scoped3A = tpu.sem_alloc : memref<!tpu.dma_semaphore, #tpu.memory_space<semaphore_mem>>
      %dma_start3A_212 = tpu.memref_slice %arg3[%arg0, %mul3A_51] : memref<2x10240xf32, #tpu.memory_space<hbm>> -> memref<1x640xf32, #tpu.memory_space<hbm>>
      %dma_start3A_213 = tpu.memref_squeeze %dma_start3A_212 : memref<1x640xf32, #tpu.memory_space<hbm>> -> memref<640xf32, #tpu.memory_space<hbm>>
      %dma_start3A_214 = tpu.memref_slice %arg3[%arg0, %mul3A_51] : memref<2x10240xf32, #tpu.memory_space<hbm>> -> memref<1x640xf32, #tpu.memory_space<hbm>>
      %dma_start3A_215 = tpu.memref_squeeze %dma_start3A_214 : memref<1x640xf32, #tpu.memory_space<hbm>> -> memref<640xf32, #tpu.memory_space<hbm>>
      tpu.enqueue_dma source(%arg8 : memref<640xf32, #tpu.memory_space<vmem>>) target(%dma_start3A_215 : memref<640xf32, #tpu.memory_space<hbm>>) target_semaphore(%run_scoped3A : memref<!tpu.dma_semaphore, #tpu.memory_space<semaphore_mem>>)
      %dma_wait3A_216 = tpu.memref_slice %arg3[%arg0, %mul3A_51] : memref<2x10240xf32, #tpu.memory_space<hbm>> -> memref<1x640xf32, #tpu.memory_space<hbm>>
      %dma_wait3A_217 = tpu.memref_squeeze %dma_wait3A_216 : memref<1x640xf32, #tpu.memory_space<hbm>> -> memref<640xf32, #tpu.memory_space<hbm>>
      %dma_wait3A_218 = tpu.memref_slice %arg3[%arg0, %mul3A_51] : memref<2x10240xf32, #tpu.memory_space<hbm>> -> memref<1x640xf32, #tpu.memory_space<hbm>>
      %dma_wait3A_219 = tpu.memref_squeeze %dma_wait3A_218 : memref<1x640xf32, #tpu.memory_space<hbm>> -> memref<640xf32, #tpu.memory_space<hbm>>
      tpu.wait_dma2 semaphore(%run_scoped3A : memref<!tpu.dma_semaphore, #tpu.memory_space<semaphore_mem>>) src(%arg8 : memref<640xf32, #tpu.memory_space<vmem>>) dst(%dma_wait3A_219 : memref<640xf32, #tpu.memory_space<hbm>>)
      tpu.yield
    }) : () -> ()
    return
  }
}

module attributes {stable_mosaic.version = 14 : i64} {
  func.func @_tc1_body(%arg0: i32, %arg1: memref<1024x128xf32, #tpu.memory_space<vmem>>, %arg2: memref<128x128xf32, #tpu.memory_space<vmem>>, %arg3: memref<2x1024x1xf32, #tpu.memory_space<vmem>>, %arg4: memref<1024x128xf32, #tpu.memory_space<vmem>>, %arg5: memref<1024x1xf32, #tpu.memory_space<vmem>>) attributes {dimension_semantics = [#tpu.dimension_semantics<arbitrary>], iteration_bounds = array<i64: 10>, scalar_prefetch = 0 : i64, scratch_operands = 0 : i64, tpu.core_type = #tpu.core_type<tc>, window_params = [{transform_indices = @transform_0, window_bounds = array<i64: 1024, 128>}, {pipeline_mode = #tpu.pipeline_mode<synchronous>, transform_indices = @transform_1, window_bounds = array<i64: 128, 128>}, {transform_indices = @transform_2, window_bounds = array<i64: 2, 1024, 1>}, {transform_indices = @transform_3, window_bounds = array<i64: 1024, 128>}, {transform_indices = @transform_4, window_bounds = array<i64: 1024, 1>}]} {
    %get3A = arith.constant 0 : index
    %get3A_0 = arith.constant 0 : index
    %get3A_1 = arith.constant 0 : index
    %get3A_2 = vector.load %arg3[%get3A, %get3A_0, %get3A_1] : memref<2x1024x1xf32, #tpu.memory_space<vmem>>, vector<1x1024x1xf32>
    %get3A_3 = vector.shape_cast %get3A_2 : vector<1x1024x1xf32> to vector<1024x1xf32>
    %get3A_4 = arith.constant 1 : index
    %get3A_5 = arith.constant 0 : index
    %get3A_6 = arith.constant 0 : index
    %get3A_7 = vector.load %arg3[%get3A_4, %get3A_5, %get3A_6] : memref<2x1024x1xf32, #tpu.memory_space<vmem>>, vector<1x1024x1xf32>
    %get3A_8 = vector.shape_cast %get3A_7 : vector<1x1024x1xf32> to vector<1024x1xf32>
    %add3A = arith.addf %get3A_3, %get3A_8 : vector<1024x1xf32>
    %add3A_9 = arith.constant 1.000000e+00 : f32
    %add3A_10 = vector.broadcast %add3A_9 : f32 to vector<1024x1xf32>
    %add3A_11 = arith.addf %add3A, %add3A_10 : vector<1024x1xf32>
    %max3A = arith.constant 9.99999996E-13 : f32
    %max3A_12 = vector.broadcast %max3A : f32 to vector<1024x1xf32>
    %max3A_13 = arith.maximumf %add3A_11, %max3A_12 : vector<1024x1xf32>
    %rsqrt3A = math.rsqrt %max3A_13 : vector<1024x1xf32>
    %swap3A = arith.constant 0 : index
    %swap3A_14 = arith.constant 0 : index
    %swap3A_15 = vector.load %arg5[%swap3A, %swap3A_14] : memref<1024x1xf32, #tpu.memory_space<vmem>>, vector<1024x1xf32>
    tpu.vector_store %arg5[%swap3A, %swap3A_14], %rsqrt3A {strides = array<i32>} : memref<1024x1xf32, #tpu.memory_space<vmem>>, vector<1024x1xf32>,
    %get3A_16 = arith.constant 0 : index
    %get3A_17 = arith.constant 0 : index
    %get3A_18 = vector.load %arg1[%get3A_16, %get3A_17] : memref<1024x128xf32, #tpu.memory_space<vmem>>, vector<1024x128xf32>
    %get3A_19 = arith.constant 0 : index
    %get3A_20 = arith.constant 0 : index
    %get3A_21 = vector.load %arg2[%get3A_19, %get3A_20] : memref<128x128xf32, #tpu.memory_space<vmem>>, vector<128x128xf32>
    %dot_general3A = arith.constant dense<0.000000e+00> : vector<1024x128xf32>
    %dot_general3A_22 = tpu.matmul %get3A_18, %get3A_21, %dot_general3A {dimension_numbers = #tpu.dot_dimension_numbers<[1], [0], [0], [1], [0, 0, 1, 1], [], []>, transpose_lhs_hint = false} : vector<1024x128xf32>, vector<128x128xf32>, vector<1024x128xf32> -> vector<1024x128xf32>
    %mul3A = vector.broadcast %rsqrt3A : vector<1024x1xf32> to vector<1024x128xf32>
    %mul3A_23 = arith.mulf %mul3A, %dot_general3A_22 : vector<1024x128xf32>
    %swap3A_24 = arith.constant 0 : index
    %swap3A_25 = arith.constant 0 : index
    %swap3A_26 = vector.load %arg4[%swap3A_24, %swap3A_25] : memref<1024x128xf32, #tpu.memory_space<vmem>>, vector<1024x128xf32>
    tpu.vector_store %arg4[%swap3A_24, %swap3A_25], %mul3A_23 {strides = array<i32>} : memref<1024x128xf32, #tpu.memory_space<vmem>>, vector<1024x128xf32>,
    return
  }
  func.func @transform_0(%arg0: i32) -> (i32, i32) {
    %c0_i32 = arith.constant 0 : i32
    %c0_i32_0 = arith.constant 0 : i32
    return %arg0, %c0_i32 : i32, i32
  }
  func.func @transform_1(%arg0: i32) -> (i32, i32) {
    %c0_i32 = arith.constant 0 : i32
    %c0_i32_0 = arith.constant 0 : i32
    %c0_i32_1 = arith.constant 0 : i32
    return %c0_i32, %c0_i32_0 : i32, i32
  }
  func.func @transform_2(%arg0: i32) -> (i32, i32, i32) {
    %c0_i32 = arith.constant 0 : i32
    %c0_i32_0 = arith.constant 0 : i32
    %c0_i32_1 = arith.constant 0 : i32
    return %c0_i32, %arg0, %c0_i32_0 : i32, i32, i32
  }
  func.func @transform_3(%arg0: i32) -> (i32, i32) {
    %c0_i32 = arith.constant 0 : i32
    %c0_i32_0 = arith.constant 0 : i32
    return %arg0, %c0_i32 : i32, i32
  }
  func.func @transform_4(%arg0: i32) -> (i32, i32) {
    %c0_i32 = arith.constant 0 : i32
    %c0_i32_0 = arith.constant 0 : i32
    return %arg0, %c0_i32 : i32, i32
  }
}

module attributes {stable_mosaic.version = 14 : i64} {
  func.func @_tc2_body(%arg0: i32, %arg1: memref<2x1024x128xf32, #tpu.memory_space<vmem>>, %arg2: memref<1024x128xf32, #tpu.memory_space<vmem>>, %arg3: memref<1024x1xf32, #tpu.memory_space<vmem>>, %arg4: memref<1x128xf32, #tpu.memory_space<vmem>>, %arg5: memref<128x1xf32, #tpu.memory_space<vmem>>, %arg6: memref<1x1xf32, #tpu.memory_space<vmem>>, %arg7: memref<128x128xf32, #tpu.memory_space<vmem>>, %arg8: memref<1024x128xf32, #tpu.memory_space<vmem>>) attributes {dimension_semantics = [#tpu.dimension_semantics<arbitrary>], iteration_bounds = array<i64: 10>, scalar_prefetch = 0 : i64, scratch_operands = 0 : i64, tpu.core_type = #tpu.core_type<tc>, window_params = [{transform_indices = @transform_0, window_bounds = array<i64: 2, 1024, 128>}, {transform_indices = @transform_1, window_bounds = array<i64: 1024, 128>}, {transform_indices = @transform_2, window_bounds = array<i64: 1024, 1>}, {pipeline_mode = #tpu.pipeline_mode<synchronous>, transform_indices = @transform_3, window_bounds = array<i64: 1, 128>}, {pipeline_mode = #tpu.pipeline_mode<synchronous>, transform_indices = @transform_4, window_bounds = array<i64: 128, 1>}, {pipeline_mode = #tpu.pipeline_mode<synchronous>, transform_indices = @transform_5, window_bounds = array<i64: 1, 1>}, {pipeline_mode = #tpu.pipeline_mode<synchronous>, transform_indices = @transform_6, window_bounds = array<i64: 128, 128>}, {transform_indices = @transform_7, window_bounds = array<i64: 1024, 128>}]} {
    %get3A = arith.constant 0 : index
    %get3A_0 = arith.constant 0 : index
    %get3A_1 = vector.load %arg3[%get3A, %get3A_0] : memref<1024x1xf32, #tpu.memory_space<vmem>>, vector<1024x1xf32>
    %get3A_2 = arith.constant 0 : index
    %get3A_3 = arith.constant 0 : index
    %get3A_4 = arith.constant 0 : index
    %get3A_5 = vector.load %arg1[%get3A_2, %get3A_3, %get3A_4] : memref<2x1024x128xf32, #tpu.memory_space<vmem>>, vector<1x1024x128xf32>
    %get3A_6 = vector.shape_cast %get3A_5 : vector<1x1024x128xf32> to vector<1024x128xf32>
    %get3A_7 = arith.constant 1 : index
    %get3A_8 = arith.constant 0 : index
    %get3A_9 = arith.constant 0 : index
    %get3A_10 = vector.load %arg1[%get3A_7, %get3A_8, %get3A_9] : memref<2x1024x128xf32, #tpu.memory_space<vmem>>, vector<1x1024x128xf32>
    %get3A_11 = vector.shape_cast %get3A_10 : vector<1x1024x128xf32> to vector<1024x128xf32>
    %add3A = arith.addf %get3A_6, %get3A_11 : vector<1024x128xf32>
    %get3A_12 = arith.constant 0 : index
    %get3A_13 = arith.constant 0 : index
    %get3A_14 = vector.load %arg2[%get3A_12, %get3A_13] : memref<1024x128xf32, #tpu.memory_space<vmem>>, vector<1024x128xf32>
    %add3A_15 = arith.addf %add3A, %get3A_14 : vector<1024x128xf32>
    %mul3A = vector.broadcast %get3A_1 : vector<1024x1xf32> to vector<1024x128xf32>
    %mul3A_16 = arith.mulf %mul3A, %add3A_15 : vector<1024x128xf32>
    %get3A_17 = arith.constant 0 : index
    %get3A_18 = arith.constant 0 : index
    %get3A_19 = vector.load %arg4[%get3A_17, %get3A_18] : memref<1x128xf32, #tpu.memory_space<vmem>>, vector<1x128xf32>
    %add3A_20 = vector.broadcast %get3A_19 : vector<1x128xf32> to vector<1024x128xf32>
    %add3A_21 = arith.addf %mul3A_16, %add3A_20 : vector<1024x128xf32>
    %max3A = arith.constant 0.000000e+00 : f32
    %max3A_22 = vector.broadcast %max3A : f32 to vector<1024x128xf32>
    %max3A_23 = arith.maximumf %add3A_21, %max3A_22 : vector<1024x128xf32>
    %get3A_24 = arith.constant 0 : index
    %get3A_25 = arith.constant 0 : index
    %get3A_26 = vector.load %arg5[%get3A_24, %get3A_25] : memref<128x1xf32, #tpu.memory_space<vmem>>, vector<128x1xf32>
    %dot_general3A = arith.constant dense<0.000000e+00> : vector<1024x1xf32>
    %dot_general3A_27 = tpu.matmul %max3A_23, %get3A_26, %dot_general3A {dimension_numbers = #tpu.dot_dimension_numbers<[1], [0], [0], [1], [0, 0, 1, 1], [], []>, transpose_lhs_hint = false} : vector<1024x128xf32>, vector<128x1xf32>, vector<1024x1xf32> -> vector<1024x1xf32>
    %get3A_28 = arith.constant 0 : index
    %get3A_29 = arith.constant 0 : index
    %get3A_30 = vector.load %arg6[%get3A_28, %get3A_29] : memref<1x1xf32, #tpu.memory_space<vmem>>, vector<1x1xf32>
    %add3A_31 = vector.broadcast %get3A_30 : vector<1x1xf32> to vector<1024x1xf32>
    %add3A_32 = arith.addf %dot_general3A_27, %add3A_31 : vector<1024x1xf32>
    %logistic3A = arith.negf %add3A_32 : vector<1024x1xf32>
    %logistic3A_33 = math.exp %logistic3A : vector<1024x1xf32>
    %logistic3A_34 = arith.constant 1.000000e+00 : f32
    %logistic3A_35 = vector.broadcast %logistic3A_34 : f32 to vector<1024x1xf32>
    %logistic3A_36 = arith.addf %logistic3A_35, %logistic3A_33 : vector<1024x1xf32>
    %logistic3A_37 = arith.divf %logistic3A_35, %logistic3A_36 : vector<1024x1xf32>
    %mul3A_38 = vector.broadcast %logistic3A_37 : vector<1024x1xf32> to vector<1024x128xf32>
    %mul3A_39 = arith.mulf %max3A_23, %mul3A_38 : vector<1024x128xf32>
    %get3A_40 = arith.constant 0 : index
    %get3A_41 = arith.constant 0 : index
    %get3A_42 = vector.load %arg7[%get3A_40, %get3A_41] : memref<128x128xf32, #tpu.memory_space<vmem>>, vector<128x128xf32>
    %dot_general3A_43 = arith.constant dense<0.000000e+00> : vector<1024x128xf32>
    %dot_general3A_44 = tpu.matmul %mul3A_39, %get3A_42, %dot_general3A_43 {dimension_numbers = #tpu.dot_dimension_numbers<[1], [0], [0], [1], [0, 0, 1, 1], [], []>, transpose_lhs_hint = false} : vector<1024x128xf32>, vector<128x128xf32>, vector<1024x128xf32> -> vector<1024x128xf32>
    %mul3A_45 = vector.broadcast %get3A_1 : vector<1024x1xf32> to vector<1024x128xf32>
    %mul3A_46 = arith.mulf %mul3A_45, %dot_general3A_44 : vector<1024x128xf32>
    %swap3A = arith.constant 0 : index
    %swap3A_47 = arith.constant 0 : index
    %swap3A_48 = vector.load %arg8[%swap3A, %swap3A_47] : memref<1024x128xf32, #tpu.memory_space<vmem>>, vector<1024x128xf32>
    tpu.vector_store %arg8[%swap3A, %swap3A_47], %mul3A_46 {strides = array<i32>} : memref<1024x128xf32, #tpu.memory_space<vmem>>, vector<1024x128xf32>,
    return
  }
  func.func @transform_0(%arg0: i32) -> (i32, i32, i32) {
    %c0_i32 = arith.constant 0 : i32
    %c0_i32_0 = arith.constant 0 : i32
    %c0_i32_1 = arith.constant 0 : i32
    return %c0_i32, %arg0, %c0_i32_0 : i32, i32, i32
  }
  func.func @transform_1(%arg0: i32) -> (i32, i32) {
    %c0_i32 = arith.constant 0 : i32
    %c0_i32_0 = arith.constant 0 : i32
    return %arg0, %c0_i32 : i32, i32
  }
  func.func @transform_2(%arg0: i32) -> (i32, i32) {
    %c0_i32 = arith.constant 0 : i32
    %c0_i32_0 = arith.constant 0 : i32
    return %arg0, %c0_i32 : i32, i32
  }
  func.func @transform_3(%arg0: i32) -> (i32, i32) {
    %c0_i32 = arith.constant 0 : i32
    %c0_i32_0 = arith.constant 0 : i32
    %c0_i32_1 = arith.constant 0 : i32
    return %c0_i32, %c0_i32_0 : i32, i32
  }
  func.func @transform_4(%arg0: i32) -> (i32, i32) {
    %c0_i32 = arith.constant 0 : i32
    %c0_i32_0 = arith.constant 0 : i32
    %c0_i32_1 = arith.constant 0 : i32
    return %c0_i32, %c0_i32_0 : i32, i32
  }
  func.func @transform_5(%arg0: i32) -> (i32, i32) {
    %c0_i32 = arith.constant 0 : i32
    %c0_i32_0 = arith.constant 0 : i32
    %c0_i32_1 = arith.constant 0 : i32
    return %c0_i32, %c0_i32_0 : i32, i32
  }
  func.func @transform_6(%arg0: i32) -> (i32, i32) {
    %c0_i32 = arith.constant 0 : i32
    %c0_i32_0 = arith.constant 0 : i32
    %c0_i32_1 = arith.constant 0 : i32
    return %c0_i32, %c0_i32_0 : i32, i32
  }
  func.func @transform_7(%arg0: i32) -> (i32, i32) {
    %c0_i32 = arith.constant 0 : i32
    %c0_i32_0 = arith.constant 0 : i32
    return %arg0, %c0_i32 : i32, i32
  }
}

module attributes {stable_mosaic.version = 14 : i64} {
  func.func @_tc3_body(%arg0: i32, %arg1: memref<2x1024x128xf32, #tpu.memory_space<vmem>>, %arg2: memref<1024x128xf32, #tpu.memory_space<vmem>>, %arg3: memref<1024x1xf32, #tpu.memory_space<vmem>>, %arg4: memref<1x128xf32, #tpu.memory_space<vmem>>, %arg5: memref<128x1xf32, #tpu.memory_space<vmem>>, %arg6: memref<1x1xf32, #tpu.memory_space<vmem>>, %arg7: memref<1024x128xf32, #tpu.memory_space<vmem>>) attributes {dimension_semantics = [#tpu.dimension_semantics<arbitrary>], iteration_bounds = array<i64: 10>, scalar_prefetch = 0 : i64, scratch_operands = 0 : i64, tpu.core_type = #tpu.core_type<tc>, window_params = [{transform_indices = @transform_0, window_bounds = array<i64: 2, 1024, 128>}, {transform_indices = @transform_1, window_bounds = array<i64: 1024, 128>}, {transform_indices = @transform_2, window_bounds = array<i64: 1024, 1>}, {pipeline_mode = #tpu.pipeline_mode<synchronous>, transform_indices = @transform_3, window_bounds = array<i64: 1, 128>}, {pipeline_mode = #tpu.pipeline_mode<synchronous>, transform_indices = @transform_4, window_bounds = array<i64: 128, 1>}, {pipeline_mode = #tpu.pipeline_mode<synchronous>, transform_indices = @transform_5, window_bounds = array<i64: 1, 1>}, {transform_indices = @transform_6, window_bounds = array<i64: 1024, 128>}]} {
    %get3A = arith.constant 0 : index
    %get3A_0 = arith.constant 0 : index
    %get3A_1 = vector.load %arg3[%get3A, %get3A_0] : memref<1024x1xf32, #tpu.memory_space<vmem>>, vector<1024x1xf32>
    %get3A_2 = arith.constant 0 : index
    %get3A_3 = arith.constant 0 : index
    %get3A_4 = arith.constant 0 : index
    %get3A_5 = vector.load %arg1[%get3A_2, %get3A_3, %get3A_4] : memref<2x1024x128xf32, #tpu.memory_space<vmem>>, vector<1x1024x128xf32>
    %get3A_6 = vector.shape_cast %get3A_5 : vector<1x1024x128xf32> to vector<1024x128xf32>
    %get3A_7 = arith.constant 1 : index
    %get3A_8 = arith.constant 0 : index
    %get3A_9 = arith.constant 0 : index
    %get3A_10 = vector.load %arg1[%get3A_7, %get3A_8, %get3A_9] : memref<2x1024x128xf32, #tpu.memory_space<vmem>>, vector<1x1024x128xf32>
    %get3A_11 = vector.shape_cast %get3A_10 : vector<1x1024x128xf32> to vector<1024x128xf32>
    %add3A = arith.addf %get3A_6, %get3A_11 : vector<1024x128xf32>
    %get3A_12 = arith.constant 0 : index
    %get3A_13 = arith.constant 0 : index
    %get3A_14 = vector.load %arg2[%get3A_12, %get3A_13] : memref<1024x128xf32, #tpu.memory_space<vmem>>, vector<1024x128xf32>
    %add3A_15 = arith.addf %add3A, %get3A_14 : vector<1024x128xf32>
    %mul3A = vector.broadcast %get3A_1 : vector<1024x1xf32> to vector<1024x128xf32>
    %mul3A_16 = arith.mulf %mul3A, %add3A_15 : vector<1024x128xf32>
    %get3A_17 = arith.constant 0 : index
    %get3A_18 = arith.constant 0 : index
    %get3A_19 = vector.load %arg4[%get3A_17, %get3A_18] : memref<1x128xf32, #tpu.memory_space<vmem>>, vector<1x128xf32>
    %add3A_20 = vector.broadcast %get3A_19 : vector<1x128xf32> to vector<1024x128xf32>
    %add3A_21 = arith.addf %mul3A_16, %add3A_20 : vector<1024x128xf32>
    %get3A_22 = arith.constant 0 : index
    %get3A_23 = arith.constant 0 : index
    %get3A_24 = vector.load %arg5[%get3A_22, %get3A_23] : memref<128x1xf32, #tpu.memory_space<vmem>>, vector<128x1xf32>
    %dot_general3A = arith.constant dense<0.000000e+00> : vector<1024x1xf32>
    %dot_general3A_25 = tpu.matmul %add3A_21, %get3A_24, %dot_general3A {dimension_numbers = #tpu.dot_dimension_numbers<[1], [0], [0], [1], [0, 0, 1, 1], [], []>, transpose_lhs_hint = false} : vector<1024x128xf32>, vector<128x1xf32>, vector<1024x1xf32> -> vector<1024x1xf32>
    %get3A_26 = arith.constant 0 : index
    %get3A_27 = arith.constant 0 : index
    %get3A_28 = vector.load %arg6[%get3A_26, %get3A_27] : memref<1x1xf32, #tpu.memory_space<vmem>>, vector<1x1xf32>
    %add3A_29 = vector.broadcast %get3A_28 : vector<1x1xf32> to vector<1024x1xf32>
    %add3A_30 = arith.addf %dot_general3A_25, %add3A_29 : vector<1024x1xf32>
    %logistic3A = arith.negf %add3A_30 : vector<1024x1xf32>
    %logistic3A_31 = math.exp %logistic3A : vector<1024x1xf32>
    %logistic3A_32 = arith.constant 1.000000e+00 : f32
    %logistic3A_33 = vector.broadcast %logistic3A_32 : f32 to vector<1024x1xf32>
    %logistic3A_34 = arith.addf %logistic3A_33, %logistic3A_31 : vector<1024x1xf32>
    %logistic3A_35 = arith.divf %logistic3A_33, %logistic3A_34 : vector<1024x1xf32>
    %mul3A_36 = vector.broadcast %logistic3A_35 : vector<1024x1xf32> to vector<1024x128xf32>
    %mul3A_37 = arith.mulf %add3A_21, %mul3A_36 : vector<1024x128xf32>
    %swap3A = arith.constant 0 : index
    %swap3A_38 = arith.constant 0 : index
    %swap3A_39 = vector.load %arg7[%swap3A, %swap3A_38] : memref<1024x128xf32, #tpu.memory_space<vmem>>, vector<1024x128xf32>
    tpu.vector_store %arg7[%swap3A, %swap3A_38], %mul3A_37 {strides = array<i32>} : memref<1024x128xf32, #tpu.memory_space<vmem>>, vector<1024x128xf32>,
    return
  }
  func.func @transform_0(%arg0: i32) -> (i32, i32, i32) {
    %c0_i32 = arith.constant 0 : i32
    %c0_i32_0 = arith.constant 0 : i32
    %c0_i32_1 = arith.constant 0 : i32
    return %c0_i32, %arg0, %c0_i32_0 : i32, i32, i32
  }
  func.func @transform_1(%arg0: i32) -> (i32, i32) {
    %c0_i32 = arith.constant 0 : i32
    %c0_i32_0 = arith.constant 0 : i32
    return %arg0, %c0_i32 : i32, i32
  }
  func.func @transform_2(%arg0: i32) -> (i32, i32) {
    %c0_i32 = arith.constant 0 : i32
    %c0_i32_0 = arith.constant 0 : i32
    return %arg0, %c0_i32 : i32, i32
  }
  func.func @transform_3(%arg0: i32) -> (i32, i32) {
    %c0_i32 = arith.constant 0 : i32
    %c0_i32_0 = arith.constant 0 : i32
    %c0_i32_1 = arith.constant 0 : i32
    return %c0_i32, %c0_i32_0 : i32, i32
  }
  func.func @transform_4(%arg0: i32) -> (i32, i32) {
    %c0_i32 = arith.constant 0 : i32
    %c0_i32_0 = arith.constant 0 : i32
    %c0_i32_1 = arith.constant 0 : i32
    return %c0_i32, %c0_i32_0 : i32, i32
  }
  func.func @transform_5(%arg0: i32) -> (i32, i32) {
    %c0_i32 = arith.constant 0 : i32
    %c0_i32_0 = arith.constant 0 : i32
    %c0_i32_1 = arith.constant 0 : i32
    return %c0_i32, %c0_i32_0 : i32, i32
  }
  func.func @transform_6(%arg0: i32) -> (i32, i32) {
    %c0_i32 = arith.constant 0 : i32
    %c0_i32_0 = arith.constant 0 : i32
    return %arg0, %c0_i32 : i32, i32
  }
}

</mosaic_0001>

<sc_bundles>
// kernel: kernel.11.cloned.1.call-start
scs
__scs_entry_jumppad:
0x0: {  	(pc) =	sbr.rel $0x88, $3  }
0x1: {  	(tag) =	ssettag $0x0;
	lr =	simm.s32 $0x1  }
0x2: {  	[smem:$0x3F97] =	sst lr;
	_ =	strace $0xD0000000  }
0x3: {  	_ = 	snop  }
0x4: {  	_ = 	snop  }
0x5: {  	_ = 	snop  }
0x6: {  	_ = 	snop  }
0x7: {  	_ = 	snop  }
__scs_overlays_trampoline_lowered:
0x8: {  	[smem:$0x3FA6] =	sst s0  }
0x9: {  	[smem:$0x3FA7] =	sst s1  }
0xa: {  	[smem:$0x3FA8] =	sst s2  }
0xb: {  	[smem:$0x3FA9] =	sst s3  }
0xc: {  	[smem:$0x3FAA] =	sst s4  }
0xd: {  	[smem:$0x3FAB] =	sst s5  }
0xe: {  	[smem:$0x3FAC] =	sst s6  }
0xf: {  	[smem:$0x3FAD] =	sst s7  }
0x10: {  	[smem:$0x3FAE] =	sst s8  }
0x11: {  	[smem:$0x3FAF] =	sst s9;
	s0 =	simm.s32 @!p0 $0x0  }
0x12: {  	s1 =	sld [smem:$0x3F95];
	s0 =	simm.s32 @p0 $0x1  }
0x13: {  	[smem:$0x3FB0] =	sst s0;
	s0 =	simm.s32 @!p1 $0x0  }
0x14: {  	s2 =	sld [smem:$0x3F94];
	s0 =	simm.s32 @p1 $0x1  }
0x15: {  	[smem:$0x3FB1] =	sst s0;
	s0 =	simm.s32 @!p2 $0x0  }
0x16: {  	s3 =	sld [smem:$0x3FDB];
	s0 =	simm.s32 @p2 $0x1  }
0x17: {  	s4 =	simm.s32 $0x1BF5;
	[smem:$0x3FB3] =	sst s0  }
0x18: {  	s0 =	sld [smem:$0x3F96];
	_ =	swait.ge [sflag:s4], $0x0  }
0x19: {  	s7 =	sld [smem:$0x3F97]  }
0x1a: {  	s8 =	sadd.s32 $0xFFFFE003, lr  }
0x1b: {  	s9 =	sadd.s32 $0xFFFFFEF7, lr;
	s5 =	simm.s32 $0xFFFFFFFF;
	p2 =	slt.u32 s8, $0xFFFFF086  }
0x1c: {  	p1 =	slt.u32 s9, $0xF7A;
	s5 =	simm.s32 @!p2 $0x0  }
0x1d: {  	s5 =	simm.s32 @p1 $0x1;
	p0 =	seq.s32 s7, s2  }
0x1e: {  	s7 =	smul.u32 @!p0 $0xF7A, s2;
	p2 =	seq.s32 @!p0 s5, $0x0  }
0x1f: {  	s9 =	smul.u32 $0xF7A, s1;
	s8 =	simm.s32 @!p0 $0x1BF5;
	p2 =	por !p2, p0  }
0x20: {  	[sflag:s8] =	ssyncset.s32 @!p0 $0xFFFFF086;
	s6 =	sadd.s32 @!p0 s3, s7;
	s7 =	simm.s32 @!p0 $0x108  }
0x21: {  	s3 =	sadd.s32 s3, s9;
	s6 =	sadd.s32 @!p0 $0x88, s6;
	s7 =	simm.s32 @p2 $0x1082  }
0x22: {  	[simem:s7], [sflag:s8] =	dma.local @!p0 [hbm:s6], $0xF7A  }
0x23: {  	s9 =	sor.u32 $0xD0000000, s2;
	s6 =	simm.s32 $0x108;
	_ =	swait.ge @!p0 [sflag:s8], $0x0  }
0x24: {  	s3 =	sadd.s32 $0x88, s3;
	s6 =	simm.s32 @!p1 $0x1082;
	[sflag:s4] =	ssyncset.s32 $0xFFFFF086  }
0x25: {  	[simem:s6], [sflag:s4] =	dma.local [hbm:s3], $0xF7A  }
0x26: {  	[smem:$0x3F97] =	sst s1;
	(tag) =	ssettag s2;
	_ =	strace s9  }
0x27: {  	s1 =	sld [smem:$0x3FA7]  }
0x28: {  	s2 =	sld [smem:$0x3FA8]  }
0x29: {  	s4 =	sld [smem:$0x3FAA]  }
0x2a: {  	p0 =	seq.s32 s5, $0x0;
	s5 =	sld [smem:$0x3FAB]  }
0x2b: {  	s6 =	sld [smem:$0x3FAC]  }
0x2c: {  	s7 =	sld [smem:$0x3FAD]  }
0x2d: {  	s3 =	simm.s32 $0x108;
	s8 =	sld [smem:$0x3FAE]  }
0x2e: {  	s3 =	simm.s32 @!p0 $0x1082;
	s9 =	sld [smem:$0x3FAF]  }
0x2f: {  	lr =	sadd.s32 s0, s3;
	s0 =	sld [smem:$0x3FA6]  }
0x30: {  	s3 =	sld [smem:$0x3FA9]  }
0x31: {  	[smem:$0x3FB2] =	sst s10  }
0x32: {  	s10 =	sld [smem:$0x3FB0];
	_ =	sdelay $0x3  }
0x33: {  	p0 =	seq.s32 s10, $0x1;
	s10 =	sld [smem:$0x3FB2];
	_ =	sdelay $0x3  }
0x34: {  	[smem:$0x3FB2] =	sst s10  }
0x35: {  	s10 =	sld [smem:$0x3FB1];
	_ =	sdelay $0x3  }
0x36: {  	p1 =	seq.s32 s10, $0x1;
	s10 =	sld [smem:$0x3FB2];
	_ =	sdelay $0x3  }
0x37: {  	[smem:$0x3FB2] =	sst s10  }
0x38: {  	s10 =	sld [smem:$0x3FB3]  }
0x39: {  	_ = 	snop;
	(pc) =	sbr.ind lr, $3  }
0x3a: {  	_ = 	snop  }
0x3b: {  	_ = 	snop  }
0x3c: {  	p2 =	seq.s32 s10, $0x1;
	s10 =	sld [smem:$0x3FB2]  }
0x3d: {  	_ =	shalt  }
0x3e: {  	_ =	shalt  }
0x3f: {  	_ =	shalt  }
0x40: {  	_ =	shalt  }
0x41: {  	_ =	shalt  }
0x42: {  	_ =	shalt  }
0x43: {  	_ =	shalt  }
0x44: {  	_ =	shalt  }
0x45: {  	_ =	shalt  }
0x46: {  	_ =	shalt  }
0x47: {  	_ =	shalt  }
0x48: {  	_ =	shalt  }
0x49: {  	_ =	shalt  }
0x4a: {  	_ =	shalt  }
0x4b: {  	_ =	shalt  }
0x4c: {  	_ =	shalt  }
0x4d: {  	_ =	shalt  }
0x4e: {  	_ =	shalt  }
0x4f: {  	_ =	shalt  }
0x50: {  	_ =	shalt  }
0x51: {  	_ =	shalt  }
0x52: {  	_ =	shalt  }
0x53: {  	_ =	shalt  }
0x54: {  	_ =	shalt  }
0x55: {  	_ =	shalt  }
0x56: {  	_ =	shalt  }
0x57: {  	_ =	shalt  }
0x58: {  	_ =	shalt  }
0x59: {  	_ =	shalt  }
0x5a: {  	_ =	shalt  }
0x5b: {  	_ =	shalt  }
0x5c: {  	_ =	shalt  }
0x5d: {  	_ =	shalt  }
0x5e: {  	_ =	shalt  }
0x5f: {  	_ =	shalt  }
0x60: {  	_ =	shalt  }
0x61: {  	_ =	shalt  }
0x62: {  	_ =	shalt  }
0x63: {  	_ =	shalt  }
0x64: {  	_ =	shalt  }
0x65: {  	_ =	shalt  }
0x66: {  	_ =	shalt  }
0x67: {  	_ =	shalt  }
0x68: {  	_ =	shalt  }
0x69: {  	_ =	shalt  }
0x6a: {  	_ =	shalt  }
0x6b: {  	_ =	shalt  }
0x6c: {  	_ =	shalt  }
0x6d: {  	_ =	shalt  }
0x6e: {  	_ =	shalt  }
0x6f: {  	_ =	shalt  }
0x70: {  	_ =	shalt  }
0x71: {  	_ =	shalt  }
0x72: {  	_ =	shalt  }
0x73: {  	_ =	shalt  }
0x74: {  	_ =	shalt  }
0x75: {  	_ =	shalt  }
0x76: {  	_ =	shalt  }
0x77: {  	_ =	shalt  }
0x78: {  	_ =	shalt  }
0x79: {  	_ =	shalt  }
0x7a: {  	_ =	shalt  }
0x7b: {  	_ =	shalt  }
0x7c: {  	_ =	shalt  }
0x7d: {  	_ =	shalt  }
0x7e: {  	_ =	shalt  }
0x7f: {  	_ =	shalt  }
0x80: {  	_ =	shalt  }
0x81: {  	_ =	shalt  }
0x82: {  	_ =	shalt  }
0x83: {  	_ =	shalt  }
0x84: {  	_ =	shalt  }
0x85: {  	_ =	shalt  }
0x86: {  	_ =	shalt  }
0x87: {  	_ =	shalt  }
.Lfunc_end0:
.L_simem_size_0:
called_computation.1_lowered:
.L_overlay_start_0:
0x88: {  	s2 =	sld [smem:$0x3FD9]  }
0x89: {  	s3 =	sld [smem:$0x3FFE];
	_ =	sdelay $0x1  }
0x8a: {  	s1 =	srdreg.scid  }
0x8b: {  	s0 =	sand.u32 $0x1, s1  }
0x8c: {  	s17 =	sshll.u32 s0, $0xA;
	s2 =	sadd.s32 s3, s2  }
0x8d: {  	s2 =	sadd.s32 s2, s17  }
0x8e: {  	[smem:$0x3FBE] =	sst s2  }
0x8f: {  	_ = 	snop  }
0x90: {  	s2 =	sld [smem:$0x3FD0];
	(tm) =	ssettm $0x1  }
0x91: {  	s18 =	sld [smem:$0x3FFB];
	_ =	sdelay $0x3  }
0x92: {  	_ =	strace s18  }
0x93: {  	s3 =	sld [smem:$0x3FFC];
	_ =	sdelay $0x3  }
0x94: {  	_ =	strace s3  }
0x95: {  	s3 =	sld [smem:$0x3FFD];
	_ =	sdelay $0x3  }
0x96: {  	_ =	strace s3  }
0x97: {  	_ =	strace $0x8FFFFFFF  }
0x98: {  	s19 =	sld [smem:$0x3FDB];
	_ =	sdelay $0x1  }
0x99: {  	s4 =	simm.s32 $_scs_section_size  }
0x9a: {  	s5 =	simm.s32 $_size__tile_overlayer_lowered;
	s6 =	simm.s32 $_tile_overlayer_lowered  }
0x9b: {  	s22 =	simm.s32 $0x1BFF;
	s21 =	sshll.u32 s6, $0x1;
	s3 =	sadd.s32 s4, s19  }
0x9c: {  	s7 =	simm.s32 $0x0;
	s20 =	sshll.u32 s5, $0x1;
	s5 =	sadd.s32 s21, s3  }
0x9d: {  	[timem:s7], [sflag:s22] =	dma.local [hbm:s5], s20  }
0x9e: {  	_ =	swait.ge [sflag:s22], s20  }
0x9f: {  	s4 =	ssub.s32 $0x0, s20;
	[sflag:s22] =	ssyncset.done $0x0  }
0xa0: {  	[sflag:s22] =	ssyncadd.s32 s4;
	_ =	sdelay $0x1  }
0xa1: {  	s23 =	simm.s32 $0x1B8B  }
0xa2: {  	_ =	swait.ge [sflag:s23], $0x1  }
0xa3: {  	[sflag:s23] =	ssyncset.done $0x0  }
0xa4: {  	s25 =	simm.s32 $0x1B8E;
	s24 =	sld [smem:$0x3FFE];
	[sflag:s23] =	ssyncadd.s32 $0xFFFFFFFF  }
0xa5: {  	s26 =	simm.s32 $execute0_lowered;
	[smem:$0x3FD2] =	sst s25  }
0xa6: {  	s5 =	sshll.u32 s26, $0x1;
	_ =	strace $0x80000049;
	[dreg:$0x1] =	wrdreg $0xFFFFFFFF  }
0xa7: {  	s28 =	simm.s32 $_size_execute0_lowered;
	s3 =	sadd.s32 s3, s5;
	[dreg:$0x0] =	wrdreg $0x0  }
0xa8: {  	s5 =	sshll.u32 s28, $0x1;
	[dreg:$0x2] =	wrdreg s3  }
0xa9: {  	[dreg:$0x3] =	wrdreg s5  }
0xaa: {  	[dreg:$0x4] =	wrdreg $0xC0  }
0xab: {  	_ =	task [dreg:s7], $0x5FFFF  }
0xac: {  	[dreg:$0x1] =	wrdreg $0xFFFFFFFF  }
0xad: {  	[dreg:$0x0] =	wrdreg $0x60  }
0xae: {  	[dreg:$0x2] =	wrdreg s24  }
0xaf: {  	[dreg:$0x3] =	wrdreg s2  }
0xb0: {  	[dreg:$0x4] =	wrdreg $0x54000  }
0xb1: {  	[dreg:$0x5] =	wrdreg $0x9  }
0xb2: {  	_ =	task.clear_ibuf [dreg:s7], $0x6FFFF;
	_ =	strace $0x90000049  }
0xb3: {  	s29 =	simm.s32 $0x9;
	_ =	strace $0x8000004B  }
0xb4: {  	_ =	swait.ge [sflag:s29], $0x1  }
0xb5: {  	[sflag:s29] =	ssyncadd.s32 $0xFFFFFFFF  }
0xb6: {  	_ =	strace $0x9000004B  }
0xb7: {  	_ =	sfence  }
0xb8: {  	s30 =	sld [smem:$0x0];
	_ =	sdelay $0x2  }
0xb9: {  	s31 =	sshll.u32 s1, $0xD;
	s1 =	sshrl.u32 s1, $0x2  }
0xba: {  	s3 =	sand.u32 $0x4000, s31;
	s1 =	sadd.s32 s1, s30  }
0xbb: {  	s0 =	sor.u32 s3, s0;
	s1 =	sshll.u32 s1, $0x11  }
0xbc: {  	s0 =	sor.u32 s1, s0  }
0xbd: {  	s0 =	sadd.s32 $0x8F2B, s0  }
0xbe: {  	[sflag:s0] =	ssyncadd.remote.s32 $0x1  }
0xbf: {  	_ =	sfence.sel $0xFFFF  }
0xc0: {  	[dreg:$0x0] =	wrdreg $0xFFFFFFFF;
	(pc) =	sbr.abs _section_cstart, $3  }
0xc1: {  	[dreg:$0x1] =	wrdreg $0xFFFFFFFF  }
0xc2: {  	_ =	task.clear_ibuf [dreg:s7], $0x2FFFF;
	_ =	strace $0x9FFFFFFF  }
0xc3: {  	(tm) =	ssettm $0x7FFFFFFF  }
tec
execute0_lowered:
.L_overlay_start_1:
0x0: {  	(tag) =	ssettag $0x1  }
0x1: {  	s0 =	rddreg [dreg:$0x0]  }
0x2: {  	s2 =	srdreg.scid;
	s1 =	rddreg [dreg:$0x1]  }
0x3: {  	s17 =	stileid.u32;
	s3 =	simm.s32 $0x0;
	s31 =	simm.s32 $0x400  }
0x4: {  	s28 =	simm.s32 $0x0;
	s4 =	sand.u32 $0x1, s2;
	s6 =	smul.u32 $0x14000, s17  }
0x5: {  	s2 =	rddreg [dreg:$0x2];
	s7 =	sadd.s32 $0x2A800, s0;
	s12 =	smul.u32 $0x140000, s4  }
0x6: {  	[smem:$0x7FF] =	sst s3;
	s5 =	ssub.s32 $0x2, s4;
	s20 =	smul.u32 $0x7D0, s4  }
0x7: {  	s8 =	sshrl.u32 s5, $0x1;
	s9 =	sor.u32 $0x2800, s6;
	s10 =	sadd.s32 $0x5000, s6  }
0x8: {  	s11 =	sadd.s32 $0x7800, s6;
	s15 =	sadd.s32 $0xA000, s6;
	s16 =	sadd.s32 $0xC800, s6  }
0x9: {  	s21 =	sadd.s32 $0xF000, s6;
	s22 =	sadd.s32 $0x11800, s6;
	s5 =	ssub.s32 s5, s8  }
0xa: {  	s8 =	smul.u32 $0x50000, s17;
	s6 =	sadd.s32 s6, s12;
	s13 =	sadd.s32 s12, s9  }
0xb: {  	s14 =	sadd.s32 s12, s10;
	s25 =	sadd.s32 s12, s11;
	s26 =	sadd.s32 s12, s15  }
0xc: {  	s29 =	sadd.s32 s12, s16;
	s19 =	sadd.s32 s12, s21;
	s12 =	sadd.s32 s12, s22  }
0xd: {  	s30 =	sadd.s32 s9, s2;
	s21 =	sadd.s32 s21, s2;
	s22 =	sadd.s32 s22, s2  }
0xe: {  	s9 =	simm.s32 $0x3;
	s6 =	sshrl.u32 s6, $0x3;
	s13 =	sshrl.u32 s13, $0x3  }
0xf: {  	s24 =	sshrl.u32 s14, $0x3;
	s18 =	sshrl.u32 s29, $0x3;
	s14 =	sadd.s32 $0x2800, s0  }
0x10: {  	s6 =	sadd.s32 s7, s6;
	s23 =	sadd.s32 s7, s13;
	s13 =	sshrl.u32 s26, $0x3  }
0x11: {  	s26 =	smul.u32 $0xFA0, s17;
	s8 =	sshrl.u32 s8, $0x2;
	[dreg:$0x4] =	wrdreg s6  }
0x12: {  	[dreg:$0x5] =	wrdreg s23;
	s6 =	sadd.s32 s7, s24;
	s13 =	sadd.s32 s7, s13  }
0x13: {  	s23 =	smul.u32 $0x7D, s17;
	s24 =	sshrl.u32 s12, $0x3;
	[dreg:$0x6] =	wrdreg s6  }
0x14: {  	s12 =	sshll.u32 s4, $0x4;
	s6 =	sshrl.u32 s25, $0x3;
	[dreg:$0x8] =	wrdreg s13  }
0x15: {  	s25 =	smul.u32 $0xFA00, s4;
	s0 =	sor.u32 s17, s12;
	s6 =	sadd.s32 s7, s6  }
0x16: {  	s17 =	sadd.s32 s11, s2;
	[dreg:$0x7] =	wrdreg s6;
	s6 =	sadd.s32 s7, s18  }
0x17: {  	s11 =	simm.s32 $0x100;
	[dreg:$0x9] =	wrdreg s6;
	s6 =	sshrl.u32 s19, $0x3  }
0x18: {  	s4 =	simm.s32 $0x50;
	s12 =	simm.s32 $0x5;
	s6 =	sadd.s32 s7, s6  }
0x19: {  	s13 =	sadd.s32 s23, s20;
	[dreg:$0xa] =	wrdreg s6;
	s6 =	sadd.s32 s7, s24  }
0x1a: {  	s0 =	smul.u32 $0xFA0, s0;
	s18 =	sadd.s32 s10, s2;
	[dreg:$0xb] =	wrdreg s6  }
0x1b: {  	s19 =	sadd.s32 s15, s2;
	_ =	strace $0x8000004A;
	[dreg:$0xc] =	wrdreg s18  }
0x1c: {  	s20 =	sadd.s32 s16, s2;
	s23 =	smax.u32 s5, $0x1;
	[dreg:$0xd] =	wrdreg s19  }
0x1d: {  	s5 =	simm.s32 $0x200;
	s0 =	sadd.s32 s1, s0;
	[dreg:$0xe] =	wrdreg s20  }
0x1e: {  	s29 =	sadd.s32 s25, s1;
	s24 =	sadd.s32 $0x20, s0;
	[dreg:$0x10] =	wrdreg s23  }
0x1f: {  	s6 =	sadd.s32 s26, s29;
	s26 =	sadd.s32 $0x40, s0;
	[dreg:$0x11] =	wrdreg s24  }
0x20: {  	s25 =	sadd.s32 s8, s2;
	s29 =	sadd.s32 $0x60, s0;
	[dreg:$0x12] =	wrdreg s26  }
0x21: {  	s8 =	simm.s32 $0x2C00;
	s10 =	simm.s32 $0x300;
	[dreg:$0x13] =	wrdreg s29  }
0x22: {  	s7 =	simm.s32 $0x280;
	s15 =	sadd.s32 $0x80, s6;
	[dreg:$0xf] =	wrdreg s0  }
0x23: {  	s0 =	sadd.s32 $0xF80, s0;
	s6 =	simm.s32 $0x2;
	s24 =	simm.s32 $0x4  }
0x24: {  	v0 =	vimm.f32 $0.0e+00;
	s26 =	simm.s32 $0x380;
	[dreg:$0x14] =	wrdreg s0;
	s0 =	simm.s32 $0x1  }
.LBB2_1:
0x25: {  	s16 =	simm.s32 $0x0;
	s23 =	simm.s32 $0x200  }
.LBB2_2:
0x26: {  	p0 =	sne.s32 s23, $0x9E00;
	[tilespmem:s16+$0x470] =	vst v0  }
0x27: {  	[tilespmem:s16+$0x400] =	vst v0  }
0x28: {  	[tilespmem:s16+$0x410] =	vst v0  }
.Ltmp0:
0x29: {  	[tilespmem:s16+$0x420] =	vst v0;
	(pc) =	sbr.rel @p0 .LBB2_2-.Ltmp0, $4  }
0x2a: {  	[tilespmem:s16+$0x430] =	vst v0  }
0x2b: {  	[tilespmem:s16+$0x440] =	vst v0  }
0x2c: {  	[tilespmem:s16+$0x450] =	vst v0  }
0x2d: {  	[tilespmem:s16+$0x460] =	vst v0;
	s16 =	sshra.s32 s23, $0x2;
	s23 =	sadd.s32 $0x200, s23  }
0x2e: {  	[tilespmem:s16+$0x470] =	vst v0  }
0x2f: {  	[tilespmem:s16+$0x400] =	vst v0  }
0x30: {  	[tilespmem:s16+$0x410] =	vst v0  }
0x31: {  	[tilespmem:s16+$0x420] =	vst v0  }
0x32: {  	[tilespmem:s16+$0x430] =	vst v0  }
0x33: {  	[tilespmem:s16+$0x440] =	vst v0  }
0x34: {  	[tilespmem:s16+$0x450] =	vst v0  }
0x35: {  	[tilespmem:s16+$0x460] =	vst v0;
	s29 =	simm.s32 $0x5  }
0x36: {  	[spmem:s25] =	stream.linear.scatter [tilespmem:s31], [sflag:$0x5], $0x2800, $0x38;
	[tilespmem:$0x19400] =	vst v63  }
0x37: {  	_ =	swait.ge [sflag:s29], $0x2800  }
0x38: {  	[sflag:s29] =	ssyncset.done $0x0  }
0x39: {  	[sflag:s29] =	ssyncadd.s32 $0xFFFFD800  }
0x3a: {  	[spmem:s30] =	stream.linear.scatter [tilespmem:s31], [sflag:$0x5], $0x2800, $0x38;
	[tilespmem:$0x19400] =	vst v63  }
0x3b: {  	_ =	swait.ge [sflag:s29], $0x2800  }
0x3c: {  	[sflag:s29] =	ssyncset.done $0x0  }
0x3d: {  	s18 =	smov.u32 s25;
	s25 =	rddreg [dreg:$0xc];
	[sflag:s29] =	ssyncadd.s32 $0xFFFFD800  }
0x3e: {  	[spmem:s25] =	stream.linear.scatter [tilespmem:s31], [sflag:$0x5], $0x2800, $0x38;
	[tilespmem:$0x19400] =	vst v63  }
0x3f: {  	_ =	swait.ge [sflag:s29], $0x2800  }
0x40: {  	[sflag:s29] =	ssyncset.done $0x0  }
0x41: {  	[sflag:s29] =	ssyncadd.s32 $0xFFFFD800  }
0x42: {  	[spmem:s17] =	stream.linear.scatter [tilespmem:s31], [sflag:$0x5], $0x2800, $0x38;
	[tilespmem:$0x19400] =	vst v63  }
0x43: {  	_ =	swait.ge [sflag:s29], $0x2800  }
0x44: {  	[sflag:s29] =	ssyncset.done $0x0  }
0x45: {  	s20 =	smov.u32 s17;
	s17 =	rddreg [dreg:$0xd];
	[sflag:s29] =	ssyncadd.s32 $0xFFFFD800  }
0x46: {  	[spmem:s17] =	stream.linear.scatter [tilespmem:s31], [sflag:$0x5], $0x2800, $0x38;
	[tilespmem:$0x19400] =	vst v63  }
0x47: {  	_ =	swait.ge [sflag:s29], $0x2800  }
0x48: {  	[sflag:s29] =	ssyncset.done $0x0  }
0x49: {  	s23 =	rddreg [dreg:$0xe];
	[sflag:s29] =	ssyncadd.s32 $0xFFFFD800  }
0x4a: {  	[spmem:s23] =	stream.linear.scatter [tilespmem:s31], [sflag:$0x5], $0x2800, $0x38;
	[tilespmem:$0x19400] =	vst v63  }
0x4b: {  	_ =	swait.ge [sflag:s29], $0x2800  }
0x4c: {  	[sflag:s29] =	ssyncset.done $0x0  }
0x4d: {  	[sflag:s29] =	ssyncadd.s32 $0xFFFFD800  }
0x4e: {  	[spmem:s21] =	stream.linear.scatter [tilespmem:s31], [sflag:$0x5], $0x2800, $0x38;
	[tilespmem:$0x19400] =	vst v63  }
0x4f: {  	_ =	swait.ge [sflag:s29], $0x2800  }
0x50: {  	[sflag:s29] =	ssyncset.done $0x0  }
0x51: {  	[sflag:s29] =	ssyncadd.s32 $0xFFFFD800  }
0x52: {  	[spmem:s22] =	stream.linear.scatter [tilespmem:s31], [sflag:$0x5], $0x2800, $0x38;
	[tilespmem:$0x19400] =	vst v63  }
0x53: {  	_ =	swait.ge [sflag:s29], $0x2800  }
0x54: {  	[sflag:s29] =	ssyncset.done $0x0  }
0x55: {  	[sflag:s29] =	ssyncadd.s32 $0xFFFFD800  }
0x56: {  	[bflag:$0x0] =	sbarrier.arrive $0xFFFF  }
0x57: {  	s25 =	rddreg [dreg:$0xf]  }
0x58: {  	[tilespmem:s3], [sflag:$0x1] =	stream.linear.gather [hbm4b:s25+s3], $0x100, $0x38;
	[tilespmem:$0x19400] =	vst v63  }
0x59: {  	s17 =	rddreg [dreg:$0x11]  }
0x5a: {  	[tilespmem:s11], [sflag:$0x2] =	stream.linear.gather [hbm4b:s17+s3], $0x100, $0x38;
	[tilespmem:$0x19400] =	vst v63  }
0x5b: {  	_ =	swait.ge [sflag:s0], $0x100  }
0x5c: {  	[sflag:s0] =	ssyncset.done $0x0  }
0x5d: {  	[sflag:s0] =	ssyncadd.s32 $0xFFFFFF00  }
0x5e: {  	v1 =	vld [tilespmem:$0x0]  }
0x5f: {  	v2 =	vld [tilespmem:$0x10]  }
0x60: {  	v3 =	vld [tilespmem:$0x20]  }
0x61: {  	v4 =	vld [tilespmem:$0x30]  }
0x62: {  	v5 =	vld [tilespmem:$0x40]  }
0x63: {  	v58 =	vld [tilespmem:$0xB0];
	[tilespmem:$0x200] =	vst v1  }
0x64: {  	v59 =	vld [tilespmem:$0xC0];
	[tilespmem:$0x210] =	vst v2  }
0x65: {  	v1 =	vld [tilespmem:$0x80];
	[tilespmem:$0x220] =	vst v3  }
0x66: {  	v2 =	vld [tilespmem:$0x90];
	[tilespmem:$0x230] =	vst v4  }
0x67: {  	v3 =	vld [tilespmem:$0xA0];
	[tilespmem:$0x240] =	vst v5  }
0x68: {  	[tilespmem:$0x330] =	vst v58  }
0x69: {  	[tilespmem:$0x340] =	vst v59  }
0x6a: {  	[tilespmem:$0x300] =	vst v1  }
0x6b: {  	[tilespmem:$0x310] =	vst v2  }
0x6c: {  	s23 =	rddreg [dreg:$0x12];
	[tilespmem:$0x320] =	vst v3  }
0x6d: {  	[tilespmem:s3], [sflag:$0x1] =	stream.linear.gather [hbm4b:s23+s3], $0x100, $0x38;
	[tilespmem:$0x19400] =	vst v63  }
0x6e: {  	_ = 	snop  }
0x6f: {  	[tilespmem:s31], [sflag:$0x3] =	stream.indirect.gather [hbm4b:s14+s4], $0x80, s5, s4, $0xb8;
	[tilespmem:$0x19400] =	vst v63  }
0x70: {  	_ =	swait.ge [sflag:s6], $0x100  }
0x71: {  	[sflag:s6] =	ssyncset.done $0x0  }
0x72: {  	[sflag:s6] =	ssyncadd.s32 $0xFFFFFF00  }
0x73: {  	v1 =	vld [tilespmem:$0x100]  }
0x74: {  	v2 =	vld [tilespmem:$0x110]  }
0x75: {  	v3 =	vld [tilespmem:$0x120]  }
0x76: {  	v60 =	vld [tilespmem:$0x130]  }
0x77: {  	v61 =	vld [tilespmem:$0x140]  }
0x78: {  	v62 =	vld [tilespmem:$0x1B0];
	[tilespmem:$0x280] =	vst v1  }
0x79: {  	v63 =	vld [tilespmem:$0x1C0];
	[tilespmem:$0x290] =	vst v2  }
0x7a: {  	v1 =	vld [tilespmem:$0x180];
	[tilespmem:$0x2A0] =	vst v3  }
0x7b: {  	v2 =	vld [tilespmem:$0x190];
	[tilespmem:$0x2B0] =	vst v60  }
0x7c: {  	v3 =	vld [tilespmem:$0x1A0];
	[tilespmem:$0x2C0] =	vst v61  }
0x7d: {  	[tilespmem:$0x3B0] =	vst v62  }
0x7e: {  	[tilespmem:$0x3C0] =	vst v63  }
0x7f: {  	[tilespmem:$0x380] =	vst v1  }
0x80: {  	[tilespmem:$0x390] =	vst v2  }
0x81: {  	s25 =	rddreg [dreg:$0x13];
	[tilespmem:$0x3A0] =	vst v3  }
0x82: {  	[tilespmem:s11], [sflag:$0x2] =	stream.linear.gather [hbm4b:s25+s3], $0x100, $0x38;
	[tilespmem:$0x19400] =	vst v63  }
0x83: {  	s19 =	smov.u32 s30;
	s30 =	smov.u32 s15  }
0x84: {  	[tilespmem:s8], [sflag:$0x4] =	stream.indirect.gather [hbm4b:s14+s4], $0x80, s7, s4, $0xb8;
	[tilespmem:$0x19400] =	vst v63  }
0x85: {  	s23 =	simm.s32 $0x7;
	s25 =	smov.u32 s15;
	_ =	swait.ge [sflag:s9], $0x2800  }
.LBB2_4:
0x86: {  	p0 =	sne.s32 s23, $0x7D;
	[sflag:s9] =	ssyncset.done $0x0;
	s30 =	sadd.s32 $0x40, s30  }
0x87: {  	s16 =	smov.u32 s23;
	s23 =	sadd.s32 $0x2, s23;
	[sflag:s9] =	ssyncadd.s32 $0xFFFFD800  }
0x88: {  	[spmem:s2] =	stream.indirect.scatter.add.f32 [tilespmem:s31], [sflag:$0x5], $0x80, s10, s4, $0xb8;
	[tilespmem:$0x19400] =	vst v63  }
0x89: {  	_ =	swait.ge [sflag:s12], $0x2800  }
0x8a: {  	[sflag:s12] =	ssyncset.done $0x0  }
0x8b: {  	[sflag:s12] =	ssyncadd.s32 $0xFFFFD800  }
0x8c: {  	_ =	swait.ge [sflag:s0], $0x100  }
0x8d: {  	[sflag:s0] =	ssyncset.done $0x0  }
0x8e: {  	[sflag:s0] =	ssyncadd.s32 $0xFFFFFF00  }
0x8f: {  	v1 =	vld [tilespmem:$0x90]  }
0x90: {  	v2 =	vld [tilespmem:$0xC0]  }
0x91: {  	v3 =	vld [tilespmem:$0x80]  }
0x92: {  	v4 =	vld [tilespmem:$0xA0]  }
0x93: {  	v5 =	vld [tilespmem:$0x30]  }
0x94: {  	[tilespmem:$0x310] =	vst v1;
	v1 =	vld [tilespmem:$0xB0]  }
0x95: {  	v6 =	vld [tilespmem:$0x20];
	[tilespmem:$0x340] =	vst v2  }
0x96: {  	v2 =	vld [tilespmem:$0x40];
	[tilespmem:$0x300] =	vst v3  }
0x97: {  	v3 =	vld [tilespmem:$0x0];
	[tilespmem:$0x320] =	vst v4  }
0x98: {  	v4 =	vld [tilespmem:$0x10];
	[tilespmem:$0x230] =	vst v5  }
0x99: {  	[tilespmem:$0x330] =	vst v1  }
0x9a: {  	[tilespmem:$0x220] =	vst v6  }
0x9b: {  	[tilespmem:$0x240] =	vst v2  }
0x9c: {  	[tilespmem:$0x200] =	vst v3  }
0x9d: {  	[tilespmem:$0x210] =	vst v4  }
0x9e: {  	[tilespmem:s3], [sflag:$0x1] =	stream.linear.gather [hbm4b:s25+s3], $0x100, $0x38;
	[tilespmem:$0x19400] =	vst v63  }
0x9f: {  	s25 =	smov.u32 s30  }
0xa0: {  	[tilespmem:s31], [sflag:$0x3] =	stream.indirect.gather [hbm4b:s14+s4], $0x80, s5, s4, $0xb8;
	[tilespmem:$0x19400] =	vst v63  }
0xa1: {  	_ =	swait.ge [sflag:s24], $0x2800  }
0xa2: {  	[sflag:s24] =	ssyncset.done $0x0  }
0xa3: {  	[sflag:s24] =	ssyncadd.s32 $0xFFFFD800  }
0xa4: {  	[spmem:s2] =	stream.indirect.scatter.add.f32 [tilespmem:s8], [sflag:$0x5], $0x80, s26, s4, $0xb8;
	[tilespmem:$0x19400] =	vst v63  }
0xa5: {  	_ =	swait.ge [sflag:s12], $0x2800  }
0xa6: {  	[sflag:s12] =	ssyncset.done $0x0  }
0xa7: {  	[sflag:s12] =	ssyncadd.s32 $0xFFFFD800  }
0xa8: {  	_ =	swait.ge [sflag:s6], $0x100  }
0xa9: {  	[sflag:s6] =	ssyncset.done $0x0  }
0xaa: {  	[sflag:s6] =	ssyncadd.s32 $0xFFFFFF00  }
0xab: {  	v1 =	vld [tilespmem:$0x100]  }
0xac: {  	v2 =	vld [tilespmem:$0x1C0]  }
0xad: {  	v3 =	vld [tilespmem:$0x1B0]  }
0xae: {  	v4 =	vld [tilespmem:$0x130]  }
0xaf: {  	v5 =	vld [tilespmem:$0x190]  }
0xb0: {  	[tilespmem:$0x280] =	vst v1;
	v1 =	vld [tilespmem:$0x1A0]  }
0xb1: {  	v6 =	vld [tilespmem:$0x140];
	[tilespmem:$0x3C0] =	vst v2  }
0xb2: {  	v2 =	vld [tilespmem:$0x110];
	[tilespmem:$0x3B0] =	vst v3  }
0xb3: {  	[tilespmem:$0x2B0] =	vst v4;
	v3 =	vld [tilespmem:$0x180]  }
0xb4: {  	s17 =	sadd.s32 s29, s13;
	s29 =	smov.u32 s16;
	v4 =	vld [tilespmem:$0x120];
	[tilespmem:$0x390] =	vst v5  }
0xb5: {  	p1 =	slt.s32 s17, $0xF9F;
	[tilespmem:$0x3A0] =	vst v1  }
0xb6: {  	s17 =	simm.s32 @!p1 $0xF9F;
	[tilespmem:$0x2C0] =	vst v6  }
0xb7: {  	s16 =	sshll.u32 s17, $0x5;
	[tilespmem:$0x290] =	vst v2  }
0xb8: {  	s16 =	sadd.s32 s1, s16;
	[tilespmem:$0x380] =	vst v3  }
.Ltmp1:
0xb9: {  	[tilespmem:$0x2A0] =	vst v4;
	(pc) =	sbr.rel @p0 .LBB2_4-.Ltmp1, $4  }
0xba: {  	[tilespmem:s11], [sflag:$0x2] =	stream.linear.gather [hbm4b:s16+s3], $0x100, $0x38;
	[tilespmem:$0x19400] =	vst v63  }
0xbb: {  	_ = 	snop  }
0xbc: {  	[tilespmem:s8], [sflag:$0x4] =	stream.indirect.gather [hbm4b:s14+s4], $0x80, s7, s4, $0xb8;
	[tilespmem:$0x19400] =	vst v63  }
0xbd: {  	_ =	swait.ge [sflag:s9], $0x2800  }
0xbe: {  	[sflag:s9] =	ssyncset.done $0x0  }
0xbf: {  	[sflag:s9] =	ssyncadd.s32 $0xFFFFD800  }
0xc0: {  	[spmem:s2] =	stream.indirect.scatter.add.f32 [tilespmem:s31], [sflag:$0x5], $0x80, s10, s4, $0xb8;
	[tilespmem:$0x19400] =	vst v63  }
0xc1: {  	_ =	swait.ge [sflag:s12], $0x2800  }
0xc2: {  	[sflag:s12] =	ssyncset.done $0x0  }
0xc3: {  	[sflag:s12] =	ssyncadd.s32 $0xFFFFD800  }
0xc4: {  	_ =	swait.ge [sflag:s0], $0x100  }
0xc5: {  	[sflag:s0] =	ssyncset.done $0x0  }
0xc6: {  	[sflag:s0] =	ssyncadd.s32 $0xFFFFFF00  }
0xc7: {  	v1 =	vld [tilespmem:$0x90]  }
0xc8: {  	v2 =	vld [tilespmem:$0xC0]  }
0xc9: {  	v3 =	vld [tilespmem:$0x80]  }
0xca: {  	v4 =	vld [tilespmem:$0xA0]  }
0xcb: {  	v5 =	vld [tilespmem:$0x30]  }
0xcc: {  	v6 =	vld [tilespmem:$0x20];
	[tilespmem:$0x310] =	vst v1  }
0xcd: {  	v55 =	vld [tilespmem:$0x10];
	[tilespmem:$0x340] =	vst v2  }
0xce: {  	v1 =	vld [tilespmem:$0xB0];
	[tilespmem:$0x300] =	vst v3  }
0xcf: {  	v2 =	vld [tilespmem:$0x40];
	[tilespmem:$0x320] =	vst v4  }
0xd0: {  	v3 =	vld [tilespmem:$0x0];
	[tilespmem:$0x230] =	vst v5  }
0xd1: {  	[tilespmem:$0x220] =	vst v6  }
0xd2: {  	[tilespmem:$0x210] =	vst v55  }
0xd3: {  	[tilespmem:$0x330] =	vst v1  }
0xd4: {  	[tilespmem:$0x240] =	vst v2  }
0xd5: {  	[tilespmem:$0x200] =	vst v3  }
0xd6: {  	[tilespmem:s3], [sflag:$0x1] =	stream.linear.gather [hbm4b:s25+s3], $0x100, $0x38;
	[tilespmem:$0x19400] =	vst v63  }
0xd7: {  	_ = 	snop  }
0xd8: {  	[tilespmem:s31], [sflag:$0x3] =	stream.indirect.gather [hbm4b:s14+s4], $0x80, s5, s4, $0xb8;
	[tilespmem:$0x19400] =	vst v63  }
0xd9: {  	_ =	swait.ge [sflag:s24], $0x2800  }
0xda: {  	[sflag:s24] =	ssyncset.done $0x0  }
0xdb: {  	[sflag:s24] =	ssyncadd.s32 $0xFFFFD800  }
0xdc: {  	[spmem:s2] =	stream.indirect.scatter.add.f32 [tilespmem:s8], [sflag:$0x5], $0x80, s26, s4, $0xb8;
	[tilespmem:$0x19400] =	vst v63  }
0xdd: {  	_ =	swait.ge [sflag:s12], $0x2800  }
0xde: {  	[sflag:s12] =	ssyncset.done $0x0  }
0xdf: {  	[sflag:s12] =	ssyncadd.s32 $0xFFFFD800  }
0xe0: {  	_ =	swait.ge [sflag:s6], $0x100  }
0xe1: {  	[sflag:s6] =	ssyncset.done $0x0  }
0xe2: {  	[sflag:s6] =	ssyncadd.s32 $0xFFFFFF00  }
0xe3: {  	v1 =	vld [tilespmem:$0x100]  }
0xe4: {  	v2 =	vld [tilespmem:$0x1C0]  }
0xe5: {  	v3 =	vld [tilespmem:$0x1B0]  }
0xe6: {  	v56 =	vld [tilespmem:$0x130]  }
0xe7: {  	v57 =	vld [tilespmem:$0x190]  }
0xe8: {  	v58 =	vld [tilespmem:$0x140];
	[tilespmem:$0x280] =	vst v1  }
0xe9: {  	v59 =	vld [tilespmem:$0x120];
	[tilespmem:$0x3C0] =	vst v2  }
0xea: {  	v1 =	vld [tilespmem:$0x1A0];
	[tilespmem:$0x3B0] =	vst v3  }
0xeb: {  	v2 =	vld [tilespmem:$0x110];
	[tilespmem:$0x2B0] =	vst v56  }
0xec: {  	v3 =	vld [tilespmem:$0x180];
	[tilespmem:$0x390] =	vst v57  }
0xed: {  	s16 =	sadd.s32 s29, s13;
	[tilespmem:$0x2C0] =	vst v58  }
0xee: {  	p0 =	slt.s32 s16, $0xF9F;
	[tilespmem:$0x2A0] =	vst v59  }
0xef: {  	s16 =	simm.s32 @!p0 $0xF9F;
	[tilespmem:$0x3A0] =	vst v1  }
0xf0: {  	s16 =	sshll.u32 s16, $0x5;
	[tilespmem:$0x290] =	vst v2  }
0xf1: {  	s16 =	sadd.s32 s1, s16;
	[tilespmem:$0x380] =	vst v3  }
0xf2: {  	[tilespmem:s11], [sflag:$0x2] =	stream.linear.gather [hbm4b:s16+s3], $0x100, $0x38;
	[tilespmem:$0x19400] =	vst v63  }
0xf3: {  	_ = 	snop  }
0xf4: {  	[tilespmem:s8], [sflag:$0x4] =	stream.indirect.gather [hbm4b:s14+s4], $0x80, s7, s4, $0xb8;
	[tilespmem:$0x19400] =	vst v63  }
0xf5: {  	_ =	swait.ge [sflag:s9], $0x2800  }
0xf6: {  	[sflag:s9] =	ssyncset.done $0x0  }
0xf7: {  	[sflag:s9] =	ssyncadd.s32 $0xFFFFD800  }
0xf8: {  	[spmem:s2] =	stream.indirect.scatter.add.f32 [tilespmem:s31], [sflag:$0x5], $0x80, s10, s4, $0xb8;
	[tilespmem:$0x19400] =	vst v63  }
0xf9: {  	_ =	swait.ge [sflag:s12], $0x2800  }
0xfa: {  	[sflag:s12] =	ssyncset.done $0x0  }
0xfb: {  	[sflag:s12] =	ssyncadd.s32 $0xFFFFD800  }
0xfc: {  	_ =	swait.ge [sflag:s0], $0x100  }
0xfd: {  	[sflag:s0] =	ssyncset.done $0x0  }
0xfe: {  	[sflag:s0] =	ssyncadd.s32 $0xFFFFFF00  }
0xff: {  	v1 =	vld [tilespmem:$0x0]  }
0x100: {  	v2 =	vld [tilespmem:$0x10]  }
0x101: {  	v3 =	vld [tilespmem:$0x20]  }
0x102: {  	v60 =	vld [tilespmem:$0x30]  }
0x103: {  	v61 =	vld [tilespmem:$0x40]  }
0x104: {  	v62 =	vld [tilespmem:$0xB0];
	[tilespmem:$0x200] =	vst v1  }
0x105: {  	v63 =	vld [tilespmem:$0xC0];
	[tilespmem:$0x210] =	vst v2  }
0x106: {  	v1 =	vld [tilespmem:$0x80];
	[tilespmem:$0x220] =	vst v3  }
0x107: {  	v2 =	vld [tilespmem:$0x90];
	[tilespmem:$0x230] =	vst v60  }
0x108: {  	v3 =	vld [tilespmem:$0xA0];
	[tilespmem:$0x240] =	vst v61  }
0x109: {  	[tilespmem:$0x330] =	vst v62  }
0x10a: {  	[tilespmem:$0x340] =	vst v63  }
0x10b: {  	[tilespmem:$0x300] =	vst v1  }
0x10c: {  	[tilespmem:$0x310] =	vst v2  }
0x10d: {  	s25 =	rddreg [dreg:$0x14];
	[tilespmem:$0x320] =	vst v3  }
0x10e: {  	[tilespmem:s3], [sflag:$0x1] =	stream.linear.gather [hbm4b:s25+s3], $0x100, $0x38;
	[tilespmem:$0x19400] =	vst v63  }
0x10f: {  	_ = 	snop  }
0x110: {  	[tilespmem:s31], [sflag:$0x3] =	stream.indirect.gather [hbm4b:s14+s4], $0x80, s5, s4, $0xb8;
	[tilespmem:$0x19400] =	vst v63  }
0x111: {  	_ =	swait.ge [sflag:s24], $0x2800  }
0x112: {  	[sflag:s24] =	ssyncset.done $0x0  }
0x113: {  	[sflag:s24] =	ssyncadd.s32 $0xFFFFD800  }
0x114: {  	[spmem:s2] =	stream.indirect.scatter.add.f32 [tilespmem:s8], [sflag:$0x5], $0x80, s26, s4, $0xb8;
	[tilespmem:$0x19400] =	vst v63  }
0x115: {  	_ =	swait.ge [sflag:s12], $0x2800  }
0x116: {  	[sflag:s12] =	ssyncset.done $0x0  }
0x117: {  	[sflag:s12] =	ssyncadd.s32 $0xFFFFD800  }
0x118: {  	_ =	swait.ge [sflag:s9], $0x2800  }
0x119: {  	[sflag:s9] =	ssyncset.done $0x0  }
0x11a: {  	[sflag:s9] =	ssyncadd.s32 $0xFFFFD800  }
0x11b: {  	[spmem:s2] =	stream.indirect.scatter.add.f32 [tilespmem:s31], [sflag:$0x5], $0x80, s10, s4, $0xb8;
	[tilespmem:$0x19400] =	vst v63  }
0x11c: {  	_ =	swait.ge [sflag:s12], $0x2800  }
0x11d: {  	[sflag:s12] =	ssyncset.done $0x0  }
0x11e: {  	[sflag:s12] =	ssyncadd.s32 $0xFFFFD800  }
0x11f: {  	_ =	swait.ge [sflag:s0], $0x100  }
0x120: {  	[sflag:s0] =	ssyncset.done $0x0  }
0x121: {  	[sflag:s0] =	ssyncadd.s32 $0xFFFFFF00  }
0x122: {  	_ =	swait.ge [sflag:s6], $0x100  }
0x123: {  	[sflag:s6] =	ssyncset.done $0x0  }
0x124: {  	[sflag:s6] =	ssyncadd.s32 $0xFFFFFF00  }
0x125: {  	[bflag:$0x0] =	sbarrier.arrive $0xFFFF  }
0x126: {  	[tilespmem:s31], [sflag:$0x5] =	stream.linear.gather [spmem:s18], $0x2800, $0x38;
	[tilespmem:$0x19400] =	vst v63  }
0x127: {  	_ =	swait.ge [sflag:s12], $0x2800  }
0x128: {  	[sflag:s12] =	ssyncset.done $0x0  }
0x129: {  	s29 =	rddreg [dreg:$0x4];
	[sflag:s12] =	ssyncadd.s32 $0xFFFFD800  }
0x12a: {  	[hbm4b:s29+s3] =	stream.linear.scatter [tilespmem:s31], [sflag:$0x5], $0x2800, $0x38;
	[tilespmem:$0x19400] =	vst v63  }
0x12b: {  	_ =	swait.ge [sflag:s12], $0x2800  }
0x12c: {  	[sflag:s12] =	ssyncset.done $0x0  }
0x12d: {  	[sflag:s12] =	ssyncadd.s32 $0xFFFFD800  }
0x12e: {  	[tilespmem:s31], [sflag:$0x5] =	stream.linear.gather [spmem:s19], $0x2800, $0x38;
	[tilespmem:$0x19400] =	vst v63  }
0x12f: {  	_ =	swait.ge [sflag:s12], $0x2800  }
0x130: {  	[sflag:s12] =	ssyncset.done $0x0  }
0x131: {  	s17 =	rddreg [dreg:$0x5];
	[sflag:s12] =	ssyncadd.s32 $0xFFFFD800  }
0x132: {  	[hbm4b:s17+s3] =	stream.linear.scatter [tilespmem:s31], [sflag:$0x5], $0x2800, $0x38;
	[tilespmem:$0x19400] =	vst v63  }
0x133: {  	_ =	swait.ge [sflag:s12], $0x2800  }
0x134: {  	[sflag:s12] =	ssyncset.done $0x0  }
0x135: {  	s25 =	smov.u32 s18;
	s18 =	rddreg [dreg:$0xc];
	[sflag:s12] =	ssyncadd.s32 $0xFFFFD800  }
0x136: {  	[tilespmem:s31], [sflag:$0x5] =	stream.linear.gather [spmem:s18], $0x2800, $0x38;
	[tilespmem:$0x19400] =	vst v63  }
0x137: {  	_ =	swait.ge [sflag:s12], $0x2800  }
0x138: {  	[sflag:s12] =	ssyncset.done $0x0  }
0x139: {  	s30 =	smov.u32 s19;
	s19 =	rddreg [dreg:$0x6];
	[sflag:s12] =	ssyncadd.s32 $0xFFFFD800  }
0x13a: {  	[hbm4b:s19+s3] =	stream.linear.scatter [tilespmem:s31], [sflag:$0x5], $0x2800, $0x38;
	[tilespmem:$0x19400] =	vst v63  }
0x13b: {  	_ =	swait.ge [sflag:s12], $0x2800  }
0x13c: {  	[sflag:s12] =	ssyncset.done $0x0  }
0x13d: {  	[sflag:s12] =	ssyncadd.s32 $0xFFFFD800  }
0x13e: {  	[tilespmem:s31], [sflag:$0x5] =	stream.linear.gather [spmem:s20], $0x2800, $0x38;
	[tilespmem:$0x19400] =	vst v63  }
0x13f: {  	_ =	swait.ge [sflag:s12], $0x2800  }
0x140: {  	[sflag:s12] =	ssyncset.done $0x0  }
0x141: {  	s17 =	smov.u32 s20;
	s20 =	rddreg [dreg:$0x7];
	[sflag:s12] =	ssyncadd.s32 $0xFFFFD800  }
0x142: {  	[hbm4b:s20+s3] =	stream.linear.scatter [tilespmem:s31], [sflag:$0x5], $0x2800, $0x38;
	[tilespmem:$0x19400] =	vst v63  }
0x143: {  	_ =	swait.ge [sflag:s12], $0x2800  }
0x144: {  	[sflag:s12] =	ssyncset.done $0x0  }
0x145: {  	s23 =	rddreg [dreg:$0xd];
	[sflag:s12] =	ssyncadd.s32 $0xFFFFD800  }
0x146: {  	[tilespmem:s31], [sflag:$0x5] =	stream.linear.gather [spmem:s23], $0x2800, $0x38;
	[tilespmem:$0x19400] =	vst v63  }
0x147: {  	_ =	swait.ge [sflag:s12], $0x2800  }
0x148: {  	[sflag:s12] =	ssyncset.done $0x0  }
0x149: {  	s29 =	rddreg [dreg:$0x8];
	[sflag:s12] =	ssyncadd.s32 $0xFFFFD800  }
0x14a: {  	[hbm4b:s29+s3] =	stream.linear.scatter [tilespmem:s31], [sflag:$0x5], $0x2800, $0x38;
	[tilespmem:$0x19400] =	vst v63  }
0x14b: {  	_ =	swait.ge [sflag:s12], $0x2800  }
0x14c: {  	[sflag:s12] =	ssyncset.done $0x0  }
0x14d: {  	s18 =	rddreg [dreg:$0xe];
	[sflag:s12] =	ssyncadd.s32 $0xFFFFD800  }
0x14e: {  	[tilespmem:s31], [sflag:$0x5] =	stream.linear.gather [spmem:s18], $0x2800, $0x38;
	[tilespmem:$0x19400] =	vst v63  }
0x14f: {  	_ =	swait.ge [sflag:s12], $0x2800  }
0x150: {  	[sflag:s12] =	ssyncset.done $0x0  }
0x151: {  	s19 =	rddreg [dreg:$0x9];
	[sflag:s12] =	ssyncadd.s32 $0xFFFFD800  }
0x152: {  	[hbm4b:s19+s3] =	stream.linear.scatter [tilespmem:s31], [sflag:$0x5], $0x2800, $0x38;
	[tilespmem:$0x19400] =	vst v63  }
0x153: {  	_ =	swait.ge [sflag:s12], $0x2800  }
0x154: {  	[sflag:s12] =	ssyncset.done $0x0  }
0x155: {  	[sflag:s12] =	ssyncadd.s32 $0xFFFFD800  }
0x156: {  	[tilespmem:s31], [sflag:$0x5] =	stream.linear.gather [spmem:s21], $0x2800, $0x38;
	[tilespmem:$0x19400] =	vst v63  }
0x157: {  	_ =	swait.ge [sflag:s12], $0x2800  }
0x158: {  	[sflag:s12] =	ssyncset.done $0x0  }
0x159: {  	s20 =	rddreg [dreg:$0xa];
	[sflag:s12] =	ssyncadd.s32 $0xFFFFD800  }
0x15a: {  	[hbm4b:s20+s3] =	stream.linear.scatter [tilespmem:s31], [sflag:$0x5], $0x2800, $0x38;
	[tilespmem:$0x19400] =	vst v63  }
0x15b: {  	_ =	swait.ge [sflag:s12], $0x2800  }
0x15c: {  	[sflag:s12] =	ssyncset.done $0x0  }
0x15d: {  	[sflag:s12] =	ssyncadd.s32 $0xFFFFD800  }
0x15e: {  	[tilespmem:s31], [sflag:$0x5] =	stream.linear.gather [spmem:s22], $0x2800, $0x38;
	[tilespmem:$0x19400] =	vst v63  }
0x15f: {  	_ =	swait.ge [sflag:s12], $0x2800  }
0x160: {  	[sflag:s12] =	ssyncset.done $0x0  }
0x161: {  	s23 =	rddreg [dreg:$0xb];
	[sflag:s12] =	ssyncadd.s32 $0xFFFFD800  }
0x162: {  	[hbm4b:s23+s3] =	stream.linear.scatter [tilespmem:s31], [sflag:$0x5], $0x2800, $0x38;
	[tilespmem:$0x19400] =	vst v63  }
0x163: {  	_ =	swait.ge [sflag:s12], $0x2800  }
0x164: {  	s28 =	sadd.s32 $0x1, s28;
	s29 =	rddreg [dreg:$0x10]  }
0x165: {  	p0 =	sne.s32 s28, s29  }
.Ltmp2:
0x166: {  	_ = 	snop;
	(pc) =	sbr.rel @p0 .LBB2_1-.Ltmp2, $3  }
0x167: {  	_ =	sdelay $0x1  }
0x168: {  	[sflag:s12] =	ssyncset.done $0x0  }
0x169: {  	[sflag:s12] =	ssyncadd.s32 $0xFFFFD800  }
0x16a: {  	_ =	sfence.sel $0x180000  }
0x16b: {  	[bflag:$0x0] =	sbarrier.arrive $0xFFFF  }
0x16c: {  	_ =	strace $0x9000004A  }
0x16d: {  	s0 =	stileid.u32;
	[bflag:$0x2] =	sbarrier.arrive $0xFFFF  }
0x16e: {  	p0 =	sne.s32 s0, $0x0;
	s0 =	rddreg [dreg:$0x3]  }
0x16f: {  	s0 =	sadd.s32 @!p0 $0x100000, s0  }
0x170: {  	[sflag:s0] =	ssyncadd.tile.s32 @!p0 $0x1;
	_ =	shalt  }
.Lfunc_end2:
_tile_overlayer_lowered:
.L_overlay_start_2:
0x171: {  	(tag) =	ssettag $0x2  }
0x172: {  	s0 =	rddreg [dreg:$0x0];
	s2 =	stileid.u32  }
0x173: {  	s1 =	rddreg [dreg:$0x1];
	p0 =	sne.s32 s2, $0x0  }
0x174: {  	s3 =	rddreg [dreg:$0x2];
	[bflag:$0x3] =	sbarrier.arrive $0xFFFF;
	s2 =	simm.s32 @!p0 $0x1C05  }
0x175: {  	[timem:s3], [sflag:s2] =	dma.local @!p0 [hbm:s0], s1  }
0x176: {  	s0 =	simm.s32 @!p0 $0x5  }
0x177: {  	_ =	swait.ge @!p0 [sflag:s0], s1  }
0x178: {  	s1 =	ssub.s32 @!p0 $0x0, s1;
	[sflag:s0] =	ssyncset.done @!p0 $0x0  }
0x179: {  	[sflag:s0] =	ssyncadd.s32 @!p0 s1  }
0x17a: {  	[bflag:$0x3] =	sbarrier.arrive $0xFFFF  }
0x17b: {  	_ =	shalt  }

// kernel: kernel.14.cloned.1.call-start
scs
__scs_entry_jumppad:
0x0: {  	(pc) =	sbr.rel $0x88, $3  }
0x1: {  	(tag) =	ssettag $0x0;
	lr =	simm.s32 $0x1  }
0x2: {  	[smem:$0x3F97] =	sst lr;
	_ =	strace $0xD0000000  }
0x3: {  	_ = 	snop  }
0x4: {  	_ = 	snop  }
0x5: {  	_ = 	snop  }
0x6: {  	_ = 	snop  }
0x7: {  	_ = 	snop  }
__scs_overlays_trampoline_lowered:
0x8: {  	[smem:$0x3FA6] =	sst s0  }
0x9: {  	[smem:$0x3FA7] =	sst s1  }
0xa: {  	[smem:$0x3FA8] =	sst s2  }
0xb: {  	[smem:$0x3FA9] =	sst s3  }
0xc: {  	[smem:$0x3FAA] =	sst s4  }
0xd: {  	[smem:$0x3FAB] =	sst s5  }
0xe: {  	[smem:$0x3FAC] =	sst s6  }
0xf: {  	[smem:$0x3FAD] =	sst s7  }
0x10: {  	[smem:$0x3FAE] =	sst s8  }
0x11: {  	[smem:$0x3FAF] =	sst s9;
	s0 =	simm.s32 @!p0 $0x0  }
0x12: {  	s1 =	sld [smem:$0x3F95];
	s0 =	simm.s32 @p0 $0x1  }
0x13: {  	[smem:$0x3FB0] =	sst s0;
	s0 =	simm.s32 @!p1 $0x0  }
0x14: {  	s2 =	sld [smem:$0x3F94];
	s0 =	simm.s32 @p1 $0x1  }
0x15: {  	[smem:$0x3FB1] =	sst s0;
	s0 =	simm.s32 @!p2 $0x0  }
0x16: {  	s3 =	sld [smem:$0x3FDB];
	s0 =	simm.s32 @p2 $0x1  }
0x17: {  	s4 =	simm.s32 $0x1BF5;
	[smem:$0x3FB3] =	sst s0  }
0x18: {  	s0 =	sld [smem:$0x3F96];
	_ =	swait.ge [sflag:s4], $0x0  }
0x19: {  	s7 =	sld [smem:$0x3F97]  }
0x1a: {  	s8 =	sadd.s32 $0xFFFFE003, lr  }
0x1b: {  	s9 =	sadd.s32 $0xFFFFFEF7, lr;
	s5 =	simm.s32 $0xFFFFFFFF;
	p2 =	slt.u32 s8, $0xFFFFF086  }
0x1c: {  	p1 =	slt.u32 s9, $0xF7A;
	s5 =	simm.s32 @!p2 $0x0  }
0x1d: {  	s5 =	simm.s32 @p1 $0x1;
	p0 =	seq.s32 s7, s2  }
0x1e: {  	s7 =	smul.u32 @!p0 $0xF7A, s2;
	p2 =	seq.s32 @!p0 s5, $0x0  }
0x1f: {  	s9 =	smul.u32 $0xF7A, s1;
	s8 =	simm.s32 @!p0 $0x1BF5;
	p2 =	por !p2, p0  }
0x20: {  	[sflag:s8] =	ssyncset.s32 @!p0 $0xFFFFF086;
	s6 =	sadd.s32 @!p0 s3, s7;
	s7 =	simm.s32 @!p0 $0x108  }
0x21: {  	s3 =	sadd.s32 s3, s9;
	s6 =	sadd.s32 @!p0 $0x88, s6;
	s7 =	simm.s32 @p2 $0x1082  }
0x22: {  	[simem:s7], [sflag:s8] =	dma.local @!p0 [hbm:s6], $0xF7A  }
0x23: {  	s9 =	sor.u32 $0xD0000000, s2;
	s6 =	simm.s32 $0x108;
	_ =	swait.ge @!p0 [sflag:s8], $0x0  }
0x24: {  	s3 =	sadd.s32 $0x88, s3;
	s6 =	simm.s32 @!p1 $0x1082;
	[sflag:s4] =	ssyncset.s32 $0xFFFFF086  }
0x25: {  	[simem:s6], [sflag:s4] =	dma.local [hbm:s3], $0xF7A  }
0x26: {  	[smem:$0x3F97] =	sst s1;
	(tag) =	ssettag s2;
	_ =	strace s9  }
0x27: {  	s1 =	sld [smem:$0x3FA7]  }
0x28: {  	s2 =	sld [smem:$0x3FA8]  }
0x29: {  	s4 =	sld [smem:$0x3FAA]  }
0x2a: {  	p0 =	seq.s32 s5, $0x0;
	s5 =	sld [smem:$0x3FAB]  }
0x2b: {  	s6 =	sld [smem:$0x3FAC]  }
0x2c: {  	s7 =	sld [smem:$0x3FAD]  }
0x2d: {  	s3 =	simm.s32 $0x108;
	s8 =	sld [smem:$0x3FAE]  }
0x2e: {  	s3 =	simm.s32 @!p0 $0x1082;
	s9 =	sld [smem:$0x3FAF]  }
0x2f: {  	lr =	sadd.s32 s0, s3;
	s0 =	sld [smem:$0x3FA6]  }
0x30: {  	s3 =	sld [smem:$0x3FA9]  }
0x31: {  	[smem:$0x3FB2] =	sst s10  }
0x32: {  	s10 =	sld [smem:$0x3FB0];
	_ =	sdelay $0x3  }
0x33: {  	p0 =	seq.s32 s10, $0x1;
	s10 =	sld [smem:$0x3FB2];
	_ =	sdelay $0x3  }
0x34: {  	[smem:$0x3FB2] =	sst s10  }
0x35: {  	s10 =	sld [smem:$0x3FB1];
	_ =	sdelay $0x3  }
0x36: {  	p1 =	seq.s32 s10, $0x1;
	s10 =	sld [smem:$0x3FB2];
	_ =	sdelay $0x3  }
0x37: {  	[smem:$0x3FB2] =	sst s10  }
0x38: {  	s10 =	sld [smem:$0x3FB3]  }
0x39: {  	_ = 	snop;
	(pc) =	sbr.ind lr, $3  }
0x3a: {  	_ = 	snop  }
0x3b: {  	_ = 	snop  }
0x3c: {  	p2 =	seq.s32 s10, $0x1;
	s10 =	sld [smem:$0x3FB2]  }
0x3d: {  	_ =	shalt  }
0x3e: {  	_ =	shalt  }
0x3f: {  	_ =	shalt  }
0x40: {  	_ =	shalt  }
0x41: {  	_ =	shalt  }
0x42: {  	_ =	shalt  }
0x43: {  	_ =	shalt  }
0x44: {  	_ =	shalt  }
0x45: {  	_ =	shalt  }
0x46: {  	_ =	shalt  }
0x47: {  	_ =	shalt  }
0x48: {  	_ =	shalt  }
0x49: {  	_ =	shalt  }
0x4a: {  	_ =	shalt  }
0x4b: {  	_ =	shalt  }
0x4c: {  	_ =	shalt  }
0x4d: {  	_ =	shalt  }
0x4e: {  	_ =	shalt  }
0x4f: {  	_ =	shalt  }
0x50: {  	_ =	shalt  }
0x51: {  	_ =	shalt  }
0x52: {  	_ =	shalt  }
0x53: {  	_ =	shalt  }
0x54: {  	_ =	shalt  }
0x55: {  	_ =	shalt  }
0x56: {  	_ =	shalt  }
0x57: {  	_ =	shalt  }
0x58: {  	_ =	shalt  }
0x59: {  	_ =	shalt  }
0x5a: {  	_ =	shalt  }
0x5b: {  	_ =	shalt  }
0x5c: {  	_ =	shalt  }
0x5d: {  	_ =	shalt  }
0x5e: {  	_ =	shalt  }
0x5f: {  	_ =	shalt  }
0x60: {  	_ =	shalt  }
0x61: {  	_ =	shalt  }
0x62: {  	_ =	shalt  }
0x63: {  	_ =	shalt  }
0x64: {  	_ =	shalt  }
0x65: {  	_ =	shalt  }
0x66: {  	_ =	shalt  }
0x67: {  	_ =	shalt  }
0x68: {  	_ =	shalt  }
0x69: {  	_ =	shalt  }
0x6a: {  	_ =	shalt  }
0x6b: {  	_ =	shalt  }
0x6c: {  	_ =	shalt  }
0x6d: {  	_ =	shalt  }
0x6e: {  	_ =	shalt  }
0x6f: {  	_ =	shalt  }
0x70: {  	_ =	shalt  }
0x71: {  	_ =	shalt  }
0x72: {  	_ =	shalt  }
0x73: {  	_ =	shalt  }
0x74: {  	_ =	shalt  }
0x75: {  	_ =	shalt  }
0x76: {  	_ =	shalt  }
0x77: {  	_ =	shalt  }
0x78: {  	_ =	shalt  }
0x79: {  	_ =	shalt  }
0x7a: {  	_ =	shalt  }
0x7b: {  	_ =	shalt  }
0x7c: {  	_ =	shalt  }
0x7d: {  	_ =	shalt  }
0x7e: {  	_ =	shalt  }
0x7f: {  	_ =	shalt  }
0x80: {  	_ =	shalt  }
0x81: {  	_ =	shalt  }
0x82: {  	_ =	shalt  }
0x83: {  	_ =	shalt  }
0x84: {  	_ =	shalt  }
0x85: {  	_ =	shalt  }
0x86: {  	_ =	shalt  }
0x87: {  	_ =	shalt  }
.Lfunc_end0:
.L_simem_size_0:
called_computation.2_lowered:
.L_overlay_start_0:
0x88: {  	s2 =	sld [smem:$0x3FD9]  }
0x89: {  	s3 =	sld [smem:$0x3FFE];
	_ =	sdelay $0x1  }
0x8a: {  	s1 =	srdreg.scid  }
0x8b: {  	s0 =	sand.u32 $0x1, s1  }
0x8c: {  	s17 =	sshll.u32 s0, $0xA;
	s2 =	sadd.s32 s3, s2  }
0x8d: {  	s2 =	sadd.s32 s2, s17  }
0x8e: {  	[smem:$0x3FBE] =	sst s2  }
0x8f: {  	_ = 	snop  }
0x90: {  	s2 =	sld [smem:$0x3FD0];
	(tm) =	ssettm $0x1  }
0x91: {  	s18 =	sld [smem:$0x3FFB];
	_ =	sdelay $0x3  }
0x92: {  	_ =	strace s18  }
0x93: {  	s3 =	sld [smem:$0x3FFC];
	_ =	sdelay $0x3  }
0x94: {  	_ =	strace s3  }
0x95: {  	s3 =	sld [smem:$0x3FFD];
	_ =	sdelay $0x3  }
0x96: {  	_ =	strace s3  }
0x97: {  	_ =	strace $0x8FFFFFFF  }
0x98: {  	s19 =	sld [smem:$0x3FDB];
	_ =	sdelay $0x1  }
0x99: {  	s4 =	simm.s32 $_scs_section_size  }
0x9a: {  	s5 =	simm.s32 $_size__tile_overlayer_lowered;
	s6 =	simm.s32 $_tile_overlayer_lowered  }
0x9b: {  	s22 =	simm.s32 $0x1BFF;
	s21 =	sshll.u32 s6, $0x1;
	s3 =	sadd.s32 s4, s19  }
0x9c: {  	s7 =	simm.s32 $0x0;
	s20 =	sshll.u32 s5, $0x1;
	s5 =	sadd.s32 s21, s3  }
0x9d: {  	[timem:s7], [sflag:s22] =	dma.local [hbm:s5], s20  }
0x9e: {  	_ =	swait.ge [sflag:s22], s20  }
0x9f: {  	s4 =	ssub.s32 $0x0, s20;
	[sflag:s22] =	ssyncset.done $0x0  }
0xa0: {  	[sflag:s22] =	ssyncadd.s32 s4;
	_ =	sdelay $0x1  }
0xa1: {  	s23 =	simm.s32 $0x1B8B  }
0xa2: {  	_ =	swait.ge [sflag:s23], $0x1  }
0xa3: {  	[sflag:s23] =	ssyncset.done $0x0  }
0xa4: {  	s25 =	simm.s32 $0x1B8E;
	s24 =	sld [smem:$0x3FFE];
	[sflag:s23] =	ssyncadd.s32 $0xFFFFFFFF  }
0xa5: {  	s26 =	simm.s32 $execute0_lowered;
	[smem:$0x3FD2] =	sst s25  }
0xa6: {  	s5 =	sshll.u32 s26, $0x1;
	_ =	strace $0x8000004C;
	[dreg:$0x1] =	wrdreg $0xFFFFFFFF  }
0xa7: {  	s28 =	simm.s32 $_size_execute0_lowered;
	s3 =	sadd.s32 s3, s5;
	[dreg:$0x0] =	wrdreg $0x0  }
0xa8: {  	s5 =	sshll.u32 s28, $0x1;
	[dreg:$0x2] =	wrdreg s3  }
0xa9: {  	[dreg:$0x3] =	wrdreg s5  }
0xaa: {  	[dreg:$0x4] =	wrdreg $0xC0  }
0xab: {  	_ =	task [dreg:s7], $0x5FFFF  }
0xac: {  	[dreg:$0x1] =	wrdreg $0xFFFFFFFF  }
0xad: {  	[dreg:$0x0] =	wrdreg $0x60  }
0xae: {  	[dreg:$0x2] =	wrdreg s24  }
0xaf: {  	[dreg:$0x3] =	wrdreg s2  }
0xb0: {  	[dreg:$0x4] =	wrdreg $0x54000  }
0xb1: {  	[dreg:$0x5] =	wrdreg $0x9  }
0xb2: {  	_ =	task.clear_ibuf [dreg:s7], $0x6FFFF;
	_ =	strace $0x9000004C  }
0xb3: {  	s29 =	simm.s32 $0x9;
	_ =	strace $0x8000004E  }
0xb4: {  	_ =	swait.ge [sflag:s29], $0x1  }
0xb5: {  	[sflag:s29] =	ssyncadd.s32 $0xFFFFFFFF  }
0xb6: {  	_ =	strace $0x9000004E  }
0xb7: {  	_ =	sfence  }
0xb8: {  	s30 =	sld [smem:$0x0];
	_ =	sdelay $0x2  }
0xb9: {  	s31 =	sshll.u32 s1, $0xD;
	s1 =	sshrl.u32 s1, $0x2  }
0xba: {  	s3 =	sand.u32 $0x4000, s31;
	s1 =	sadd.s32 s1, s30  }
0xbb: {  	s0 =	sor.u32 s3, s0;
	s1 =	sshll.u32 s1, $0x11  }
0xbc: {  	s0 =	sor.u32 s1, s0  }
0xbd: {  	s0 =	sadd.s32 $0x8F2B, s0  }
0xbe: {  	[sflag:s0] =	ssyncadd.remote.s32 $0x1  }
0xbf: {  	_ =	sfence.sel $0xFFFF  }
0xc0: {  	[dreg:$0x0] =	wrdreg $0xFFFFFFFF;
	(pc) =	sbr.abs _section_cstart, $3  }
0xc1: {  	[dreg:$0x1] =	wrdreg $0xFFFFFFFF  }
0xc2: {  	_ =	task.clear_ibuf [dreg:s7], $0x2FFFF;
	_ =	strace $0x9FFFFFFF  }
0xc3: {  	(tm) =	ssettm $0x7FFFFFFF  }
tec
execute0_lowered:
.L_overlay_start_1:
0x0: {  	(tag) =	ssettag $0x1  }
0x1: {  	s0 =	rddreg [dreg:$0x0]  }
0x2: {  	s2 =	srdreg.scid;
	s1 =	rddreg [dreg:$0x1]  }
0x3: {  	s17 =	stileid.u32;
	s3 =	simm.s32 $0x0;
	s31 =	simm.s32 $0x400  }
0x4: {  	s28 =	simm.s32 $0x0;
	s4 =	sand.u32 $0x1, s2;
	s6 =	smul.u32 $0x14000, s17  }
0x5: {  	s2 =	rddreg [dreg:$0x2];
	s7 =	sadd.s32 $0x2A800, s0;
	s12 =	smul.u32 $0x140000, s4  }
0x6: {  	[smem:$0x7FF] =	sst s3;
	s5 =	ssub.s32 $0x2, s4;
	s20 =	smul.u32 $0x7D0, s4  }
0x7: {  	s8 =	sshrl.u32 s5, $0x1;
	s9 =	sor.u32 $0x2800, s6;
	s10 =	sadd.s32 $0x5000, s6  }
0x8: {  	s11 =	sadd.s32 $0x7800, s6;
	s15 =	sadd.s32 $0xA000, s6;
	s16 =	sadd.s32 $0xC800, s6  }
0x9: {  	s21 =	sadd.s32 $0xF000, s6;
	s22 =	sadd.s32 $0x11800, s6;
	s5 =	ssub.s32 s5, s8  }
0xa: {  	s8 =	smul.u32 $0x50000, s17;
	s6 =	sadd.s32 s6, s12;
	s13 =	sadd.s32 s12, s9  }
0xb: {  	s14 =	sadd.s32 s12, s10;
	s25 =	sadd.s32 s12, s11;
	s26 =	sadd.s32 s12, s15  }
0xc: {  	s29 =	sadd.s32 s12, s16;
	s19 =	sadd.s32 s12, s21;
	s12 =	sadd.s32 s12, s22  }
0xd: {  	s30 =	sadd.s32 s9, s2;
	s21 =	sadd.s32 s21, s2;
	s22 =	sadd.s32 s22, s2  }
0xe: {  	s9 =	simm.s32 $0x3;
	s6 =	sshrl.u32 s6, $0x3;
	s13 =	sshrl.u32 s13, $0x3  }
0xf: {  	s24 =	sshrl.u32 s14, $0x3;
	s18 =	sshrl.u32 s29, $0x3;
	s14 =	sadd.s32 $0x2800, s0  }
0x10: {  	s6 =	sadd.s32 s7, s6;
	s23 =	sadd.s32 s7, s13;
	s13 =	sshrl.u32 s26, $0x3  }
0x11: {  	s26 =	smul.u32 $0xFA0, s17;
	s8 =	sshrl.u32 s8, $0x2;
	[dreg:$0x4] =	wrdreg s6  }
0x12: {  	[dreg:$0x5] =	wrdreg s23;
	s6 =	sadd.s32 s7, s24;
	s13 =	sadd.s32 s7, s13  }
0x13: {  	s23 =	smul.u32 $0x7D, s17;
	s24 =	sshrl.u32 s12, $0x3;
	[dreg:$0x6] =	wrdreg s6  }
0x14: {  	s12 =	sshll.u32 s4, $0x4;
	s6 =	sshrl.u32 s25, $0x3;
	[dreg:$0x8] =	wrdreg s13  }
0x15: {  	s25 =	smul.u32 $0xFA00, s4;
	s0 =	sor.u32 s17, s12;
	s6 =	sadd.s32 s7, s6  }
0x16: {  	s17 =	sadd.s32 s11, s2;
	[dreg:$0x7] =	wrdreg s6;
	s6 =	sadd.s32 s7, s18  }
0x17: {  	s11 =	simm.s32 $0x100;
	[dreg:$0x9] =	wrdreg s6;
	s6 =	sshrl.u32 s19, $0x3  }
0x18: {  	s4 =	simm.s32 $0x50;
	s12 =	simm.s32 $0x5;
	s6 =	sadd.s32 s7, s6  }
0x19: {  	s13 =	sadd.s32 s23, s20;
	[dreg:$0xa] =	wrdreg s6;
	s6 =	sadd.s32 s7, s24  }
0x1a: {  	s0 =	smul.u32 $0xFA0, s0;
	s18 =	sadd.s32 s10, s2;
	[dreg:$0xb] =	wrdreg s6  }
0x1b: {  	s19 =	sadd.s32 s15, s2;
	_ =	strace $0x8000004D;
	[dreg:$0xc] =	wrdreg s18  }
0x1c: {  	s20 =	sadd.s32 s16, s2;
	s23 =	smax.u32 s5, $0x1;
	[dreg:$0xd] =	wrdreg s19  }
0x1d: {  	s5 =	simm.s32 $0x200;
	s0 =	sadd.s32 s1, s0;
	[dreg:$0xe] =	wrdreg s20  }
0x1e: {  	s29 =	sadd.s32 s25, s1;
	s24 =	sadd.s32 $0x20, s0;
	[dreg:$0x10] =	wrdreg s23  }
0x1f: {  	s6 =	sadd.s32 s26, s29;
	s26 =	sadd.s32 $0x40, s0;
	[dreg:$0x11] =	wrdreg s24  }
0x20: {  	s25 =	sadd.s32 s8, s2;
	s29 =	sadd.s32 $0x60, s0;
	[dreg:$0x12] =	wrdreg s26  }
0x21: {  	s8 =	simm.s32 $0x2C00;
	s10 =	simm.s32 $0x300;
	[dreg:$0x13] =	wrdreg s29  }
0x22: {  	s7 =	simm.s32 $0x280;
	s15 =	sadd.s32 $0x80, s6;
	[dreg:$0xf] =	wrdreg s0  }
0x23: {  	s0 =	sadd.s32 $0xF80, s0;
	s6 =	simm.s32 $0x2;
	s24 =	simm.s32 $0x4  }
0x24: {  	v0 =	vimm.f32 $0.0e+00;
	s26 =	simm.s32 $0x380;
	[dreg:$0x14] =	wrdreg s0;
	s0 =	simm.s32 $0x1  }
.LBB2_1:
0x25: {  	s16 =	simm.s32 $0x0;
	s23 =	simm.s32 $0x200  }
.LBB2_2:
0x26: {  	p0 =	sne.s32 s23, $0x9E00;
	[tilespmem:s16+$0x470] =	vst v0  }
0x27: {  	[tilespmem:s16+$0x400] =	vst v0  }
0x28: {  	[tilespmem:s16+$0x410] =	vst v0  }
.Ltmp0:
0x29: {  	[tilespmem:s16+$0x420] =	vst v0;
	(pc) =	sbr.rel @p0 .LBB2_2-.Ltmp0, $4  }
0x2a: {  	[tilespmem:s16+$0x430] =	vst v0  }
0x2b: {  	[tilespmem:s16+$0x440] =	vst v0  }
0x2c: {  	[tilespmem:s16+$0x450] =	vst v0  }
0x2d: {  	[tilespmem:s16+$0x460] =	vst v0;
	s16 =	sshra.s32 s23, $0x2;
	s23 =	sadd.s32 $0x200, s23  }
0x2e: {  	[tilespmem:s16+$0x470] =	vst v0  }
0x2f: {  	[tilespmem:s16+$0x400] =	vst v0  }
0x30: {  	[tilespmem:s16+$0x410] =	vst v0  }
0x31: {  	[tilespmem:s16+$0x420] =	vst v0  }
0x32: {  	[tilespmem:s16+$0x430] =	vst v0  }
0x33: {  	[tilespmem:s16+$0x440] =	vst v0  }
0x34: {  	[tilespmem:s16+$0x450] =	vst v0  }
0x35: {  	[tilespmem:s16+$0x460] =	vst v0;
	s29 =	simm.s32 $0x5  }
0x36: {  	[spmem:s25] =	stream.linear.scatter [tilespmem:s31], [sflag:$0x5], $0x2800, $0x38;
	[tilespmem:$0x19400] =	vst v63  }
0x37: {  	_ =	swait.ge [sflag:s29], $0x2800  }
0x38: {  	[sflag:s29] =	ssyncset.done $0x0  }
0x39: {  	[sflag:s29] =	ssyncadd.s32 $0xFFFFD800  }
0x3a: {  	[spmem:s30] =	stream.linear.scatter [tilespmem:s31], [sflag:$0x5], $0x2800, $0x38;
	[tilespmem:$0x19400] =	vst v63  }
0x3b: {  	_ =	swait.ge [sflag:s29], $0x2800  }
0x3c: {  	[sflag:s29] =	ssyncset.done $0x0  }
0x3d: {  	s18 =	smov.u32 s25;
	s25 =	rddreg [dreg:$0xc];
	[sflag:s29] =	ssyncadd.s32 $0xFFFFD800  }
0x3e: {  	[spmem:s25] =	stream.linear.scatter [tilespmem:s31], [sflag:$0x5], $0x2800, $0x38;
	[tilespmem:$0x19400] =	vst v63  }
0x3f: {  	_ =	swait.ge [sflag:s29], $0x2800  }
0x40: {  	[sflag:s29] =	ssyncset.done $0x0  }
0x41: {  	[sflag:s29] =	ssyncadd.s32 $0xFFFFD800  }
0x42: {  	[spmem:s17] =	stream.linear.scatter [tilespmem:s31], [sflag:$0x5], $0x2800, $0x38;
	[tilespmem:$0x19400] =	vst v63  }
0x43: {  	_ =	swait.ge [sflag:s29], $0x2800  }
0x44: {  	[sflag:s29] =	ssyncset.done $0x0  }
0x45: {  	s20 =	smov.u32 s17;
	s17 =	rddreg [dreg:$0xd];
	[sflag:s29] =	ssyncadd.s32 $0xFFFFD800  }
0x46: {  	[spmem:s17] =	stream.linear.scatter [tilespmem:s31], [sflag:$0x5], $0x2800, $0x38;
	[tilespmem:$0x19400] =	vst v63  }
0x47: {  	_ =	swait.ge [sflag:s29], $0x2800  }
0x48: {  	[sflag:s29] =	ssyncset.done $0x0  }
0x49: {  	s23 =	rddreg [dreg:$0xe];
	[sflag:s29] =	ssyncadd.s32 $0xFFFFD800  }
0x4a: {  	[spmem:s23] =	stream.linear.scatter [tilespmem:s31], [sflag:$0x5], $0x2800, $0x38;
	[tilespmem:$0x19400] =	vst v63  }
0x4b: {  	_ =	swait.ge [sflag:s29], $0x2800  }
0x4c: {  	[sflag:s29] =	ssyncset.done $0x0  }
0x4d: {  	[sflag:s29] =	ssyncadd.s32 $0xFFFFD800  }
0x4e: {  	[spmem:s21] =	stream.linear.scatter [tilespmem:s31], [sflag:$0x5], $0x2800, $0x38;
	[tilespmem:$0x19400] =	vst v63  }
0x4f: {  	_ =	swait.ge [sflag:s29], $0x2800  }
0x50: {  	[sflag:s29] =	ssyncset.done $0x0  }
0x51: {  	[sflag:s29] =	ssyncadd.s32 $0xFFFFD800  }
0x52: {  	[spmem:s22] =	stream.linear.scatter [tilespmem:s31], [sflag:$0x5], $0x2800, $0x38;
	[tilespmem:$0x19400] =	vst v63  }
0x53: {  	_ =	swait.ge [sflag:s29], $0x2800  }
0x54: {  	[sflag:s29] =	ssyncset.done $0x0  }
0x55: {  	[sflag:s29] =	ssyncadd.s32 $0xFFFFD800  }
0x56: {  	[bflag:$0x0] =	sbarrier.arrive $0xFFFF  }
0x57: {  	s25 =	rddreg [dreg:$0xf]  }
0x58: {  	[tilespmem:s3], [sflag:$0x1] =	stream.linear.gather [hbm4b:s25+s3], $0x100, $0x38;
	[tilespmem:$0x19400] =	vst v63  }
0x59: {  	s17 =	rddreg [dreg:$0x11]  }
0x5a: {  	[tilespmem:s11], [sflag:$0x2] =	stream.linear.gather [hbm4b:s17+s3], $0x100, $0x38;
	[tilespmem:$0x19400] =	vst v63  }
0x5b: {  	_ =	swait.ge [sflag:s0], $0x100  }
0x5c: {  	[sflag:s0] =	ssyncset.done $0x0  }
0x5d: {  	[sflag:s0] =	ssyncadd.s32 $0xFFFFFF00  }
0x5e: {  	v1 =	vld [tilespmem:$0x0]  }
0x5f: {  	v2 =	vld [tilespmem:$0x10]  }
0x60: {  	v3 =	vld [tilespmem:$0x20]  }
0x61: {  	v4 =	vld [tilespmem:$0x30]  }
0x62: {  	v5 =	vld [tilespmem:$0x40]  }
0x63: {  	v58 =	vld [tilespmem:$0xB0];
	[tilespmem:$0x200] =	vst v1  }
0x64: {  	v59 =	vld [tilespmem:$0xC0];
	[tilespmem:$0x210] =	vst v2  }
0x65: {  	v1 =	vld [tilespmem:$0x80];
	[tilespmem:$0x220] =	vst v3  }
0x66: {  	v2 =	vld [tilespmem:$0x90];
	[tilespmem:$0x230] =	vst v4  }
0x67: {  	v3 =	vld [tilespmem:$0xA0];
	[tilespmem:$0x240] =	vst v5  }
0x68: {  	[tilespmem:$0x330] =	vst v58  }
0x69: {  	[tilespmem:$0x340] =	vst v59  }
0x6a: {  	[tilespmem:$0x300] =	vst v1  }
0x6b: {  	[tilespmem:$0x310] =	vst v2  }
0x6c: {  	s23 =	rddreg [dreg:$0x12];
	[tilespmem:$0x320] =	vst v3  }
0x6d: {  	[tilespmem:s3], [sflag:$0x1] =	stream.linear.gather [hbm4b:s23+s3], $0x100, $0x38;
	[tilespmem:$0x19400] =	vst v63  }
0x6e: {  	_ = 	snop  }
0x6f: {  	[tilespmem:s31], [sflag:$0x3] =	stream.indirect.gather [hbm4b:s14+s4], $0x80, s5, s4, $0xb8;
	[tilespmem:$0x19400] =	vst v63  }
0x70: {  	_ =	swait.ge [sflag:s6], $0x100  }
0x71: {  	[sflag:s6] =	ssyncset.done $0x0  }
0x72: {  	[sflag:s6] =	ssyncadd.s32 $0xFFFFFF00  }
0x73: {  	v1 =	vld [tilespmem:$0x100]  }
0x74: {  	v2 =	vld [tilespmem:$0x110]  }
0x75: {  	v3 =	vld [tilespmem:$0x120]  }
0x76: {  	v60 =	vld [tilespmem:$0x130]  }
0x77: {  	v61 =	vld [tilespmem:$0x140]  }
0x78: {  	v62 =	vld [tilespmem:$0x1B0];
	[tilespmem:$0x280] =	vst v1  }
0x79: {  	v63 =	vld [tilespmem:$0x1C0];
	[tilespmem:$0x290] =	vst v2  }
0x7a: {  	v1 =	vld [tilespmem:$0x180];
	[tilespmem:$0x2A0] =	vst v3  }
0x7b: {  	v2 =	vld [tilespmem:$0x190];
	[tilespmem:$0x2B0] =	vst v60  }
0x7c: {  	v3 =	vld [tilespmem:$0x1A0];
	[tilespmem:$0x2C0] =	vst v61  }
0x7d: {  	[tilespmem:$0x3B0] =	vst v62  }
0x7e: {  	[tilespmem:$0x3C0] =	vst v63  }
0x7f: {  	[tilespmem:$0x380] =	vst v1  }
0x80: {  	[tilespmem:$0x390] =	vst v2  }
0x81: {  	s25 =	rddreg [dreg:$0x13];
	[tilespmem:$0x3A0] =	vst v3  }
0x82: {  	[tilespmem:s11], [sflag:$0x2] =	stream.linear.gather [hbm4b:s25+s3], $0x100, $0x38;
	[tilespmem:$0x19400] =	vst v63  }
0x83: {  	s19 =	smov.u32 s30;
	s30 =	smov.u32 s15  }
0x84: {  	[tilespmem:s8], [sflag:$0x4] =	stream.indirect.gather [hbm4b:s14+s4], $0x80, s7, s4, $0xb8;
	[tilespmem:$0x19400] =	vst v63  }
0x85: {  	s23 =	simm.s32 $0x7;
	s25 =	smov.u32 s15;
	_ =	swait.ge [sflag:s9], $0x2800  }
.LBB2_4:
0x86: {  	p0 =	sne.s32 s23, $0x7D;
	[sflag:s9] =	ssyncset.done $0x0;
	s30 =	sadd.s32 $0x40, s30  }
0x87: {  	s16 =	smov.u32 s23;
	s23 =	sadd.s32 $0x2, s23;
	[sflag:s9] =	ssyncadd.s32 $0xFFFFD800  }
0x88: {  	[spmem:s2] =	stream.indirect.scatter.add.f32 [tilespmem:s31], [sflag:$0x5], $0x80, s10, s4, $0xb8;
	[tilespmem:$0x19400] =	vst v63  }
0x89: {  	_ =	swait.ge [sflag:s12], $0x2800  }
0x8a: {  	[sflag:s12] =	ssyncset.done $0x0  }
0x8b: {  	[sflag:s12] =	ssyncadd.s32 $0xFFFFD800  }
0x8c: {  	_ =	swait.ge [sflag:s0], $0x100  }
0x8d: {  	[sflag:s0] =	ssyncset.done $0x0  }
0x8e: {  	[sflag:s0] =	ssyncadd.s32 $0xFFFFFF00  }
0x8f: {  	v1 =	vld [tilespmem:$0x90]  }
0x90: {  	v2 =	vld [tilespmem:$0xC0]  }
0x91: {  	v3 =	vld [tilespmem:$0x80]  }
0x92: {  	v4 =	vld [tilespmem:$0xA0]  }
0x93: {  	v5 =	vld [tilespmem:$0x30]  }
0x94: {  	[tilespmem:$0x310] =	vst v1;
	v1 =	vld [tilespmem:$0xB0]  }
0x95: {  	v6 =	vld [tilespmem:$0x20];
	[tilespmem:$0x340] =	vst v2  }
0x96: {  	v2 =	vld [tilespmem:$0x40];
	[tilespmem:$0x300] =	vst v3  }
0x97: {  	v3 =	vld [tilespmem:$0x0];
	[tilespmem:$0x320] =	vst v4  }
0x98: {  	v4 =	vld [tilespmem:$0x10];
	[tilespmem:$0x230] =	vst v5  }
0x99: {  	[tilespmem:$0x330] =	vst v1  }
0x9a: {  	[tilespmem:$0x220] =	vst v6  }
0x9b: {  	[tilespmem:$0x240] =	vst v2  }
0x9c: {  	[tilespmem:$0x200] =	vst v3  }
0x9d: {  	[tilespmem:$0x210] =	vst v4  }
0x9e: {  	[tilespmem:s3], [sflag:$0x1] =	stream.linear.gather [hbm4b:s25+s3], $0x100, $0x38;
	[tilespmem:$0x19400] =	vst v63  }
0x9f: {  	s25 =	smov.u32 s30  }
0xa0: {  	[tilespmem:s31], [sflag:$0x3] =	stream.indirect.gather [hbm4b:s14+s4], $0x80, s5, s4, $0xb8;
	[tilespmem:$0x19400] =	vst v63  }
0xa1: {  	_ =	swait.ge [sflag:s24], $0x2800  }
0xa2: {  	[sflag:s24] =	ssyncset.done $0x0  }
0xa3: {  	[sflag:s24] =	ssyncadd.s32 $0xFFFFD800  }
0xa4: {  	[spmem:s2] =	stream.indirect.scatter.add.f32 [tilespmem:s8], [sflag:$0x5], $0x80, s26, s4, $0xb8;
	[tilespmem:$0x19400] =	vst v63  }
0xa5: {  	_ =	swait.ge [sflag:s12], $0x2800  }
0xa6: {  	[sflag:s12] =	ssyncset.done $0x0  }
0xa7: {  	[sflag:s12] =	ssyncadd.s32 $0xFFFFD800  }
0xa8: {  	_ =	swait.ge [sflag:s6], $0x100  }
0xa9: {  	[sflag:s6] =	ssyncset.done $0x0  }
0xaa: {  	[sflag:s6] =	ssyncadd.s32 $0xFFFFFF00  }
0xab: {  	v1 =	vld [tilespmem:$0x100]  }
0xac: {  	v2 =	vld [tilespmem:$0x1C0]  }
0xad: {  	v3 =	vld [tilespmem:$0x1B0]  }
0xae: {  	v4 =	vld [tilespmem:$0x130]  }
0xaf: {  	v5 =	vld [tilespmem:$0x190]  }
0xb0: {  	[tilespmem:$0x280] =	vst v1;
	v1 =	vld [tilespmem:$0x1A0]  }
0xb1: {  	v6 =	vld [tilespmem:$0x140];
	[tilespmem:$0x3C0] =	vst v2  }
0xb2: {  	v2 =	vld [tilespmem:$0x110];
	[tilespmem:$0x3B0] =	vst v3  }
0xb3: {  	[tilespmem:$0x2B0] =	vst v4;
	v3 =	vld [tilespmem:$0x180]  }
0xb4: {  	s17 =	sadd.s32 s29, s13;
	s29 =	smov.u32 s16;
	v4 =	vld [tilespmem:$0x120];
	[tilespmem:$0x390] =	vst v5  }
0xb5: {  	p1 =	slt.s32 s17, $0xF9F;
	[tilespmem:$0x3A0] =	vst v1  }
0xb6: {  	s17 =	simm.s32 @!p1 $0xF9F;
	[tilespmem:$0x2C0] =	vst v6  }
0xb7: {  	s16 =	sshll.u32 s17, $0x5;
	[tilespmem:$0x290] =	vst v2  }
0xb8: {  	s16 =	sadd.s32 s1, s16;
	[tilespmem:$0x380] =	vst v3  }
.Ltmp1:
0xb9: {  	[tilespmem:$0x2A0] =	vst v4;
	(pc) =	sbr.rel @p0 .LBB2_4-.Ltmp1, $4  }
0xba: {  	[tilespmem:s11], [sflag:$0x2] =	stream.linear.gather [hbm4b:s16+s3], $0x100, $0x38;
	[tilespmem:$0x19400] =	vst v63  }
0xbb: {  	_ = 	snop  }
0xbc: {  	[tilespmem:s8], [sflag:$0x4] =	stream.indirect.gather [hbm4b:s14+s4], $0x80, s7, s4, $0xb8;
	[tilespmem:$0x19400] =	vst v63  }
0xbd: {  	_ =	swait.ge [sflag:s9], $0x2800  }
0xbe: {  	[sflag:s9] =	ssyncset.done $0x0  }
0xbf: {  	[sflag:s9] =	ssyncadd.s32 $0xFFFFD800  }
0xc0: {  	[spmem:s2] =	stream.indirect.scatter.add.f32 [tilespmem:s31], [sflag:$0x5], $0x80, s10, s4, $0xb8;
	[tilespmem:$0x19400] =	vst v63  }
0xc1: {  	_ =	swait.ge [sflag:s12], $0x2800  }
0xc2: {  	[sflag:s12] =	ssyncset.done $0x0  }
0xc3: {  	[sflag:s12] =	ssyncadd.s32 $0xFFFFD800  }
0xc4: {  	_ =	swait.ge [sflag:s0], $0x100  }
0xc5: {  	[sflag:s0] =	ssyncset.done $0x0  }
0xc6: {  	[sflag:s0] =	ssyncadd.s32 $0xFFFFFF00  }
0xc7: {  	v1 =	vld [tilespmem:$0x90]  }
0xc8: {  	v2 =	vld [tilespmem:$0xC0]  }
0xc9: {  	v3 =	vld [tilespmem:$0x80]  }
0xca: {  	v4 =	vld [tilespmem:$0xA0]  }
0xcb: {  	v5 =	vld [tilespmem:$0x30]  }
0xcc: {  	v6 =	vld [tilespmem:$0x20];
	[tilespmem:$0x310] =	vst v1  }
0xcd: {  	v55 =	vld [tilespmem:$0x10];
	[tilespmem:$0x340] =	vst v2  }
0xce: {  	v1 =	vld [tilespmem:$0xB0];
	[tilespmem:$0x300] =	vst v3  }
0xcf: {  	v2 =	vld [tilespmem:$0x40];
	[tilespmem:$0x320] =	vst v4  }
0xd0: {  	v3 =	vld [tilespmem:$0x0];
	[tilespmem:$0x230] =	vst v5  }
0xd1: {  	[tilespmem:$0x220] =	vst v6  }
0xd2: {  	[tilespmem:$0x210] =	vst v55  }
0xd3: {  	[tilespmem:$0x330] =	vst v1  }
0xd4: {  	[tilespmem:$0x240] =	vst v2  }
0xd5: {  	[tilespmem:$0x200] =	vst v3  }
0xd6: {  	[tilespmem:s3], [sflag:$0x1] =	stream.linear.gather [hbm4b:s25+s3], $0x100, $0x38;
	[tilespmem:$0x19400] =	vst v63  }
0xd7: {  	_ = 	snop  }
0xd8: {  	[tilespmem:s31], [sflag:$0x3] =	stream.indirect.gather [hbm4b:s14+s4], $0x80, s5, s4, $0xb8;
	[tilespmem:$0x19400] =	vst v63  }
0xd9: {  	_ =	swait.ge [sflag:s24], $0x2800  }
0xda: {  	[sflag:s24] =	ssyncset.done $0x0  }
0xdb: {  	[sflag:s24] =	ssyncadd.s32 $0xFFFFD800  }
0xdc: {  	[spmem:s2] =	stream.indirect.scatter.add.f32 [tilespmem:s8], [sflag:$0x5], $0x80, s26, s4, $0xb8;
	[tilespmem:$0x19400] =	vst v63  }
0xdd: {  	_ =	swait.ge [sflag:s12], $0x2800  }
0xde: {  	[sflag:s12] =	ssyncset.done $0x0  }
0xdf: {  	[sflag:s12] =	ssyncadd.s32 $0xFFFFD800  }
0xe0: {  	_ =	swait.ge [sflag:s6], $0x100  }
0xe1: {  	[sflag:s6] =	ssyncset.done $0x0  }
0xe2: {  	[sflag:s6] =	ssyncadd.s32 $0xFFFFFF00  }
0xe3: {  	v1 =	vld [tilespmem:$0x100]  }
0xe4: {  	v2 =	vld [tilespmem:$0x1C0]  }
0xe5: {  	v3 =	vld [tilespmem:$0x1B0]  }
0xe6: {  	v56 =	vld [tilespmem:$0x130]  }
0xe7: {  	v57 =	vld [tilespmem:$0x190]  }
0xe8: {  	v58 =	vld [tilespmem:$0x140];
	[tilespmem:$0x280] =	vst v1  }
0xe9: {  	v59 =	vld [tilespmem:$0x120];
	[tilespmem:$0x3C0] =	vst v2  }
0xea: {  	v1 =	vld [tilespmem:$0x1A0];
	[tilespmem:$0x3B0] =	vst v3  }
0xeb: {  	v2 =	vld [tilespmem:$0x110];
	[tilespmem:$0x2B0] =	vst v56  }
0xec: {  	v3 =	vld [tilespmem:$0x180];
	[tilespmem:$0x390] =	vst v57  }
0xed: {  	s16 =	sadd.s32 s29, s13;
	[tilespmem:$0x2C0] =	vst v58  }
0xee: {  	p0 =	slt.s32 s16, $0xF9F;
	[tilespmem:$0x2A0] =	vst v59  }
0xef: {  	s16 =	simm.s32 @!p0 $0xF9F;
	[tilespmem:$0x3A0] =	vst v1  }
0xf0: {  	s16 =	sshll.u32 s16, $0x5;
	[tilespmem:$0x290] =	vst v2  }
0xf1: {  	s16 =	sadd.s32 s1, s16;
	[tilespmem:$0x380] =	vst v3  }
0xf2: {  	[tilespmem:s11], [sflag:$0x2] =	stream.linear.gather [hbm4b:s16+s3], $0x100, $0x38;
	[tilespmem:$0x19400] =	vst v63  }
0xf3: {  	_ = 	snop  }
0xf4: {  	[tilespmem:s8], [sflag:$0x4] =	stream.indirect.gather [hbm4b:s14+s4], $0x80, s7, s4, $0xb8;
	[tilespmem:$0x19400] =	vst v63  }
0xf5: {  	_ =	swait.ge [sflag:s9], $0x2800  }
0xf6: {  	[sflag:s9] =	ssyncset.done $0x0  }
0xf7: {  	[sflag:s9] =	ssyncadd.s32 $0xFFFFD800  }
0xf8: {  	[spmem:s2] =	stream.indirect.scatter.add.f32 [tilespmem:s31], [sflag:$0x5], $0x80, s10, s4, $0xb8;
	[tilespmem:$0x19400] =	vst v63  }
0xf9: {  	_ =	swait.ge [sflag:s12], $0x2800  }
0xfa: {  	[sflag:s12] =	ssyncset.done $0x0  }
0xfb: {  	[sflag:s12] =	ssyncadd.s32 $0xFFFFD800  }
0xfc: {  	_ =	swait.ge [sflag:s0], $0x100  }
0xfd: {  	[sflag:s0] =	ssyncset.done $0x0  }
0xfe: {  	[sflag:s0] =	ssyncadd.s32 $0xFFFFFF00  }
0xff: {  	v1 =	vld [tilespmem:$0x0]  }
0x100: {  	v2 =	vld [tilespmem:$0x10]  }
0x101: {  	v3 =	vld [tilespmem:$0x20]  }
0x102: {  	v60 =	vld [tilespmem:$0x30]  }
0x103: {  	v61 =	vld [tilespmem:$0x40]  }
0x104: {  	v62 =	vld [tilespmem:$0xB0];
	[tilespmem:$0x200] =	vst v1  }
0x105: {  	v63 =	vld [tilespmem:$0xC0];
	[tilespmem:$0x210] =	vst v2  }
0x106: {  	v1 =	vld [tilespmem:$0x80];
	[tilespmem:$0x220] =	vst v3  }
0x107: {  	v2 =	vld [tilespmem:$0x90];
	[tilespmem:$0x230] =	vst v60  }
0x108: {  	v3 =	vld [tilespmem:$0xA0];
	[tilespmem:$0x240] =	vst v61  }
0x109: {  	[tilespmem:$0x330] =	vst v62  }
0x10a: {  	[tilespmem:$0x340] =	vst v63  }
0x10b: {  	[tilespmem:$0x300] =	vst v1  }
0x10c: {  	[tilespmem:$0x310] =	vst v2  }
0x10d: {  	s25 =	rddreg [dreg:$0x14];
	[tilespmem:$0x320] =	vst v3  }
0x10e: {  	[tilespmem:s3], [sflag:$0x1] =	stream.linear.gather [hbm4b:s25+s3], $0x100, $0x38;
	[tilespmem:$0x19400] =	vst v63  }
0x10f: {  	_ = 	snop  }
0x110: {  	[tilespmem:s31], [sflag:$0x3] =	stream.indirect.gather [hbm4b:s14+s4], $0x80, s5, s4, $0xb8;
	[tilespmem:$0x19400] =	vst v63  }
0x111: {  	_ =	swait.ge [sflag:s24], $0x2800  }
0x112: {  	[sflag:s24] =	ssyncset.done $0x0  }
0x113: {  	[sflag:s24] =	ssyncadd.s32 $0xFFFFD800  }
0x114: {  	[spmem:s2] =	stream.indirect.scatter.add.f32 [tilespmem:s8], [sflag:$0x5], $0x80, s26, s4, $0xb8;
	[tilespmem:$0x19400] =	vst v63  }
0x115: {  	_ =	swait.ge [sflag:s12], $0x2800  }
0x116: {  	[sflag:s12] =	ssyncset.done $0x0  }
0x117: {  	[sflag:s12] =	ssyncadd.s32 $0xFFFFD800  }
0x118: {  	_ =	swait.ge [sflag:s9], $0x2800  }
0x119: {  	[sflag:s9] =	ssyncset.done $0x0  }
0x11a: {  	[sflag:s9] =	ssyncadd.s32 $0xFFFFD800  }
0x11b: {  	[spmem:s2] =	stream.indirect.scatter.add.f32 [tilespmem:s31], [sflag:$0x5], $0x80, s10, s4, $0xb8;
	[tilespmem:$0x19400] =	vst v63  }
0x11c: {  	_ =	swait.ge [sflag:s12], $0x2800  }
0x11d: {  	[sflag:s12] =	ssyncset.done $0x0  }
0x11e: {  	[sflag:s12] =	ssyncadd.s32 $0xFFFFD800  }
0x11f: {  	_ =	swait.ge [sflag:s0], $0x100  }
0x120: {  	[sflag:s0] =	ssyncset.done $0x0  }
0x121: {  	[sflag:s0] =	ssyncadd.s32 $0xFFFFFF00  }
0x122: {  	_ =	swait.ge [sflag:s6], $0x100  }
0x123: {  	[sflag:s6] =	ssyncset.done $0x0  }
0x124: {  	[sflag:s6] =	ssyncadd.s32 $0xFFFFFF00  }
0x125: {  	[bflag:$0x0] =	sbarrier.arrive $0xFFFF  }
0x126: {  	[tilespmem:s31], [sflag:$0x5] =	stream.linear.gather [spmem:s18], $0x2800, $0x38;
	[tilespmem:$0x19400] =	vst v63  }
0x127: {  	_ =	swait.ge [sflag:s12], $0x2800  }
0x128: {  	[sflag:s12] =	ssyncset.done $0x0  }
0x129: {  	s29 =	rddreg [dreg:$0x4];
	[sflag:s12] =	ssyncadd.s32 $0xFFFFD800  }
0x12a: {  	[hbm4b:s29+s3] =	stream.linear.scatter [tilespmem:s31], [sflag:$0x5], $0x2800, $0x38;
	[tilespmem:$0x19400] =	vst v63  }
0x12b: {  	_ =	swait.ge [sflag:s12], $0x2800  }
0x12c: {  	[sflag:s12] =	ssyncset.done $0x0  }
0x12d: {  	[sflag:s12] =	ssyncadd.s32 $0xFFFFD800  }
0x12e: {  	[tilespmem:s31], [sflag:$0x5] =	stream.linear.gather [spmem:s19], $0x2800, $0x38;
	[tilespmem:$0x19400] =	vst v63  }
0x12f: {  	_ =	swait.ge [sflag:s12], $0x2800  }
0x130: {  	[sflag:s12] =	ssyncset.done $0x0  }
0x131: {  	s17 =	rddreg [dreg:$0x5];
	[sflag:s12] =	ssyncadd.s32 $0xFFFFD800  }
0x132: {  	[hbm4b:s17+s3] =	stream.linear.scatter [tilespmem:s31], [sflag:$0x5], $0x2800, $0x38;
	[tilespmem:$0x19400] =	vst v63  }
0x133: {  	_ =	swait.ge [sflag:s12], $0x2800  }
0x134: {  	[sflag:s12] =	ssyncset.done $0x0  }
0x135: {  	s25 =	smov.u32 s18;
	s18 =	rddreg [dreg:$0xc];
	[sflag:s12] =	ssyncadd.s32 $0xFFFFD800  }
0x136: {  	[tilespmem:s31], [sflag:$0x5] =	stream.linear.gather [spmem:s18], $0x2800, $0x38;
	[tilespmem:$0x19400] =	vst v63  }
0x137: {  	_ =	swait.ge [sflag:s12], $0x2800  }
0x138: {  	[sflag:s12] =	ssyncset.done $0x0  }
0x139: {  	s30 =	smov.u32 s19;
	s19 =	rddreg [dreg:$0x6];
	[sflag:s12] =	ssyncadd.s32 $0xFFFFD800  }
0x13a: {  	[hbm4b:s19+s3] =	stream.linear.scatter [tilespmem:s31], [sflag:$0x5], $0x2800, $0x38;
	[tilespmem:$0x19400] =	vst v63  }
0x13b: {  	_ =	swait.ge [sflag:s12], $0x2800  }
0x13c: {  	[sflag:s12] =	ssyncset.done $0x0  }
0x13d: {  	[sflag:s12] =	ssyncadd.s32 $0xFFFFD800  }
0x13e: {  	[tilespmem:s31], [sflag:$0x5] =	stream.linear.gather [spmem:s20], $0x2800, $0x38;
	[tilespmem:$0x19400] =	vst v63  }
0x13f: {  	_ =	swait.ge [sflag:s12], $0x2800  }
0x140: {  	[sflag:s12] =	ssyncset.done $0x0  }
0x141: {  	s17 =	smov.u32 s20;
	s20 =	rddreg [dreg:$0x7];
	[sflag:s12] =	ssyncadd.s32 $0xFFFFD800  }
0x142: {  	[hbm4b:s20+s3] =	stream.linear.scatter [tilespmem:s31], [sflag:$0x5], $0x2800, $0x38;
	[tilespmem:$0x19400] =	vst v63  }
0x143: {  	_ =	swait.ge [sflag:s12], $0x2800  }
0x144: {  	[sflag:s12] =	ssyncset.done $0x0  }
0x145: {  	s23 =	rddreg [dreg:$0xd];
	[sflag:s12] =	ssyncadd.s32 $0xFFFFD800  }
0x146: {  	[tilespmem:s31], [sflag:$0x5] =	stream.linear.gather [spmem:s23], $0x2800, $0x38;
	[tilespmem:$0x19400] =	vst v63  }
0x147: {  	_ =	swait.ge [sflag:s12], $0x2800  }
0x148: {  	[sflag:s12] =	ssyncset.done $0x0  }
0x149: {  	s29 =	rddreg [dreg:$0x8];
	[sflag:s12] =	ssyncadd.s32 $0xFFFFD800  }
0x14a: {  	[hbm4b:s29+s3] =	stream.linear.scatter [tilespmem:s31], [sflag:$0x5], $0x2800, $0x38;
	[tilespmem:$0x19400] =	vst v63  }
0x14b: {  	_ =	swait.ge [sflag:s12], $0x2800  }
0x14c: {  	[sflag:s12] =	ssyncset.done $0x0  }
0x14d: {  	s18 =	rddreg [dreg:$0xe];
	[sflag:s12] =	ssyncadd.s32 $0xFFFFD800  }
0x14e: {  	[tilespmem:s31], [sflag:$0x5] =	stream.linear.gather [spmem:s18], $0x2800, $0x38;
	[tilespmem:$0x19400] =	vst v63  }
0x14f: {  	_ =	swait.ge [sflag:s12], $0x2800  }
0x150: {  	[sflag:s12] =	ssyncset.done $0x0  }
0x151: {  	s19 =	rddreg [dreg:$0x9];
	[sflag:s12] =	ssyncadd.s32 $0xFFFFD800  }
0x152: {  	[hbm4b:s19+s3] =	stream.linear.scatter [tilespmem:s31], [sflag:$0x5], $0x2800, $0x38;
	[tilespmem:$0x19400] =	vst v63  }
0x153: {  	_ =	swait.ge [sflag:s12], $0x2800  }
0x154: {  	[sflag:s12] =	ssyncset.done $0x0  }
0x155: {  	[sflag:s12] =	ssyncadd.s32 $0xFFFFD800  }
0x156: {  	[tilespmem:s31], [sflag:$0x5] =	stream.linear.gather [spmem:s21], $0x2800, $0x38;
	[tilespmem:$0x19400] =	vst v63  }
0x157: {  	_ =	swait.ge [sflag:s12], $0x2800  }
0x158: {  	[sflag:s12] =	ssyncset.done $0x0  }
0x159: {  	s20 =	rddreg [dreg:$0xa];
	[sflag:s12] =	ssyncadd.s32 $0xFFFFD800  }
0x15a: {  	[hbm4b:s20+s3] =	stream.linear.scatter [tilespmem:s31], [sflag:$0x5], $0x2800, $0x38;
	[tilespmem:$0x19400] =	vst v63  }
0x15b: {  	_ =	swait.ge [sflag:s12], $0x2800  }
0x15c: {  	[sflag:s12] =	ssyncset.done $0x0  }
0x15d: {  	[sflag:s12] =	ssyncadd.s32 $0xFFFFD800  }
0x15e: {  	[tilespmem:s31], [sflag:$0x5] =	stream.linear.gather [spmem:s22], $0x2800, $0x38;
	[tilespmem:$0x19400] =	vst v63  }
0x15f: {  	_ =	swait.ge [sflag:s12], $0x2800  }
0x160: {  	[sflag:s12] =	ssyncset.done $0x0  }
0x161: {  	s23 =	rddreg [dreg:$0xb];
	[sflag:s12] =	ssyncadd.s32 $0xFFFFD800  }
0x162: {  	[hbm4b:s23+s3] =	stream.linear.scatter [tilespmem:s31], [sflag:$0x5], $0x2800, $0x38;
	[tilespmem:$0x19400] =	vst v63  }
0x163: {  	_ =	swait.ge [sflag:s12], $0x2800  }
0x164: {  	s28 =	sadd.s32 $0x1, s28;
	s29 =	rddreg [dreg:$0x10]  }
0x165: {  	p0 =	sne.s32 s28, s29  }
.Ltmp2:
0x166: {  	_ = 	snop;
	(pc) =	sbr.rel @p0 .LBB2_1-.Ltmp2, $3  }
0x167: {  	_ =	sdelay $0x1  }
0x168: {  	[sflag:s12] =	ssyncset.done $0x0  }
0x169: {  	[sflag:s12] =	ssyncadd.s32 $0xFFFFD800  }
0x16a: {  	_ =	sfence.sel $0x180000  }
0x16b: {  	[bflag:$0x0] =	sbarrier.arrive $0xFFFF  }
0x16c: {  	_ =	strace $0x9000004D  }
0x16d: {  	s0 =	stileid.u32;
	[bflag:$0x2] =	sbarrier.arrive $0xFFFF  }
0x16e: {  	p0 =	sne.s32 s0, $0x0;
	s0 =	rddreg [dreg:$0x3]  }
0x16f: {  	s0 =	sadd.s32 @!p0 $0x100000, s0  }
0x170: {  	[sflag:s0] =	ssyncadd.tile.s32 @!p0 $0x1;
	_ =	shalt  }
.Lfunc_end2:
_tile_overlayer_lowered:
.L_overlay_start_2:
0x171: {  	(tag) =	ssettag $0x2  }
0x172: {  	s0 =	rddreg [dreg:$0x0];
	s2 =	stileid.u32  }
0x173: {  	s1 =	rddreg [dreg:$0x1];
	p0 =	sne.s32 s2, $0x0  }
0x174: {  	s3 =	rddreg [dreg:$0x2];
	[bflag:$0x3] =	sbarrier.arrive $0xFFFF;
	s2 =	simm.s32 @!p0 $0x1C05  }
0x175: {  	[timem:s3], [sflag:s2] =	dma.local @!p0 [hbm:s0], s1  }
0x176: {  	s0 =	simm.s32 @!p0 $0x5  }
0x177: {  	_ =	swait.ge @!p0 [sflag:s0], s1  }
0x178: {  	s1 =	ssub.s32 @!p0 $0x0, s1;
	[sflag:s0] =	ssyncset.done @!p0 $0x0  }
0x179: {  	[sflag:s0] =	ssyncadd.s32 @!p0 s1  }
0x17a: {  	[bflag:$0x3] =	sbarrier.arrive $0xFFFF  }
0x17b: {  	_ =	shalt  }

// kernel: kernel.8.cloned.1.call-start
scs
__scs_entry_jumppad:
0x0: {  	(pc) =	sbr.rel $0x88, $3  }
0x1: {  	(tag) =	ssettag $0x0;
	lr =	simm.s32 $0x1  }
0x2: {  	[smem:$0x3F97] =	sst lr;
	_ =	strace $0xD0000000  }
0x3: {  	_ = 	snop  }
0x4: {  	_ = 	snop  }
0x5: {  	_ = 	snop  }
0x6: {  	_ = 	snop  }
0x7: {  	_ = 	snop  }
__scs_overlays_trampoline_lowered:
0x8: {  	[smem:$0x3FA6] =	sst s0  }
0x9: {  	[smem:$0x3FA7] =	sst s1  }
0xa: {  	[smem:$0x3FA8] =	sst s2  }
0xb: {  	[smem:$0x3FA9] =	sst s3  }
0xc: {  	[smem:$0x3FAA] =	sst s4  }
0xd: {  	[smem:$0x3FAB] =	sst s5  }
0xe: {  	[smem:$0x3FAC] =	sst s6  }
0xf: {  	[smem:$0x3FAD] =	sst s7  }
0x10: {  	[smem:$0x3FAE] =	sst s8  }
0x11: {  	[smem:$0x3FAF] =	sst s9;
	s0 =	simm.s32 @!p0 $0x0  }
0x12: {  	s1 =	sld [smem:$0x3F95];
	s0 =	simm.s32 @p0 $0x1  }
0x13: {  	[smem:$0x3FB0] =	sst s0;
	s0 =	simm.s32 @!p1 $0x0  }
0x14: {  	s2 =	sld [smem:$0x3F94];
	s0 =	simm.s32 @p1 $0x1  }
0x15: {  	[smem:$0x3FB1] =	sst s0;
	s0 =	simm.s32 @!p2 $0x0  }
0x16: {  	s3 =	sld [smem:$0x3FDB];
	s0 =	simm.s32 @p2 $0x1  }
0x17: {  	s4 =	simm.s32 $0x1BF5;
	[smem:$0x3FB3] =	sst s0  }
0x18: {  	s0 =	sld [smem:$0x3F96];
	_ =	swait.ge [sflag:s4], $0x0  }
0x19: {  	s7 =	sld [smem:$0x3F97]  }
0x1a: {  	s8 =	sadd.s32 $0xFFFFE003, lr  }
0x1b: {  	s9 =	sadd.s32 $0xFFFFFEF7, lr;
	s5 =	simm.s32 $0xFFFFFFFF;
	p2 =	slt.u32 s8, $0xFFFFF086  }
0x1c: {  	p1 =	slt.u32 s9, $0xF7A;
	s5 =	simm.s32 @!p2 $0x0  }
0x1d: {  	s5 =	simm.s32 @p1 $0x1;
	p0 =	seq.s32 s7, s2  }
0x1e: {  	s7 =	smul.u32 @!p0 $0xF7A, s2;
	p2 =	seq.s32 @!p0 s5, $0x0  }
0x1f: {  	s9 =	smul.u32 $0xF7A, s1;
	s8 =	simm.s32 @!p0 $0x1BF5;
	p2 =	por !p2, p0  }
0x20: {  	[sflag:s8] =	ssyncset.s32 @!p0 $0xFFFFF086;
	s6 =	sadd.s32 @!p0 s3, s7;
	s7 =	simm.s32 @!p0 $0x108  }
0x21: {  	s3 =	sadd.s32 s3, s9;
	s6 =	sadd.s32 @!p0 $0x88, s6;
	s7 =	simm.s32 @p2 $0x1082  }
0x22: {  	[simem:s7], [sflag:s8] =	dma.local @!p0 [hbm:s6], $0xF7A  }
0x23: {  	s9 =	sor.u32 $0xD0000000, s2;
	s6 =	simm.s32 $0x108;
	_ =	swait.ge @!p0 [sflag:s8], $0x0  }
0x24: {  	s3 =	sadd.s32 $0x88, s3;
	s6 =	simm.s32 @!p1 $0x1082;
	[sflag:s4] =	ssyncset.s32 $0xFFFFF086  }
0x25: {  	[simem:s6], [sflag:s4] =	dma.local [hbm:s3], $0xF7A  }
0x26: {  	[smem:$0x3F97] =	sst s1;
	(tag) =	ssettag s2;
	_ =	strace s9  }
0x27: {  	s1 =	sld [smem:$0x3FA7]  }
0x28: {  	s2 =	sld [smem:$0x3FA8]  }
0x29: {  	s4 =	sld [smem:$0x3FAA]  }
0x2a: {  	p0 =	seq.s32 s5, $0x0;
	s5 =	sld [smem:$0x3FAB]  }
0x2b: {  	s6 =	sld [smem:$0x3FAC]  }
0x2c: {  	s7 =	sld [smem:$0x3FAD]  }
0x2d: {  	s3 =	simm.s32 $0x108;
	s8 =	sld [smem:$0x3FAE]  }
0x2e: {  	s3 =	simm.s32 @!p0 $0x1082;
	s9 =	sld [smem:$0x3FAF]  }
0x2f: {  	lr =	sadd.s32 s0, s3;
	s0 =	sld [smem:$0x3FA6]  }
0x30: {  	s3 =	sld [smem:$0x3FA9]  }
0x31: {  	[smem:$0x3FB2] =	sst s10  }
0x32: {  	s10 =	sld [smem:$0x3FB0];
	_ =	sdelay $0x3  }
0x33: {  	p0 =	seq.s32 s10, $0x1;
	s10 =	sld [smem:$0x3FB2];
	_ =	sdelay $0x3  }
0x34: {  	[smem:$0x3FB2] =	sst s10  }
0x35: {  	s10 =	sld [smem:$0x3FB1];
	_ =	sdelay $0x3  }
0x36: {  	p1 =	seq.s32 s10, $0x1;
	s10 =	sld [smem:$0x3FB2];
	_ =	sdelay $0x3  }
0x37: {  	[smem:$0x3FB2] =	sst s10  }
0x38: {  	s10 =	sld [smem:$0x3FB3]  }
0x39: {  	_ = 	snop;
	(pc) =	sbr.ind lr, $3  }
0x3a: {  	_ = 	snop  }
0x3b: {  	_ = 	snop  }
0x3c: {  	p2 =	seq.s32 s10, $0x1;
	s10 =	sld [smem:$0x3FB2]  }
0x3d: {  	_ =	shalt  }
0x3e: {  	_ =	shalt  }
0x3f: {  	_ =	shalt  }
0x40: {  	_ =	shalt  }
0x41: {  	_ =	shalt  }
0x42: {  	_ =	shalt  }
0x43: {  	_ =	shalt  }
0x44: {  	_ =	shalt  }
0x45: {  	_ =	shalt  }
0x46: {  	_ =	shalt  }
0x47: {  	_ =	shalt  }
0x48: {  	_ =	shalt  }
0x49: {  	_ =	shalt  }
0x4a: {  	_ =	shalt  }
0x4b: {  	_ =	shalt  }
0x4c: {  	_ =	shalt  }
0x4d: {  	_ =	shalt  }
0x4e: {  	_ =	shalt  }
0x4f: {  	_ =	shalt  }
0x50: {  	_ =	shalt  }
0x51: {  	_ =	shalt  }
0x52: {  	_ =	shalt  }
0x53: {  	_ =	shalt  }
0x54: {  	_ =	shalt  }
0x55: {  	_ =	shalt  }
0x56: {  	_ =	shalt  }
0x57: {  	_ =	shalt  }
0x58: {  	_ =	shalt  }
0x59: {  	_ =	shalt  }
0x5a: {  	_ =	shalt  }
0x5b: {  	_ =	shalt  }
0x5c: {  	_ =	shalt  }
0x5d: {  	_ =	shalt  }
0x5e: {  	_ =	shalt  }
0x5f: {  	_ =	shalt  }
0x60: {  	_ =	shalt  }
0x61: {  	_ =	shalt  }
0x62: {  	_ =	shalt  }
0x63: {  	_ =	shalt  }
0x64: {  	_ =	shalt  }
0x65: {  	_ =	shalt  }
0x66: {  	_ =	shalt  }
0x67: {  	_ =	shalt  }
0x68: {  	_ =	shalt  }
0x69: {  	_ =	shalt  }
0x6a: {  	_ =	shalt  }
0x6b: {  	_ =	shalt  }
0x6c: {  	_ =	shalt  }
0x6d: {  	_ =	shalt  }
0x6e: {  	_ =	shalt  }
0x6f: {  	_ =	shalt  }
0x70: {  	_ =	shalt  }
0x71: {  	_ =	shalt  }
0x72: {  	_ =	shalt  }
0x73: {  	_ =	shalt  }
0x74: {  	_ =	shalt  }
0x75: {  	_ =	shalt  }
0x76: {  	_ =	shalt  }
0x77: {  	_ =	shalt  }
0x78: {  	_ =	shalt  }
0x79: {  	_ =	shalt  }
0x7a: {  	_ =	shalt  }
0x7b: {  	_ =	shalt  }
0x7c: {  	_ =	shalt  }
0x7d: {  	_ =	shalt  }
0x7e: {  	_ =	shalt  }
0x7f: {  	_ =	shalt  }
0x80: {  	_ =	shalt  }
0x81: {  	_ =	shalt  }
0x82: {  	_ =	shalt  }
0x83: {  	_ =	shalt  }
0x84: {  	_ =	shalt  }
0x85: {  	_ =	shalt  }
0x86: {  	_ =	shalt  }
0x87: {  	_ =	shalt  }
.Lfunc_end0:
.L_simem_size_0:
called_computation_lowered:
.L_overlay_start_0:
0x88: {  	s2 =	sld [smem:$0x3FD9]  }
0x89: {  	s3 =	sld [smem:$0x3FFE];
	_ =	sdelay $0x1  }
0x8a: {  	s1 =	srdreg.scid  }
0x8b: {  	s0 =	sand.u32 $0x1, s1  }
0x8c: {  	s16 =	sshll.u32 s0, $0xA;
	s2 =	sadd.s32 s3, s2  }
0x8d: {  	s2 =	sadd.s32 s2, s16  }
0x8e: {  	[smem:$0x3FBE] =	sst s2  }
0x8f: {  	_ = 	snop  }
0x90: {  	(tm) =	ssettm $0x1  }
0x91: {  	s17 =	sld [smem:$0x3FFB];
	_ =	sdelay $0x3  }
0x92: {  	_ =	strace s17  }
0x93: {  	s2 =	sld [smem:$0x3FFC];
	_ =	sdelay $0x3  }
0x94: {  	_ =	strace s2  }
0x95: {  	s2 =	sld [smem:$0x3FFD];
	_ =	sdelay $0x3  }
0x96: {  	_ =	strace s2  }
0x97: {  	_ =	strace $0x8FFFFFFF  }
0x98: {  	s18 =	sld [smem:$0x3FDB];
	_ =	sdelay $0x1  }
0x99: {  	s19 =	simm.s32 $_scs_section_size  }
0x9a: {  	s4 =	simm.s32 $_size__tile_overlayer_lowered;
	s5 =	simm.s32 $_tile_overlayer_lowered  }
0x9b: {  	s22 =	simm.s32 $0x1BFF;
	s21 =	sshll.u32 s5, $0x1;
	s2 =	sadd.s32 s19, s18  }
0x9c: {  	s6 =	simm.s32 $0x0;
	s20 =	sshll.u32 s4, $0x1;
	s4 =	sadd.s32 s21, s2  }
0x9d: {  	[timem:s6], [sflag:s22] =	dma.local [hbm:s4], s20  }
0x9e: {  	_ =	swait.ge [sflag:s22], s20  }
0x9f: {  	s3 =	ssub.s32 $0x0, s20;
	[sflag:s22] =	ssyncset.done $0x0  }
0xa0: {  	[sflag:s22] =	ssyncadd.s32 s3;
	_ =	sdelay $0x1  }
0xa1: {  	s23 =	simm.s32 $0x1B8B  }
0xa2: {  	_ =	swait.ge [sflag:s23], $0x1  }
0xa3: {  	[sflag:s23] =	ssyncset.done $0x0  }
0xa4: {  	s25 =	simm.s32 $0x1B8E;
	s24 =	sld [smem:$0x3FFE];
	[sflag:s23] =	ssyncadd.s32 $0xFFFFFFFF  }
0xa5: {  	s26 =	simm.s32 $execute0_lowered;
	[smem:$0x3FD2] =	sst s25  }
0xa6: {  	s4 =	sshll.u32 s26, $0x1;
	_ =	strace $0x80000046;
	[dreg:$0x1] =	wrdreg $0xFFFFFFFF  }
0xa7: {  	s28 =	simm.s32 $_size_execute0_lowered;
	s2 =	sadd.s32 s2, s4;
	[dreg:$0x0] =	wrdreg $0x0  }
0xa8: {  	s4 =	sshll.u32 s28, $0x1;
	[dreg:$0x2] =	wrdreg s2  }
0xa9: {  	[dreg:$0x3] =	wrdreg s4  }
0xaa: {  	[dreg:$0x4] =	wrdreg $0xC0  }
0xab: {  	_ =	task [dreg:s6], $0x5FFFF  }
0xac: {  	[dreg:$0x1] =	wrdreg $0xFFFFFFFF  }
0xad: {  	[dreg:$0x0] =	wrdreg $0x60  }
0xae: {  	[dreg:$0x2] =	wrdreg s24  }
0xaf: {  	[dreg:$0x3] =	wrdreg $0x2C000  }
0xb0: {  	[dreg:$0x4] =	wrdreg $0x9  }
0xb1: {  	_ =	task.clear_ibuf [dreg:s6], $0x5FFFF;
	_ =	strace $0x90000046  }
0xb2: {  	s29 =	simm.s32 $0x9;
	_ =	strace $0x80000048  }
0xb3: {  	_ =	swait.ge [sflag:s29], $0x1  }
0xb4: {  	[sflag:s29] =	ssyncadd.s32 $0xFFFFFFFF  }
0xb5: {  	_ =	strace $0x90000048  }
0xb6: {  	_ =	sfence  }
0xb7: {  	s30 =	sld [smem:$0x0];
	_ =	sdelay $0x2  }
0xb8: {  	s31 =	sshll.u32 s1, $0xD;
	s1 =	sshrl.u32 s1, $0x2  }
0xb9: {  	s3 =	sand.u32 $0x4000, s31;
	s1 =	sadd.s32 s1, s30  }
0xba: {  	s0 =	sor.u32 s3, s0;
	s1 =	sshll.u32 s1, $0x11  }
0xbb: {  	s0 =	sor.u32 s1, s0  }
0xbc: {  	s0 =	sadd.s32 $0x8F2B, s0  }
0xbd: {  	[sflag:s0] =	ssyncadd.remote.s32 $0x1  }
0xbe: {  	_ =	sfence.sel $0xFFFF  }
0xbf: {  	[dreg:$0x0] =	wrdreg $0xFFFFFFFF;
	(pc) =	sbr.abs _section_cstart, $3  }
0xc0: {  	[dreg:$0x1] =	wrdreg $0xFFFFFFFF  }
0xc1: {  	_ =	task.clear_ibuf [dreg:s6], $0x2FFFF;
	_ =	strace $0x9FFFFFFF  }
0xc2: {  	(tm) =	ssettm $0x7FFFFFFF  }
0xc3: {  	_ =	shalt  }
tec
execute0_lowered:
.L_overlay_start_1:
0x0: {  	(tag) =	ssettag $0x1  }
0x1: {  	s4 =	rddreg [dreg:$0x0];
	s0 =	srdreg.scid  }
0x2: {  	s2 =	rddreg [dreg:$0x1];
	s1 =	stileid.u32  }
0x3: {  	s3 =	simm.s32 $0x0;
	s10 =	simm.s32 $0x80;
	s11 =	simm.s32 $0x2800  }
0x4: {  	s12 =	simm.s32 $0x2900;
	s13 =	simm.s32 $0x2880;
	s14 =	simm.s32 $0x1  }
0x5: {  	s15 =	simm.s32 $0x2;
	s16 =	simm.s32 $0x100;
	s17 =	simm.s32 $0x0  }
0x6: {  	s5 =	sand.u32 $0x1, s0;
	s0 =	rddreg [dreg:$0x2];
	s7 =	smul.u32 $0x500, s1  }
0x7: {  	[smem:$0x7FF] =	sst s3;
	s30 =	smul.u32 $0xA00, s1;
	s6 =	sshll.u32 s5, $0x4  }
0x8: {  	s8 =	sshll.u32 s5, $0x7;
	_ =	strace $0x80000047;
	s6 =	sor.u32 s1, s6  }
0x9: {  	s5 =	ssub.s32 $0x2, s5;
	s7 =	sor.u32 s8, s7;
	s6 =	smul.u32 $0x500, s6  }
0xa: {  	s31 =	sshrl.u32 s5, $0x1;
	s8 =	sshrl.u32 s30, $0x2;
	s7 =	sshrl.u32 s7, $0x3  }
0xb: {  	s9 =	ssub.s32 s5, s31;
	s7 =	sadd.s32 s7, s4;
	s6 =	sadd.s32 s6, s4  }
0xc: {  	s4 =	sadd.s32 s8, s2;
	s8 =	simm.s32 $0x2980;
	s5 =	sadd.s32 $0x2800, s6  }
0xd: {  	v0 =	vimm.f32 $1.000000000e+00;
	v1 =	vimm.f32 $0.0e+00;
	s6 =	sadd.s32 $0xC800, s7;
	s7 =	smax.u32 s9, $0x1;
	s9 =	simm.s32 $0x3  }
.LBB2_1:
0xe: {  	[tilespmem:$0x2900] =	vst v0  }
0xf: {  	[tilespmem:$0x2910] =	vst v0  }
0x10: {  	[tilespmem:$0x2920] =	vst v0  }
0x11: {  	[tilespmem:$0x2930] =	vst v0  }
0x12: {  	[tilespmem:$0x2940] =	vst v0  }
0x13: {  	[tilespmem:$0x2950] =	vst v0  }
0x14: {  	[tilespmem:$0x2960] =	vst v0  }
0x15: {  	[tilespmem:$0x2970] =	vst v0  }
0x16: {  	[tilespmem:$0x2980] =	vst v1  }
0x17: {  	[tilespmem:$0x2990] =	vst v1  }
0x18: {  	[tilespmem:$0x29A0] =	vst v1  }
0x19: {  	[tilespmem:$0x29B0] =	vst v1  }
0x1a: {  	[tilespmem:$0x29C0] =	vst v1  }
0x1b: {  	[tilespmem:$0x29D0] =	vst v1  }
0x1c: {  	[tilespmem:$0x29E0] =	vst v1  }
0x1d: {  	[tilespmem:$0x29F0] =	vst v1  }
0x1e: {  	[tilespmem:$0x2A00] =	vst v1  }
0x1f: {  	[tilespmem:$0x2A10] =	vst v1  }
0x20: {  	[tilespmem:$0x2A20] =	vst v1  }
0x21: {  	[tilespmem:$0x2A30] =	vst v1  }
0x22: {  	[tilespmem:$0x2A40] =	vst v1  }
0x23: {  	[tilespmem:$0x2A50] =	vst v1  }
0x24: {  	[tilespmem:$0x2A60] =	vst v1  }
0x25: {  	[tilespmem:$0x2A70] =	vst v1  }
0x26: {  	[tilespmem:$0x2A80] =	vst v1  }
0x27: {  	[tilespmem:$0x2A90] =	vst v1  }
0x28: {  	[tilespmem:$0x2AA0] =	vst v1  }
0x29: {  	[tilespmem:$0x2AB0] =	vst v1  }
0x2a: {  	[tilespmem:$0x2AC0] =	vst v1  }
0x2b: {  	[tilespmem:$0x2AD0] =	vst v1  }
0x2c: {  	[tilespmem:$0x2AE0] =	vst v1  }
0x2d: {  	[tilespmem:$0x2AF0] =	vst v1  }
0x2e: {  	[tilespmem:$0x2B00] =	vst v1  }
0x2f: {  	[tilespmem:$0x2B10] =	vst v1  }
0x30: {  	[tilespmem:$0x2B20] =	vst v1  }
0x31: {  	[tilespmem:$0x2B30] =	vst v1  }
0x32: {  	[tilespmem:$0x2B40] =	vst v1  }
0x33: {  	[tilespmem:$0x2B50] =	vst v1  }
0x34: {  	[tilespmem:$0x2B60] =	vst v1  }
0x35: {  	[tilespmem:$0x2B70] =	vst v1  }
0x36: {  	[tilespmem:$0x2B80] =	vst v1  }
0x37: {  	[tilespmem:$0x2B90] =	vst v1  }
0x38: {  	[tilespmem:$0x2BA0] =	vst v1  }
0x39: {  	[tilespmem:$0x2BB0] =	vst v1  }
0x3a: {  	[tilespmem:$0x2BC0] =	vst v1  }
0x3b: {  	[tilespmem:$0x2BD0] =	vst v1  }
0x3c: {  	[tilespmem:$0x2BE0] =	vst v1  }
0x3d: {  	[tilespmem:$0x2BF0] =	vst v1  }
0x3e: {  	[spmem:s4] =	stream.linear.scatter [tilespmem:s8], [sflag:$0x3], $0x280, $0x38;
	[tilespmem:$0x2E80] =	vst v63  }
0x3f: {  	_ =	swait.ge [sflag:s9], $0x280  }
0x40: {  	[sflag:s9] =	ssyncset.done $0x0  }
0x41: {  	[sflag:s9] =	ssyncadd.s32 $0xFFFFFD80  }
0x42: {  	[bflag:$0x0] =	sbarrier.arrive $0xFFFF  }
0x43: {  	[tilespmem:s3], [sflag:$0x3] =	stream.linear.gather [hbm4b:s5+s3], $0x2800, $0x38;
	[tilespmem:$0x2E80] =	vst v63  }
0x44: {  	_ =	swait.ge [sflag:s9], $0x2800  }
0x45: {  	[sflag:s9] =	ssyncset.done $0x0  }
0x46: {  	[sflag:s9] =	ssyncadd.s32 $0xFFFFD800  }
0x47: {  	v2 =	vld [tilespmem:$0x0]  }
0x48: {  	v3 =	vld [tilespmem:$0x10]  }
0x49: {  	v4 =	vld [tilespmem:$0x20]  }
0x4a: {  	v5 =	vld [tilespmem:$0x30]  }
0x4b: {  	v6 =	vld [tilespmem:$0x40]  }
0x4c: {  	v59 =	vld [tilespmem:$0x70];
	[tilespmem:$0x2800] =	vst v2  }
0x4d: {  	v2 =	vld [tilespmem:$0x50];
	[tilespmem:$0x2810] =	vst v3  }
0x4e: {  	v3 =	vld [tilespmem:$0x60];
	[tilespmem:$0x2820] =	vst v4  }
0x4f: {  	[tilespmem:$0x2830] =	vst v5  }
0x50: {  	[tilespmem:$0x2840] =	vst v6  }
0x51: {  	[tilespmem:$0x2870] =	vst v59  }
0x52: {  	[tilespmem:$0x2850] =	vst v2  }
0x53: {  	[tilespmem:$0x2860] =	vst v3  }
0x54: {  	[spmem:s2] =	stream.indirect.scatter.add.f32 [tilespmem:s12], [sflag:$0x1], $0x1, s11, s10, $0xb8;
	[tilespmem:$0x2E80] =	vst v63  }
0x55: {  	v2 =	vld [tilespmem:$0x80]  }
0x56: {  	v3 =	vld [tilespmem:$0x90]  }
0x57: {  	v60 =	vld [tilespmem:$0xA0]  }
0x58: {  	v61 =	vld [tilespmem:$0xB0]  }
0x59: {  	v62 =	vld [tilespmem:$0xC0]  }
0x5a: {  	v63 =	vld [tilespmem:$0xF0];
	[tilespmem:$0x2880] =	vst v2  }
0x5b: {  	v2 =	vld [tilespmem:$0xD0];
	[tilespmem:$0x2890] =	vst v3  }
0x5c: {  	v3 =	vld [tilespmem:$0xE0];
	[tilespmem:$0x28A0] =	vst v60  }
0x5d: {  	[tilespmem:$0x28B0] =	vst v61  }
0x5e: {  	[tilespmem:$0x28C0] =	vst v62  }
0x5f: {  	[tilespmem:$0x28F0] =	vst v63  }
0x60: {  	[tilespmem:$0x28D0] =	vst v2  }
0x61: {  	[tilespmem:$0x28E0] =	vst v3  }
0x62: {  	[spmem:s2] =	stream.indirect.scatter.add.f32 [tilespmem:s12], [sflag:$0x2], $0x1, s13, s10, $0xb8;
	[tilespmem:$0x2E80] =	vst v63  }
0x63: {  	_ =	swait.ge [sflag:s14], $0x80  }
0x64: {  	[sflag:s14] =	ssyncset.done $0x0  }
0x65: {  	s18 =	simm.s32 $0x1F0;
	[sflag:s14] =	ssyncadd.s32 $0xFFFFFF80  }
0x66: {  	v2 =	vld [tilespmem:s18+$0xFFFFFF10];
	_ =	sdelay $0x4  }
0x67: {  	[tilespmem:$0x2800] =	vst v2  }
0x68: {  	v2 =	vld [tilespmem:s18+$0xFFFFFF20];
	_ =	sdelay $0x4  }
0x69: {  	[tilespmem:$0x2810] =	vst v2  }
0x6a: {  	v2 =	vld [tilespmem:s18+$0xFFFFFF30];
	_ =	sdelay $0x4  }
0x6b: {  	[tilespmem:$0x2820] =	vst v2  }
0x6c: {  	v2 =	vld [tilespmem:s18+$0xFFFFFF40];
	_ =	sdelay $0x4  }
0x6d: {  	[tilespmem:$0x2830] =	vst v2  }
0x6e: {  	v2 =	vld [tilespmem:s18+$0xFFFFFF50];
	_ =	sdelay $0x4  }
0x6f: {  	[tilespmem:$0x2840] =	vst v2  }
0x70: {  	v2 =	vld [tilespmem:s18+$0xFFFFFF60];
	_ =	sdelay $0x4  }
0x71: {  	[tilespmem:$0x2850] =	vst v2  }
0x72: {  	v2 =	vld [tilespmem:s18+$0xFFFFFF70];
	_ =	sdelay $0x4  }
0x73: {  	[tilespmem:$0x2860] =	vst v2  }
0x74: {  	v2 =	vld [tilespmem:s18+$0xFFFFFF80];
	_ =	sdelay $0x4  }
0x75: {  	[tilespmem:$0x2870] =	vst v2  }
0x76: {  	[spmem:s2] =	stream.indirect.scatter.add.f32 [tilespmem:s12], [sflag:$0x1], $0x1, s11, s10, $0xb8;
	[tilespmem:$0x2E80] =	vst v63  }
0x77: {  	_ =	swait.ge [sflag:s15], $0x80  }
0x78: {  	[sflag:s15] =	ssyncset.done $0x0  }
0x79: {  	[sflag:s15] =	ssyncadd.s32 $0xFFFFFF80  }
0x7a: {  	v2 =	vld [tilespmem:s18+$0xFFFFFF90];
	_ =	sdelay $0x4  }
0x7b: {  	[tilespmem:$0x2880] =	vst v2  }
0x7c: {  	v2 =	vld [tilespmem:s18+$0xFFFFFFA0];
	_ =	sdelay $0x4  }
0x7d: {  	[tilespmem:$0x2890] =	vst v2  }
0x7e: {  	v2 =	vld [tilespmem:s18+$0xFFFFFFB0];
	_ =	sdelay $0x4  }
0x7f: {  	[tilespmem:$0x28A0] =	vst v2  }
0x80: {  	v2 =	vld [tilespmem:s18+$0xFFFFFFC0];
	_ =	sdelay $0x4  }
0x81: {  	[tilespmem:$0x28B0] =	vst v2  }
0x82: {  	v2 =	vld [tilespmem:s18+$0xFFFFFFD0];
	_ =	sdelay $0x4  }
0x83: {  	[tilespmem:$0x28C0] =	vst v2  }
0x84: {  	v2 =	vld [tilespmem:s18+$0xFFFFFFE0];
	_ =	sdelay $0x4  }
0x85: {  	[tilespmem:$0x28D0] =	vst v2  }
0x86: {  	v2 =	vld [tilespmem:s18+$0xFFFFFFF0];
	_ =	sdelay $0x4  }
0x87: {  	[tilespmem:$0x28E0] =	vst v2  }
0x88: {  	v2 =	vld [tilespmem:s18+$0x0];
	_ =	sdelay $0x4  }
0x89: {  	s18 =	simm.s32 $0xBC0;
	[tilespmem:$0x28F0] =	vst v2  }
.LBB2_2:
0x8a: {  	[spmem:s2] =	stream.indirect.scatter.add.f32 [tilespmem:s12], [sflag:$0x2], $0x1, s13, s10, $0xb8;
	[tilespmem:$0x2E80] =	vst v63  }
0x8b: {  	s19 =	smov.u32 s18  }
0x8c: {  	p0 =	sne.s32 s18, $0x9FC0;
	s18 =	sadd.s32 $0x400, s18;
	_ =	swait.ge [sflag:s14], $0x80  }
0x8d: {  	[sflag:s14] =	ssyncset.done $0x0  }
0x8e: {  	s19 =	sshra.s32 s19, $0x2;
	[sflag:s14] =	ssyncadd.s32 $0xFFFFFF80  }
0x8f: {  	v2 =	vld [tilespmem:s19+$0xFFFFFF10];
	_ =	sdelay $0x4  }
0x90: {  	[tilespmem:$0x2800] =	vst v2  }
0x91: {  	v2 =	vld [tilespmem:s19+$0xFFFFFF20];
	_ =	sdelay $0x4  }
0x92: {  	[tilespmem:$0x2810] =	vst v2  }
0x93: {  	v2 =	vld [tilespmem:s19+$0xFFFFFF30];
	_ =	sdelay $0x4  }
0x94: {  	[tilespmem:$0x2820] =	vst v2  }
0x95: {  	v2 =	vld [tilespmem:s19+$0xFFFFFF40];
	_ =	sdelay $0x4  }
0x96: {  	[tilespmem:$0x2830] =	vst v2  }
0x97: {  	v2 =	vld [tilespmem:s19+$0xFFFFFF50];
	_ =	sdelay $0x4  }
0x98: {  	[tilespmem:$0x2840] =	vst v2  }
0x99: {  	v2 =	vld [tilespmem:s19+$0xFFFFFF60];
	_ =	sdelay $0x4  }
0x9a: {  	[tilespmem:$0x2850] =	vst v2  }
0x9b: {  	v2 =	vld [tilespmem:s19+$0xFFFFFF70];
	_ =	sdelay $0x4  }
0x9c: {  	[tilespmem:$0x2860] =	vst v2  }
0x9d: {  	v2 =	vld [tilespmem:s19+$0xFFFFFF80];
	_ =	sdelay $0x4  }
0x9e: {  	[tilespmem:$0x2870] =	vst v2  }
0x9f: {  	[spmem:s2] =	stream.indirect.scatter.add.f32 [tilespmem:s12], [sflag:$0x1], $0x1, s11, s10, $0xb8;
	[tilespmem:$0x2E80] =	vst v63  }
0xa0: {  	_ =	swait.ge [sflag:s15], $0x80  }
0xa1: {  	[sflag:s15] =	ssyncset.done $0x0  }
0xa2: {  	[sflag:s15] =	ssyncadd.s32 $0xFFFFFF80  }
0xa3: {  	v2 =	vld [tilespmem:s19+$0xFFFFFF90];
	_ =	sdelay $0x4  }
0xa4: {  	[tilespmem:$0x2880] =	vst v2  }
0xa5: {  	v2 =	vld [tilespmem:s19+$0xFFFFFFA0];
	_ =	sdelay $0x4  }
0xa6: {  	[tilespmem:$0x2890] =	vst v2  }
0xa7: {  	v2 =	vld [tilespmem:s19+$0xFFFFFFB0];
	_ =	sdelay $0x4  }
0xa8: {  	[tilespmem:$0x28A0] =	vst v2  }
0xa9: {  	v2 =	vld [tilespmem:s19+$0xFFFFFFC0];
	_ =	sdelay $0x4  }
0xaa: {  	[tilespmem:$0x28B0] =	vst v2  }
0xab: {  	v2 =	vld [tilespmem:s19+$0xFFFFFFD0];
	_ =	sdelay $0x4  }
0xac: {  	[tilespmem:$0x28C0] =	vst v2  }
0xad: {  	v2 =	vld [tilespmem:s19+$0xFFFFFFE0];
	_ =	sdelay $0x4  }
0xae: {  	[tilespmem:$0x28D0] =	vst v2  }
0xaf: {  	v2 =	vld [tilespmem:s19+$0xFFFFFFF0];
	_ =	sdelay $0x4  }
0xb0: {  	[tilespmem:$0x28E0] =	vst v2  }
0xb1: {  	v2 =	vld [tilespmem:s19+$0x0]  }
.Ltmp0:
0xb2: {  	(pc) =	sbr.rel @p0 .LBB2_2-.Ltmp0, $2  }
0xb3: {  	_ =	sdelay $0x2  }
0xb4: {  	[tilespmem:$0x28F0] =	vst v2  }
0xb5: {  	[spmem:s2] =	stream.indirect.scatter.add.f32 [tilespmem:s12], [sflag:$0x2], $0x1, s13, s10, $0xb8;
	[tilespmem:$0x2E80] =	vst v63  }
0xb6: {  	_ =	swait.ge [sflag:s14], $0x80  }
0xb7: {  	[sflag:s14] =	ssyncset.done $0x0  }
0xb8: {  	[sflag:s14] =	ssyncadd.s32 $0xFFFFFF80  }
0xb9: {  	_ =	swait.ge [sflag:s15], $0x80  }
0xba: {  	[sflag:s15] =	ssyncset.done $0x0  }
0xbb: {  	[sflag:s15] =	ssyncadd.s32 $0xFFFFFF80  }
0xbc: {  	[bflag:$0x0] =	sbarrier.arrive $0xFFFF  }
0xbd: {  	[tilespmem:s8], [sflag:$0x3] =	stream.linear.gather [spmem:s4], $0x280, $0x38;
	[tilespmem:$0x2E80] =	vst v63  }
0xbe: {  	s17 =	sadd.s32 $0x1, s17;
	_ =	swait.ge [sflag:s9], $0x280  }
0xbf: {  	p0 =	sne.s32 s17, s7;
	[sflag:s9] =	ssyncset.done $0x0  }
.Ltmp1:
0xc0: {  	[sflag:s9] =	ssyncadd.s32 $0xFFFFFD80;
	(pc) =	sbr.rel @p0 .LBB2_1-.Ltmp1, $4  }
0xc1: {  	[hbm4b:s6+s10] =	stream.strided.scatter [tilespmem:s8], [sflag:$0x3], $0x280, s16, s10, $0x38;
	[tilespmem:$0x2E80] =	vst v63  }
0xc2: {  	_ =	swait.ge [sflag:s9], $0x280  }
0xc3: {  	[sflag:s9] =	ssyncset.done $0x0  }
0xc4: {  	[sflag:s9] =	ssyncadd.s32 $0xFFFFFD80  }
0xc5: {  	_ =	sfence.sel $0x180000  }
0xc6: {  	[bflag:$0x0] =	sbarrier.arrive $0xFFFF  }
0xc7: {  	p0 =	sne.s32 s1, $0x0;
	_ =	strace $0x90000047  }
0xc8: {  	s0 =	sadd.s32 @!p0 $0x100000, s0;
	[bflag:$0x2] =	sbarrier.arrive $0xFFFF  }
0xc9: {  	[sflag:s0] =	ssyncadd.tile.s32 @!p0 $0x1;
	_ =	shalt  }
.Lfunc_end2:
_tile_overlayer_lowered:
.L_overlay_start_2:
0xca: {  	(tag) =	ssettag $0x2  }
0xcb: {  	s0 =	rddreg [dreg:$0x0];
	s2 =	stileid.u32  }
0xcc: {  	s1 =	rddreg [dreg:$0x1];
	p0 =	sne.s32 s2, $0x0  }
0xcd: {  	s3 =	rddreg [dreg:$0x2];
	[bflag:$0x3] =	sbarrier.arrive $0xFFFF;
	s2 =	simm.s32 @!p0 $0x1C03  }
0xce: {  	[timem:s3], [sflag:s2] =	dma.local @!p0 [hbm:s0], s1  }
0xcf: {  	s0 =	simm.s32 @!p0 $0x3  }
0xd0: {  	_ =	swait.ge @!p0 [sflag:s0], s1  }
0xd1: {  	s1 =	ssub.s32 @!p0 $0x0, s1;
	[sflag:s0] =	ssyncset.done @!p0 $0x0  }
0xd2: {  	[sflag:s0] =	ssyncadd.s32 @!p0 s1  }
0xd3: {  	[bflag:$0x3] =	sbarrier.arrive $0xFFFF  }
0xd4: {  	_ =	shalt  }

</sc_bundles>
